<compile_context>
chip_gen: v7x
topology: tpu7x:2x2x1
jax: 0.10.2.dev20260603
libtpu: 0.0.44.dev20260713+nightly
codegen_flags: <defaults>
</compile_context>

<pallas_src>
import functools

import jax
import jax.numpy as jnp
from jax import lax
from jax.experimental import pallas as pl
from jax.experimental.pallas import tpu as pltpu
from jax.experimental.pallas import tpu_sc as plsc

N = 10000
E = 320000
NC = 2
NS = 16
NW = NC * NS
EP = E // NW
CHUNK = 80
NCHUNK = EP // CHUNK
RPT = 624
ZROWS = 208


def _sc_degree(dst):
    mesh = plsc.VectorSubcoreMesh(core_axis_name="c", subcore_axis_name="s")

    @functools.partial(
        pl.kernel,
        out_type=jax.ShapeDtypeStruct((NC * N,), jnp.float32),
        mesh=mesh,
        scratch_types=(
            [pltpu.VMEM((80,), jnp.int32)] * 5
            + [pltpu.VMEM((80,), jnp.float32),
               pltpu.VMEM((RPT,), jnp.float32),
               pltpu.VMEM_SHARED((N,), jnp.float32)]
            + [pltpu.SemaphoreType.DMA] * 10
        ),
    )
    def k(dst_hbm, out_hbm, *sc):
        idx = sc[0:5]
        ones_v = sc[5]
        zbuf = sc[6]
        acc_sh = sc[7]
        isem = sc[8:13]
        ssem = sc[13:18]
        c = lax.axis_index("c")
        s = lax.axis_index("s")
        wid = c * NS + s
        for i in range(80 // 16):
            ones_v[pl.ds(i * 16, 16)] = jnp.ones((16,), jnp.float32)

        @pl.loop(0, RPT // 16)
        def _(i):
            zbuf[pl.ds(i * 16, 16)] = jnp.zeros((16,), jnp.float32)

        pltpu.sync_copy(zbuf, acc_sh.at[pl.ds(s * RPT, RPT)])

        @pl.when(s == NS - 1)
        def _():
            pltpu.sync_copy(zbuf.at[pl.ds(0, 16)],
                            acc_sh.at[pl.ds(NS * RPT, 16)])

        plsc.subcore_barrier()

        def fire_idx(g, b):
            base = wid * EP + (g * 5 + b) * 80
            pltpu.async_copy(dst_hbm.at[pl.ds(base, 80)], idx[b], isem[b])

        for b in range(5):
            fire_idx(0, b)

        def wait_scatter(b):
            pltpu.make_async_copy(ones_v, acc_sh.at[idx[b]], ssem[b]).wait()

        @pl.loop(0, NCHUNK // 5)
        def _(g):
            for b in range(5):
                pltpu.make_async_copy(dst_hbm.at[pl.ds(0, 80)], idx[b],
                                      isem[b]).wait()
                pltpu.async_copy(ones_v, acc_sh.at[idx[b]], ssem[b], add=True)
            for b in range(5):
                def refill(b=b):
                    wait_scatter(b)
                    fire_idx(g + 1, b)
                pl.when(g < NCHUNK // 5 - 1)(refill)

        for b in range(5):
            wait_scatter(b)

        plsc.subcore_barrier()
        pltpu.sync_copy(acc_sh.at[pl.ds(s * RPT, RPT)], zbuf)
        pltpu.sync_copy(zbuf, out_hbm.at[pl.ds(c * N + s * RPT, RPT)])

        @pl.when(s == NS - 1)
        def _():
            pltpu.sync_copy(acc_sh.at[pl.ds(NS * RPT, 16)],
                            ones_v.at[pl.ds(0, 16)])
            pltpu.sync_copy(ones_v.at[pl.ds(0, 16)],
                            out_hbm.at[pl.ds(c * N + NS * RPT, 16)])

    return k(dst)


CH = 80
NB = 4
NGRP = 31


def _sc_agg(src, dst, xws):
    d = xws.shape[1]
    mesh = plsc.VectorSubcoreMesh(core_axis_name="c", subcore_axis_name="s")

    @functools.partial(
        pl.kernel,
        out_type=jax.ShapeDtypeStruct((NC, N, d), jnp.float32),
        mesh=mesh,
        scratch_types=(
            [pltpu.VMEM((CH,), jnp.int32)] * (2 * NB)
            + [pltpu.VMEM((CH, d), jnp.float32)] * NB
            + [pltpu.VMEM_SHARED((N, d), jnp.float32)]
            + [pltpu.SemaphoreType.DMA] * (3 * NB)
        ),
    )
    def k(src_hbm, dst_hbm, xws_hbm, out_hbm, *sc):
        sidx = sc[0:NB]
        didx = sc[NB:2 * NB]
        rows = sc[2 * NB:3 * NB]
        acc_sh = sc[3 * NB]
        isem = sc[3 * NB + 1:4 * NB + 1]
        gsem = sc[4 * NB + 1:5 * NB + 1]
        ssem = sc[5 * NB + 1:6 * NB + 1]
        c = lax.axis_index("c")
        s = lax.axis_index("s")
        wid = c * NS + s

        def fire_idx(g, b):
            base = wid * EP + (g * NB + b) * CH
            pltpu.async_copy(src_hbm.at[pl.ds(base, CH)], sidx[b], isem[b])
            pltpu.async_copy(dst_hbm.at[pl.ds(base, CH)], didx[b], isem[b])

        def wait_idx(b):
            pltpu.make_async_copy(src_hbm.at[pl.ds(0, CH)], sidx[b],
                                  isem[b]).wait()
            pltpu.make_async_copy(src_hbm.at[pl.ds(0, CH)], didx[b],
                                  isem[b]).wait()

        def fire_gather(b):
            pltpu.async_copy(xws_hbm.at[sidx[b]], rows[b], gsem[b])

        def wait_gather(b):
            pltpu.make_async_copy(xws_hbm.at[sidx[b]], rows[b],
                                  gsem[b]).wait()

        def rsl(b, sz):
            return rows[b] if sz == CH else rows[b].at[pl.ds(0, sz)]

        def fire_scatter(b):
            pltpu.async_copy(rsl(b, CH), acc_sh.at[didx[b]], ssem[b],
                             add=True)

        def wait_scatter(b):
            pltpu.make_async_copy(rsl(b, CH), acc_sh.at[didx[b]],
                                  ssem[b]).wait()

        @pl.loop(0, CH)
        def _(i):
            for j in range(d // 16):
                rows[0][i, pl.ds(j * 16, 16)] = jnp.zeros((16,), jnp.float32)

        zp = [(i * CH, CH) for i in range(7)] + [(560, 64)]
        for i, (r0, sz) in enumerate(zp):
            sem = (gsem + ssem)[i]
            pltpu.async_copy(rsl(0, sz),
                             acc_sh.at[pl.ds(s * RPT + r0, sz)], sem)

        @pl.when(s == NS - 1)
        def _():
            pltpu.async_copy(rsl(0, 16),
                             acc_sh.at[pl.ds(NS * RPT, 16)], isem[0])
            pltpu.make_async_copy(rsl(0, 16),
                                  acc_sh.at[pl.ds(NS * RPT, 16)],
                                  isem[0]).wait()

        for i, (r0, sz) in enumerate(zp):
            sem = (gsem + ssem)[i]
            pltpu.make_async_copy(rsl(0, sz),
                                  acc_sh.at[pl.ds(s * RPT + r0, sz)],
                                  sem).wait()

        plsc.subcore_barrier()

        for b in range(NB):
            fire_idx(0, b)

        @pl.loop(0, NGRP)
        def _(g):
            for b in range(NB):
                wait_idx(b)
                fire_gather(b)
            for b in range(NB):
                wait_gather(b)
                fire_scatter(b)
            for b in range(NB):
                def refill(b=b):
                    wait_scatter(b)
                    fire_idx(g + 1, b)
                pl.when(g < NGRP - 1)(refill)

        wait_scatter(0)
        fire_idx(NGRP, 0)
        wait_idx(0)
        fire_gather(0)
        wait_gather(0)
        fire_scatter(0)
        wait_scatter(0)
        for b in range(1, NB):
            wait_scatter(b)

        plsc.subcore_barrier()

        wp = [(i * CH, CH) for i in range(7)] + [(560, 64)]

        def fire_load(i):
            r0, sz = wp[i]
            pltpu.async_copy(acc_sh.at[pl.ds(s * RPT + r0, sz)],
                             rsl(i % NB, sz), gsem[i % NB])

        def wait_load(i):
            r0, sz = wp[i]
            pltpu.make_async_copy(acc_sh.at[pl.ds(s * RPT + r0, sz)],
                                  rsl(i % NB, sz), gsem[i % NB]).wait()

        def fire_store(i):
            r0, sz = wp[i]
            pltpu.async_copy(rsl(i % NB, sz),
                             out_hbm.at[c, pl.ds(s * RPT + r0, sz)],
                             ssem[i % NB])

        def wait_store(i):
            r0, sz = wp[i]
            pltpu.make_async_copy(rsl(i % NB, sz),
                                  out_hbm.at[c, pl.ds(s * RPT + r0, sz)],
                                  ssem[i % NB]).wait()

        for i in range(NB):
            fire_load(i)
        for i in range(len(wp)):
            wait_load(i)
            fire_store(i)
            if i + NB < len(wp):
                wait_store(i)
                fire_load(i + NB)
        for i in range(len(wp) - NB, len(wp)):
            wait_store(i)

        @pl.when(s == NS - 1)
        def _():
            pltpu.sync_copy(acc_sh.at[pl.ds(NS * RPT, 16)], rsl(0, 16))
            pltpu.sync_copy(rsl(0, 16),
                            out_hbm.at[c, pl.ds(NS * RPT, 16)])

    return k(src, dst, xws)


_R = 1000


def _tc_mm1(x, w1):

    def body(x_ref, w_ref, out_ref):
        out_ref[...] = jnp.dot(x_ref[...], w_ref[...],
                               preferred_element_type=jnp.float32)

    return pl.pallas_call(
        body,
        grid=(N // _R,),
        in_specs=[
            pl.BlockSpec((_R, 128), lambda i: (i, 0)),
            pl.BlockSpec((128, 128), lambda i: (0, 0)),
        ],
        out_specs=pl.BlockSpec((_R, 128), lambda i: (i, 0)),
        out_shape=jax.ShapeDtypeStruct((N, 128), jnp.float32),
    )(x, w1)


def _tc_scale(degp_t, xw1):

    def body(degp_ref, xw_ref, dinv_ref, xws_ref):
        deg = degp_ref[:, 0:1] + degp_ref[:, 1:2] + 1.0
        dinv = lax.rsqrt(deg)
        dinv_ref[...] = dinv
        xws_ref[...] = xw_ref[...] * dinv

    return pl.pallas_call(
        body,
        grid=(N // _R,),
        in_specs=[
            pl.BlockSpec((_R, NC), lambda i: (i, 0)),
            pl.BlockSpec((_R, 128), lambda i: (i, 0)),
        ],
        out_specs=[
            pl.BlockSpec((_R, 1), lambda i: (i, 0)),
            pl.BlockSpec((_R, 128), lambda i: (i, 0)),
        ],
        out_shape=[
            jax.ShapeDtypeStruct((N, 1), jnp.float32),
            jax.ShapeDtypeStruct((N, 128), jnp.float32),
        ],
    )(degp_t, xw1)


def _tc_mid(acc1, xw1s, dinv, b1, gamma, beta, w2):

    def body(acc_ref, xws_ref, dinv_ref, b_ref, g_ref, be_ref, w_ref, out_ref):
        dinv = dinv_ref[...]
        h = (acc_ref[0] + acc_ref[1] + xws_ref[...]) * dinv + b_ref[...]
        mu = jnp.mean(h, axis=-1, keepdims=True)
        var = jnp.mean((h - mu) ** 2, axis=-1, keepdims=True)
        h = (h - mu) / jnp.sqrt(var + 1e-5) * g_ref[...] + be_ref[...]
        h = jnp.maximum(h, 0.0)
        res = jnp.dot(h, w_ref[...],
                      preferred_element_type=jnp.float32) * dinv
        out_ref[...] = jnp.concatenate(
            [res, jnp.zeros((_R, 64), jnp.float32)], axis=1)

    return pl.pallas_call(
        body,
        grid=(N // _R,),
        in_specs=[
            pl.BlockSpec((NC, _R, 128), lambda i: (0, i, 0)),
            pl.BlockSpec((_R, 128), lambda i: (i, 0)),
            pl.BlockSpec((_R, 1), lambda i: (i, 0)),
            pl.BlockSpec((1, 128), lambda i: (0, 0)),
            pl.BlockSpec((1, 128), lambda i: (0, 0)),
            pl.BlockSpec((1, 128), lambda i: (0, 0)),
            pl.BlockSpec((128, 64), lambda i: (0, 0)),
        ],
        out_specs=pl.BlockSpec((_R, 128), lambda i: (i, 0)),
        out_shape=jax.ShapeDtypeStruct((N, 128), jnp.float32),
    )(acc1, xw1s, dinv, b1, gamma, beta, w2)


def _tc_feat(acc2, xw2s, dinv, b2, wdec):

    def body(acc_ref, xws_ref, dinv_ref, b_ref, wdec_ref, feat_ref, xw3_ref):
        dinv = dinv_ref[...]
        feat = ((acc_ref[0, :, :64] + acc_ref[1, :, :64] + xws_ref[:, :64])
                * dinv + b_ref[...])
        feat_ref[...] = feat
        xw3_ref[...] = jnp.dot(feat, wdec_ref[...],
                               preferred_element_type=jnp.float32) * dinv

    return pl.pallas_call(
        body,
        grid=(N // _R,),
        in_specs=[
            pl.BlockSpec((NC, _R, 128), lambda i: (0, i, 0)),
            pl.BlockSpec((_R, 128), lambda i: (i, 0)),
            pl.BlockSpec((_R, 1), lambda i: (i, 0)),
            pl.BlockSpec((1, 64), lambda i: (0, 0)),
            pl.BlockSpec((64, 128), lambda i: (0, 0)),
        ],
        out_specs=[
            pl.BlockSpec((_R, 64), lambda i: (i, 0)),
            pl.BlockSpec((_R, 128), lambda i: (i, 0)),
        ],
        out_shape=[
            jax.ShapeDtypeStruct((N, 64), jnp.float32),
            jax.ShapeDtypeStruct((N, 128), jnp.float32),
        ],
    )(acc2, xw2s, dinv, b2, wdec)


def _tc_margin(feat, wlab, wdom):

    def body(feat_ref, wlab_ref, wdom_ref, lab_ref, dom_ref):
        feat = feat_ref[...]
        fn = feat / jnp.maximum(
            jnp.sqrt(jnp.sum(feat * feat, axis=1, keepdims=True)), 1e-12)
        wlab = wlab_ref[...]
        wlab = wlab / jnp.maximum(
            jnp.sqrt(jnp.sum(wlab * wlab, axis=0, keepdims=True)), 1e-12)
        lab_ref[...] = 5.0 * jnp.dot(fn, wlab,
                                     preferred_element_type=jnp.float32)
        wdom = wdom_ref[...]
        wdom = wdom / jnp.maximum(
            jnp.sqrt(jnp.sum(wdom * wdom, axis=0, keepdims=True)), 1e-12)
        dom_ref[...] = 5.0 * jnp.dot(fn, wdom,
                                     preferred_element_type=jnp.float32)

    return pl.pallas_call(
        body,
        grid=(N // _R,),
        in_specs=[
            pl.BlockSpec((_R, 64), lambda i: (i, 0)),
            pl.BlockSpec((64, 64), lambda i: (0, 0)),
            pl.BlockSpec((64, 4), lambda i: (0, 0)),
        ],
        out_specs=[
            pl.BlockSpec((_R, 64), lambda i: (i, 0)),
            pl.BlockSpec((_R, 4), lambda i: (i, 0)),
        ],
        out_shape=[
            jax.ShapeDtypeStruct((N, 64), jnp.float32),
            jax.ShapeDtypeStruct((N, 4), jnp.float32),
        ],
    )(feat, wlab, wdom)


def _tc_final(acc3, xw3s, dinv, bdec):
    def body(acc_ref, xws_ref, dinv_ref, b_ref, out_ref):
        out_ref[...] = ((acc_ref[0] + acc_ref[1] + xws_ref[...])
                        * dinv_ref[...] + b_ref[...])

    return pl.pallas_call(
        body,
        grid=(N // _R,),
        in_specs=[
            pl.BlockSpec((NC, _R, 128), lambda i: (0, i, 0)),
            pl.BlockSpec((_R, 128), lambda i: (i, 0)),
            pl.BlockSpec((_R, 1), lambda i: (i, 0)),
            pl.BlockSpec((1, 128), lambda i: (0, 0)),
        ],
        out_specs=pl.BlockSpec((_R, 128), lambda i: (i, 0)),
        out_shape=jax.ShapeDtypeStruct((N, 128), jnp.float32),
    )(acc3, xw3s, dinv, bdec)


def kernel(x, edge_index, W1, b1, gamma, beta, W2, b2, Wdec, bdec, Wdom, Wlab):
    src = edge_index[0]
    dst = edge_index[1]
    degp = _sc_degree(dst)
    xw1 = _tc_mm1(x, W1)
    dinv, xw1s = _tc_scale(degp.reshape(NC, N).T, xw1)
    acc1 = _sc_agg(src, dst, xw1s)
    xw2s = _tc_mid(acc1, xw1s, dinv, b1.reshape(1, -1), gamma.reshape(1, -1),
                   beta.reshape(1, -1), W2)
    acc2 = _sc_agg(src, dst, xw2s)
    feat, xw3s = _tc_feat(acc2, xw2s, dinv, b2.reshape(1, -1), Wdec)
    acc3 = _sc_agg(src, dst, xw3s)
    label_pred, domain_pred = _tc_margin(feat, Wlab, Wdom)
    recon = _tc_final(acc3, xw3s, dinv, bdec.reshape(1, -1))
    return (feat, domain_pred, recon, label_pred)

# --- scband reference (transcript-rebuilt; emitter-appended) ---
"""Pipeline reference for scband-annotate-model-29171417874840 (READ-ONLY COPY).

The authoritative reference and input builder live on the scoring server;
editing this copy changes nothing except your own understanding.
"""

import jax, jax.numpy as jnp
import numpy as np

N = 10000
E = 320000
DIN = 128
DH = 128
DOUT = 64
NLAB = 64
NDOM = 4


def _normalize(v, axis):
    n = jnp.sqrt(jnp.sum(v * v, axis=axis, keepdims=True))
    return v / jnp.clip(n, 1e-12)


def setup_inputs(seed: int = 0) -> dict:
    key = jax.random.key(seed)
    ks = jax.random.split(key, 12)
    x = jax.random.normal(ks[0], (N, DIN), dtype=jnp.float32)
    edge_index = jax.random.randint(ks[1], (2, E), 0, N, dtype=jnp.int32)
    W1 = jax.random.normal(ks[2], (DIN, DH), dtype=jnp.float32) * (1.0 / np.sqrt(DIN))
    b1 = jnp.zeros((DH,), dtype=jnp.float32)
    gamma = jnp.ones((DH,), dtype=jnp.float32)
    beta = jnp.zeros((DH,), dtype=jnp.float32)
    W2 = jax.random.normal(ks[3], (DH, DOUT), dtype=jnp.float32) * (1.0 / np.sqrt(DH))
    b2 = jnp.zeros((DOUT,), dtype=jnp.float32)
    Wdec = jax.random.normal(ks[4], (DOUT, DIN), dtype=jnp.float32) * (1.0 / np.sqrt(DOUT))
    bdec = jnp.zeros((DIN,), dtype=jnp.float32)
    Wdom = jax.random.uniform(ks[5], (DOUT, NDOM), dtype=jnp.float32, minval=-1.0, maxval=1.0)
    Wlab = jax.random.uniform(ks[6], (DOUT, NLAB), dtype=jnp.float32, minval=-1.0, maxval=1.0)
    return {"x": x, "edge_index": edge_index, "W1": W1, "b1": b1, "gamma": gamma,
            "beta": beta, "W2": W2, "b2": b2, "Wdec": Wdec, "bdec": bdec,
            "Wdom": Wdom, "Wlab": Wlab}


def _gcn_conv(x, edge_index, W, b):
    # PyG GCNConv: add self-loops, symmetric normalization D^-1/2 (A+I) D^-1/2 X W + b
    loop = jnp.arange(N, dtype=edge_index.dtype)
    src = jnp.concatenate([edge_index[0], loop])
    dst = jnp.concatenate([edge_index[1], loop])
    deg = jax.ops.segment_sum(jnp.ones_like(dst, dtype=jnp.float32), dst, num_segments=N)
    dinv = jnp.where(deg > 0, jax.lax.rsqrt(jnp.maximum(deg, 1e-12)), 0.0)
    norm = dinv[src] * dinv[dst]
    xw = x @ W
    msg = xw[src] * norm[:, None]
    out = jax.ops.segment_sum(msg, dst, num_segments=N) + b
    return out


def reference(x, edge_index, W1, b1, gamma, beta, W2, b2, Wdec, bdec, Wdom, Wlab):
    # encoder: GCN -> LayerNorm -> ReLU -> Dropout(eval: identity) -> GCN
    h = _gcn_conv(x, edge_index, W1, b1)
    mu = jnp.mean(h, axis=-1, keepdims=True)
    var = jnp.mean((h - mu) ** 2, axis=-1, keepdims=True)
    h = (h - mu) / jnp.sqrt(var + 1e-5) * gamma + beta
    h = jax.nn.relu(h)
    feat = _gcn_conv(h, edge_index, W2, b2)
    # decoder
    recon_feat = _gcn_conv(feat, edge_index, Wdec, bdec)
    # clf_label: NormedLinear -> 5 * normalize(x, dim=1) @ normalize(W, dim=0)
    label_pred = 5.0 * (_normalize(feat, axis=1) @ _normalize(Wlab, axis=0))
    # grl is identity in forward (coeff scales gradients only); clf_domain
    domain_pred = 5.0 * (_normalize(feat, axis=1) @ _normalize(Wdom, axis=0))
    return (feat, domain_pred, recon_feat, label_pred)

if __name__ == "__main__":
    import jax
    _d = setup_inputs()
    print(jax.jit(kernel)(*tuple(_d.values())))

</pallas_src>

<mosaic_0001>
#map = affine_map<(d0, d1) -> (0)>
#map1 = affine_map<(d0, d1) -> (0, 0)>
#map2 = affine_map<(d0, d1) -> (0, 0, 0)>
module attributes {stable_mosaic.version = 14 : i64} {
  func.func @k(%arg0: i32, %arg1: i32, %arg2: memref<320000xi32, #tpu.memory_space<hbm>>, %arg3: memref<320000xi32, #tpu.memory_space<hbm>>, %arg4: memref<10000x128xf32, #tpu.memory_space<hbm>>, %arg5: memref<2x10000x128xf32, #tpu.memory_space<hbm>>, %arg6: memref<80xi32, #tpu.memory_space<vmem>>, %arg7: memref<80xi32, #tpu.memory_space<vmem>>, %arg8: memref<80xi32, #tpu.memory_space<vmem>>, %arg9: memref<80xi32, #tpu.memory_space<vmem>>, %arg10: memref<80xi32, #tpu.memory_space<vmem>>, %arg11: memref<80xi32, #tpu.memory_space<vmem>>, %arg12: memref<80xi32, #tpu.memory_space<vmem>>, %arg13: memref<80xi32, #tpu.memory_space<vmem>>, %arg14: memref<80x128xf32, #tpu.memory_space<vmem>>, %arg15: memref<80x128xf32, #tpu.memory_space<vmem>>, %arg16: memref<80x128xf32, #tpu.memory_space<vmem>>, %arg17: memref<80x128xf32, #tpu.memory_space<vmem>>, %arg18: memref<10000x128xf32, #tpu.memory_space<vmem_shared>>, %arg19: memref<!tpu.dma_semaphore, #tpu.memory_space<semaphore_mem>>, %arg20: memref<!tpu.dma_semaphore, #tpu.memory_space<semaphore_mem>>, %arg21: memref<!tpu.dma_semaphore, #tpu.memory_space<semaphore_mem>>, %arg22: memref<!tpu.dma_semaphore, #tpu.memory_space<semaphore_mem>>, %arg23: memref<!tpu.dma_semaphore, #tpu.memory_space<semaphore_mem>>, %arg24: memref<!tpu.dma_semaphore, #tpu.memory_space<semaphore_mem>>, %arg25: memref<!tpu.dma_semaphore, #tpu.memory_space<semaphore_mem>>, %arg26: memref<!tpu.dma_semaphore, #tpu.memory_space<semaphore_mem>>, %arg27: memref<!tpu.dma_semaphore, #tpu.memory_space<semaphore_mem>>, %arg28: memref<!tpu.dma_semaphore, #tpu.memory_space<semaphore_mem>>, %arg29: memref<!tpu.dma_semaphore, #tpu.memory_space<semaphore_mem>>, %arg30: memref<!tpu.dma_semaphore, #tpu.memory_space<semaphore_mem>>) attributes {dimension_semantics = [#tpu.dimension_semantics<core_parallel>, #tpu.dimension_semantics<subcore_parallel>], iteration_bounds = array<i64: 2, 16>, scalar_prefetch = 0 : i64, scratch_operands = 25 : i64, tpu.core_type = #tpu.core_type<sc_vector_subcore>, window_params = [{transform_indices = #map}, {transform_indices = #map}, {transform_indices = #map1}, {transform_indices = #map2}]} {
    %mul3A = arith.constant 16 : i32
    %mul3A_0 = arith.muli %arg0, %mul3A : i32
    %add3A = arith.addi %mul3A_0, %arg1 : i32
    %scan3A = arith.constant 0 : i32
    %scan3A_1 = arith.constant 80 : i32
    %scan3A_2 = arith.addi %scan3A, %scan3A_1 : i32
    %scan3A_3 = arith.constant 1 : i32
    scf.for %scan3A_540 = %scan3A to %scan3A_2 step %scan3A_3  : i32 {
      %mul3A_541 = arith.constant 1 : i32
      %mul3A_542 = arith.muli %scan3A_540, %mul3A_541 : i32
      %add3A_543 = arith.constant 0 : i32
      %add3A_544 = arith.addi %add3A_543, %mul3A_542 : i32
      %broadcast_in_dim3A = arith.constant 0.000000e+00 : f32
      %broadcast_in_dim3A_545 = vector.broadcast %broadcast_in_dim3A : f32 to vector<16xf32>
      %swap3A = arith.index_cast %add3A_544 : i32 to index
      %swap3A_546 = arith.constant 0 : index
      %swap3A_547 = tpu.vector_load %arg14[%swap3A, %swap3A_546] {strides = array<i32>} : memref<80x128xf32, #tpu.memory_space<vmem>>, vector<1x16xf32>,
      %swap3A_548 = vector.shape_cast %swap3A_547 : vector<1x16xf32> to vector<16xf32>
      %swap3A_549 = vector.shape_cast %broadcast_in_dim3A_545 : vector<16xf32> to vector<1x16xf32>
      tpu.vector_store %arg14[%swap3A, %swap3A_546], %swap3A_549 {strides = array<i32>} : memref<80x128xf32, #tpu.memory_space<vmem>>, vector<1x16xf32>,
      %broadcast_in_dim3A_550 = arith.constant 0.000000e+00 : f32
      %broadcast_in_dim3A_551 = vector.broadcast %broadcast_in_dim3A_550 : f32 to vector<16xf32>
      %swap3A_552 = arith.index_cast %add3A_544 : i32 to index
      %swap3A_553 = arith.constant 16 : index
      %swap3A_554 = tpu.vector_load %arg14[%swap3A_552, %swap3A_553] {strides = array<i32>} : memref<80x128xf32, #tpu.memory_space<vmem>>, vector<1x16xf32>,
      %swap3A_555 = vector.shape_cast %swap3A_554 : vector<1x16xf32> to vector<16xf32>
      %swap3A_556 = vector.shape_cast %broadcast_in_dim3A_551 : vector<16xf32> to vector<1x16xf32>
      tpu.vector_store %arg14[%swap3A_552, %swap3A_553], %swap3A_556 {strides = array<i32>} : memref<80x128xf32, #tpu.memory_space<vmem>>, vector<1x16xf32>,
      %broadcast_in_dim3A_557 = arith.constant 0.000000e+00 : f32
      %broadcast_in_dim3A_558 = vector.broadcast %broadcast_in_dim3A_557 : f32 to vector<16xf32>
      %swap3A_559 = arith.index_cast %add3A_544 : i32 to index
      %swap3A_560 = arith.constant 32 : index
      %swap3A_561 = tpu.vector_load %arg14[%swap3A_559, %swap3A_560] {strides = array<i32>} : memref<80x128xf32, #tpu.memory_space<vmem>>, vector<1x16xf32>,
      %swap3A_562 = vector.shape_cast %swap3A_561 : vector<1x16xf32> to vector<16xf32>
      %swap3A_563 = vector.shape_cast %broadcast_in_dim3A_558 : vector<16xf32> to vector<1x16xf32>
      tpu.vector_store %arg14[%swap3A_559, %swap3A_560], %swap3A_563 {strides = array<i32>} : memref<80x128xf32, #tpu.memory_space<vmem>>, vector<1x16xf32>,
      %broadcast_in_dim3A_564 = arith.constant 0.000000e+00 : f32
      %broadcast_in_dim3A_565 = vector.broadcast %broadcast_in_dim3A_564 : f32 to vector<16xf32>
      %swap3A_566 = arith.index_cast %add3A_544 : i32 to index
      %swap3A_567 = arith.constant 48 : index
      %swap3A_568 = tpu.vector_load %arg14[%swap3A_566, %swap3A_567] {strides = array<i32>} : memref<80x128xf32, #tpu.memory_space<vmem>>, vector<1x16xf32>,
      %swap3A_569 = vector.shape_cast %swap3A_568 : vector<1x16xf32> to vector<16xf32>
      %swap3A_570 = vector.shape_cast %broadcast_in_dim3A_565 : vector<16xf32> to vector<1x16xf32>
      tpu.vector_store %arg14[%swap3A_566, %swap3A_567], %swap3A_570 {strides = array<i32>} : memref<80x128xf32, #tpu.memory_space<vmem>>, vector<1x16xf32>,
      %broadcast_in_dim3A_571 = arith.constant 0.000000e+00 : f32
      %broadcast_in_dim3A_572 = vector.broadcast %broadcast_in_dim3A_571 : f32 to vector<16xf32>
      %swap3A_573 = arith.index_cast %add3A_544 : i32 to index
      %swap3A_574 = arith.constant 64 : index
      %swap3A_575 = tpu.vector_load %arg14[%swap3A_573, %swap3A_574] {strides = array<i32>} : memref<80x128xf32, #tpu.memory_space<vmem>>, vector<1x16xf32>,
      %swap3A_576 = vector.shape_cast %swap3A_575 : vector<1x16xf32> to vector<16xf32>
      %swap3A_577 = vector.shape_cast %broadcast_in_dim3A_572 : vector<16xf32> to vector<1x16xf32>
      tpu.vector_store %arg14[%swap3A_573, %swap3A_574], %swap3A_577 {strides = array<i32>} : memref<80x128xf32, #tpu.memory_space<vmem>>, vector<1x16xf32>,
      %broadcast_in_dim3A_578 = arith.constant 0.000000e+00 : f32
      %broadcast_in_dim3A_579 = vector.broadcast %broadcast_in_dim3A_578 : f32 to vector<16xf32>
      %swap3A_580 = arith.index_cast %add3A_544 : i32 to index
      %swap3A_581 = arith.constant 80 : index
      %swap3A_582 = tpu.vector_load %arg14[%swap3A_580, %swap3A_581] {strides = array<i32>} : memref<80x128xf32, #tpu.memory_space<vmem>>, vector<1x16xf32>,
      %swap3A_583 = vector.shape_cast %swap3A_582 : vector<1x16xf32> to vector<16xf32>
      %swap3A_584 = vector.shape_cast %broadcast_in_dim3A_579 : vector<16xf32> to vector<1x16xf32>
      tpu.vector_store %arg14[%swap3A_580, %swap3A_581], %swap3A_584 {strides = array<i32>} : memref<80x128xf32, #tpu.memory_space<vmem>>, vector<1x16xf32>,
      %broadcast_in_dim3A_585 = arith.constant 0.000000e+00 : f32
      %broadcast_in_dim3A_586 = vector.broadcast %broadcast_in_dim3A_585 : f32 to vector<16xf32>
      %swap3A_587 = arith.index_cast %add3A_544 : i32 to index
      %swap3A_588 = arith.constant 96 : index
      %swap3A_589 = tpu.vector_load %arg14[%swap3A_587, %swap3A_588] {strides = array<i32>} : memref<80x128xf32, #tpu.memory_space<vmem>>, vector<1x16xf32>,
      %swap3A_590 = vector.shape_cast %swap3A_589 : vector<1x16xf32> to vector<16xf32>
      %swap3A_591 = vector.shape_cast %broadcast_in_dim3A_586 : vector<16xf32> to vector<1x16xf32>
      tpu.vector_store %arg14[%swap3A_587, %swap3A_588], %swap3A_591 {strides = array<i32>} : memref<80x128xf32, #tpu.memory_space<vmem>>, vector<1x16xf32>,
      %broadcast_in_dim3A_592 = arith.constant 0.000000e+00 : f32
      %broadcast_in_dim3A_593 = vector.broadcast %broadcast_in_dim3A_592 : f32 to vector<16xf32>
      %swap3A_594 = arith.index_cast %add3A_544 : i32 to index
      %swap3A_595 = arith.constant 112 : index
      %swap3A_596 = tpu.vector_load %arg14[%swap3A_594, %swap3A_595] {strides = array<i32>} : memref<80x128xf32, #tpu.memory_space<vmem>>, vector<1x16xf32>,
      %swap3A_597 = vector.shape_cast %swap3A_596 : vector<1x16xf32> to vector<16xf32>
      %swap3A_598 = vector.shape_cast %broadcast_in_dim3A_593 : vector<16xf32> to vector<1x16xf32>
      tpu.vector_store %arg14[%swap3A_594, %swap3A_595], %swap3A_598 {strides = array<i32>} : memref<80x128xf32, #tpu.memory_space<vmem>>, vector<1x16xf32>,
    }
    %scan3A_4 = arith.constant 80 : i32
    %mul3A_5 = arith.constant 624 : i32
    %mul3A_6 = arith.muli %arg1, %mul3A_5 : i32
    %add3A_7 = arith.constant 0 : i32
    %add3A_8 = arith.addi %mul3A_6, %add3A_7 : i32
    %dma_start3A = arith.constant 0 : i32
    %dma_start3A_9 = tpu.memref_slice %arg18[%add3A_8, %dma_start3A] : memref<10000x128xf32, #tpu.memory_space<vmem_shared>> -> memref<80x128xf32, #tpu.memory_space<vmem_shared>>
    %dma_start3A_10 = arith.constant 0 : i32
    %dma_start3A_11 = tpu.memref_slice %arg18[%add3A_8, %dma_start3A_10] : memref<10000x128xf32, #tpu.memory_space<vmem_shared>> -> memref<80x128xf32, #tpu.memory_space<vmem_shared>>
    tpu.enqueue_dma source(%arg14 : memref<80x128xf32, #tpu.memory_space<vmem>>) target(%dma_start3A_11 : memref<80x128xf32, #tpu.memory_space<vmem_shared>>) target_semaphore(%arg23 : memref<!tpu.dma_semaphore, #tpu.memory_space<semaphore_mem>>)
    %mul3A_12 = arith.constant 624 : i32
    %mul3A_13 = arith.muli %arg1, %mul3A_12 : i32
    %add3A_14 = arith.constant 80 : i32
    %add3A_15 = arith.addi %mul3A_13, %add3A_14 : i32
    %dma_start3A_16 = arith.constant 0 : i32
    %dma_start3A_17 = tpu.memref_slice %arg18[%add3A_15, %dma_start3A_16] : memref<10000x128xf32, #tpu.memory_space<vmem_shared>> -> memref<80x128xf32, #tpu.memory_space<vmem_shared>>
    %dma_start3A_18 = arith.constant 0 : i32
    %dma_start3A_19 = tpu.memref_slice %arg18[%add3A_15, %dma_start3A_18] : memref<10000x128xf32, #tpu.memory_space<vmem_shared>> -> memref<80x128xf32, #tpu.memory_space<vmem_shared>>
    tpu.enqueue_dma source(%arg14 : memref<80x128xf32, #tpu.memory_space<vmem>>) target(%dma_start3A_19 : memref<80x128xf32, #tpu.memory_space<vmem_shared>>) target_semaphore(%arg24 : memref<!tpu.dma_semaphore, #tpu.memory_space<semaphore_mem>>)
    %mul3A_20 = arith.constant 624 : i32
    %mul3A_21 = arith.muli %arg1, %mul3A_20 : i32
    %add3A_22 = arith.constant 160 : i32
    %add3A_23 = arith.addi %mul3A_21, %add3A_22 : i32
    %dma_start3A_24 = arith.constant 0 : i32
    %dma_start3A_25 = tpu.memref_slice %arg18[%add3A_23, %dma_start3A_24] : memref<10000x128xf32, #tpu.memory_space<vmem_shared>> -> memref<80x128xf32, #tpu.memory_space<vmem_shared>>
    %dma_start3A_26 = arith.constant 0 : i32
    %dma_start3A_27 = tpu.memref_slice %arg18[%add3A_23, %dma_start3A_26] : memref<10000x128xf32, #tpu.memory_space<vmem_shared>> -> memref<80x128xf32, #tpu.memory_space<vmem_shared>>
    tpu.enqueue_dma source(%arg14 : memref<80x128xf32, #tpu.memory_space<vmem>>) target(%dma_start3A_27 : memref<80x128xf32, #tpu.memory_space<vmem_shared>>) target_semaphore(%arg25 : memref<!tpu.dma_semaphore, #tpu.memory_space<semaphore_mem>>)
    %mul3A_28 = arith.constant 624 : i32
    %mul3A_29 = arith.muli %arg1, %mul3A_28 : i32
    %add3A_30 = arith.constant 240 : i32
    %add3A_31 = arith.addi %mul3A_29, %add3A_30 : i32
    %dma_start3A_32 = arith.constant 0 : i32
    %dma_start3A_33 = tpu.memref_slice %arg18[%add3A_31, %dma_start3A_32] : memref<10000x128xf32, #tpu.memory_space<vmem_shared>> -> memref<80x128xf32, #tpu.memory_space<vmem_shared>>
    %dma_start3A_34 = arith.constant 0 : i32
    %dma_start3A_35 = tpu.memref_slice %arg18[%add3A_31, %dma_start3A_34] : memref<10000x128xf32, #tpu.memory_space<vmem_shared>> -> memref<80x128xf32, #tpu.memory_space<vmem_shared>>
    tpu.enqueue_dma source(%arg14 : memref<80x128xf32, #tpu.memory_space<vmem>>) target(%dma_start3A_35 : memref<80x128xf32, #tpu.memory_space<vmem_shared>>) target_semaphore(%arg26 : memref<!tpu.dma_semaphore, #tpu.memory_space<semaphore_mem>>)
    %mul3A_36 = arith.constant 624 : i32
    %mul3A_37 = arith.muli %arg1, %mul3A_36 : i32
    %add3A_38 = arith.constant 320 : i32
    %add3A_39 = arith.addi %mul3A_37, %add3A_38 : i32
    %dma_start3A_40 = arith.constant 0 : i32
    %dma_start3A_41 = tpu.memref_slice %arg18[%add3A_39, %dma_start3A_40] : memref<10000x128xf32, #tpu.memory_space<vmem_shared>> -> memref<80x128xf32, #tpu.memory_space<vmem_shared>>
    %dma_start3A_42 = arith.constant 0 : i32
    %dma_start3A_43 = tpu.memref_slice %arg18[%add3A_39, %dma_start3A_42] : memref<10000x128xf32, #tpu.memory_space<vmem_shared>> -> memref<80x128xf32, #tpu.memory_space<vmem_shared>>
    tpu.enqueue_dma source(%arg14 : memref<80x128xf32, #tpu.memory_space<vmem>>) target(%dma_start3A_43 : memref<80x128xf32, #tpu.memory_space<vmem_shared>>) target_semaphore(%arg27 : memref<!tpu.dma_semaphore, #tpu.memory_space<semaphore_mem>>)
    %mul3A_44 = arith.constant 624 : i32
    %mul3A_45 = arith.muli %arg1, %mul3A_44 : i32
    %add3A_46 = arith.constant 400 : i32
    %add3A_47 = arith.addi %mul3A_45, %add3A_46 : i32
    %dma_start3A_48 = arith.constant 0 : i32
    %dma_start3A_49 = tpu.memref_slice %arg18[%add3A_47, %dma_start3A_48] : memref<10000x128xf32, #tpu.memory_space<vmem_shared>> -> memref<80x128xf32, #tpu.memory_space<vmem_shared>>
    %dma_start3A_50 = arith.constant 0 : i32
    %dma_start3A_51 = tpu.memref_slice %arg18[%add3A_47, %dma_start3A_50] : memref<10000x128xf32, #tpu.memory_space<vmem_shared>> -> memref<80x128xf32, #tpu.memory_space<vmem_shared>>
    tpu.enqueue_dma source(%arg14 : memref<80x128xf32, #tpu.memory_space<vmem>>) target(%dma_start3A_51 : memref<80x128xf32, #tpu.memory_space<vmem_shared>>) target_semaphore(%arg28 : memref<!tpu.dma_semaphore, #tpu.memory_space<semaphore_mem>>)
    %mul3A_52 = arith.constant 624 : i32
    %mul3A_53 = arith.muli %arg1, %mul3A_52 : i32
    %add3A_54 = arith.constant 480 : i32
    %add3A_55 = arith.addi %mul3A_53, %add3A_54 : i32
    %dma_start3A_56 = arith.constant 0 : i32
    %dma_start3A_57 = tpu.memref_slice %arg18[%add3A_55, %dma_start3A_56] : memref<10000x128xf32, #tpu.memory_space<vmem_shared>> -> memref<80x128xf32, #tpu.memory_space<vmem_shared>>
    %dma_start3A_58 = arith.constant 0 : i32
    %dma_start3A_59 = tpu.memref_slice %arg18[%add3A_55, %dma_start3A_58] : memref<10000x128xf32, #tpu.memory_space<vmem_shared>> -> memref<80x128xf32, #tpu.memory_space<vmem_shared>>
    tpu.enqueue_dma source(%arg14 : memref<80x128xf32, #tpu.memory_space<vmem>>) target(%dma_start3A_59 : memref<80x128xf32, #tpu.memory_space<vmem_shared>>) target_semaphore(%arg29 : memref<!tpu.dma_semaphore, #tpu.memory_space<semaphore_mem>>)
    %mul3A_60 = arith.constant 624 : i32
    %mul3A_61 = arith.muli %arg1, %mul3A_60 : i32
    %add3A_62 = arith.constant 560 : i32
    %add3A_63 = arith.addi %mul3A_61, %add3A_62 : i32
    %dma_start3A_64 = arith.constant 0 : i32
    %dma_start3A_65 = arith.constant 0 : i32
    %dma_start3A_66 = tpu.memref_slice %arg14[%dma_start3A_64, %dma_start3A_65] : memref<80x128xf32, #tpu.memory_space<vmem>> -> memref<64x128xf32, #tpu.memory_space<vmem>>
    %dma_start3A_67 = arith.constant 0 : i32
    %dma_start3A_68 = tpu.memref_slice %arg18[%add3A_63, %dma_start3A_67] : memref<10000x128xf32, #tpu.memory_space<vmem_shared>> -> memref<64x128xf32, #tpu.memory_space<vmem_shared>>
    %dma_start3A_69 = arith.constant 0 : i32
    %dma_start3A_70 = tpu.memref_slice %arg18[%add3A_63, %dma_start3A_69] : memref<10000x128xf32, #tpu.memory_space<vmem_shared>> -> memref<64x128xf32, #tpu.memory_space<vmem_shared>>
    %dma_start3A_71 = arith.constant 0 : i32
    %dma_start3A_72 = arith.constant 0 : i32
    %dma_start3A_73 = tpu.memref_slice %arg14[%dma_start3A_71, %dma_start3A_72] : memref<80x128xf32, #tpu.memory_space<vmem>> -> memref<64x128xf32, #tpu.memory_space<vmem>>
    tpu.enqueue_dma source(%dma_start3A_73 : memref<64x128xf32, #tpu.memory_space<vmem>>) target(%dma_start3A_70 : memref<64x128xf32, #tpu.memory_space<vmem_shared>>) target_semaphore(%arg30 : memref<!tpu.dma_semaphore, #tpu.memory_space<semaphore_mem>>)
    %eq3A = arith.constant 15 : i32
    %eq3A_74 = arith.cmpi eq, %arg1, %eq3A : i32
    %convert_element_type3A = arith.extui %eq3A_74 : i1 to i32
    %cond3A = arith.constant 0 : i32
    %cond3A_75 = arith.cmpi ne, %convert_element_type3A, %cond3A : i32
    scf.if %cond3A_75 {
      %dma_start3A_540 = arith.constant 0 : i32
      %dma_start3A_541 = arith.constant 0 : i32
      %dma_start3A_542 = tpu.memref_slice %arg14[%dma_start3A_540, %dma_start3A_541] : memref<80x128xf32, #tpu.memory_space<vmem>> -> memref<16x128xf32, #tpu.memory_space<vmem>>
      %dma_start3A_543 = arith.constant 9984 : i32
      %dma_start3A_544 = arith.constant 0 : i32
      %dma_start3A_545 = tpu.memref_slice %arg18[%dma_start3A_543, %dma_start3A_544] : memref<10000x128xf32, #tpu.memory_space<vmem_shared>> -> memref<16x128xf32, #tpu.memory_space<vmem_shared>>
      %dma_start3A_546 = arith.constant 9984 : i32
      %dma_start3A_547 = arith.constant 0 : i32
      %dma_start3A_548 = tpu.memref_slice %arg18[%dma_start3A_546, %dma_start3A_547] : memref<10000x128xf32, #tpu.memory_space<vmem_shared>> -> memref<16x128xf32, #tpu.memory_space<vmem_shared>>
      %dma_start3A_549 = arith.constant 0 : i32
      %dma_start3A_550 = arith.constant 0 : i32
      %dma_start3A_551 = tpu.memref_slice %arg14[%dma_start3A_549, %dma_start3A_550] : memref<80x128xf32, #tpu.memory_space<vmem>> -> memref<16x128xf32, #tpu.memory_space<vmem>>
      tpu.enqueue_dma source(%dma_start3A_551 : memref<16x128xf32, #tpu.memory_space<vmem>>) target(%dma_start3A_548 : memref<16x128xf32, #tpu.memory_space<vmem_shared>>) target_semaphore(%arg19 : memref<!tpu.dma_semaphore, #tpu.memory_space<semaphore_mem>>)
      %dma_wait3A_552 = arith.constant 0 : i32
      %dma_wait3A_553 = arith.constant 0 : i32
      %dma_wait3A_554 = tpu.memref_slice %arg14[%dma_wait3A_552, %dma_wait3A_553] : memref<80x128xf32, #tpu.memory_space<vmem>> -> memref<16x128xf32, #tpu.memory_space<vmem>>
      %dma_wait3A_555 = arith.constant 9984 : i32
      %dma_wait3A_556 = arith.constant 0 : i32
      %dma_wait3A_557 = tpu.memref_slice %arg18[%dma_wait3A_555, %dma_wait3A_556] : memref<10000x128xf32, #tpu.memory_space<vmem_shared>> -> memref<16x128xf32, #tpu.memory_space<vmem_shared>>
      %dma_wait3A_558 = arith.constant 9984 : i32
      %dma_wait3A_559 = arith.constant 0 : i32
      %dma_wait3A_560 = tpu.memref_slice %arg18[%dma_wait3A_558, %dma_wait3A_559] : memref<10000x128xf32, #tpu.memory_space<vmem_shared>> -> memref<16x128xf32, #tpu.memory_space<vmem_shared>>
      %dma_wait3A_561 = arith.constant 0 : i32
      %dma_wait3A_562 = arith.constant 0 : i32
      %dma_wait3A_563 = tpu.memref_slice %arg14[%dma_wait3A_561, %dma_wait3A_562] : memref<80x128xf32, #tpu.memory_space<vmem>> -> memref<16x128xf32, #tpu.memory_space<vmem>>
      tpu.wait_dma2 semaphore(%arg19 : memref<!tpu.dma_semaphore, #tpu.memory_space<semaphore_mem>>) src(%dma_wait3A_563 : memref<16x128xf32, #tpu.memory_space<vmem>>) dst(%dma_wait3A_560 : memref<16x128xf32, #tpu.memory_space<vmem_shared>>)
    } else {
    }
    %mul3A_76 = arith.constant 624 : i32
    %mul3A_77 = arith.muli %arg1, %mul3A_76 : i32
    %add3A_78 = arith.constant 0 : i32
    %add3A_79 = arith.addi %mul3A_77, %add3A_78 : i32
    %dma_wait3A = arith.constant 0 : i32
    %dma_wait3A_80 = tpu.memref_slice %arg18[%add3A_79, %dma_wait3A] : memref<10000x128xf32, #tpu.memory_space<vmem_shared>> -> memref<80x128xf32, #tpu.memory_space<vmem_shared>>
    %dma_wait3A_81 = arith.constant 0 : i32
    %dma_wait3A_82 = tpu.memref_slice %arg18[%add3A_79, %dma_wait3A_81] : memref<10000x128xf32, #tpu.memory_space<vmem_shared>> -> memref<80x128xf32, #tpu.memory_space<vmem_shared>>
    tpu.wait_dma2 semaphore(%arg23 : memref<!tpu.dma_semaphore, #tpu.memory_space<semaphore_mem>>) src(%arg14 : memref<80x128xf32, #tpu.memory_space<vmem>>) dst(%dma_wait3A_82 : memref<80x128xf32, #tpu.memory_space<vmem_shared>>)
    %mul3A_83 = arith.constant 624 : i32
    %mul3A_84 = arith.muli %arg1, %mul3A_83 : i32
    %add3A_85 = arith.constant 80 : i32
    %add3A_86 = arith.addi %mul3A_84, %add3A_85 : i32
    %dma_wait3A_87 = arith.constant 0 : i32
    %dma_wait3A_88 = tpu.memref_slice %arg18[%add3A_86, %dma_wait3A_87] : memref<10000x128xf32, #tpu.memory_space<vmem_shared>> -> memref<80x128xf32, #tpu.memory_space<vmem_shared>>
    %dma_wait3A_89 = arith.constant 0 : i32
    %dma_wait3A_90 = tpu.memref_slice %arg18[%add3A_86, %dma_wait3A_89] : memref<10000x128xf32, #tpu.memory_space<vmem_shared>> -> memref<80x128xf32, #tpu.memory_space<vmem_shared>>
    tpu.wait_dma2 semaphore(%arg24 : memref<!tpu.dma_semaphore, #tpu.memory_space<semaphore_mem>>) src(%arg14 : memref<80x128xf32, #tpu.memory_space<vmem>>) dst(%dma_wait3A_90 : memref<80x128xf32, #tpu.memory_space<vmem_shared>>)
    %mul3A_91 = arith.constant 624 : i32
    %mul3A_92 = arith.muli %arg1, %mul3A_91 : i32
    %add3A_93 = arith.constant 160 : i32
    %add3A_94 = arith.addi %mul3A_92, %add3A_93 : i32
    %dma_wait3A_95 = arith.constant 0 : i32
    %dma_wait3A_96 = tpu.memref_slice %arg18[%add3A_94, %dma_wait3A_95] : memref<10000x128xf32, #tpu.memory_space<vmem_shared>> -> memref<80x128xf32, #tpu.memory_space<vmem_shared>>
    %dma_wait3A_97 = arith.constant 0 : i32
    %dma_wait3A_98 = tpu.memref_slice %arg18[%add3A_94, %dma_wait3A_97] : memref<10000x128xf32, #tpu.memory_space<vmem_shared>> -> memref<80x128xf32, #tpu.memory_space<vmem_shared>>
    tpu.wait_dma2 semaphore(%arg25 : memref<!tpu.dma_semaphore, #tpu.memory_space<semaphore_mem>>) src(%arg14 : memref<80x128xf32, #tpu.memory_space<vmem>>) dst(%dma_wait3A_98 : memref<80x128xf32, #tpu.memory_space<vmem_shared>>)
    %mul3A_99 = arith.constant 624 : i32
    %mul3A_100 = arith.muli %arg1, %mul3A_99 : i32
    %add3A_101 = arith.constant 240 : i32
    %add3A_102 = arith.addi %mul3A_100, %add3A_101 : i32
    %dma_wait3A_103 = arith.constant 0 : i32
    %dma_wait3A_104 = tpu.memref_slice %arg18[%add3A_102, %dma_wait3A_103] : memref<10000x128xf32, #tpu.memory_space<vmem_shared>> -> memref<80x128xf32, #tpu.memory_space<vmem_shared>>
    %dma_wait3A_105 = arith.constant 0 : i32
    %dma_wait3A_106 = tpu.memref_slice %arg18[%add3A_102, %dma_wait3A_105] : memref<10000x128xf32, #tpu.memory_space<vmem_shared>> -> memref<80x128xf32, #tpu.memory_space<vmem_shared>>
    tpu.wait_dma2 semaphore(%arg26 : memref<!tpu.dma_semaphore, #tpu.memory_space<semaphore_mem>>) src(%arg14 : memref<80x128xf32, #tpu.memory_space<vmem>>) dst(%dma_wait3A_106 : memref<80x128xf32, #tpu.memory_space<vmem_shared>>)
    %mul3A_107 = arith.constant 624 : i32
    %mul3A_108 = arith.muli %arg1, %mul3A_107 : i32
    %add3A_109 = arith.constant 320 : i32
    %add3A_110 = arith.addi %mul3A_108, %add3A_109 : i32
    %dma_wait3A_111 = arith.constant 0 : i32
    %dma_wait3A_112 = tpu.memref_slice %arg18[%add3A_110, %dma_wait3A_111] : memref<10000x128xf32, #tpu.memory_space<vmem_shared>> -> memref<80x128xf32, #tpu.memory_space<vmem_shared>>
    %dma_wait3A_113 = arith.constant 0 : i32
    %dma_wait3A_114 = tpu.memref_slice %arg18[%add3A_110, %dma_wait3A_113] : memref<10000x128xf32, #tpu.memory_space<vmem_shared>> -> memref<80x128xf32, #tpu.memory_space<vmem_shared>>
    tpu.wait_dma2 semaphore(%arg27 : memref<!tpu.dma_semaphore, #tpu.memory_space<semaphore_mem>>) src(%arg14 : memref<80x128xf32, #tpu.memory_space<vmem>>) dst(%dma_wait3A_114 : memref<80x128xf32, #tpu.memory_space<vmem_shared>>)
    %mul3A_115 = arith.constant 624 : i32
    %mul3A_116 = arith.muli %arg1, %mul3A_115 : i32
    %add3A_117 = arith.constant 400 : i32
    %add3A_118 = arith.addi %mul3A_116, %add3A_117 : i32
    %dma_wait3A_119 = arith.constant 0 : i32
    %dma_wait3A_120 = tpu.memref_slice %arg18[%add3A_118, %dma_wait3A_119] : memref<10000x128xf32, #tpu.memory_space<vmem_shared>> -> memref<80x128xf32, #tpu.memory_space<vmem_shared>>
    %dma_wait3A_121 = arith.constant 0 : i32
    %dma_wait3A_122 = tpu.memref_slice %arg18[%add3A_118, %dma_wait3A_121] : memref<10000x128xf32, #tpu.memory_space<vmem_shared>> -> memref<80x128xf32, #tpu.memory_space<vmem_shared>>
    tpu.wait_dma2 semaphore(%arg28 : memref<!tpu.dma_semaphore, #tpu.memory_space<semaphore_mem>>) src(%arg14 : memref<80x128xf32, #tpu.memory_space<vmem>>) dst(%dma_wait3A_122 : memref<80x128xf32, #tpu.memory_space<vmem_shared>>)
    %mul3A_123 = arith.constant 624 : i32
    %mul3A_124 = arith.muli %arg1, %mul3A_123 : i32
    %add3A_125 = arith.constant 480 : i32
    %add3A_126 = arith.addi %mul3A_124, %add3A_125 : i32
    %dma_wait3A_127 = arith.constant 0 : i32
    %dma_wait3A_128 = tpu.memref_slice %arg18[%add3A_126, %dma_wait3A_127] : memref<10000x128xf32, #tpu.memory_space<vmem_shared>> -> memref<80x128xf32, #tpu.memory_space<vmem_shared>>
    %dma_wait3A_129 = arith.constant 0 : i32
    %dma_wait3A_130 = tpu.memref_slice %arg18[%add3A_126, %dma_wait3A_129] : memref<10000x128xf32, #tpu.memory_space<vmem_shared>> -> memref<80x128xf32, #tpu.memory_space<vmem_shared>>
    tpu.wait_dma2 semaphore(%arg29 : memref<!tpu.dma_semaphore, #tpu.memory_space<semaphore_mem>>) src(%arg14 : memref<80x128xf32, #tpu.memory_space<vmem>>) dst(%dma_wait3A_130 : memref<80x128xf32, #tpu.memory_space<vmem_shared>>)
    %mul3A_131 = arith.constant 624 : i32
    %mul3A_132 = arith.muli %arg1, %mul3A_131 : i32
    %add3A_133 = arith.constant 560 : i32
    %add3A_134 = arith.addi %mul3A_132, %add3A_133 : i32
    %dma_wait3A_135 = arith.constant 0 : i32
    %dma_wait3A_136 = arith.constant 0 : i32
    %dma_wait3A_137 = tpu.memref_slice %arg14[%dma_wait3A_135, %dma_wait3A_136] : memref<80x128xf32, #tpu.memory_space<vmem>> -> memref<64x128xf32, #tpu.memory_space<vmem>>
    %dma_wait3A_138 = arith.constant 0 : i32
    %dma_wait3A_139 = tpu.memref_slice %arg18[%add3A_134, %dma_wait3A_138] : memref<10000x128xf32, #tpu.memory_space<vmem_shared>> -> memref<64x128xf32, #tpu.memory_space<vmem_shared>>
    %dma_wait3A_140 = arith.constant 0 : i32
    %dma_wait3A_141 = tpu.memref_slice %arg18[%add3A_134, %dma_wait3A_140] : memref<10000x128xf32, #tpu.memory_space<vmem_shared>> -> memref<64x128xf32, #tpu.memory_space<vmem_shared>>
    %dma_wait3A_142 = arith.constant 0 : i32
    %dma_wait3A_143 = arith.constant 0 : i32
    %dma_wait3A_144 = tpu.memref_slice %arg14[%dma_wait3A_142, %dma_wait3A_143] : memref<80x128xf32, #tpu.memory_space<vmem>> -> memref<64x128xf32, #tpu.memory_space<vmem>>
    tpu.wait_dma2 semaphore(%arg30 : memref<!tpu.dma_semaphore, #tpu.memory_space<semaphore_mem>>) src(%dma_wait3A_144 : memref<64x128xf32, #tpu.memory_space<vmem>>) dst(%dma_wait3A_141 : memref<64x128xf32, #tpu.memory_space<vmem_shared>>)
    %barrier3A = arith.constant 0 : index
    tpu.barrier barrier_id(%barrier3A)
    %mul3A_145 = arith.constant 10000 : i32
    %mul3A_146 = arith.muli %add3A, %mul3A_145 : i32
    %add3A_147 = arith.constant 0 : i32
    %add3A_148 = arith.addi %mul3A_146, %add3A_147 : i32
    %dma_start3A_149 = tpu.memref_slice %arg2[%add3A_148] : memref<320000xi32, #tpu.memory_space<hbm>> -> memref<80xi32, #tpu.memory_space<hbm>>
    %dma_start3A_150 = tpu.memref_slice %arg2[%add3A_148] : memref<320000xi32, #tpu.memory_space<hbm>> -> memref<80xi32, #tpu.memory_space<hbm>>
    tpu.enqueue_dma source(%dma_start3A_150 : memref<80xi32, #tpu.memory_space<hbm>>) target(%arg6 : memref<80xi32, #tpu.memory_space<vmem>>) target_semaphore(%arg19 : memref<!tpu.dma_semaphore, #tpu.memory_space<semaphore_mem>>)
    %dma_start3A_151 = tpu.memref_slice %arg3[%add3A_148] : memref<320000xi32, #tpu.memory_space<hbm>> -> memref<80xi32, #tpu.memory_space<hbm>>
    %dma_start3A_152 = tpu.memref_slice %arg3[%add3A_148] : memref<320000xi32, #tpu.memory_space<hbm>> -> memref<80xi32, #tpu.memory_space<hbm>>
    tpu.enqueue_dma source(%dma_start3A_152 : memref<80xi32, #tpu.memory_space<hbm>>) target(%arg10 : memref<80xi32, #tpu.memory_space<vmem>>) target_semaphore(%arg19 : memref<!tpu.dma_semaphore, #tpu.memory_space<semaphore_mem>>)
    %mul3A_153 = arith.constant 10000 : i32
    %mul3A_154 = arith.muli %add3A, %mul3A_153 : i32
    %add3A_155 = arith.constant 80 : i32
    %add3A_156 = arith.addi %mul3A_154, %add3A_155 : i32
    %dma_start3A_157 = tpu.memref_slice %arg2[%add3A_156] : memref<320000xi32, #tpu.memory_space<hbm>> -> memref<80xi32, #tpu.memory_space<hbm>>
    %dma_start3A_158 = tpu.memref_slice %arg2[%add3A_156] : memref<320000xi32, #tpu.memory_space<hbm>> -> memref<80xi32, #tpu.memory_space<hbm>>
    tpu.enqueue_dma source(%dma_start3A_158 : memref<80xi32, #tpu.memory_space<hbm>>) target(%arg7 : memref<80xi32, #tpu.memory_space<vmem>>) target_semaphore(%arg20 : memref<!tpu.dma_semaphore, #tpu.memory_space<semaphore_mem>>)
    %dma_start3A_159 = tpu.memref_slice %arg3[%add3A_156] : memref<320000xi32, #tpu.memory_space<hbm>> -> memref<80xi32, #tpu.memory_space<hbm>>
    %dma_start3A_160 = tpu.memref_slice %arg3[%add3A_156] : memref<320000xi32, #tpu.memory_space<hbm>> -> memref<80xi32, #tpu.memory_space<hbm>>
    tpu.enqueue_dma source(%dma_start3A_160 : memref<80xi32, #tpu.memory_space<hbm>>) target(%arg11 : memref<80xi32, #tpu.memory_space<vmem>>) target_semaphore(%arg20 : memref<!tpu.dma_semaphore, #tpu.memory_space<semaphore_mem>>)
    %mul3A_161 = arith.constant 10000 : i32
    %mul3A_162 = arith.muli %add3A, %mul3A_161 : i32
    %add3A_163 = arith.constant 160 : i32
    %add3A_164 = arith.addi %mul3A_162, %add3A_163 : i32
    %dma_start3A_165 = tpu.memref_slice %arg2[%add3A_164] : memref<320000xi32, #tpu.memory_space<hbm>> -> memref<80xi32, #tpu.memory_space<hbm>>
    %dma_start3A_166 = tpu.memref_slice %arg2[%add3A_164] : memref<320000xi32, #tpu.memory_space<hbm>> -> memref<80xi32, #tpu.memory_space<hbm>>
    tpu.enqueue_dma source(%dma_start3A_166 : memref<80xi32, #tpu.memory_space<hbm>>) target(%arg8 : memref<80xi32, #tpu.memory_space<vmem>>) target_semaphore(%arg21 : memref<!tpu.dma_semaphore, #tpu.memory_space<semaphore_mem>>)
    %dma_start3A_167 = tpu.memref_slice %arg3[%add3A_164] : memref<320000xi32, #tpu.memory_space<hbm>> -> memref<80xi32, #tpu.memory_space<hbm>>
    %dma_start3A_168 = tpu.memref_slice %arg3[%add3A_164] : memref<320000xi32, #tpu.memory_space<hbm>> -> memref<80xi32, #tpu.memory_space<hbm>>
    tpu.enqueue_dma source(%dma_start3A_168 : memref<80xi32, #tpu.memory_space<hbm>>) target(%arg12 : memref<80xi32, #tpu.memory_space<vmem>>) target_semaphore(%arg21 : memref<!tpu.dma_semaphore, #tpu.memory_space<semaphore_mem>>)
    %mul3A_169 = arith.constant 10000 : i32
    %mul3A_170 = arith.muli %add3A, %mul3A_169 : i32
    %add3A_171 = arith.constant 240 : i32
    %add3A_172 = arith.addi %mul3A_170, %add3A_171 : i32
    %dma_start3A_173 = tpu.memref_slice %arg2[%add3A_172] : memref<320000xi32, #tpu.memory_space<hbm>> -> memref<80xi32, #tpu.memory_space<hbm>>
    %dma_start3A_174 = tpu.memref_slice %arg2[%add3A_172] : memref<320000xi32, #tpu.memory_space<hbm>> -> memref<80xi32, #tpu.memory_space<hbm>>
    tpu.enqueue_dma source(%dma_start3A_174 : memref<80xi32, #tpu.memory_space<hbm>>) target(%arg9 : memref<80xi32, #tpu.memory_space<vmem>>) target_semaphore(%arg22 : memref<!tpu.dma_semaphore, #tpu.memory_space<semaphore_mem>>)
    %dma_start3A_175 = tpu.memref_slice %arg3[%add3A_172] : memref<320000xi32, #tpu.memory_space<hbm>> -> memref<80xi32, #tpu.memory_space<hbm>>
    %dma_start3A_176 = tpu.memref_slice %arg3[%add3A_172] : memref<320000xi32, #tpu.memory_space<hbm>> -> memref<80xi32, #tpu.memory_space<hbm>>
    tpu.enqueue_dma source(%dma_start3A_176 : memref<80xi32, #tpu.memory_space<hbm>>) target(%arg13 : memref<80xi32, #tpu.memory_space<vmem>>) target_semaphore(%arg22 : memref<!tpu.dma_semaphore, #tpu.memory_space<semaphore_mem>>)
    %scan3A_177 = arith.constant 0 : i32
    %scan3A_178 = arith.constant 31 : i32
    %scan3A_179 = arith.addi %scan3A_177, %scan3A_178 : i32
    %scan3A_180 = arith.constant 1 : i32
    scf.for %scan3A_540 = %scan3A_177 to %scan3A_179 step %scan3A_180  : i32 {
      %mul3A_541 = arith.constant 1 : i32
      %mul3A_542 = arith.muli %scan3A_540, %mul3A_541 : i32
      %add3A_543 = arith.constant 0 : i32
      %add3A_544 = arith.addi %add3A_543, %mul3A_542 : i32
      %dma_wait3A_545 = arith.constant 0 : i32
      %dma_wait3A_546 = tpu.memref_slice %arg2[%dma_wait3A_545] : memref<320000xi32, #tpu.memory_space<hbm>> -> memref<80xi32, #tpu.memory_space<hbm>>
      %dma_wait3A_547 = arith.constant 0 : i32
      %dma_wait3A_548 = tpu.memref_slice %arg2[%dma_wait3A_547] : memref<320000xi32, #tpu.memory_space<hbm>> -> memref<80xi32, #tpu.memory_space<hbm>>
      tpu.wait_dma2 semaphore(%arg19 : memref<!tpu.dma_semaphore, #tpu.memory_space<semaphore_mem>>) src(%dma_wait3A_548 : memref<80xi32, #tpu.memory_space<hbm>>) dst(%arg6 : memref<80xi32, #tpu.memory_space<vmem>>)
      %dma_wait3A_549 = arith.constant 0 : i32
      %dma_wait3A_550 = tpu.memref_slice %arg2[%dma_wait3A_549] : memref<320000xi32, #tpu.memory_space<hbm>> -> memref<80xi32, #tpu.memory_space<hbm>>
      %dma_wait3A_551 = arith.constant 0 : i32
      %dma_wait3A_552 = tpu.memref_slice %arg2[%dma_wait3A_551] : memref<320000xi32, #tpu.memory_space<hbm>> -> memref<80xi32, #tpu.memory_space<hbm>>
      tpu.wait_dma2 semaphore(%arg19 : memref<!tpu.dma_semaphore, #tpu.memory_space<semaphore_mem>>) src(%dma_wait3A_552 : memref<80xi32, #tpu.memory_space<hbm>>) dst(%arg10 : memref<80xi32, #tpu.memory_space<vmem>>)
      %dma_start3A_553 = arith.constant 0 : i32
      %dma_start3A_554 = arith.constant 0 : i32
      %dma_start3A_555 = tpu.memref_slice %arg4[%dma_start3A_553, %dma_start3A_554] : memref<10000x128xf32, #tpu.memory_space<hbm>> -> memref<10000x128xf32, #tpu.memory_space<hbm>>
      tpu.enqueue_indirect_dma source(%dma_start3A_555 : memref<10000x128xf32, #tpu.memory_space<hbm>>) target(%arg14 : memref<80x128xf32, #tpu.memory_space<vmem>>) offsets(%arg6 : memref<80xi32, #tpu.memory_space<vmem>>) semaphore(%arg23 : memref<!tpu.dma_semaphore, #tpu.memory_space<semaphore_mem>>)
      %dma_wait3A_556 = arith.constant 0 : i32
      %dma_wait3A_557 = tpu.memref_slice %arg2[%dma_wait3A_556] : memref<320000xi32, #tpu.memory_space<hbm>> -> memref<80xi32, #tpu.memory_space<hbm>>
      %dma_wait3A_558 = arith.constant 0 : i32
      %dma_wait3A_559 = tpu.memref_slice %arg2[%dma_wait3A_558] : memref<320000xi32, #tpu.memory_space<hbm>> -> memref<80xi32, #tpu.memory_space<hbm>>
      tpu.wait_dma2 semaphore(%arg20 : memref<!tpu.dma_semaphore, #tpu.memory_space<semaphore_mem>>) src(%dma_wait3A_559 : memref<80xi32, #tpu.memory_space<hbm>>) dst(%arg7 : memref<80xi32, #tpu.memory_space<vmem>>)
      %dma_wait3A_560 = arith.constant 0 : i32
      %dma_wait3A_561 = tpu.memref_slice %arg2[%dma_wait3A_560] : memref<320000xi32, #tpu.memory_space<hbm>> -> memref<80xi32, #tpu.memory_space<hbm>>
      %dma_wait3A_562 = arith.constant 0 : i32
      %dma_wait3A_563 = tpu.memref_slice %arg2[%dma_wait3A_562] : memref<320000xi32, #tpu.memory_space<hbm>> -> memref<80xi32, #tpu.memory_space<hbm>>
      tpu.wait_dma2 semaphore(%arg20 : memref<!tpu.dma_semaphore, #tpu.memory_space<semaphore_mem>>) src(%dma_wait3A_563 : memref<80xi32, #tpu.memory_space<hbm>>) dst(%arg11 : memref<80xi32, #tpu.memory_space<vmem>>)
      %dma_start3A_564 = arith.constant 0 : i32
      %dma_start3A_565 = arith.constant 0 : i32
      %dma_start3A_566 = tpu.memref_slice %arg4[%dma_start3A_564, %dma_start3A_565] : memref<10000x128xf32, #tpu.memory_space<hbm>> -> memref<10000x128xf32, #tpu.memory_space<hbm>>
      tpu.enqueue_indirect_dma source(%dma_start3A_566 : memref<10000x128xf32, #tpu.memory_space<hbm>>) target(%arg15 : memref<80x128xf32, #tpu.memory_space<vmem>>) offsets(%arg7 : memref<80xi32, #tpu.memory_space<vmem>>) semaphore(%arg24 : memref<!tpu.dma_semaphore, #tpu.memory_space<semaphore_mem>>)
      %dma_wait3A_567 = arith.constant 0 : i32
      %dma_wait3A_568 = tpu.memref_slice %arg2[%dma_wait3A_567] : memref<320000xi32, #tpu.memory_space<hbm>> -> memref<80xi32, #tpu.memory_space<hbm>>
      %dma_wait3A_569 = arith.constant 0 : i32
      %dma_wait3A_570 = tpu.memref_slice %arg2[%dma_wait3A_569] : memref<320000xi32, #tpu.memory_space<hbm>> -> memref<80xi32, #tpu.memory_space<hbm>>
      tpu.wait_dma2 semaphore(%arg21 : memref<!tpu.dma_semaphore, #tpu.memory_space<semaphore_mem>>) src(%dma_wait3A_570 : memref<80xi32, #tpu.memory_space<hbm>>) dst(%arg8 : memref<80xi32, #tpu.memory_space<vmem>>)
      %dma_wait3A_571 = arith.constant 0 : i32
      %dma_wait3A_572 = tpu.memref_slice %arg2[%dma_wait3A_571] : memref<320000xi32, #tpu.memory_space<hbm>> -> memref<80xi32, #tpu.memory_space<hbm>>
      %dma_wait3A_573 = arith.constant 0 : i32
      %dma_wait3A_574 = tpu.memref_slice %arg2[%dma_wait3A_573] : memref<320000xi32, #tpu.memory_space<hbm>> -> memref<80xi32, #tpu.memory_space<hbm>>
      tpu.wait_dma2 semaphore(%arg21 : memref<!tpu.dma_semaphore, #tpu.memory_space<semaphore_mem>>) src(%dma_wait3A_574 : memref<80xi32, #tpu.memory_space<hbm>>) dst(%arg12 : memref<80xi32, #tpu.memory_space<vmem>>)
      %dma_start3A_575 = arith.constant 0 : i32
      %dma_start3A_576 = arith.constant 0 : i32
      %dma_start3A_577 = tpu.memref_slice %arg4[%dma_start3A_575, %dma_start3A_576] : memref<10000x128xf32, #tpu.memory_space<hbm>> -> memref<10000x128xf32, #tpu.memory_space<hbm>>
      tpu.enqueue_indirect_dma source(%dma_start3A_577 : memref<10000x128xf32, #tpu.memory_space<hbm>>) target(%arg16 : memref<80x128xf32, #tpu.memory_space<vmem>>) offsets(%arg8 : memref<80xi32, #tpu.memory_space<vmem>>) semaphore(%arg25 : memref<!tpu.dma_semaphore, #tpu.memory_space<semaphore_mem>>)
      %dma_wait3A_578 = arith.constant 0 : i32
      %dma_wait3A_579 = tpu.memref_slice %arg2[%dma_wait3A_578] : memref<320000xi32, #tpu.memory_space<hbm>> -> memref<80xi32, #tpu.memory_space<hbm>>
      %dma_wait3A_580 = arith.constant 0 : i32
      %dma_wait3A_581 = tpu.memref_slice %arg2[%dma_wait3A_580] : memref<320000xi32, #tpu.memory_space<hbm>> -> memref<80xi32, #tpu.memory_space<hbm>>
      tpu.wait_dma2 semaphore(%arg22 : memref<!tpu.dma_semaphore, #tpu.memory_space<semaphore_mem>>) src(%dma_wait3A_581 : memref<80xi32, #tpu.memory_space<hbm>>) dst(%arg9 : memref<80xi32, #tpu.memory_space<vmem>>)
      %dma_wait3A_582 = arith.constant 0 : i32
      %dma_wait3A_583 = tpu.memref_slice %arg2[%dma_wait3A_582] : memref<320000xi32, #tpu.memory_space<hbm>> -> memref<80xi32, #tpu.memory_space<hbm>>
      %dma_wait3A_584 = arith.constant 0 : i32
      %dma_wait3A_585 = tpu.memref_slice %arg2[%dma_wait3A_584] : memref<320000xi32, #tpu.memory_space<hbm>> -> memref<80xi32, #tpu.memory_space<hbm>>
      tpu.wait_dma2 semaphore(%arg22 : memref<!tpu.dma_semaphore, #tpu.memory_space<semaphore_mem>>) src(%dma_wait3A_585 : memref<80xi32, #tpu.memory_space<hbm>>) dst(%arg13 : memref<80xi32, #tpu.memory_space<vmem>>)
      %dma_start3A_586 = arith.constant 0 : i32
      %dma_start3A_587 = arith.constant 0 : i32
      %dma_start3A_588 = tpu.memref_slice %arg4[%dma_start3A_586, %dma_start3A_587] : memref<10000x128xf32, #tpu.memory_space<hbm>> -> memref<10000x128xf32, #tpu.memory_space<hbm>>
      tpu.enqueue_indirect_dma source(%dma_start3A_588 : memref<10000x128xf32, #tpu.memory_space<hbm>>) target(%arg17 : memref<80x128xf32, #tpu.memory_space<vmem>>) offsets(%arg9 : memref<80xi32, #tpu.memory_space<vmem>>) semaphore(%arg26 : memref<!tpu.dma_semaphore, #tpu.memory_space<semaphore_mem>>)
      %dma_wait3A_589 = arith.constant 0 : i32
      %dma_wait3A_590 = arith.constant 0 : i32
      %dma_wait3A_591 = tpu.memref_slice %arg4[%dma_wait3A_589, %dma_wait3A_590] : memref<10000x128xf32, #tpu.memory_space<hbm>> -> memref<10000x128xf32, #tpu.memory_space<hbm>>
      tpu.wait_indirect_dma semaphore(%arg23 : memref<!tpu.dma_semaphore, #tpu.memory_space<semaphore_mem>>) src(%dma_wait3A_591 : memref<10000x128xf32, #tpu.memory_space<hbm>>) dst(%arg14 : memref<80x128xf32, #tpu.memory_space<vmem>>)
      %dma_start3A_592 = arith.constant 0 : i32
      %dma_start3A_593 = arith.constant 0 : i32
      %dma_start3A_594 = tpu.memref_slice %arg18[%dma_start3A_592, %dma_start3A_593] : memref<10000x128xf32, #tpu.memory_space<vmem_shared>> -> memref<10000x128xf32, #tpu.memory_space<vmem_shared>>
      tpu.enqueue_indirect_dma source(%arg14 : memref<80x128xf32, #tpu.memory_space<vmem>>) target(%dma_start3A_594 : memref<10000x128xf32, #tpu.memory_space<vmem_shared>>) offsets(%arg10 : memref<80xi32, #tpu.memory_space<vmem>>) semaphore(%arg27 : memref<!tpu.dma_semaphore, #tpu.memory_space<semaphore_mem>>) {add = true}
      %dma_wait3A_595 = arith.constant 0 : i32
      %dma_wait3A_596 = arith.constant 0 : i32
      %dma_wait3A_597 = tpu.memref_slice %arg4[%dma_wait3A_595, %dma_wait3A_596] : memref<10000x128xf32, #tpu.memory_space<hbm>> -> memref<10000x128xf32, #tpu.memory_space<hbm>>
      tpu.wait_indirect_dma semaphore(%arg24 : memref<!tpu.dma_semaphore, #tpu.memory_space<semaphore_mem>>) src(%dma_wait3A_597 : memref<10000x128xf32, #tpu.memory_space<hbm>>) dst(%arg15 : memref<80x128xf32, #tpu.memory_space<vmem>>)
      %dma_start3A_598 = arith.constant 0 : i32
      %dma_start3A_599 = arith.constant 0 : i32
      %dma_start3A_600 = tpu.memref_slice %arg18[%dma_start3A_598, %dma_start3A_599] : memref<10000x128xf32, #tpu.memory_space<vmem_shared>> -> memref<10000x128xf32, #tpu.memory_space<vmem_shared>>
      tpu.enqueue_indirect_dma source(%arg15 : memref<80x128xf32, #tpu.memory_space<vmem>>) target(%dma_start3A_600 : memref<10000x128xf32, #tpu.memory_space<vmem_shared>>) offsets(%arg11 : memref<80xi32, #tpu.memory_space<vmem>>) semaphore(%arg28 : memref<!tpu.dma_semaphore, #tpu.memory_space<semaphore_mem>>) {add = true}
      %dma_wait3A_601 = arith.constant 0 : i32
      %dma_wait3A_602 = arith.constant 0 : i32
      %dma_wait3A_603 = tpu.memref_slice %arg4[%dma_wait3A_601, %dma_wait3A_602] : memref<10000x128xf32, #tpu.memory_space<hbm>> -> memref<10000x128xf32, #tpu.memory_space<hbm>>
      tpu.wait_indirect_dma semaphore(%arg25 : memref<!tpu.dma_semaphore, #tpu.memory_space<semaphore_mem>>) src(%dma_wait3A_603 : memref<10000x128xf32, #tpu.memory_space<hbm>>) dst(%arg16 : memref<80x128xf32, #tpu.memory_space<vmem>>)
      %dma_start3A_604 = arith.constant 0 : i32
      %dma_start3A_605 = arith.constant 0 : i32
      %dma_start3A_606 = tpu.memref_slice %arg18[%dma_start3A_604, %dma_start3A_605] : memref<10000x128xf32, #tpu.memory_space<vmem_shared>> -> memref<10000x128xf32, #tpu.memory_space<vmem_shared>>
      tpu.enqueue_indirect_dma source(%arg16 : memref<80x128xf32, #tpu.memory_space<vmem>>) target(%dma_start3A_606 : memref<10000x128xf32, #tpu.memory_space<vmem_shared>>) offsets(%arg12 : memref<80xi32, #tpu.memory_space<vmem>>) semaphore(%arg29 : memref<!tpu.dma_semaphore, #tpu.memory_space<semaphore_mem>>) {add = true}
      %dma_wait3A_607 = arith.constant 0 : i32
      %dma_wait3A_608 = arith.constant 0 : i32
      %dma_wait3A_609 = tpu.memref_slice %arg4[%dma_wait3A_607, %dma_wait3A_608] : memref<10000x128xf32, #tpu.memory_space<hbm>> -> memref<10000x128xf32, #tpu.memory_space<hbm>>
      tpu.wait_indirect_dma semaphore(%arg26 : memref<!tpu.dma_semaphore, #tpu.memory_space<semaphore_mem>>) src(%dma_wait3A_609 : memref<10000x128xf32, #tpu.memory_space<hbm>>) dst(%arg17 : memref<80x128xf32, #tpu.memory_space<vmem>>)
      %dma_start3A_610 = arith.constant 0 : i32
      %dma_start3A_611 = arith.constant 0 : i32
      %dma_start3A_612 = tpu.memref_slice %arg18[%dma_start3A_610, %dma_start3A_611] : memref<10000x128xf32, #tpu.memory_space<vmem_shared>> -> memref<10000x128xf32, #tpu.memory_space<vmem_shared>>
      tpu.enqueue_indirect_dma source(%arg17 : memref<80x128xf32, #tpu.memory_space<vmem>>) target(%dma_start3A_612 : memref<10000x128xf32, #tpu.memory_space<vmem_shared>>) offsets(%arg13 : memref<80xi32, #tpu.memory_space<vmem>>) semaphore(%arg30 : memref<!tpu.dma_semaphore, #tpu.memory_space<semaphore_mem>>) {add = true}
      %lt3A = arith.constant 30 : i32
      %lt3A_613 = arith.cmpi slt, %add3A_544, %lt3A : i32
      %convert_element_type3A_614 = arith.extui %lt3A_613 : i1 to i32
      %cond3A_615 = arith.constant 0 : i32
      %cond3A_616 = arith.cmpi ne, %convert_element_type3A_614, %cond3A_615 : i32
      scf.if %cond3A_616 {
        %dma_wait3A_632 = arith.constant 0 : i32
        %dma_wait3A_633 = arith.constant 0 : i32
        %dma_wait3A_634 = tpu.memref_slice %arg18[%dma_wait3A_632, %dma_wait3A_633] : memref<10000x128xf32, #tpu.memory_space<vmem_shared>> -> memref<10000x128xf32, #tpu.memory_space<vmem_shared>>
        tpu.wait_indirect_dma semaphore(%arg27 : memref<!tpu.dma_semaphore, #tpu.memory_space<semaphore_mem>>) src(%arg14 : memref<80x128xf32, #tpu.memory_space<vmem>>) dst(%dma_wait3A_634 : memref<10000x128xf32, #tpu.memory_space<vmem_shared>>)
        %add3A_635 = arith.constant 1 : i32
        %add3A_636 = arith.addi %add3A_544, %add3A_635 : i32
        %mul3A_637 = arith.constant 10000 : i32
        %mul3A_638 = arith.muli %add3A, %mul3A_637 : i32
        %mul3A_639 = arith.constant 4 : i32
        %mul3A_640 = arith.muli %add3A_636, %mul3A_639 : i32
        %add3A_641 = arith.constant 0 : i32
        %add3A_642 = arith.addi %mul3A_640, %add3A_641 : i32
        %mul3A_643 = arith.constant 80 : i32
        %mul3A_644 = arith.muli %add3A_642, %mul3A_643 : i32
        %add3A_645 = arith.addi %mul3A_638, %mul3A_644 : i32
        %dma_start3A_646 = tpu.memref_slice %arg2[%add3A_645] : memref<320000xi32, #tpu.memory_space<hbm>> -> memref<80xi32, #tpu.memory_space<hbm>>
        %dma_start3A_647 = tpu.memref_slice %arg2[%add3A_645] : memref<320000xi32, #tpu.memory_space<hbm>> -> memref<80xi32, #tpu.memory_space<hbm>>
        tpu.enqueue_dma source(%dma_start3A_647 : memref<80xi32, #tpu.memory_space<hbm>>) target(%arg6 : memref<80xi32, #tpu.memory_space<vmem>>) target_semaphore(%arg19 : memref<!tpu.dma_semaphore, #tpu.memory_space<semaphore_mem>>)
        %dma_start3A_648 = tpu.memref_slice %arg3[%add3A_645] : memref<320000xi32, #tpu.memory_space<hbm>> -> memref<80xi32, #tpu.memory_space<hbm>>
        %dma_start3A_649 = tpu.memref_slice %arg3[%add3A_645] : memref<320000xi32, #tpu.memory_space<hbm>> -> memref<80xi32, #tpu.memory_space<hbm>>
        tpu.enqueue_dma source(%dma_start3A_649 : memref<80xi32, #tpu.memory_space<hbm>>) target(%arg10 : memref<80xi32, #tpu.memory_space<vmem>>) target_semaphore(%arg19 : memref<!tpu.dma_semaphore, #tpu.memory_space<semaphore_mem>>)
      } else {
      }
      %lt3A_617 = arith.constant 30 : i32
      %lt3A_618 = arith.cmpi slt, %add3A_544, %lt3A_617 : i32
      %convert_element_type3A_619 = arith.extui %lt3A_618 : i1 to i32
      %cond3A_620 = arith.constant 0 : i32
      %cond3A_621 = arith.cmpi ne, %convert_element_type3A_619, %cond3A_620 : i32
      scf.if %cond3A_621 {
        %dma_wait3A_632 = arith.constant 0 : i32
        %dma_wait3A_633 = arith.constant 0 : i32
        %dma_wait3A_634 = tpu.memref_slice %arg18[%dma_wait3A_632, %dma_wait3A_633] : memref<10000x128xf32, #tpu.memory_space<vmem_shared>> -> memref<10000x128xf32, #tpu.memory_space<vmem_shared>>
        tpu.wait_indirect_dma semaphore(%arg28 : memref<!tpu.dma_semaphore, #tpu.memory_space<semaphore_mem>>) src(%arg15 : memref<80x128xf32, #tpu.memory_space<vmem>>) dst(%dma_wait3A_634 : memref<10000x128xf32, #tpu.memory_space<vmem_shared>>)
        %add3A_635 = arith.constant 1 : i32
        %add3A_636 = arith.addi %add3A_544, %add3A_635 : i32
        %mul3A_637 = arith.constant 10000 : i32
        %mul3A_638 = arith.muli %add3A, %mul3A_637 : i32
        %mul3A_639 = arith.constant 4 : i32
        %mul3A_640 = arith.muli %add3A_636, %mul3A_639 : i32
        %add3A_641 = arith.constant 1 : i32
        %add3A_642 = arith.addi %mul3A_640, %add3A_641 : i32
        %mul3A_643 = arith.constant 80 : i32
        %mul3A_644 = arith.muli %add3A_642, %mul3A_643 : i32
        %add3A_645 = arith.addi %mul3A_638, %mul3A_644 : i32
        %dma_start3A_646 = tpu.memref_slice %arg2[%add3A_645] : memref<320000xi32, #tpu.memory_space<hbm>> -> memref<80xi32, #tpu.memory_space<hbm>>
        %dma_start3A_647 = tpu.memref_slice %arg2[%add3A_645] : memref<320000xi32, #tpu.memory_space<hbm>> -> memref<80xi32, #tpu.memory_space<hbm>>
        tpu.enqueue_dma source(%dma_start3A_647 : memref<80xi32, #tpu.memory_space<hbm>>) target(%arg7 : memref<80xi32, #tpu.memory_space<vmem>>) target_semaphore(%arg20 : memref<!tpu.dma_semaphore, #tpu.memory_space<semaphore_mem>>)
        %dma_start3A_648 = tpu.memref_slice %arg3[%add3A_645] : memref<320000xi32, #tpu.memory_space<hbm>> -> memref<80xi32, #tpu.memory_space<hbm>>
        %dma_start3A_649 = tpu.memref_slice %arg3[%add3A_645] : memref<320000xi32, #tpu.memory_space<hbm>> -> memref<80xi32, #tpu.memory_space<hbm>>
        tpu.enqueue_dma source(%dma_start3A_649 : memref<80xi32, #tpu.memory_space<hbm>>) target(%arg11 : memref<80xi32, #tpu.memory_space<vmem>>) target_semaphore(%arg20 : memref<!tpu.dma_semaphore, #tpu.memory_space<semaphore_mem>>)
      } else {
      }
      %lt3A_622 = arith.constant 30 : i32
      %lt3A_623 = arith.cmpi slt, %add3A_544, %lt3A_622 : i32
      %convert_element_type3A_624 = arith.extui %lt3A_623 : i1 to i32
      %cond3A_625 = arith.constant 0 : i32
      %cond3A_626 = arith.cmpi ne, %convert_element_type3A_624, %cond3A_625 : i32
      scf.if %cond3A_626 {
        %dma_wait3A_632 = arith.constant 0 : i32
        %dma_wait3A_633 = arith.constant 0 : i32
        %dma_wait3A_634 = tpu.memref_slice %arg18[%dma_wait3A_632, %dma_wait3A_633] : memref<10000x128xf32, #tpu.memory_space<vmem_shared>> -> memref<10000x128xf32, #tpu.memory_space<vmem_shared>>
        tpu.wait_indirect_dma semaphore(%arg29 : memref<!tpu.dma_semaphore, #tpu.memory_space<semaphore_mem>>) src(%arg16 : memref<80x128xf32, #tpu.memory_space<vmem>>) dst(%dma_wait3A_634 : memref<10000x128xf32, #tpu.memory_space<vmem_shared>>)
        %add3A_635 = arith.constant 1 : i32
        %add3A_636 = arith.addi %add3A_544, %add3A_635 : i32
        %mul3A_637 = arith.constant 10000 : i32
        %mul3A_638 = arith.muli %add3A, %mul3A_637 : i32
        %mul3A_639 = arith.constant 4 : i32
        %mul3A_640 = arith.muli %add3A_636, %mul3A_639 : i32
        %add3A_641 = arith.constant 2 : i32
        %add3A_642 = arith.addi %mul3A_640, %add3A_641 : i32
        %mul3A_643 = arith.constant 80 : i32
        %mul3A_644 = arith.muli %add3A_642, %mul3A_643 : i32
        %add3A_645 = arith.addi %mul3A_638, %mul3A_644 : i32
        %dma_start3A_646 = tpu.memref_slice %arg2[%add3A_645] : memref<320000xi32, #tpu.memory_space<hbm>> -> memref<80xi32, #tpu.memory_space<hbm>>
        %dma_start3A_647 = tpu.memref_slice %arg2[%add3A_645] : memref<320000xi32, #tpu.memory_space<hbm>> -> memref<80xi32, #tpu.memory_space<hbm>>
        tpu.enqueue_dma source(%dma_start3A_647 : memref<80xi32, #tpu.memory_space<hbm>>) target(%arg8 : memref<80xi32, #tpu.memory_space<vmem>>) target_semaphore(%arg21 : memref<!tpu.dma_semaphore, #tpu.memory_space<semaphore_mem>>)
        %dma_start3A_648 = tpu.memref_slice %arg3[%add3A_645] : memref<320000xi32, #tpu.memory_space<hbm>> -> memref<80xi32, #tpu.memory_space<hbm>>
        %dma_start3A_649 = tpu.memref_slice %arg3[%add3A_645] : memref<320000xi32, #tpu.memory_space<hbm>> -> memref<80xi32, #tpu.memory_space<hbm>>
        tpu.enqueue_dma source(%dma_start3A_649 : memref<80xi32, #tpu.memory_space<hbm>>) target(%arg12 : memref<80xi32, #tpu.memory_space<vmem>>) target_semaphore(%arg21 : memref<!tpu.dma_semaphore, #tpu.memory_space<semaphore_mem>>)
      } else {
      }
      %lt3A_627 = arith.constant 30 : i32
      %lt3A_628 = arith.cmpi slt, %add3A_544, %lt3A_627 : i32
      %convert_element_type3A_629 = arith.extui %lt3A_628 : i1 to i32
      %cond3A_630 = arith.constant 0 : i32
      %cond3A_631 = arith.cmpi ne, %convert_element_type3A_629, %cond3A_630 : i32
      scf.if %cond3A_631 {
        %dma_wait3A_632 = arith.constant 0 : i32
        %dma_wait3A_633 = arith.constant 0 : i32
        %dma_wait3A_634 = tpu.memref_slice %arg18[%dma_wait3A_632, %dma_wait3A_633] : memref<10000x128xf32, #tpu.memory_space<vmem_shared>> -> memref<10000x128xf32, #tpu.memory_space<vmem_shared>>
        tpu.wait_indirect_dma semaphore(%arg30 : memref<!tpu.dma_semaphore, #tpu.memory_space<semaphore_mem>>) src(%arg17 : memref<80x128xf32, #tpu.memory_space<vmem>>) dst(%dma_wait3A_634 : memref<10000x128xf32, #tpu.memory_space<vmem_shared>>)
        %add3A_635 = arith.constant 1 : i32
        %add3A_636 = arith.addi %add3A_544, %add3A_635 : i32
        %mul3A_637 = arith.constant 10000 : i32
        %mul3A_638 = arith.muli %add3A, %mul3A_637 : i32
        %mul3A_639 = arith.constant 4 : i32
        %mul3A_640 = arith.muli %add3A_636, %mul3A_639 : i32
        %add3A_641 = arith.constant 3 : i32
        %add3A_642 = arith.addi %mul3A_640, %add3A_641 : i32
        %mul3A_643 = arith.constant 80 : i32
        %mul3A_644 = arith.muli %add3A_642, %mul3A_643 : i32
        %add3A_645 = arith.addi %mul3A_638, %mul3A_644 : i32
        %dma_start3A_646 = tpu.memref_slice %arg2[%add3A_645] : memref<320000xi32, #tpu.memory_space<hbm>> -> memref<80xi32, #tpu.memory_space<hbm>>
        %dma_start3A_647 = tpu.memref_slice %arg2[%add3A_645] : memref<320000xi32, #tpu.memory_space<hbm>> -> memref<80xi32, #tpu.memory_space<hbm>>
        tpu.enqueue_dma source(%dma_start3A_647 : memref<80xi32, #tpu.memory_space<hbm>>) target(%arg9 : memref<80xi32, #tpu.memory_space<vmem>>) target_semaphore(%arg22 : memref<!tpu.dma_semaphore, #tpu.memory_space<semaphore_mem>>)
        %dma_start3A_648 = tpu.memref_slice %arg3[%add3A_645] : memref<320000xi32, #tpu.memory_space<hbm>> -> memref<80xi32, #tpu.memory_space<hbm>>
        %dma_start3A_649 = tpu.memref_slice %arg3[%add3A_645] : memref<320000xi32, #tpu.memory_space<hbm>> -> memref<80xi32, #tpu.memory_space<hbm>>
        tpu.enqueue_dma source(%dma_start3A_649 : memref<80xi32, #tpu.memory_space<hbm>>) target(%arg13 : memref<80xi32, #tpu.memory_space<vmem>>) target_semaphore(%arg22 : memref<!tpu.dma_semaphore, #tpu.memory_space<semaphore_mem>>)
      } else {
      }
    }
    %scan3A_181 = arith.constant 31 : i32
    %dma_wait3A_182 = arith.constant 0 : i32
    %dma_wait3A_183 = arith.constant 0 : i32
    %dma_wait3A_184 = tpu.memref_slice %arg18[%dma_wait3A_182, %dma_wait3A_183] : memref<10000x128xf32, #tpu.memory_space<vmem_shared>> -> memref<10000x128xf32, #tpu.memory_space<vmem_shared>>
    tpu.wait_indirect_dma semaphore(%arg27 : memref<!tpu.dma_semaphore, #tpu.memory_space<semaphore_mem>>) src(%arg14 : memref<80x128xf32, #tpu.memory_space<vmem>>) dst(%dma_wait3A_184 : memref<10000x128xf32, #tpu.memory_space<vmem_shared>>)
    %mul3A_185 = arith.constant 10000 : i32
    %mul3A_186 = arith.muli %add3A, %mul3A_185 : i32
    %add3A_187 = arith.constant 9920 : i32
    %add3A_188 = arith.addi %mul3A_186, %add3A_187 : i32
    %dma_start3A_189 = tpu.memref_slice %arg2[%add3A_188] : memref<320000xi32, #tpu.memory_space<hbm>> -> memref<80xi32, #tpu.memory_space<hbm>>
    %dma_start3A_190 = tpu.memref_slice %arg2[%add3A_188] : memref<320000xi32, #tpu.memory_space<hbm>> -> memref<80xi32, #tpu.memory_space<hbm>>
    tpu.enqueue_dma source(%dma_start3A_190 : memref<80xi32, #tpu.memory_space<hbm>>) target(%arg6 : memref<80xi32, #tpu.memory_space<vmem>>) target_semaphore(%arg19 : memref<!tpu.dma_semaphore, #tpu.memory_space<semaphore_mem>>)
    %dma_start3A_191 = tpu.memref_slice %arg3[%add3A_188] : memref<320000xi32, #tpu.memory_space<hbm>> -> memref<80xi32, #tpu.memory_space<hbm>>
    %dma_start3A_192 = tpu.memref_slice %arg3[%add3A_188] : memref<320000xi32, #tpu.memory_space<hbm>> -> memref<80xi32, #tpu.memory_space<hbm>>
    tpu.enqueue_dma source(%dma_start3A_192 : memref<80xi32, #tpu.memory_space<hbm>>) target(%arg10 : memref<80xi32, #tpu.memory_space<vmem>>) target_semaphore(%arg19 : memref<!tpu.dma_semaphore, #tpu.memory_space<semaphore_mem>>)
    %dma_wait3A_193 = arith.constant 0 : i32
    %dma_wait3A_194 = tpu.memref_slice %arg2[%dma_wait3A_193] : memref<320000xi32, #tpu.memory_space<hbm>> -> memref<80xi32, #tpu.memory_space<hbm>>
    %dma_wait3A_195 = arith.constant 0 : i32
    %dma_wait3A_196 = tpu.memref_slice %arg2[%dma_wait3A_195] : memref<320000xi32, #tpu.memory_space<hbm>> -> memref<80xi32, #tpu.memory_space<hbm>>
    tpu.wait_dma2 semaphore(%arg19 : memref<!tpu.dma_semaphore, #tpu.memory_space<semaphore_mem>>) src(%dma_wait3A_196 : memref<80xi32, #tpu.memory_space<hbm>>) dst(%arg6 : memref<80xi32, #tpu.memory_space<vmem>>)
    %dma_wait3A_197 = arith.constant 0 : i32
    %dma_wait3A_198 = tpu.memref_slice %arg2[%dma_wait3A_197] : memref<320000xi32, #tpu.memory_space<hbm>> -> memref<80xi32, #tpu.memory_space<hbm>>
    %dma_wait3A_199 = arith.constant 0 : i32
    %dma_wait3A_200 = tpu.memref_slice %arg2[%dma_wait3A_199] : memref<320000xi32, #tpu.memory_space<hbm>> -> memref<80xi32, #tpu.memory_space<hbm>>
    tpu.wait_dma2 semaphore(%arg19 : memref<!tpu.dma_semaphore, #tpu.memory_space<semaphore_mem>>) src(%dma_wait3A_200 : memref<80xi32, #tpu.memory_space<hbm>>) dst(%arg10 : memref<80xi32, #tpu.memory_space<vmem>>)
    %dma_start3A_201 = arith.constant 0 : i32
    %dma_start3A_202 = arith.constant 0 : i32
    %dma_start3A_203 = tpu.memref_slice %arg4[%dma_start3A_201, %dma_start3A_202] : memref<10000x128xf32, #tpu.memory_space<hbm>> -> memref<10000x128xf32, #tpu.memory_space<hbm>>
    tpu.enqueue_indirect_dma source(%dma_start3A_203 : memref<10000x128xf32, #tpu.memory_space<hbm>>) target(%arg14 : memref<80x128xf32, #tpu.memory_space<vmem>>) offsets(%arg6 : memref<80xi32, #tpu.memory_space<vmem>>) semaphore(%arg23 : memref<!tpu.dma_semaphore, #tpu.memory_space<semaphore_mem>>)
    %dma_wait3A_204 = arith.constant 0 : i32
    %dma_wait3A_205 = arith.constant 0 : i32
    %dma_wait3A_206 = tpu.memref_slice %arg4[%dma_wait3A_204, %dma_wait3A_205] : memref<10000x128xf32, #tpu.memory_space<hbm>> -> memref<10000x128xf32, #tpu.memory_space<hbm>>
    tpu.wait_indirect_dma semaphore(%arg23 : memref<!tpu.dma_semaphore, #tpu.memory_space<semaphore_mem>>) src(%dma_wait3A_206 : memref<10000x128xf32, #tpu.memory_space<hbm>>) dst(%arg14 : memref<80x128xf32, #tpu.memory_space<vmem>>)
    %dma_start3A_207 = arith.constant 0 : i32
    %dma_start3A_208 = arith.constant 0 : i32
    %dma_start3A_209 = tpu.memref_slice %arg18[%dma_start3A_207, %dma_start3A_208] : memref<10000x128xf32, #tpu.memory_space<vmem_shared>> -> memref<10000x128xf32, #tpu.memory_space<vmem_shared>>
    tpu.enqueue_indirect_dma source(%arg14 : memref<80x128xf32, #tpu.memory_space<vmem>>) target(%dma_start3A_209 : memref<10000x128xf32, #tpu.memory_space<vmem_shared>>) offsets(%arg10 : memref<80xi32, #tpu.memory_space<vmem>>) semaphore(%arg27 : memref<!tpu.dma_semaphore, #tpu.memory_space<semaphore_mem>>) {add = true}
    %dma_wait3A_210 = arith.constant 0 : i32
    %dma_wait3A_211 = arith.constant 0 : i32
    %dma_wait3A_212 = tpu.memref_slice %arg18[%dma_wait3A_210, %dma_wait3A_211] : memref<10000x128xf32, #tpu.memory_space<vmem_shared>> -> memref<10000x128xf32, #tpu.memory_space<vmem_shared>>
    tpu.wait_indirect_dma semaphore(%arg27 : memref<!tpu.dma_semaphore, #tpu.memory_space<semaphore_mem>>) src(%arg14 : memref<80x128xf32, #tpu.memory_space<vmem>>) dst(%dma_wait3A_212 : memref<10000x128xf32, #tpu.memory_space<vmem_shared>>)
    %dma_wait3A_213 = arith.constant 0 : i32
    %dma_wait3A_214 = arith.constant 0 : i32
    %dma_wait3A_215 = tpu.memref_slice %arg18[%dma_wait3A_213, %dma_wait3A_214] : memref<10000x128xf32, #tpu.memory_space<vmem_shared>> -> memref<10000x128xf32, #tpu.memory_space<vmem_shared>>
    tpu.wait_indirect_dma semaphore(%arg28 : memref<!tpu.dma_semaphore, #tpu.memory_space<semaphore_mem>>) src(%arg15 : memref<80x128xf32, #tpu.memory_space<vmem>>) dst(%dma_wait3A_215 : memref<10000x128xf32, #tpu.memory_space<vmem_shared>>)
    %dma_wait3A_216 = arith.constant 0 : i32
    %dma_wait3A_217 = arith.constant 0 : i32
    %dma_wait3A_218 = tpu.memref_slice %arg18[%dma_wait3A_216, %dma_wait3A_217] : memref<10000x128xf32, #tpu.memory_space<vmem_shared>> -> memref<10000x128xf32, #tpu.memory_space<vmem_shared>>
    tpu.wait_indirect_dma semaphore(%arg29 : memref<!tpu.dma_semaphore, #tpu.memory_space<semaphore_mem>>) src(%arg16 : memref<80x128xf32, #tpu.memory_space<vmem>>) dst(%dma_wait3A_218 : memref<10000x128xf32, #tpu.memory_space<vmem_shared>>)
    %dma_wait3A_219 = arith.constant 0 : i32
    %dma_wait3A_220 = arith.constant 0 : i32
    %dma_wait3A_221 = tpu.memref_slice %arg18[%dma_wait3A_219, %dma_wait3A_220] : memref<10000x128xf32, #tpu.memory_space<vmem_shared>> -> memref<10000x128xf32, #tpu.memory_space<vmem_shared>>
    tpu.wait_indirect_dma semaphore(%arg30 : memref<!tpu.dma_semaphore, #tpu.memory_space<semaphore_mem>>) src(%arg17 : memref<80x128xf32, #tpu.memory_space<vmem>>) dst(%dma_wait3A_221 : memref<10000x128xf32, #tpu.memory_space<vmem_shared>>)
    %barrier3A_222 = arith.constant 0 : index
    tpu.barrier barrier_id(%barrier3A_222)
    %mul3A_223 = arith.constant 624 : i32
    %mul3A_224 = arith.muli %arg1, %mul3A_223 : i32
    %add3A_225 = arith.constant 0 : i32
    %add3A_226 = arith.addi %mul3A_224, %add3A_225 : i32
    %dma_start3A_227 = arith.constant 0 : i32
    %dma_start3A_228 = tpu.memref_slice %arg18[%add3A_226, %dma_start3A_227] : memref<10000x128xf32, #tpu.memory_space<vmem_shared>> -> memref<80x128xf32, #tpu.memory_space<vmem_shared>>
    %dma_start3A_229 = arith.constant 0 : i32
    %dma_start3A_230 = tpu.memref_slice %arg18[%add3A_226, %dma_start3A_229] : memref<10000x128xf32, #tpu.memory_space<vmem_shared>> -> memref<80x128xf32, #tpu.memory_space<vmem_shared>>
    tpu.enqueue_dma source(%dma_start3A_230 : memref<80x128xf32, #tpu.memory_space<vmem_shared>>) target(%arg14 : memref<80x128xf32, #tpu.memory_space<vmem>>) target_semaphore(%arg23 : memref<!tpu.dma_semaphore, #tpu.memory_space<semaphore_mem>>)
    %mul3A_231 = arith.constant 624 : i32
    %mul3A_232 = arith.muli %arg1, %mul3A_231 : i32
    %add3A_233 = arith.constant 80 : i32
    %add3A_234 = arith.addi %mul3A_232, %add3A_233 : i32
    %dma_start3A_235 = arith.constant 0 : i32
    %dma_start3A_236 = tpu.memref_slice %arg18[%add3A_234, %dma_start3A_235] : memref<10000x128xf32, #tpu.memory_space<vmem_shared>> -> memref<80x128xf32, #tpu.memory_space<vmem_shared>>
    %dma_start3A_237 = arith.constant 0 : i32
    %dma_start3A_238 = tpu.memref_slice %arg18[%add3A_234, %dma_start3A_237] : memref<10000x128xf32, #tpu.memory_space<vmem_shared>> -> memref<80x128xf32, #tpu.memory_space<vmem_shared>>
    tpu.enqueue_dma source(%dma_start3A_238 : memref<80x128xf32, #tpu.memory_space<vmem_shared>>) target(%arg15 : memref<80x128xf32, #tpu.memory_space<vmem>>) target_semaphore(%arg24 : memref<!tpu.dma_semaphore, #tpu.memory_space<semaphore_mem>>)
    %mul3A_239 = arith.constant 624 : i32
    %mul3A_240 = arith.muli %arg1, %mul3A_239 : i32
    %add3A_241 = arith.constant 160 : i32
    %add3A_242 = arith.addi %mul3A_240, %add3A_241 : i32
    %dma_start3A_243 = arith.constant 0 : i32
    %dma_start3A_244 = tpu.memref_slice %arg18[%add3A_242, %dma_start3A_243] : memref<10000x128xf32, #tpu.memory_space<vmem_shared>> -> memref<80x128xf32, #tpu.memory_space<vmem_shared>>
    %dma_start3A_245 = arith.constant 0 : i32
    %dma_start3A_246 = tpu.memref_slice %arg18[%add3A_242, %dma_start3A_245] : memref<10000x128xf32, #tpu.memory_space<vmem_shared>> -> memref<80x128xf32, #tpu.memory_space<vmem_shared>>
    tpu.enqueue_dma source(%dma_start3A_246 : memref<80x128xf32, #tpu.memory_space<vmem_shared>>) target(%arg16 : memref<80x128xf32, #tpu.memory_space<vmem>>) target_semaphore(%arg25 : memref<!tpu.dma_semaphore, #tpu.memory_space<semaphore_mem>>)
    %mul3A_247 = arith.constant 624 : i32
    %mul3A_248 = arith.muli %arg1, %mul3A_247 : i32
    %add3A_249 = arith.constant 240 : i32
    %add3A_250 = arith.addi %mul3A_248, %add3A_249 : i32
    %dma_start3A_251 = arith.constant 0 : i32
    %dma_start3A_252 = tpu.memref_slice %arg18[%add3A_250, %dma_start3A_251] : memref<10000x128xf32, #tpu.memory_space<vmem_shared>> -> memref<80x128xf32, #tpu.memory_space<vmem_shared>>
    %dma_start3A_253 = arith.constant 0 : i32
    %dma_start3A_254 = tpu.memref_slice %arg18[%add3A_250, %dma_start3A_253] : memref<10000x128xf32, #tpu.memory_space<vmem_shared>> -> memref<80x128xf32, #tpu.memory_space<vmem_shared>>
    tpu.enqueue_dma source(%dma_start3A_254 : memref<80x128xf32, #tpu.memory_space<vmem_shared>>) target(%arg17 : memref<80x128xf32, #tpu.memory_space<vmem>>) target_semaphore(%arg26 : memref<!tpu.dma_semaphore, #tpu.memory_space<semaphore_mem>>)
    %mul3A_255 = arith.constant 624 : i32
    %mul3A_256 = arith.muli %arg1, %mul3A_255 : i32
    %add3A_257 = arith.constant 0 : i32
    %add3A_258 = arith.addi %mul3A_256, %add3A_257 : i32
    %dma_wait3A_259 = arith.constant 0 : i32
    %dma_wait3A_260 = tpu.memref_slice %arg18[%add3A_258, %dma_wait3A_259] : memref<10000x128xf32, #tpu.memory_space<vmem_shared>> -> memref<80x128xf32, #tpu.memory_space<vmem_shared>>
    %dma_wait3A_261 = arith.constant 0 : i32
    %dma_wait3A_262 = tpu.memref_slice %arg18[%add3A_258, %dma_wait3A_261] : memref<10000x128xf32, #tpu.memory_space<vmem_shared>> -> memref<80x128xf32, #tpu.memory_space<vmem_shared>>
    tpu.wait_dma2 semaphore(%arg23 : memref<!tpu.dma_semaphore, #tpu.memory_space<semaphore_mem>>) src(%dma_wait3A_262 : memref<80x128xf32, #tpu.memory_space<vmem_shared>>) dst(%arg14 : memref<80x128xf32, #tpu.memory_space<vmem>>)
    %mul3A_263 = arith.constant 624 : i32
    %mul3A_264 = arith.muli %arg1, %mul3A_263 : i32
    %add3A_265 = arith.constant 0 : i32
    %add3A_266 = arith.addi %mul3A_264, %add3A_265 : i32
    %dma_start3A_267 = arith.constant 0 : i32
    %dma_start3A_268 = tpu.memref_slice %arg5[%arg0, %add3A_266, %dma_start3A_267] : memref<2x10000x128xf32, #tpu.memory_space<hbm>> -> memref<1x80x128xf32, #tpu.memory_space<hbm>>
    %dma_start3A_269 = tpu.memref_squeeze %dma_start3A_268 : memref<1x80x128xf32, #tpu.memory_space<hbm>> -> memref<80x128xf32, #tpu.memory_space<hbm>>
    %dma_start3A_270 = arith.constant 0 : i32
    %dma_start3A_271 = tpu.memref_slice %arg5[%arg0, %add3A_266, %dma_start3A_270] : memref<2x10000x128xf32, #tpu.memory_space<hbm>> -> memref<1x80x128xf32, #tpu.memory_space<hbm>>
    %dma_start3A_272 = tpu.memref_squeeze %dma_start3A_271 : memref<1x80x128xf32, #tpu.memory_space<hbm>> -> memref<80x128xf32, #tpu.memory_space<hbm>>
    tpu.enqueue_dma source(%arg14 : memref<80x128xf32, #tpu.memory_space<vmem>>) target(%dma_start3A_272 : memref<80x128xf32, #tpu.memory_space<hbm>>) target_semaphore(%arg27 : memref<!tpu.dma_semaphore, #tpu.memory_space<semaphore_mem>>)
    %mul3A_273 = arith.constant 624 : i32
    %mul3A_274 = arith.muli %arg1, %mul3A_273 : i32
    %add3A_275 = arith.constant 0 : i32
    %add3A_276 = arith.addi %mul3A_274, %add3A_275 : i32
    %dma_wait3A_277 = arith.constant 0 : i32
    %dma_wait3A_278 = tpu.memref_slice %arg5[%arg0, %add3A_276, %dma_wait3A_277] : memref<2x10000x128xf32, #tpu.memory_space<hbm>> -> memref<1x80x128xf32, #tpu.memory_space<hbm>>
    %dma_wait3A_279 = tpu.memref_squeeze %dma_wait3A_278 : memref<1x80x128xf32, #tpu.memory_space<hbm>> -> memref<80x128xf32, #tpu.memory_space<hbm>>
    %dma_wait3A_280 = arith.constant 0 : i32
    %dma_wait3A_281 = tpu.memref_slice %arg5[%arg0, %add3A_276, %dma_wait3A_280] : memref<2x10000x128xf32, #tpu.memory_space<hbm>> -> memref<1x80x128xf32, #tpu.memory_space<hbm>>
    %dma_wait3A_282 = tpu.memref_squeeze %dma_wait3A_281 : memref<1x80x128xf32, #tpu.memory_space<hbm>> -> memref<80x128xf32, #tpu.memory_space<hbm>>
    tpu.wait_dma2 semaphore(%arg27 : memref<!tpu.dma_semaphore, #tpu.memory_space<semaphore_mem>>) src(%arg14 : memref<80x128xf32, #tpu.memory_space<vmem>>) dst(%dma_wait3A_282 : memref<80x128xf32, #tpu.memory_space<hbm>>)
    %mul3A_283 = arith.constant 624 : i32
    %mul3A_284 = arith.muli %arg1, %mul3A_283 : i32
    %add3A_285 = arith.constant 320 : i32
    %add3A_286 = arith.addi %mul3A_284, %add3A_285 : i32
    %dma_start3A_287 = arith.constant 0 : i32
    %dma_start3A_288 = tpu.memref_slice %arg18[%add3A_286, %dma_start3A_287] : memref<10000x128xf32, #tpu.memory_space<vmem_shared>> -> memref<80x128xf32, #tpu.memory_space<vmem_shared>>
    %dma_start3A_289 = arith.constant 0 : i32
    %dma_start3A_290 = tpu.memref_slice %arg18[%add3A_286, %dma_start3A_289] : memref<10000x128xf32, #tpu.memory_space<vmem_shared>> -> memref<80x128xf32, #tpu.memory_space<vmem_shared>>
    tpu.enqueue_dma source(%dma_start3A_290 : memref<80x128xf32, #tpu.memory_space<vmem_shared>>) target(%arg14 : memref<80x128xf32, #tpu.memory_space<vmem>>) target_semaphore(%arg23 : memref<!tpu.dma_semaphore, #tpu.memory_space<semaphore_mem>>)
    %mul3A_291 = arith.constant 624 : i32
    %mul3A_292 = arith.muli %arg1, %mul3A_291 : i32
    %add3A_293 = arith.constant 80 : i32
    %add3A_294 = arith.addi %mul3A_292, %add3A_293 : i32
    %dma_wait3A_295 = arith.constant 0 : i32
    %dma_wait3A_296 = tpu.memref_slice %arg18[%add3A_294, %dma_wait3A_295] : memref<10000x128xf32, #tpu.memory_space<vmem_shared>> -> memref<80x128xf32, #tpu.memory_space<vmem_shared>>
    %dma_wait3A_297 = arith.constant 0 : i32
    %dma_wait3A_298 = tpu.memref_slice %arg18[%add3A_294, %dma_wait3A_297] : memref<10000x128xf32, #tpu.memory_space<vmem_shared>> -> memref<80x128xf32, #tpu.memory_space<vmem_shared>>
    tpu.wait_dma2 semaphore(%arg24 : memref<!tpu.dma_semaphore, #tpu.memory_space<semaphore_mem>>) src(%dma_wait3A_298 : memref<80x128xf32, #tpu.memory_space<vmem_shared>>) dst(%arg15 : memref<80x128xf32, #tpu.memory_space<vmem>>)
    %mul3A_299 = arith.constant 624 : i32
    %mul3A_300 = arith.muli %arg1, %mul3A_299 : i32
    %add3A_301 = arith.constant 80 : i32
    %add3A_302 = arith.addi %mul3A_300, %add3A_301 : i32
    %dma_start3A_303 = arith.constant 0 : i32
    %dma_start3A_304 = tpu.memref_slice %arg5[%arg0, %add3A_302, %dma_start3A_303] : memref<2x10000x128xf32, #tpu.memory_space<hbm>> -> memref<1x80x128xf32, #tpu.memory_space<hbm>>
    %dma_start3A_305 = tpu.memref_squeeze %dma_start3A_304 : memref<1x80x128xf32, #tpu.memory_space<hbm>> -> memref<80x128xf32, #tpu.memory_space<hbm>>
    %dma_start3A_306 = arith.constant 0 : i32
    %dma_start3A_307 = tpu.memref_slice %arg5[%arg0, %add3A_302, %dma_start3A_306] : memref<2x10000x128xf32, #tpu.memory_space<hbm>> -> memref<1x80x128xf32, #tpu.memory_space<hbm>>
    %dma_start3A_308 = tpu.memref_squeeze %dma_start3A_307 : memref<1x80x128xf32, #tpu.memory_space<hbm>> -> memref<80x128xf32, #tpu.memory_space<hbm>>
    tpu.enqueue_dma source(%arg15 : memref<80x128xf32, #tpu.memory_space<vmem>>) target(%dma_start3A_308 : memref<80x128xf32, #tpu.memory_space<hbm>>) target_semaphore(%arg28 : memref<!tpu.dma_semaphore, #tpu.memory_space<semaphore_mem>>)
    %mul3A_309 = arith.constant 624 : i32
    %mul3A_310 = arith.muli %arg1, %mul3A_309 : i32
    %add3A_311 = arith.constant 80 : i32
    %add3A_312 = arith.addi %mul3A_310, %add3A_311 : i32
    %dma_wait3A_313 = arith.constant 0 : i32
    %dma_wait3A_314 = tpu.memref_slice %arg5[%arg0, %add3A_312, %dma_wait3A_313] : memref<2x10000x128xf32, #tpu.memory_space<hbm>> -> memref<1x80x128xf32, #tpu.memory_space<hbm>>
    %dma_wait3A_315 = tpu.memref_squeeze %dma_wait3A_314 : memref<1x80x128xf32, #tpu.memory_space<hbm>> -> memref<80x128xf32, #tpu.memory_space<hbm>>
    %dma_wait3A_316 = arith.constant 0 : i32
    %dma_wait3A_317 = tpu.memref_slice %arg5[%arg0, %add3A_312, %dma_wait3A_316] : memref<2x10000x128xf32, #tpu.memory_space<hbm>> -> memref<1x80x128xf32, #tpu.memory_space<hbm>>
    %dma_wait3A_318 = tpu.memref_squeeze %dma_wait3A_317 : memref<1x80x128xf32, #tpu.memory_space<hbm>> -> memref<80x128xf32, #tpu.memory_space<hbm>>
    tpu.wait_dma2 semaphore(%arg28 : memref<!tpu.dma_semaphore, #tpu.memory_space<semaphore_mem>>) src(%arg15 : memref<80x128xf32, #tpu.memory_space<vmem>>) dst(%dma_wait3A_318 : memref<80x128xf32, #tpu.memory_space<hbm>>)
    %mul3A_319 = arith.constant 624 : i32
    %mul3A_320 = arith.muli %arg1, %mul3A_319 : i32
    %add3A_321 = arith.constant 400 : i32
    %add3A_322 = arith.addi %mul3A_320, %add3A_321 : i32
    %dma_start3A_323 = arith.constant 0 : i32
    %dma_start3A_324 = tpu.memref_slice %arg18[%add3A_322, %dma_start3A_323] : memref<10000x128xf32, #tpu.memory_space<vmem_shared>> -> memref<80x128xf32, #tpu.memory_space<vmem_shared>>
    %dma_start3A_325 = arith.constant 0 : i32
    %dma_start3A_326 = tpu.memref_slice %arg18[%add3A_322, %dma_start3A_325] : memref<10000x128xf32, #tpu.memory_space<vmem_shared>> -> memref<80x128xf32, #tpu.memory_space<vmem_shared>>
    tpu.enqueue_dma source(%dma_start3A_326 : memref<80x128xf32, #tpu.memory_space<vmem_shared>>) target(%arg15 : memref<80x128xf32, #tpu.memory_space<vmem>>) target_semaphore(%arg24 : memref<!tpu.dma_semaphore, #tpu.memory_space<semaphore_mem>>)
    %mul3A_327 = arith.constant 624 : i32
    %mul3A_328 = arith.muli %arg1, %mul3A_327 : i32
    %add3A_329 = arith.constant 160 : i32
    %add3A_330 = arith.addi %mul3A_328, %add3A_329 : i32
    %dma_wait3A_331 = arith.constant 0 : i32
    %dma_wait3A_332 = tpu.memref_slice %arg18[%add3A_330, %dma_wait3A_331] : memref<10000x128xf32, #tpu.memory_space<vmem_shared>> -> memref<80x128xf32, #tpu.memory_space<vmem_shared>>
    %dma_wait3A_333 = arith.constant 0 : i32
    %dma_wait3A_334 = tpu.memref_slice %arg18[%add3A_330, %dma_wait3A_333] : memref<10000x128xf32, #tpu.memory_space<vmem_shared>> -> memref<80x128xf32, #tpu.memory_space<vmem_shared>>
    tpu.wait_dma2 semaphore(%arg25 : memref<!tpu.dma_semaphore, #tpu.memory_space<semaphore_mem>>) src(%dma_wait3A_334 : memref<80x128xf32, #tpu.memory_space<vmem_shared>>) dst(%arg16 : memref<80x128xf32, #tpu.memory_space<vmem>>)
    %mul3A_335 = arith.constant 624 : i32
    %mul3A_336 = arith.muli %arg1, %mul3A_335 : i32
    %add3A_337 = arith.constant 160 : i32
    %add3A_338 = arith.addi %mul3A_336, %add3A_337 : i32
    %dma_start3A_339 = arith.constant 0 : i32
    %dma_start3A_340 = tpu.memref_slice %arg5[%arg0, %add3A_338, %dma_start3A_339] : memref<2x10000x128xf32, #tpu.memory_space<hbm>> -> memref<1x80x128xf32, #tpu.memory_space<hbm>>
    %dma_start3A_341 = tpu.memref_squeeze %dma_start3A_340 : memref<1x80x128xf32, #tpu.memory_space<hbm>> -> memref<80x128xf32, #tpu.memory_space<hbm>>
    %dma_start3A_342 = arith.constant 0 : i32
    %dma_start3A_343 = tpu.memref_slice %arg5[%arg0, %add3A_338, %dma_start3A_342] : memref<2x10000x128xf32, #tpu.memory_space<hbm>> -> memref<1x80x128xf32, #tpu.memory_space<hbm>>
    %dma_start3A_344 = tpu.memref_squeeze %dma_start3A_343 : memref<1x80x128xf32, #tpu.memory_space<hbm>> -> memref<80x128xf32, #tpu.memory_space<hbm>>
    tpu.enqueue_dma source(%arg16 : memref<80x128xf32, #tpu.memory_space<vmem>>) target(%dma_start3A_344 : memref<80x128xf32, #tpu.memory_space<hbm>>) target_semaphore(%arg29 : memref<!tpu.dma_semaphore, #tpu.memory_space<semaphore_mem>>)
    %mul3A_345 = arith.constant 624 : i32
    %mul3A_346 = arith.muli %arg1, %mul3A_345 : i32
    %add3A_347 = arith.constant 160 : i32
    %add3A_348 = arith.addi %mul3A_346, %add3A_347 : i32
    %dma_wait3A_349 = arith.constant 0 : i32
    %dma_wait3A_350 = tpu.memref_slice %arg5[%arg0, %add3A_348, %dma_wait3A_349] : memref<2x10000x128xf32, #tpu.memory_space<hbm>> -> memref<1x80x128xf32, #tpu.memory_space<hbm>>
    %dma_wait3A_351 = tpu.memref_squeeze %dma_wait3A_350 : memref<1x80x128xf32, #tpu.memory_space<hbm>> -> memref<80x128xf32, #tpu.memory_space<hbm>>
    %dma_wait3A_352 = arith.constant 0 : i32
    %dma_wait3A_353 = tpu.memref_slice %arg5[%arg0, %add3A_348, %dma_wait3A_352] : memref<2x10000x128xf32, #tpu.memory_space<hbm>> -> memref<1x80x128xf32, #tpu.memory_space<hbm>>
    %dma_wait3A_354 = tpu.memref_squeeze %dma_wait3A_353 : memref<1x80x128xf32, #tpu.memory_space<hbm>> -> memref<80x128xf32, #tpu.memory_space<hbm>>
    tpu.wait_dma2 semaphore(%arg29 : memref<!tpu.dma_semaphore, #tpu.memory_space<semaphore_mem>>) src(%arg16 : memref<80x128xf32, #tpu.memory_space<vmem>>) dst(%dma_wait3A_354 : memref<80x128xf32, #tpu.memory_space<hbm>>)
    %mul3A_355 = arith.constant 624 : i32
    %mul3A_356 = arith.muli %arg1, %mul3A_355 : i32
    %add3A_357 = arith.constant 480 : i32
    %add3A_358 = arith.addi %mul3A_356, %add3A_357 : i32
    %dma_start3A_359 = arith.constant 0 : i32
    %dma_start3A_360 = tpu.memref_slice %arg18[%add3A_358, %dma_start3A_359] : memref<10000x128xf32, #tpu.memory_space<vmem_shared>> -> memref<80x128xf32, #tpu.memory_space<vmem_shared>>
    %dma_start3A_361 = arith.constant 0 : i32
    %dma_start3A_362 = tpu.memref_slice %arg18[%add3A_358, %dma_start3A_361] : memref<10000x128xf32, #tpu.memory_space<vmem_shared>> -> memref<80x128xf32, #tpu.memory_space<vmem_shared>>
    tpu.enqueue_dma source(%dma_start3A_362 : memref<80x128xf32, #tpu.memory_space<vmem_shared>>) target(%arg16 : memref<80x128xf32, #tpu.memory_space<vmem>>) target_semaphore(%arg25 : memref<!tpu.dma_semaphore, #tpu.memory_space<semaphore_mem>>)
    %mul3A_363 = arith.constant 624 : i32
    %mul3A_364 = arith.muli %arg1, %mul3A_363 : i32
    %add3A_365 = arith.constant 240 : i32
    %add3A_366 = arith.addi %mul3A_364, %add3A_365 : i32
    %dma_wait3A_367 = arith.constant 0 : i32
    %dma_wait3A_368 = tpu.memref_slice %arg18[%add3A_366, %dma_wait3A_367] : memref<10000x128xf32, #tpu.memory_space<vmem_shared>> -> memref<80x128xf32, #tpu.memory_space<vmem_shared>>
    %dma_wait3A_369 = arith.constant 0 : i32
    %dma_wait3A_370 = tpu.memref_slice %arg18[%add3A_366, %dma_wait3A_369] : memref<10000x128xf32, #tpu.memory_space<vmem_shared>> -> memref<80x128xf32, #tpu.memory_space<vmem_shared>>
    tpu.wait_dma2 semaphore(%arg26 : memref<!tpu.dma_semaphore, #tpu.memory_space<semaphore_mem>>) src(%dma_wait3A_370 : memref<80x128xf32, #tpu.memory_space<vmem_shared>>) dst(%arg17 : memref<80x128xf32, #tpu.memory_space<vmem>>)
    %mul3A_371 = arith.constant 624 : i32
    %mul3A_372 = arith.muli %arg1, %mul3A_371 : i32
    %add3A_373 = arith.constant 240 : i32
    %add3A_374 = arith.addi %mul3A_372, %add3A_373 : i32
    %dma_start3A_375 = arith.constant 0 : i32
    %dma_start3A_376 = tpu.memref_slice %arg5[%arg0, %add3A_374, %dma_start3A_375] : memref<2x10000x128xf32, #tpu.memory_space<hbm>> -> memref<1x80x128xf32, #tpu.memory_space<hbm>>
    %dma_start3A_377 = tpu.memref_squeeze %dma_start3A_376 : memref<1x80x128xf32, #tpu.memory_space<hbm>> -> memref<80x128xf32, #tpu.memory_space<hbm>>
    %dma_start3A_378 = arith.constant 0 : i32
    %dma_start3A_379 = tpu.memref_slice %arg5[%arg0, %add3A_374, %dma_start3A_378] : memref<2x10000x128xf32, #tpu.memory_space<hbm>> -> memref<1x80x128xf32, #tpu.memory_space<hbm>>
    %dma_start3A_380 = tpu.memref_squeeze %dma_start3A_379 : memref<1x80x128xf32, #tpu.memory_space<hbm>> -> memref<80x128xf32, #tpu.memory_space<hbm>>
    tpu.enqueue_dma source(%arg17 : memref<80x128xf32, #tpu.memory_space<vmem>>) target(%dma_start3A_380 : memref<80x128xf32, #tpu.memory_space<hbm>>) target_semaphore(%arg30 : memref<!tpu.dma_semaphore, #tpu.memory_space<semaphore_mem>>)
    %mul3A_381 = arith.constant 624 : i32
    %mul3A_382 = arith.muli %arg1, %mul3A_381 : i32
    %add3A_383 = arith.constant 240 : i32
    %add3A_384 = arith.addi %mul3A_382, %add3A_383 : i32
    %dma_wait3A_385 = arith.constant 0 : i32
    %dma_wait3A_386 = tpu.memref_slice %arg5[%arg0, %add3A_384, %dma_wait3A_385] : memref<2x10000x128xf32, #tpu.memory_space<hbm>> -> memref<1x80x128xf32, #tpu.memory_space<hbm>>
    %dma_wait3A_387 = tpu.memref_squeeze %dma_wait3A_386 : memref<1x80x128xf32, #tpu.memory_space<hbm>> -> memref<80x128xf32, #tpu.memory_space<hbm>>
    %dma_wait3A_388 = arith.constant 0 : i32
    %dma_wait3A_389 = tpu.memref_slice %arg5[%arg0, %add3A_384, %dma_wait3A_388] : memref<2x10000x128xf32, #tpu.memory_space<hbm>> -> memref<1x80x128xf32, #tpu.memory_space<hbm>>
    %dma_wait3A_390 = tpu.memref_squeeze %dma_wait3A_389 : memref<1x80x128xf32, #tpu.memory_space<hbm>> -> memref<80x128xf32, #tpu.memory_space<hbm>>
    tpu.wait_dma2 semaphore(%arg30 : memref<!tpu.dma_semaphore, #tpu.memory_space<semaphore_mem>>) src(%arg17 : memref<80x128xf32, #tpu.memory_space<vmem>>) dst(%dma_wait3A_390 : memref<80x128xf32, #tpu.memory_space<hbm>>)
    %mul3A_391 = arith.constant 624 : i32
    %mul3A_392 = arith.muli %arg1, %mul3A_391 : i32
    %add3A_393 = arith.constant 560 : i32
    %add3A_394 = arith.addi %mul3A_392, %add3A_393 : i32
    %dma_start3A_395 = arith.constant 0 : i32
    %dma_start3A_396 = arith.constant 0 : i32
    %dma_start3A_397 = tpu.memref_slice %arg17[%dma_start3A_395, %dma_start3A_396] : memref<80x128xf32, #tpu.memory_space<vmem>> -> memref<64x128xf32, #tpu.memory_space<vmem>>
    %dma_start3A_398 = arith.constant 0 : i32
    %dma_start3A_399 = tpu.memref_slice %arg18[%add3A_394, %dma_start3A_398] : memref<10000x128xf32, #tpu.memory_space<vmem_shared>> -> memref<64x128xf32, #tpu.memory_space<vmem_shared>>
    %dma_start3A_400 = arith.constant 0 : i32
    %dma_start3A_401 = arith.constant 0 : i32
    %dma_start3A_402 = tpu.memref_slice %arg17[%dma_start3A_400, %dma_start3A_401] : memref<80x128xf32, #tpu.memory_space<vmem>> -> memref<64x128xf32, #tpu.memory_space<vmem>>
    %dma_start3A_403 = arith.constant 0 : i32
    %dma_start3A_404 = tpu.memref_slice %arg18[%add3A_394, %dma_start3A_403] : memref<10000x128xf32, #tpu.memory_space<vmem_shared>> -> memref<64x128xf32, #tpu.memory_space<vmem_shared>>
    tpu.enqueue_dma source(%dma_start3A_404 : memref<64x128xf32, #tpu.memory_space<vmem_shared>>) target(%dma_start3A_402 : memref<64x128xf32, #tpu.memory_space<vmem>>) target_semaphore(%arg26 : memref<!tpu.dma_semaphore, #tpu.memory_space<semaphore_mem>>)
    %mul3A_405 = arith.constant 624 : i32
    %mul3A_406 = arith.muli %arg1, %mul3A_405 : i32
    %add3A_407 = arith.constant 320 : i32
    %add3A_408 = arith.addi %mul3A_406, %add3A_407 : i32
    %dma_wait3A_409 = arith.constant 0 : i32
    %dma_wait3A_410 = tpu.memref_slice %arg18[%add3A_408, %dma_wait3A_409] : memref<10000x128xf32, #tpu.memory_space<vmem_shared>> -> memref<80x128xf32, #tpu.memory_space<vmem_shared>>
    %dma_wait3A_411 = arith.constant 0 : i32
    %dma_wait3A_412 = tpu.memref_slice %arg18[%add3A_408, %dma_wait3A_411] : memref<10000x128xf32, #tpu.memory_space<vmem_shared>> -> memref<80x128xf32, #tpu.memory_space<vmem_shared>>
    tpu.wait_dma2 semaphore(%arg23 : memref<!tpu.dma_semaphore, #tpu.memory_space<semaphore_mem>>) src(%dma_wait3A_412 : memref<80x128xf32, #tpu.memory_space<vmem_shared>>) dst(%arg14 : memref<80x128xf32, #tpu.memory_space<vmem>>)
    %mul3A_413 = arith.constant 624 : i32
    %mul3A_414 = arith.muli %arg1, %mul3A_413 : i32
    %add3A_415 = arith.constant 320 : i32
    %add3A_416 = arith.addi %mul3A_414, %add3A_415 : i32
    %dma_start3A_417 = arith.constant 0 : i32
    %dma_start3A_418 = tpu.memref_slice %arg5[%arg0, %add3A_416, %dma_start3A_417] : memref<2x10000x128xf32, #tpu.memory_space<hbm>> -> memref<1x80x128xf32, #tpu.memory_space<hbm>>
    %dma_start3A_419 = tpu.memref_squeeze %dma_start3A_418 : memref<1x80x128xf32, #tpu.memory_space<hbm>> -> memref<80x128xf32, #tpu.memory_space<hbm>>
    %dma_start3A_420 = arith.constant 0 : i32
    %dma_start3A_421 = tpu.memref_slice %arg5[%arg0, %add3A_416, %dma_start3A_420] : memref<2x10000x128xf32, #tpu.memory_space<hbm>> -> memref<1x80x128xf32, #tpu.memory_space<hbm>>
    %dma_start3A_422 = tpu.memref_squeeze %dma_start3A_421 : memref<1x80x128xf32, #tpu.memory_space<hbm>> -> memref<80x128xf32, #tpu.memory_space<hbm>>
    tpu.enqueue_dma source(%arg14 : memref<80x128xf32, #tpu.memory_space<vmem>>) target(%dma_start3A_422 : memref<80x128xf32, #tpu.memory_space<hbm>>) target_semaphore(%arg27 : memref<!tpu.dma_semaphore, #tpu.memory_space<semaphore_mem>>)
    %mul3A_423 = arith.constant 624 : i32
    %mul3A_424 = arith.muli %arg1, %mul3A_423 : i32
    %add3A_425 = arith.constant 400 : i32
    %add3A_426 = arith.addi %mul3A_424, %add3A_425 : i32
    %dma_wait3A_427 = arith.constant 0 : i32
    %dma_wait3A_428 = tpu.memref_slice %arg18[%add3A_426, %dma_wait3A_427] : memref<10000x128xf32, #tpu.memory_space<vmem_shared>> -> memref<80x128xf32, #tpu.memory_space<vmem_shared>>
    %dma_wait3A_429 = arith.constant 0 : i32
    %dma_wait3A_430 = tpu.memref_slice %arg18[%add3A_426, %dma_wait3A_429] : memref<10000x128xf32, #tpu.memory_space<vmem_shared>> -> memref<80x128xf32, #tpu.memory_space<vmem_shared>>
    tpu.wait_dma2 semaphore(%arg24 : memref<!tpu.dma_semaphore, #tpu.memory_space<semaphore_mem>>) src(%dma_wait3A_430 : memref<80x128xf32, #tpu.memory_space<vmem_shared>>) dst(%arg15 : memref<80x128xf32, #tpu.memory_space<vmem>>)
    %mul3A_431 = arith.constant 624 : i32
    %mul3A_432 = arith.muli %arg1, %mul3A_431 : i32
    %add3A_433 = arith.constant 400 : i32
    %add3A_434 = arith.addi %mul3A_432, %add3A_433 : i32
    %dma_start3A_435 = arith.constant 0 : i32
    %dma_start3A_436 = tpu.memref_slice %arg5[%arg0, %add3A_434, %dma_start3A_435] : memref<2x10000x128xf32, #tpu.memory_space<hbm>> -> memref<1x80x128xf32, #tpu.memory_space<hbm>>
    %dma_start3A_437 = tpu.memref_squeeze %dma_start3A_436 : memref<1x80x128xf32, #tpu.memory_space<hbm>> -> memref<80x128xf32, #tpu.memory_space<hbm>>
    %dma_start3A_438 = arith.constant 0 : i32
    %dma_start3A_439 = tpu.memref_slice %arg5[%arg0, %add3A_434, %dma_start3A_438] : memref<2x10000x128xf32, #tpu.memory_space<hbm>> -> memref<1x80x128xf32, #tpu.memory_space<hbm>>
    %dma_start3A_440 = tpu.memref_squeeze %dma_start3A_439 : memref<1x80x128xf32, #tpu.memory_space<hbm>> -> memref<80x128xf32, #tpu.memory_space<hbm>>
    tpu.enqueue_dma source(%arg15 : memref<80x128xf32, #tpu.memory_space<vmem>>) target(%dma_start3A_440 : memref<80x128xf32, #tpu.memory_space<hbm>>) target_semaphore(%arg28 : memref<!tpu.dma_semaphore, #tpu.memory_space<semaphore_mem>>)
    %mul3A_441 = arith.constant 624 : i32
    %mul3A_442 = arith.muli %arg1, %mul3A_441 : i32
    %add3A_443 = arith.constant 480 : i32
    %add3A_444 = arith.addi %mul3A_442, %add3A_443 : i32
    %dma_wait3A_445 = arith.constant 0 : i32
    %dma_wait3A_446 = tpu.memref_slice %arg18[%add3A_444, %dma_wait3A_445] : memref<10000x128xf32, #tpu.memory_space<vmem_shared>> -> memref<80x128xf32, #tpu.memory_space<vmem_shared>>
    %dma_wait3A_447 = arith.constant 0 : i32
    %dma_wait3A_448 = tpu.memref_slice %arg18[%add3A_444, %dma_wait3A_447] : memref<10000x128xf32, #tpu.memory_space<vmem_shared>> -> memref<80x128xf32, #tpu.memory_space<vmem_shared>>
    tpu.wait_dma2 semaphore(%arg25 : memref<!tpu.dma_semaphore, #tpu.memory_space<semaphore_mem>>) src(%dma_wait3A_448 : memref<80x128xf32, #tpu.memory_space<vmem_shared>>) dst(%arg16 : memref<80x128xf32, #tpu.memory_space<vmem>>)
    %mul3A_449 = arith.constant 624 : i32
    %mul3A_450 = arith.muli %arg1, %mul3A_449 : i32
    %add3A_451 = arith.constant 480 : i32
    %add3A_452 = arith.addi %mul3A_450, %add3A_451 : i32
    %dma_start3A_453 = arith.constant 0 : i32
    %dma_start3A_454 = tpu.memref_slice %arg5[%arg0, %add3A_452, %dma_start3A_453] : memref<2x10000x128xf32, #tpu.memory_space<hbm>> -> memref<1x80x128xf32, #tpu.memory_space<hbm>>
    %dma_start3A_455 = tpu.memref_squeeze %dma_start3A_454 : memref<1x80x128xf32, #tpu.memory_space<hbm>> -> memref<80x128xf32, #tpu.memory_space<hbm>>
    %dma_start3A_456 = arith.constant 0 : i32
    %dma_start3A_457 = tpu.memref_slice %arg5[%arg0, %add3A_452, %dma_start3A_456] : memref<2x10000x128xf32, #tpu.memory_space<hbm>> -> memref<1x80x128xf32, #tpu.memory_space<hbm>>
    %dma_start3A_458 = tpu.memref_squeeze %dma_start3A_457 : memref<1x80x128xf32, #tpu.memory_space<hbm>> -> memref<80x128xf32, #tpu.memory_space<hbm>>
    tpu.enqueue_dma source(%arg16 : memref<80x128xf32, #tpu.memory_space<vmem>>) target(%dma_start3A_458 : memref<80x128xf32, #tpu.memory_space<hbm>>) target_semaphore(%arg29 : memref<!tpu.dma_semaphore, #tpu.memory_space<semaphore_mem>>)
    %mul3A_459 = arith.constant 624 : i32
    %mul3A_460 = arith.muli %arg1, %mul3A_459 : i32
    %add3A_461 = arith.constant 560 : i32
    %add3A_462 = arith.addi %mul3A_460, %add3A_461 : i32
    %dma_wait3A_463 = arith.constant 0 : i32
    %dma_wait3A_464 = arith.constant 0 : i32
    %dma_wait3A_465 = tpu.memref_slice %arg17[%dma_wait3A_463, %dma_wait3A_464] : memref<80x128xf32, #tpu.memory_space<vmem>> -> memref<64x128xf32, #tpu.memory_space<vmem>>
    %dma_wait3A_466 = arith.constant 0 : i32
    %dma_wait3A_467 = tpu.memref_slice %arg18[%add3A_462, %dma_wait3A_466] : memref<10000x128xf32, #tpu.memory_space<vmem_shared>> -> memref<64x128xf32, #tpu.memory_space<vmem_shared>>
    %dma_wait3A_468 = arith.constant 0 : i32
    %dma_wait3A_469 = arith.constant 0 : i32
    %dma_wait3A_470 = tpu.memref_slice %arg17[%dma_wait3A_468, %dma_wait3A_469] : memref<80x128xf32, #tpu.memory_space<vmem>> -> memref<64x128xf32, #tpu.memory_space<vmem>>
    %dma_wait3A_471 = arith.constant 0 : i32
    %dma_wait3A_472 = tpu.memref_slice %arg18[%add3A_462, %dma_wait3A_471] : memref<10000x128xf32, #tpu.memory_space<vmem_shared>> -> memref<64x128xf32, #tpu.memory_space<vmem_shared>>
    tpu.wait_dma2 semaphore(%arg26 : memref<!tpu.dma_semaphore, #tpu.memory_space<semaphore_mem>>) src(%dma_wait3A_472 : memref<64x128xf32, #tpu.memory_space<vmem_shared>>) dst(%dma_wait3A_470 : memref<64x128xf32, #tpu.memory_space<vmem>>)
    %mul3A_473 = arith.constant 624 : i32
    %mul3A_474 = arith.muli %arg1, %mul3A_473 : i32
    %add3A_475 = arith.constant 560 : i32
    %add3A_476 = arith.addi %mul3A_474, %add3A_475 : i32
    %dma_start3A_477 = arith.constant 0 : i32
    %dma_start3A_478 = arith.constant 0 : i32
    %dma_start3A_479 = tpu.memref_slice %arg17[%dma_start3A_477, %dma_start3A_478] : memref<80x128xf32, #tpu.memory_space<vmem>> -> memref<64x128xf32, #tpu.memory_space<vmem>>
    %dma_start3A_480 = arith.constant 0 : i32
    %dma_start3A_481 = tpu.memref_slice %arg5[%arg0, %add3A_476, %dma_start3A_480] : memref<2x10000x128xf32, #tpu.memory_space<hbm>> -> memref<1x64x128xf32, #tpu.memory_space<hbm>>
    %dma_start3A_482 = tpu.memref_squeeze %dma_start3A_481 : memref<1x64x128xf32, #tpu.memory_space<hbm>> -> memref<64x128xf32, #tpu.memory_space<hbm>>
    %dma_start3A_483 = arith.constant 0 : i32
    %dma_start3A_484 = tpu.memref_slice %arg5[%arg0, %add3A_476, %dma_start3A_483] : memref<2x10000x128xf32, #tpu.memory_space<hbm>> -> memref<1x64x128xf32, #tpu.memory_space<hbm>>
    %dma_start3A_485 = tpu.memref_squeeze %dma_start3A_484 : memref<1x64x128xf32, #tpu.memory_space<hbm>> -> memref<64x128xf32, #tpu.memory_space<hbm>>
    %dma_start3A_486 = arith.constant 0 : i32
    %dma_start3A_487 = arith.constant 0 : i32
    %dma_start3A_488 = tpu.memref_slice %arg17[%dma_start3A_486, %dma_start3A_487] : memref<80x128xf32, #tpu.memory_space<vmem>> -> memref<64x128xf32, #tpu.memory_space<vmem>>
    tpu.enqueue_dma source(%dma_start3A_488 : memref<64x128xf32, #tpu.memory_space<vmem>>) target(%dma_start3A_485 : memref<64x128xf32, #tpu.memory_space<hbm>>) target_semaphore(%arg30 : memref<!tpu.dma_semaphore, #tpu.memory_space<semaphore_mem>>)
    %mul3A_489 = arith.constant 624 : i32
    %mul3A_490 = arith.muli %arg1, %mul3A_489 : i32
    %add3A_491 = arith.constant 320 : i32
    %add3A_492 = arith.addi %mul3A_490, %add3A_491 : i32
    %dma_wait3A_493 = arith.constant 0 : i32
    %dma_wait3A_494 = tpu.memref_slice %arg5[%arg0, %add3A_492, %dma_wait3A_493] : memref<2x10000x128xf32, #tpu.memory_space<hbm>> -> memref<1x80x128xf32, #tpu.memory_space<hbm>>
    %dma_wait3A_495 = tpu.memref_squeeze %dma_wait3A_494 : memref<1x80x128xf32, #tpu.memory_space<hbm>> -> memref<80x128xf32, #tpu.memory_space<hbm>>
    %dma_wait3A_496 = arith.constant 0 : i32
    %dma_wait3A_497 = tpu.memref_slice %arg5[%arg0, %add3A_492, %dma_wait3A_496] : memref<2x10000x128xf32, #tpu.memory_space<hbm>> -> memref<1x80x128xf32, #tpu.memory_space<hbm>>
    %dma_wait3A_498 = tpu.memref_squeeze %dma_wait3A_497 : memref<1x80x128xf32, #tpu.memory_space<hbm>> -> memref<80x128xf32, #tpu.memory_space<hbm>>
    tpu.wait_dma2 semaphore(%arg27 : memref<!tpu.dma_semaphore, #tpu.memory_space<semaphore_mem>>) src(%arg14 : memref<80x128xf32, #tpu.memory_space<vmem>>) dst(%dma_wait3A_498 : memref<80x128xf32, #tpu.memory_space<hbm>>)
    %mul3A_499 = arith.constant 624 : i32
    %mul3A_500 = arith.muli %arg1, %mul3A_499 : i32
    %add3A_501 = arith.constant 400 : i32
    %add3A_502 = arith.addi %mul3A_500, %add3A_501 : i32
    %dma_wait3A_503 = arith.constant 0 : i32
    %dma_wait3A_504 = tpu.memref_slice %arg5[%arg0, %add3A_502, %dma_wait3A_503] : memref<2x10000x128xf32, #tpu.memory_space<hbm>> -> memref<1x80x128xf32, #tpu.memory_space<hbm>>
    %dma_wait3A_505 = tpu.memref_squeeze %dma_wait3A_504 : memref<1x80x128xf32, #tpu.memory_space<hbm>> -> memref<80x128xf32, #tpu.memory_space<hbm>>
    %dma_wait3A_506 = arith.constant 0 : i32
    %dma_wait3A_507 = tpu.memref_slice %arg5[%arg0, %add3A_502, %dma_wait3A_506] : memref<2x10000x128xf32, #tpu.memory_space<hbm>> -> memref<1x80x128xf32, #tpu.memory_space<hbm>>
    %dma_wait3A_508 = tpu.memref_squeeze %dma_wait3A_507 : memref<1x80x128xf32, #tpu.memory_space<hbm>> -> memref<80x128xf32, #tpu.memory_space<hbm>>
    tpu.wait_dma2 semaphore(%arg28 : memref<!tpu.dma_semaphore, #tpu.memory_space<semaphore_mem>>) src(%arg15 : memref<80x128xf32, #tpu.memory_space<vmem>>) dst(%dma_wait3A_508 : memref<80x128xf32, #tpu.memory_space<hbm>>)
    %mul3A_509 = arith.constant 624 : i32
    %mul3A_510 = arith.muli %arg1, %mul3A_509 : i32
    %add3A_511 = arith.constant 480 : i32
    %add3A_512 = arith.addi %mul3A_510, %add3A_511 : i32
    %dma_wait3A_513 = arith.constant 0 : i32
    %dma_wait3A_514 = tpu.memref_slice %arg5[%arg0, %add3A_512, %dma_wait3A_513] : memref<2x10000x128xf32, #tpu.memory_space<hbm>> -> memref<1x80x128xf32, #tpu.memory_space<hbm>>
    %dma_wait3A_515 = tpu.memref_squeeze %dma_wait3A_514 : memref<1x80x128xf32, #tpu.memory_space<hbm>> -> memref<80x128xf32, #tpu.memory_space<hbm>>
    %dma_wait3A_516 = arith.constant 0 : i32
    %dma_wait3A_517 = tpu.memref_slice %arg5[%arg0, %add3A_512, %dma_wait3A_516] : memref<2x10000x128xf32, #tpu.memory_space<hbm>> -> memref<1x80x128xf32, #tpu.memory_space<hbm>>
    %dma_wait3A_518 = tpu.memref_squeeze %dma_wait3A_517 : memref<1x80x128xf32, #tpu.memory_space<hbm>> -> memref<80x128xf32, #tpu.memory_space<hbm>>
    tpu.wait_dma2 semaphore(%arg29 : memref<!tpu.dma_semaphore, #tpu.memory_space<semaphore_mem>>) src(%arg16 : memref<80x128xf32, #tpu.memory_space<vmem>>) dst(%dma_wait3A_518 : memref<80x128xf32, #tpu.memory_space<hbm>>)
    %mul3A_519 = arith.constant 624 : i32
    %mul3A_520 = arith.muli %arg1, %mul3A_519 : i32
    %add3A_521 = arith.constant 560 : i32
    %add3A_522 = arith.addi %mul3A_520, %add3A_521 : i32
    %dma_wait3A_523 = arith.constant 0 : i32
    %dma_wait3A_524 = arith.constant 0 : i32
    %dma_wait3A_525 = tpu.memref_slice %arg17[%dma_wait3A_523, %dma_wait3A_524] : memref<80x128xf32, #tpu.memory_space<vmem>> -> memref<64x128xf32, #tpu.memory_space<vmem>>
    %dma_wait3A_526 = arith.constant 0 : i32
    %dma_wait3A_527 = tpu.memref_slice %arg5[%arg0, %add3A_522, %dma_wait3A_526] : memref<2x10000x128xf32, #tpu.memory_space<hbm>> -> memref<1x64x128xf32, #tpu.memory_space<hbm>>
    %dma_wait3A_528 = tpu.memref_squeeze %dma_wait3A_527 : memref<1x64x128xf32, #tpu.memory_space<hbm>> -> memref<64x128xf32, #tpu.memory_space<hbm>>
    %dma_wait3A_529 = arith.constant 0 : i32
    %dma_wait3A_530 = tpu.memref_slice %arg5[%arg0, %add3A_522, %dma_wait3A_529] : memref<2x10000x128xf32, #tpu.memory_space<hbm>> -> memref<1x64x128xf32, #tpu.memory_space<hbm>>
    %dma_wait3A_531 = tpu.memref_squeeze %dma_wait3A_530 : memref<1x64x128xf32, #tpu.memory_space<hbm>> -> memref<64x128xf32, #tpu.memory_space<hbm>>
    %dma_wait3A_532 = arith.constant 0 : i32
    %dma_wait3A_533 = arith.constant 0 : i32
    %dma_wait3A_534 = tpu.memref_slice %arg17[%dma_wait3A_532, %dma_wait3A_533] : memref<80x128xf32, #tpu.memory_space<vmem>> -> memref<64x128xf32, #tpu.memory_space<vmem>>
    tpu.wait_dma2 semaphore(%arg30 : memref<!tpu.dma_semaphore, #tpu.memory_space<semaphore_mem>>) src(%dma_wait3A_534 : memref<64x128xf32, #tpu.memory_space<vmem>>) dst(%dma_wait3A_531 : memref<64x128xf32, #tpu.memory_space<hbm>>)
    %eq3A_535 = arith.constant 15 : i32
    %eq3A_536 = arith.cmpi eq, %arg1, %eq3A_535 : i32
    %convert_element_type3A_537 = arith.extui %eq3A_536 : i1 to i32
    %cond3A_538 = arith.constant 0 : i32
    %cond3A_539 = arith.cmpi ne, %convert_element_type3A_537, %cond3A_538 : i32
    scf.if %cond3A_539 {
      "tpu.region"() ({
        %run_scoped3A = tpu.sem_alloc : memref<!tpu.dma_semaphore, #tpu.memory_space<semaphore_mem>>
        %dma_start3A_540 = arith.constant 0 : i32
        %dma_start3A_541 = arith.constant 0 : i32
        %dma_start3A_542 = tpu.memref_slice %arg14[%dma_start3A_540, %dma_start3A_541] : memref<80x128xf32, #tpu.memory_space<vmem>> -> memref<16x128xf32, #tpu.memory_space<vmem>>
        %dma_start3A_543 = arith.constant 9984 : i32
        %dma_start3A_544 = arith.constant 0 : i32
        %dma_start3A_545 = tpu.memref_slice %arg18[%dma_start3A_543, %dma_start3A_544] : memref<10000x128xf32, #tpu.memory_space<vmem_shared>> -> memref<16x128xf32, #tpu.memory_space<vmem_shared>>
        %dma_start3A_546 = arith.constant 0 : i32
        %dma_start3A_547 = arith.constant 0 : i32
        %dma_start3A_548 = tpu.memref_slice %arg14[%dma_start3A_546, %dma_start3A_547] : memref<80x128xf32, #tpu.memory_space<vmem>> -> memref<16x128xf32, #tpu.memory_space<vmem>>
        %dma_start3A_549 = arith.constant 9984 : i32
        %dma_start3A_550 = arith.constant 0 : i32
        %dma_start3A_551 = tpu.memref_slice %arg18[%dma_start3A_549, %dma_start3A_550] : memref<10000x128xf32, #tpu.memory_space<vmem_shared>> -> memref<16x128xf32, #tpu.memory_space<vmem_shared>>
        tpu.enqueue_dma source(%dma_start3A_551 : memref<16x128xf32, #tpu.memory_space<vmem_shared>>) target(%dma_start3A_548 : memref<16x128xf32, #tpu.memory_space<vmem>>) target_semaphore(%run_scoped3A : memref<!tpu.dma_semaphore, #tpu.memory_space<semaphore_mem>>)
        %dma_wait3A_552 = arith.constant 0 : i32
        %dma_wait3A_553 = arith.constant 0 : i32
        %dma_wait3A_554 = tpu.memref_slice %arg14[%dma_wait3A_552, %dma_wait3A_553] : memref<80x128xf32, #tpu.memory_space<vmem>> -> memref<16x128xf32, #tpu.memory_space<vmem>>
        %dma_wait3A_555 = arith.constant 9984 : i32
        %dma_wait3A_556 = arith.constant 0 : i32
        %dma_wait3A_557 = tpu.memref_slice %arg18[%dma_wait3A_555, %dma_wait3A_556] : memref<10000x128xf32, #tpu.memory_space<vmem_shared>> -> memref<16x128xf32, #tpu.memory_space<vmem_shared>>
        %dma_wait3A_558 = arith.constant 0 : i32
        %dma_wait3A_559 = arith.constant 0 : i32
        %dma_wait3A_560 = tpu.memref_slice %arg14[%dma_wait3A_558, %dma_wait3A_559] : memref<80x128xf32, #tpu.memory_space<vmem>> -> memref<16x128xf32, #tpu.memory_space<vmem>>
        %dma_wait3A_561 = arith.constant 9984 : i32
        %dma_wait3A_562 = arith.constant 0 : i32
        %dma_wait3A_563 = tpu.memref_slice %arg18[%dma_wait3A_561, %dma_wait3A_562] : memref<10000x128xf32, #tpu.memory_space<vmem_shared>> -> memref<16x128xf32, #tpu.memory_space<vmem_shared>>
        tpu.wait_dma2 semaphore(%run_scoped3A : memref<!tpu.dma_semaphore, #tpu.memory_space<semaphore_mem>>) src(%dma_wait3A_563 : memref<16x128xf32, #tpu.memory_space<vmem_shared>>) dst(%dma_wait3A_560 : memref<16x128xf32, #tpu.memory_space<vmem>>)
        tpu.yield
      }) : () -> ()
      "tpu.region"() ({
        %run_scoped3A = tpu.sem_alloc : memref<!tpu.dma_semaphore, #tpu.memory_space<semaphore_mem>>
        %dma_start3A_540 = arith.constant 0 : i32
        %dma_start3A_541 = arith.constant 0 : i32
        %dma_start3A_542 = tpu.memref_slice %arg14[%dma_start3A_540, %dma_start3A_541] : memref<80x128xf32, #tpu.memory_space<vmem>> -> memref<16x128xf32, #tpu.memory_space<vmem>>
        %dma_start3A_543 = arith.constant 9984 : i32
        %dma_start3A_544 = arith.constant 0 : i32
        %dma_start3A_545 = tpu.memref_slice %arg5[%arg0, %dma_start3A_543, %dma_start3A_544] : memref<2x10000x128xf32, #tpu.memory_space<hbm>> -> memref<1x16x128xf32, #tpu.memory_space<hbm>>
        %dma_start3A_546 = tpu.memref_squeeze %dma_start3A_545 : memref<1x16x128xf32, #tpu.memory_space<hbm>> -> memref<16x128xf32, #tpu.memory_space<hbm>>
        %dma_start3A_547 = arith.constant 9984 : i32
        %dma_start3A_548 = arith.constant 0 : i32
        %dma_start3A_549 = tpu.memref_slice %arg5[%arg0, %dma_start3A_547, %dma_start3A_548] : memref<2x10000x128xf32, #tpu.memory_space<hbm>> -> memref<1x16x128xf32, #tpu.memory_space<hbm>>
        %dma_start3A_550 = tpu.memref_squeeze %dma_start3A_549 : memref<1x16x128xf32, #tpu.memory_space<hbm>> -> memref<16x128xf32, #tpu.memory_space<hbm>>
        %dma_start3A_551 = arith.constant 0 : i32
        %dma_start3A_552 = arith.constant 0 : i32
        %dma_start3A_553 = tpu.memref_slice %arg14[%dma_start3A_551, %dma_start3A_552] : memref<80x128xf32, #tpu.memory_space<vmem>> -> memref<16x128xf32, #tpu.memory_space<vmem>>
        tpu.enqueue_dma source(%dma_start3A_553 : memref<16x128xf32, #tpu.memory_space<vmem>>) target(%dma_start3A_550 : memref<16x128xf32, #tpu.memory_space<hbm>>) target_semaphore(%run_scoped3A : memref<!tpu.dma_semaphore, #tpu.memory_space<semaphore_mem>>)
        %dma_wait3A_554 = arith.constant 0 : i32
        %dma_wait3A_555 = arith.constant 0 : i32
        %dma_wait3A_556 = tpu.memref_slice %arg14[%dma_wait3A_554, %dma_wait3A_555] : memref<80x128xf32, #tpu.memory_space<vmem>> -> memref<16x128xf32, #tpu.memory_space<vmem>>
        %dma_wait3A_557 = arith.constant 9984 : i32
        %dma_wait3A_558 = arith.constant 0 : i32
        %dma_wait3A_559 = tpu.memref_slice %arg5[%arg0, %dma_wait3A_557, %dma_wait3A_558] : memref<2x10000x128xf32, #tpu.memory_space<hbm>> -> memref<1x16x128xf32, #tpu.memory_space<hbm>>
        %dma_wait3A_560 = tpu.memref_squeeze %dma_wait3A_559 : memref<1x16x128xf32, #tpu.memory_space<hbm>> -> memref<16x128xf32, #tpu.memory_space<hbm>>
        %dma_wait3A_561 = arith.constant 9984 : i32
        %dma_wait3A_562 = arith.constant 0 : i32
        %dma_wait3A_563 = tpu.memref_slice %arg5[%arg0, %dma_wait3A_561, %dma_wait3A_562] : memref<2x10000x128xf32, #tpu.memory_space<hbm>> -> memref<1x16x128xf32, #tpu.memory_space<hbm>>
        %dma_wait3A_564 = tpu.memref_squeeze %dma_wait3A_563 : memref<1x16x128xf32, #tpu.memory_space<hbm>> -> memref<16x128xf32, #tpu.memory_space<hbm>>
        %dma_wait3A_565 = arith.constant 0 : i32
        %dma_wait3A_566 = arith.constant 0 : i32
        %dma_wait3A_567 = tpu.memref_slice %arg14[%dma_wait3A_565, %dma_wait3A_566] : memref<80x128xf32, #tpu.memory_space<vmem>> -> memref<16x128xf32, #tpu.memory_space<vmem>>
        tpu.wait_dma2 semaphore(%run_scoped3A : memref<!tpu.dma_semaphore, #tpu.memory_space<semaphore_mem>>) src(%dma_wait3A_567 : memref<16x128xf32, #tpu.memory_space<vmem>>) dst(%dma_wait3A_564 : memref<16x128xf32, #tpu.memory_space<hbm>>)
        tpu.yield
      }) : () -> ()
    } else {
    }
    return
  }
}

#map = affine_map<(d0, d1) -> (0)>
module attributes {stable_mosaic.version = 14 : i64} {
  func.func @k(%arg0: i32, %arg1: i32, %arg2: memref<320000xi32, #tpu.memory_space<hbm>>, %arg3: memref<20000xf32, #tpu.memory_space<hbm>>, %arg4: memref<80xi32, #tpu.memory_space<vmem>>, %arg5: memref<80xi32, #tpu.memory_space<vmem>>, %arg6: memref<80xi32, #tpu.memory_space<vmem>>, %arg7: memref<80xi32, #tpu.memory_space<vmem>>, %arg8: memref<80xi32, #tpu.memory_space<vmem>>, %arg9: memref<80xf32, #tpu.memory_space<vmem>>, %arg10: memref<624xf32, #tpu.memory_space<vmem>>, %arg11: memref<10000xf32, #tpu.memory_space<vmem_shared>>, %arg12: memref<!tpu.dma_semaphore, #tpu.memory_space<semaphore_mem>>, %arg13: memref<!tpu.dma_semaphore, #tpu.memory_space<semaphore_mem>>, %arg14: memref<!tpu.dma_semaphore, #tpu.memory_space<semaphore_mem>>, %arg15: memref<!tpu.dma_semaphore, #tpu.memory_space<semaphore_mem>>, %arg16: memref<!tpu.dma_semaphore, #tpu.memory_space<semaphore_mem>>, %arg17: memref<!tpu.dma_semaphore, #tpu.memory_space<semaphore_mem>>, %arg18: memref<!tpu.dma_semaphore, #tpu.memory_space<semaphore_mem>>, %arg19: memref<!tpu.dma_semaphore, #tpu.memory_space<semaphore_mem>>, %arg20: memref<!tpu.dma_semaphore, #tpu.memory_space<semaphore_mem>>, %arg21: memref<!tpu.dma_semaphore, #tpu.memory_space<semaphore_mem>>) attributes {dimension_semantics = [#tpu.dimension_semantics<core_parallel>, #tpu.dimension_semantics<subcore_parallel>], iteration_bounds = array<i64: 2, 16>, scalar_prefetch = 0 : i64, scratch_operands = 18 : i64, tpu.core_type = #tpu.core_type<sc_vector_subcore>, window_params = [{transform_indices = #map}, {transform_indices = #map}]} {
    %mul3A = arith.constant 16 : i32
    %mul3A_0 = arith.muli %arg0, %mul3A : i32
    %add3A = arith.addi %mul3A_0, %arg1 : i32
    %broadcast_in_dim3A = arith.constant 1.000000e+00 : f32
    %broadcast_in_dim3A_1 = vector.broadcast %broadcast_in_dim3A : f32 to vector<16xf32>
    %swap3A = arith.constant 0 : index
    %swap3A_2 = tpu.vector_load %arg9[%swap3A] {strides = array<i32>} : memref<80xf32, #tpu.memory_space<vmem>>, vector<16xf32>,
    %swap3A_3 = vector.shape_cast %swap3A_2 : vector<16xf32> to vector<16xf32>
    %swap3A_4 = vector.shape_cast %broadcast_in_dim3A_1 : vector<16xf32> to vector<16xf32>
    tpu.vector_store %arg9[%swap3A], %swap3A_4 {strides = array<i32>} : memref<80xf32, #tpu.memory_space<vmem>>, vector<16xf32>,
    %broadcast_in_dim3A_5 = arith.constant 1.000000e+00 : f32
    %broadcast_in_dim3A_6 = vector.broadcast %broadcast_in_dim3A_5 : f32 to vector<16xf32>
    %swap3A_7 = arith.constant 16 : index
    %swap3A_8 = tpu.vector_load %arg9[%swap3A_7] {strides = array<i32>} : memref<80xf32, #tpu.memory_space<vmem>>, vector<16xf32>,
    %swap3A_9 = vector.shape_cast %swap3A_8 : vector<16xf32> to vector<16xf32>
    %swap3A_10 = vector.shape_cast %broadcast_in_dim3A_6 : vector<16xf32> to vector<16xf32>
    tpu.vector_store %arg9[%swap3A_7], %swap3A_10 {strides = array<i32>} : memref<80xf32, #tpu.memory_space<vmem>>, vector<16xf32>,
    %broadcast_in_dim3A_11 = arith.constant 1.000000e+00 : f32
    %broadcast_in_dim3A_12 = vector.broadcast %broadcast_in_dim3A_11 : f32 to vector<16xf32>
    %swap3A_13 = arith.constant 32 : index
    %swap3A_14 = tpu.vector_load %arg9[%swap3A_13] {strides = array<i32>} : memref<80xf32, #tpu.memory_space<vmem>>, vector<16xf32>,
    %swap3A_15 = vector.shape_cast %swap3A_14 : vector<16xf32> to vector<16xf32>
    %swap3A_16 = vector.shape_cast %broadcast_in_dim3A_12 : vector<16xf32> to vector<16xf32>
    tpu.vector_store %arg9[%swap3A_13], %swap3A_16 {strides = array<i32>} : memref<80xf32, #tpu.memory_space<vmem>>, vector<16xf32>,
    %broadcast_in_dim3A_17 = arith.constant 1.000000e+00 : f32
    %broadcast_in_dim3A_18 = vector.broadcast %broadcast_in_dim3A_17 : f32 to vector<16xf32>
    %swap3A_19 = arith.constant 48 : index
    %swap3A_20 = tpu.vector_load %arg9[%swap3A_19] {strides = array<i32>} : memref<80xf32, #tpu.memory_space<vmem>>, vector<16xf32>,
    %swap3A_21 = vector.shape_cast %swap3A_20 : vector<16xf32> to vector<16xf32>
    %swap3A_22 = vector.shape_cast %broadcast_in_dim3A_18 : vector<16xf32> to vector<16xf32>
    tpu.vector_store %arg9[%swap3A_19], %swap3A_22 {strides = array<i32>} : memref<80xf32, #tpu.memory_space<vmem>>, vector<16xf32>,
    %broadcast_in_dim3A_23 = arith.constant 1.000000e+00 : f32
    %broadcast_in_dim3A_24 = vector.broadcast %broadcast_in_dim3A_23 : f32 to vector<16xf32>
    %swap3A_25 = arith.constant 64 : index
    %swap3A_26 = tpu.vector_load %arg9[%swap3A_25] {strides = array<i32>} : memref<80xf32, #tpu.memory_space<vmem>>, vector<16xf32>,
    %swap3A_27 = vector.shape_cast %swap3A_26 : vector<16xf32> to vector<16xf32>
    %swap3A_28 = vector.shape_cast %broadcast_in_dim3A_24 : vector<16xf32> to vector<16xf32>
    tpu.vector_store %arg9[%swap3A_25], %swap3A_28 {strides = array<i32>} : memref<80xf32, #tpu.memory_space<vmem>>, vector<16xf32>,
    %scan3A = arith.constant 0 : i32
    %scan3A_29 = arith.constant 39 : i32
    %scan3A_30 = arith.addi %scan3A, %scan3A_29 : i32
    %scan3A_31 = arith.constant 1 : i32
    scf.for %scan3A_93 = %scan3A to %scan3A_30 step %scan3A_31  : i32 {
      %mul3A_94 = arith.constant 1 : i32
      %mul3A_95 = arith.muli %scan3A_93, %mul3A_94 : i32
      %add3A_96 = arith.constant 0 : i32
      %add3A_97 = arith.addi %add3A_96, %mul3A_95 : i32
      %broadcast_in_dim3A_98 = arith.constant 0.000000e+00 : f32
      %broadcast_in_dim3A_99 = vector.broadcast %broadcast_in_dim3A_98 : f32 to vector<16xf32>
      %mul3A_100 = arith.constant 16 : i32
      %mul3A_101 = arith.muli %add3A_97, %mul3A_100 : i32
      %swap3A_102 = arith.index_cast %mul3A_101 : i32 to index
      %swap3A_103 = tpu.vector_load %arg10[%swap3A_102] {strides = array<i32>} : memref<624xf32, #tpu.memory_space<vmem>>, vector<16xf32>,
      %swap3A_104 = vector.shape_cast %swap3A_103 : vector<16xf32> to vector<16xf32>
      %swap3A_105 = vector.shape_cast %broadcast_in_dim3A_99 : vector<16xf32> to vector<16xf32>
      tpu.vector_store %arg10[%swap3A_102], %swap3A_105 {strides = array<i32>} : memref<624xf32, #tpu.memory_space<vmem>>, vector<16xf32>,
    }
    %scan3A_32 = arith.constant 39 : i32
    %mul3A_33 = arith.constant 624 : i32
    %mul3A_34 = arith.muli %arg1, %mul3A_33 : i32
    "tpu.region"() ({
      %run_scoped3A = tpu.sem_alloc : memref<!tpu.dma_semaphore, #tpu.memory_space<semaphore_mem>>
      %dma_start3A_93 = tpu.memref_slice %arg11[%mul3A_34] : memref<10000xf32, #tpu.memory_space<vmem_shared>> -> memref<624xf32, #tpu.memory_space<vmem_shared>>
      %dma_start3A_94 = tpu.memref_slice %arg11[%mul3A_34] : memref<10000xf32, #tpu.memory_space<vmem_shared>> -> memref<624xf32, #tpu.memory_space<vmem_shared>>
      tpu.enqueue_dma source(%arg10 : memref<624xf32, #tpu.memory_space<vmem>>) target(%dma_start3A_94 : memref<624xf32, #tpu.memory_space<vmem_shared>>) target_semaphore(%run_scoped3A : memref<!tpu.dma_semaphore, #tpu.memory_space<semaphore_mem>>)
      %dma_wait3A_95 = tpu.memref_slice %arg11[%mul3A_34] : memref<10000xf32, #tpu.memory_space<vmem_shared>> -> memref<624xf32, #tpu.memory_space<vmem_shared>>
      %dma_wait3A_96 = tpu.memref_slice %arg11[%mul3A_34] : memref<10000xf32, #tpu.memory_space<vmem_shared>> -> memref<624xf32, #tpu.memory_space<vmem_shared>>
      tpu.wait_dma2 semaphore(%run_scoped3A : memref<!tpu.dma_semaphore, #tpu.memory_space<semaphore_mem>>) src(%arg10 : memref<624xf32, #tpu.memory_space<vmem>>) dst(%dma_wait3A_96 : memref<624xf32, #tpu.memory_space<vmem_shared>>)
      tpu.yield
    }) : () -> ()
    %eq3A = arith.constant 15 : i32
    %eq3A_35 = arith.cmpi eq, %arg1, %eq3A : i32
    %convert_element_type3A = arith.extui %eq3A_35 : i1 to i32
    %cond3A = arith.constant 0 : i32
    %cond3A_36 = arith.cmpi ne, %convert_element_type3A, %cond3A : i32
    scf.if %cond3A_36 {
      "tpu.region"() ({
        %run_scoped3A = tpu.sem_alloc : memref<!tpu.dma_semaphore, #tpu.memory_space<semaphore_mem>>
        %dma_start3A_93 = arith.constant 0 : i32
        %dma_start3A_94 = tpu.memref_slice %arg10[%dma_start3A_93] : memref<624xf32, #tpu.memory_space<vmem>> -> memref<16xf32, #tpu.memory_space<vmem>>
        %dma_start3A_95 = arith.constant 9984 : i32
        %dma_start3A_96 = tpu.memref_slice %arg11[%dma_start3A_95] : memref<10000xf32, #tpu.memory_space<vmem_shared>> -> memref<16xf32, #tpu.memory_space<vmem_shared>>
        %dma_start3A_97 = arith.constant 9984 : i32
        %dma_start3A_98 = tpu.memref_slice %arg11[%dma_start3A_97] : memref<10000xf32, #tpu.memory_space<vmem_shared>> -> memref<16xf32, #tpu.memory_space<vmem_shared>>
        %dma_start3A_99 = arith.constant 0 : i32
        %dma_start3A_100 = tpu.memref_slice %arg10[%dma_start3A_99] : memref<624xf32, #tpu.memory_space<vmem>> -> memref<16xf32, #tpu.memory_space<vmem>>
        tpu.enqueue_dma source(%dma_start3A_100 : memref<16xf32, #tpu.memory_space<vmem>>) target(%dma_start3A_98 : memref<16xf32, #tpu.memory_space<vmem_shared>>) target_semaphore(%run_scoped3A : memref<!tpu.dma_semaphore, #tpu.memory_space<semaphore_mem>>)
        %dma_wait3A_101 = arith.constant 0 : i32
        %dma_wait3A_102 = tpu.memref_slice %arg10[%dma_wait3A_101] : memref<624xf32, #tpu.memory_space<vmem>> -> memref<16xf32, #tpu.memory_space<vmem>>
        %dma_wait3A_103 = arith.constant 9984 : i32
        %dma_wait3A_104 = tpu.memref_slice %arg11[%dma_wait3A_103] : memref<10000xf32, #tpu.memory_space<vmem_shared>> -> memref<16xf32, #tpu.memory_space<vmem_shared>>
        %dma_wait3A_105 = arith.constant 9984 : i32
        %dma_wait3A_106 = tpu.memref_slice %arg11[%dma_wait3A_105] : memref<10000xf32, #tpu.memory_space<vmem_shared>> -> memref<16xf32, #tpu.memory_space<vmem_shared>>
        %dma_wait3A_107 = arith.constant 0 : i32
        %dma_wait3A_108 = tpu.memref_slice %arg10[%dma_wait3A_107] : memref<624xf32, #tpu.memory_space<vmem>> -> memref<16xf32, #tpu.memory_space<vmem>>
        tpu.wait_dma2 semaphore(%run_scoped3A : memref<!tpu.dma_semaphore, #tpu.memory_space<semaphore_mem>>) src(%dma_wait3A_108 : memref<16xf32, #tpu.memory_space<vmem>>) dst(%dma_wait3A_106 : memref<16xf32, #tpu.memory_space<vmem_shared>>)
        tpu.yield
      }) : () -> ()
    } else {
    }
    %barrier3A = arith.constant 0 : index
    tpu.barrier barrier_id(%barrier3A)
    %mul3A_37 = arith.constant 10000 : i32
    %mul3A_38 = arith.muli %add3A, %mul3A_37 : i32
    %add3A_39 = arith.constant 0 : i32
    %add3A_40 = arith.addi %mul3A_38, %add3A_39 : i32
    %dma_start3A = tpu.memref_slice %arg2[%add3A_40] : memref<320000xi32, #tpu.memory_space<hbm>> -> memref<80xi32, #tpu.memory_space<hbm>>
    %dma_start3A_41 = tpu.memref_slice %arg2[%add3A_40] : memref<320000xi32, #tpu.memory_space<hbm>> -> memref<80xi32, #tpu.memory_space<hbm>>
    tpu.enqueue_dma source(%dma_start3A_41 : memref<80xi32, #tpu.memory_space<hbm>>) target(%arg4 : memref<80xi32, #tpu.memory_space<vmem>>) target_semaphore(%arg12 : memref<!tpu.dma_semaphore, #tpu.memory_space<semaphore_mem>>)
    %mul3A_42 = arith.constant 10000 : i32
    %mul3A_43 = arith.muli %add3A, %mul3A_42 : i32
    %add3A_44 = arith.constant 80 : i32
    %add3A_45 = arith.addi %mul3A_43, %add3A_44 : i32
    %dma_start3A_46 = tpu.memref_slice %arg2[%add3A_45] : memref<320000xi32, #tpu.memory_space<hbm>> -> memref<80xi32, #tpu.memory_space<hbm>>
    %dma_start3A_47 = tpu.memref_slice %arg2[%add3A_45] : memref<320000xi32, #tpu.memory_space<hbm>> -> memref<80xi32, #tpu.memory_space<hbm>>
    tpu.enqueue_dma source(%dma_start3A_47 : memref<80xi32, #tpu.memory_space<hbm>>) target(%arg5 : memref<80xi32, #tpu.memory_space<vmem>>) target_semaphore(%arg13 : memref<!tpu.dma_semaphore, #tpu.memory_space<semaphore_mem>>)
    %mul3A_48 = arith.constant 10000 : i32
    %mul3A_49 = arith.muli %add3A, %mul3A_48 : i32
    %add3A_50 = arith.constant 160 : i32
    %add3A_51 = arith.addi %mul3A_49, %add3A_50 : i32
    %dma_start3A_52 = tpu.memref_slice %arg2[%add3A_51] : memref<320000xi32, #tpu.memory_space<hbm>> -> memref<80xi32, #tpu.memory_space<hbm>>
    %dma_start3A_53 = tpu.memref_slice %arg2[%add3A_51] : memref<320000xi32, #tpu.memory_space<hbm>> -> memref<80xi32, #tpu.memory_space<hbm>>
    tpu.enqueue_dma source(%dma_start3A_53 : memref<80xi32, #tpu.memory_space<hbm>>) target(%arg6 : memref<80xi32, #tpu.memory_space<vmem>>) target_semaphore(%arg14 : memref<!tpu.dma_semaphore, #tpu.memory_space<semaphore_mem>>)
    %mul3A_54 = arith.constant 10000 : i32
    %mul3A_55 = arith.muli %add3A, %mul3A_54 : i32
    %add3A_56 = arith.constant 240 : i32
    %add3A_57 = arith.addi %mul3A_55, %add3A_56 : i32
    %dma_start3A_58 = tpu.memref_slice %arg2[%add3A_57] : memref<320000xi32, #tpu.memory_space<hbm>> -> memref<80xi32, #tpu.memory_space<hbm>>
    %dma_start3A_59 = tpu.memref_slice %arg2[%add3A_57] : memref<320000xi32, #tpu.memory_space<hbm>> -> memref<80xi32, #tpu.memory_space<hbm>>
    tpu.enqueue_dma source(%dma_start3A_59 : memref<80xi32, #tpu.memory_space<hbm>>) target(%arg7 : memref<80xi32, #tpu.memory_space<vmem>>) target_semaphore(%arg15 : memref<!tpu.dma_semaphore, #tpu.memory_space<semaphore_mem>>)
    %mul3A_60 = arith.constant 10000 : i32
    %mul3A_61 = arith.muli %add3A, %mul3A_60 : i32
    %add3A_62 = arith.constant 320 : i32
    %add3A_63 = arith.addi %mul3A_61, %add3A_62 : i32
    %dma_start3A_64 = tpu.memref_slice %arg2[%add3A_63] : memref<320000xi32, #tpu.memory_space<hbm>> -> memref<80xi32, #tpu.memory_space<hbm>>
    %dma_start3A_65 = tpu.memref_slice %arg2[%add3A_63] : memref<320000xi32, #tpu.memory_space<hbm>> -> memref<80xi32, #tpu.memory_space<hbm>>
    tpu.enqueue_dma source(%dma_start3A_65 : memref<80xi32, #tpu.memory_space<hbm>>) target(%arg8 : memref<80xi32, #tpu.memory_space<vmem>>) target_semaphore(%arg16 : memref<!tpu.dma_semaphore, #tpu.memory_space<semaphore_mem>>)
    %scan3A_66 = arith.constant 0 : i32
    %scan3A_67 = arith.constant 25 : i32
    %scan3A_68 = arith.addi %scan3A_66, %scan3A_67 : i32
    %scan3A_69 = arith.constant 1 : i32
    scf.for %scan3A_93 = %scan3A_66 to %scan3A_68 step %scan3A_69  : i32 {
      %mul3A_94 = arith.constant 1 : i32
      %mul3A_95 = arith.muli %scan3A_93, %mul3A_94 : i32
      %add3A_96 = arith.constant 0 : i32
      %add3A_97 = arith.addi %add3A_96, %mul3A_95 : i32
      %dma_wait3A_98 = arith.constant 0 : i32
      %dma_wait3A_99 = tpu.memref_slice %arg2[%dma_wait3A_98] : memref<320000xi32, #tpu.memory_space<hbm>> -> memref<80xi32, #tpu.memory_space<hbm>>
      %dma_wait3A_100 = arith.constant 0 : i32
      %dma_wait3A_101 = tpu.memref_slice %arg2[%dma_wait3A_100] : memref<320000xi32, #tpu.memory_space<hbm>> -> memref<80xi32, #tpu.memory_space<hbm>>
      tpu.wait_dma2 semaphore(%arg12 : memref<!tpu.dma_semaphore, #tpu.memory_space<semaphore_mem>>) src(%dma_wait3A_101 : memref<80xi32, #tpu.memory_space<hbm>>) dst(%arg4 : memref<80xi32, #tpu.memory_space<vmem>>)
      %dma_start3A_102 = arith.constant 0 : i32
      %dma_start3A_103 = tpu.memref_slice %arg11[%dma_start3A_102] : memref<10000xf32, #tpu.memory_space<vmem_shared>> -> memref<10000xf32, #tpu.memory_space<vmem_shared>>
      tpu.enqueue_indirect_dma source(%arg9 : memref<80xf32, #tpu.memory_space<vmem>>) target(%dma_start3A_103 : memref<10000xf32, #tpu.memory_space<vmem_shared>>) offsets(%arg4 : memref<80xi32, #tpu.memory_space<vmem>>) semaphore(%arg17 : memref<!tpu.dma_semaphore, #tpu.memory_space<semaphore_mem>>) {add = true}
      %dma_wait3A_104 = arith.constant 0 : i32
      %dma_wait3A_105 = tpu.memref_slice %arg2[%dma_wait3A_104] : memref<320000xi32, #tpu.memory_space<hbm>> -> memref<80xi32, #tpu.memory_space<hbm>>
      %dma_wait3A_106 = arith.constant 0 : i32
      %dma_wait3A_107 = tpu.memref_slice %arg2[%dma_wait3A_106] : memref<320000xi32, #tpu.memory_space<hbm>> -> memref<80xi32, #tpu.memory_space<hbm>>
      tpu.wait_dma2 semaphore(%arg13 : memref<!tpu.dma_semaphore, #tpu.memory_space<semaphore_mem>>) src(%dma_wait3A_107 : memref<80xi32, #tpu.memory_space<hbm>>) dst(%arg5 : memref<80xi32, #tpu.memory_space<vmem>>)
      %dma_start3A_108 = arith.constant 0 : i32
      %dma_start3A_109 = tpu.memref_slice %arg11[%dma_start3A_108] : memref<10000xf32, #tpu.memory_space<vmem_shared>> -> memref<10000xf32, #tpu.memory_space<vmem_shared>>
      tpu.enqueue_indirect_dma source(%arg9 : memref<80xf32, #tpu.memory_space<vmem>>) target(%dma_start3A_109 : memref<10000xf32, #tpu.memory_space<vmem_shared>>) offsets(%arg5 : memref<80xi32, #tpu.memory_space<vmem>>) semaphore(%arg18 : memref<!tpu.dma_semaphore, #tpu.memory_space<semaphore_mem>>) {add = true}
      %dma_wait3A_110 = arith.constant 0 : i32
      %dma_wait3A_111 = tpu.memref_slice %arg2[%dma_wait3A_110] : memref<320000xi32, #tpu.memory_space<hbm>> -> memref<80xi32, #tpu.memory_space<hbm>>
      %dma_wait3A_112 = arith.constant 0 : i32
      %dma_wait3A_113 = tpu.memref_slice %arg2[%dma_wait3A_112] : memref<320000xi32, #tpu.memory_space<hbm>> -> memref<80xi32, #tpu.memory_space<hbm>>
      tpu.wait_dma2 semaphore(%arg14 : memref<!tpu.dma_semaphore, #tpu.memory_space<semaphore_mem>>) src(%dma_wait3A_113 : memref<80xi32, #tpu.memory_space<hbm>>) dst(%arg6 : memref<80xi32, #tpu.memory_space<vmem>>)
      %dma_start3A_114 = arith.constant 0 : i32
      %dma_start3A_115 = tpu.memref_slice %arg11[%dma_start3A_114] : memref<10000xf32, #tpu.memory_space<vmem_shared>> -> memref<10000xf32, #tpu.memory_space<vmem_shared>>
      tpu.enqueue_indirect_dma source(%arg9 : memref<80xf32, #tpu.memory_space<vmem>>) target(%dma_start3A_115 : memref<10000xf32, #tpu.memory_space<vmem_shared>>) offsets(%arg6 : memref<80xi32, #tpu.memory_space<vmem>>) semaphore(%arg19 : memref<!tpu.dma_semaphore, #tpu.memory_space<semaphore_mem>>) {add = true}
      %dma_wait3A_116 = arith.constant 0 : i32
      %dma_wait3A_117 = tpu.memref_slice %arg2[%dma_wait3A_116] : memref<320000xi32, #tpu.memory_space<hbm>> -> memref<80xi32, #tpu.memory_space<hbm>>
      %dma_wait3A_118 = arith.constant 0 : i32
      %dma_wait3A_119 = tpu.memref_slice %arg2[%dma_wait3A_118] : memref<320000xi32, #tpu.memory_space<hbm>> -> memref<80xi32, #tpu.memory_space<hbm>>
      tpu.wait_dma2 semaphore(%arg15 : memref<!tpu.dma_semaphore, #tpu.memory_space<semaphore_mem>>) src(%dma_wait3A_119 : memref<80xi32, #tpu.memory_space<hbm>>) dst(%arg7 : memref<80xi32, #tpu.memory_space<vmem>>)
      %dma_start3A_120 = arith.constant 0 : i32
      %dma_start3A_121 = tpu.memref_slice %arg11[%dma_start3A_120] : memref<10000xf32, #tpu.memory_space<vmem_shared>> -> memref<10000xf32, #tpu.memory_space<vmem_shared>>
      tpu.enqueue_indirect_dma source(%arg9 : memref<80xf32, #tpu.memory_space<vmem>>) target(%dma_start3A_121 : memref<10000xf32, #tpu.memory_space<vmem_shared>>) offsets(%arg7 : memref<80xi32, #tpu.memory_space<vmem>>) semaphore(%arg20 : memref<!tpu.dma_semaphore, #tpu.memory_space<semaphore_mem>>) {add = true}
      %dma_wait3A_122 = arith.constant 0 : i32
      %dma_wait3A_123 = tpu.memref_slice %arg2[%dma_wait3A_122] : memref<320000xi32, #tpu.memory_space<hbm>> -> memref<80xi32, #tpu.memory_space<hbm>>
      %dma_wait3A_124 = arith.constant 0 : i32
      %dma_wait3A_125 = tpu.memref_slice %arg2[%dma_wait3A_124] : memref<320000xi32, #tpu.memory_space<hbm>> -> memref<80xi32, #tpu.memory_space<hbm>>
      tpu.wait_dma2 semaphore(%arg16 : memref<!tpu.dma_semaphore, #tpu.memory_space<semaphore_mem>>) src(%dma_wait3A_125 : memref<80xi32, #tpu.memory_space<hbm>>) dst(%arg8 : memref<80xi32, #tpu.memory_space<vmem>>)
      %dma_start3A_126 = arith.constant 0 : i32
      %dma_start3A_127 = tpu.memref_slice %arg11[%dma_start3A_126] : memref<10000xf32, #tpu.memory_space<vmem_shared>> -> memref<10000xf32, #tpu.memory_space<vmem_shared>>
      tpu.enqueue_indirect_dma source(%arg9 : memref<80xf32, #tpu.memory_space<vmem>>) target(%dma_start3A_127 : memref<10000xf32, #tpu.memory_space<vmem_shared>>) offsets(%arg8 : memref<80xi32, #tpu.memory_space<vmem>>) semaphore(%arg21 : memref<!tpu.dma_semaphore, #tpu.memory_space<semaphore_mem>>) {add = true}
      %lt3A = arith.constant 24 : i32
      %lt3A_128 = arith.cmpi slt, %add3A_97, %lt3A : i32
      %convert_element_type3A_129 = arith.extui %lt3A_128 : i1 to i32
      %cond3A_130 = arith.constant 0 : i32
      %cond3A_131 = arith.cmpi ne, %convert_element_type3A_129, %cond3A_130 : i32
      scf.if %cond3A_131 {
        %dma_wait3A_152 = arith.constant 0 : i32
        %dma_wait3A_153 = tpu.memref_slice %arg11[%dma_wait3A_152] : memref<10000xf32, #tpu.memory_space<vmem_shared>> -> memref<10000xf32, #tpu.memory_space<vmem_shared>>
        tpu.wait_indirect_dma semaphore(%arg17 : memref<!tpu.dma_semaphore, #tpu.memory_space<semaphore_mem>>) src(%arg9 : memref<80xf32, #tpu.memory_space<vmem>>) dst(%dma_wait3A_153 : memref<10000xf32, #tpu.memory_space<vmem_shared>>)
        %add3A_154 = arith.constant 1 : i32
        %add3A_155 = arith.addi %add3A_97, %add3A_154 : i32
        %mul3A_156 = arith.constant 10000 : i32
        %mul3A_157 = arith.muli %add3A, %mul3A_156 : i32
        %mul3A_158 = arith.constant 5 : i32
        %mul3A_159 = arith.muli %add3A_155, %mul3A_158 : i32
        %add3A_160 = arith.constant 0 : i32
        %add3A_161 = arith.addi %mul3A_159, %add3A_160 : i32
        %mul3A_162 = arith.constant 80 : i32
        %mul3A_163 = arith.muli %add3A_161, %mul3A_162 : i32
        %add3A_164 = arith.addi %mul3A_157, %mul3A_163 : i32
        %dma_start3A_165 = tpu.memref_slice %arg2[%add3A_164] : memref<320000xi32, #tpu.memory_space<hbm>> -> memref<80xi32, #tpu.memory_space<hbm>>
        %dma_start3A_166 = tpu.memref_slice %arg2[%add3A_164] : memref<320000xi32, #tpu.memory_space<hbm>> -> memref<80xi32, #tpu.memory_space<hbm>>
        tpu.enqueue_dma source(%dma_start3A_166 : memref<80xi32, #tpu.memory_space<hbm>>) target(%arg4 : memref<80xi32, #tpu.memory_space<vmem>>) target_semaphore(%arg12 : memref<!tpu.dma_semaphore, #tpu.memory_space<semaphore_mem>>)
      } else {
      }
      %lt3A_132 = arith.constant 24 : i32
      %lt3A_133 = arith.cmpi slt, %add3A_97, %lt3A_132 : i32
      %convert_element_type3A_134 = arith.extui %lt3A_133 : i1 to i32
      %cond3A_135 = arith.constant 0 : i32
      %cond3A_136 = arith.cmpi ne, %convert_element_type3A_134, %cond3A_135 : i32
      scf.if %cond3A_136 {
        %dma_wait3A_152 = arith.constant 0 : i32
        %dma_wait3A_153 = tpu.memref_slice %arg11[%dma_wait3A_152] : memref<10000xf32, #tpu.memory_space<vmem_shared>> -> memref<10000xf32, #tpu.memory_space<vmem_shared>>
        tpu.wait_indirect_dma semaphore(%arg18 : memref<!tpu.dma_semaphore, #tpu.memory_space<semaphore_mem>>) src(%arg9 : memref<80xf32, #tpu.memory_space<vmem>>) dst(%dma_wait3A_153 : memref<10000xf32, #tpu.memory_space<vmem_shared>>)
        %add3A_154 = arith.constant 1 : i32
        %add3A_155 = arith.addi %add3A_97, %add3A_154 : i32
        %mul3A_156 = arith.constant 10000 : i32
        %mul3A_157 = arith.muli %add3A, %mul3A_156 : i32
        %mul3A_158 = arith.constant 5 : i32
        %mul3A_159 = arith.muli %add3A_155, %mul3A_158 : i32
        %add3A_160 = arith.constant 1 : i32
        %add3A_161 = arith.addi %mul3A_159, %add3A_160 : i32
        %mul3A_162 = arith.constant 80 : i32
        %mul3A_163 = arith.muli %add3A_161, %mul3A_162 : i32
        %add3A_164 = arith.addi %mul3A_157, %mul3A_163 : i32
        %dma_start3A_165 = tpu.memref_slice %arg2[%add3A_164] : memref<320000xi32, #tpu.memory_space<hbm>> -> memref<80xi32, #tpu.memory_space<hbm>>
        %dma_start3A_166 = tpu.memref_slice %arg2[%add3A_164] : memref<320000xi32, #tpu.memory_space<hbm>> -> memref<80xi32, #tpu.memory_space<hbm>>
        tpu.enqueue_dma source(%dma_start3A_166 : memref<80xi32, #tpu.memory_space<hbm>>) target(%arg5 : memref<80xi32, #tpu.memory_space<vmem>>) target_semaphore(%arg13 : memref<!tpu.dma_semaphore, #tpu.memory_space<semaphore_mem>>)
      } else {
      }
      %lt3A_137 = arith.constant 24 : i32
      %lt3A_138 = arith.cmpi slt, %add3A_97, %lt3A_137 : i32
      %convert_element_type3A_139 = arith.extui %lt3A_138 : i1 to i32
      %cond3A_140 = arith.constant 0 : i32
      %cond3A_141 = arith.cmpi ne, %convert_element_type3A_139, %cond3A_140 : i32
      scf.if %cond3A_141 {
        %dma_wait3A_152 = arith.constant 0 : i32
        %dma_wait3A_153 = tpu.memref_slice %arg11[%dma_wait3A_152] : memref<10000xf32, #tpu.memory_space<vmem_shared>> -> memref<10000xf32, #tpu.memory_space<vmem_shared>>
        tpu.wait_indirect_dma semaphore(%arg19 : memref<!tpu.dma_semaphore, #tpu.memory_space<semaphore_mem>>) src(%arg9 : memref<80xf32, #tpu.memory_space<vmem>>) dst(%dma_wait3A_153 : memref<10000xf32, #tpu.memory_space<vmem_shared>>)
        %add3A_154 = arith.constant 1 : i32
        %add3A_155 = arith.addi %add3A_97, %add3A_154 : i32
        %mul3A_156 = arith.constant 10000 : i32
        %mul3A_157 = arith.muli %add3A, %mul3A_156 : i32
        %mul3A_158 = arith.constant 5 : i32
        %mul3A_159 = arith.muli %add3A_155, %mul3A_158 : i32
        %add3A_160 = arith.constant 2 : i32
        %add3A_161 = arith.addi %mul3A_159, %add3A_160 : i32
        %mul3A_162 = arith.constant 80 : i32
        %mul3A_163 = arith.muli %add3A_161, %mul3A_162 : i32
        %add3A_164 = arith.addi %mul3A_157, %mul3A_163 : i32
        %dma_start3A_165 = tpu.memref_slice %arg2[%add3A_164] : memref<320000xi32, #tpu.memory_space<hbm>> -> memref<80xi32, #tpu.memory_space<hbm>>
        %dma_start3A_166 = tpu.memref_slice %arg2[%add3A_164] : memref<320000xi32, #tpu.memory_space<hbm>> -> memref<80xi32, #tpu.memory_space<hbm>>
        tpu.enqueue_dma source(%dma_start3A_166 : memref<80xi32, #tpu.memory_space<hbm>>) target(%arg6 : memref<80xi32, #tpu.memory_space<vmem>>) target_semaphore(%arg14 : memref<!tpu.dma_semaphore, #tpu.memory_space<semaphore_mem>>)
      } else {
      }
      %lt3A_142 = arith.constant 24 : i32
      %lt3A_143 = arith.cmpi slt, %add3A_97, %lt3A_142 : i32
      %convert_element_type3A_144 = arith.extui %lt3A_143 : i1 to i32
      %cond3A_145 = arith.constant 0 : i32
      %cond3A_146 = arith.cmpi ne, %convert_element_type3A_144, %cond3A_145 : i32
      scf.if %cond3A_146 {
        %dma_wait3A_152 = arith.constant 0 : i32
        %dma_wait3A_153 = tpu.memref_slice %arg11[%dma_wait3A_152] : memref<10000xf32, #tpu.memory_space<vmem_shared>> -> memref<10000xf32, #tpu.memory_space<vmem_shared>>
        tpu.wait_indirect_dma semaphore(%arg20 : memref<!tpu.dma_semaphore, #tpu.memory_space<semaphore_mem>>) src(%arg9 : memref<80xf32, #tpu.memory_space<vmem>>) dst(%dma_wait3A_153 : memref<10000xf32, #tpu.memory_space<vmem_shared>>)
        %add3A_154 = arith.constant 1 : i32
        %add3A_155 = arith.addi %add3A_97, %add3A_154 : i32
        %mul3A_156 = arith.constant 10000 : i32
        %mul3A_157 = arith.muli %add3A, %mul3A_156 : i32
        %mul3A_158 = arith.constant 5 : i32
        %mul3A_159 = arith.muli %add3A_155, %mul3A_158 : i32
        %add3A_160 = arith.constant 3 : i32
        %add3A_161 = arith.addi %mul3A_159, %add3A_160 : i32
        %mul3A_162 = arith.constant 80 : i32
        %mul3A_163 = arith.muli %add3A_161, %mul3A_162 : i32
        %add3A_164 = arith.addi %mul3A_157, %mul3A_163 : i32
        %dma_start3A_165 = tpu.memref_slice %arg2[%add3A_164] : memref<320000xi32, #tpu.memory_space<hbm>> -> memref<80xi32, #tpu.memory_space<hbm>>
        %dma_start3A_166 = tpu.memref_slice %arg2[%add3A_164] : memref<320000xi32, #tpu.memory_space<hbm>> -> memref<80xi32, #tpu.memory_space<hbm>>
        tpu.enqueue_dma source(%dma_start3A_166 : memref<80xi32, #tpu.memory_space<hbm>>) target(%arg7 : memref<80xi32, #tpu.memory_space<vmem>>) target_semaphore(%arg15 : memref<!tpu.dma_semaphore, #tpu.memory_space<semaphore_mem>>)
      } else {
      }
      %lt3A_147 = arith.constant 24 : i32
      %lt3A_148 = arith.cmpi slt, %add3A_97, %lt3A_147 : i32
      %convert_element_type3A_149 = arith.extui %lt3A_148 : i1 to i32
      %cond3A_150 = arith.constant 0 : i32
      %cond3A_151 = arith.cmpi ne, %convert_element_type3A_149, %cond3A_150 : i32
      scf.if %cond3A_151 {
        %dma_wait3A_152 = arith.constant 0 : i32
        %dma_wait3A_153 = tpu.memref_slice %arg11[%dma_wait3A_152] : memref<10000xf32, #tpu.memory_space<vmem_shared>> -> memref<10000xf32, #tpu.memory_space<vmem_shared>>
        tpu.wait_indirect_dma semaphore(%arg21 : memref<!tpu.dma_semaphore, #tpu.memory_space<semaphore_mem>>) src(%arg9 : memref<80xf32, #tpu.memory_space<vmem>>) dst(%dma_wait3A_153 : memref<10000xf32, #tpu.memory_space<vmem_shared>>)
        %add3A_154 = arith.constant 1 : i32
        %add3A_155 = arith.addi %add3A_97, %add3A_154 : i32
        %mul3A_156 = arith.constant 10000 : i32
        %mul3A_157 = arith.muli %add3A, %mul3A_156 : i32
        %mul3A_158 = arith.constant 5 : i32
        %mul3A_159 = arith.muli %add3A_155, %mul3A_158 : i32
        %add3A_160 = arith.constant 4 : i32
        %add3A_161 = arith.addi %mul3A_159, %add3A_160 : i32
        %mul3A_162 = arith.constant 80 : i32
        %mul3A_163 = arith.muli %add3A_161, %mul3A_162 : i32
        %add3A_164 = arith.addi %mul3A_157, %mul3A_163 : i32
        %dma_start3A_165 = tpu.memref_slice %arg2[%add3A_164] : memref<320000xi32, #tpu.memory_space<hbm>> -> memref<80xi32, #tpu.memory_space<hbm>>
        %dma_start3A_166 = tpu.memref_slice %arg2[%add3A_164] : memref<320000xi32, #tpu.memory_space<hbm>> -> memref<80xi32, #tpu.memory_space<hbm>>
        tpu.enqueue_dma source(%dma_start3A_166 : memref<80xi32, #tpu.memory_space<hbm>>) target(%arg8 : memref<80xi32, #tpu.memory_space<vmem>>) target_semaphore(%arg16 : memref<!tpu.dma_semaphore, #tpu.memory_space<semaphore_mem>>)
      } else {
      }
    }
    %scan3A_70 = arith.constant 25 : i32
    %dma_wait3A = arith.constant 0 : i32
    %dma_wait3A_71 = tpu.memref_slice %arg11[%dma_wait3A] : memref<10000xf32, #tpu.memory_space<vmem_shared>> -> memref<10000xf32, #tpu.memory_space<vmem_shared>>
    tpu.wait_indirect_dma semaphore(%arg17 : memref<!tpu.dma_semaphore, #tpu.memory_space<semaphore_mem>>) src(%arg9 : memref<80xf32, #tpu.memory_space<vmem>>) dst(%dma_wait3A_71 : memref<10000xf32, #tpu.memory_space<vmem_shared>>)
    %dma_wait3A_72 = arith.constant 0 : i32
    %dma_wait3A_73 = tpu.memref_slice %arg11[%dma_wait3A_72] : memref<10000xf32, #tpu.memory_space<vmem_shared>> -> memref<10000xf32, #tpu.memory_space<vmem_shared>>
    tpu.wait_indirect_dma semaphore(%arg18 : memref<!tpu.dma_semaphore, #tpu.memory_space<semaphore_mem>>) src(%arg9 : memref<80xf32, #tpu.memory_space<vmem>>) dst(%dma_wait3A_73 : memref<10000xf32, #tpu.memory_space<vmem_shared>>)
    %dma_wait3A_74 = arith.constant 0 : i32
    %dma_wait3A_75 = tpu.memref_slice %arg11[%dma_wait3A_74] : memref<10000xf32, #tpu.memory_space<vmem_shared>> -> memref<10000xf32, #tpu.memory_space<vmem_shared>>
    tpu.wait_indirect_dma semaphore(%arg19 : memref<!tpu.dma_semaphore, #tpu.memory_space<semaphore_mem>>) src(%arg9 : memref<80xf32, #tpu.memory_space<vmem>>) dst(%dma_wait3A_75 : memref<10000xf32, #tpu.memory_space<vmem_shared>>)
    %dma_wait3A_76 = arith.constant 0 : i32
    %dma_wait3A_77 = tpu.memref_slice %arg11[%dma_wait3A_76] : memref<10000xf32, #tpu.memory_space<vmem_shared>> -> memref<10000xf32, #tpu.memory_space<vmem_shared>>
    tpu.wait_indirect_dma semaphore(%arg20 : memref<!tpu.dma_semaphore, #tpu.memory_space<semaphore_mem>>) src(%arg9 : memref<80xf32, #tpu.memory_space<vmem>>) dst(%dma_wait3A_77 : memref<10000xf32, #tpu.memory_space<vmem_shared>>)
    %dma_wait3A_78 = arith.constant 0 : i32
    %dma_wait3A_79 = tpu.memref_slice %arg11[%dma_wait3A_78] : memref<10000xf32, #tpu.memory_space<vmem_shared>> -> memref<10000xf32, #tpu.memory_space<vmem_shared>>
    tpu.wait_indirect_dma semaphore(%arg21 : memref<!tpu.dma_semaphore, #tpu.memory_space<semaphore_mem>>) src(%arg9 : memref<80xf32, #tpu.memory_space<vmem>>) dst(%dma_wait3A_79 : memref<10000xf32, #tpu.memory_space<vmem_shared>>)
    %barrier3A_80 = arith.constant 0 : index
    tpu.barrier barrier_id(%barrier3A_80)
    %mul3A_81 = arith.constant 624 : i32
    %mul3A_82 = arith.muli %arg1, %mul3A_81 : i32
    "tpu.region"() ({
      %run_scoped3A = tpu.sem_alloc : memref<!tpu.dma_semaphore, #tpu.memory_space<semaphore_mem>>
      %dma_start3A_93 = tpu.memref_slice %arg11[%mul3A_82] : memref<10000xf32, #tpu.memory_space<vmem_shared>> -> memref<624xf32, #tpu.memory_space<vmem_shared>>
      %dma_start3A_94 = tpu.memref_slice %arg11[%mul3A_82] : memref<10000xf32, #tpu.memory_space<vmem_shared>> -> memref<624xf32, #tpu.memory_space<vmem_shared>>
      tpu.enqueue_dma source(%dma_start3A_94 : memref<624xf32, #tpu.memory_space<vmem_shared>>) target(%arg10 : memref<624xf32, #tpu.memory_space<vmem>>) target_semaphore(%run_scoped3A : memref<!tpu.dma_semaphore, #tpu.memory_space<semaphore_mem>>)
      %dma_wait3A_95 = tpu.memref_slice %arg11[%mul3A_82] : memref<10000xf32, #tpu.memory_space<vmem_shared>> -> memref<624xf32, #tpu.memory_space<vmem_shared>>
      %dma_wait3A_96 = tpu.memref_slice %arg11[%mul3A_82] : memref<10000xf32, #tpu.memory_space<vmem_shared>> -> memref<624xf32, #tpu.memory_space<vmem_shared>>
      tpu.wait_dma2 semaphore(%run_scoped3A : memref<!tpu.dma_semaphore, #tpu.memory_space<semaphore_mem>>) src(%dma_wait3A_96 : memref<624xf32, #tpu.memory_space<vmem_shared>>) dst(%arg10 : memref<624xf32, #tpu.memory_space<vmem>>)
      tpu.yield
    }) : () -> ()
    %mul3A_83 = arith.constant 10000 : i32
    %mul3A_84 = arith.muli %arg0, %mul3A_83 : i32
    %mul3A_85 = arith.constant 624 : i32
    %mul3A_86 = arith.muli %arg1, %mul3A_85 : i32
    %add3A_87 = arith.addi %mul3A_84, %mul3A_86 : i32
    "tpu.region"() ({
      %run_scoped3A = tpu.sem_alloc : memref<!tpu.dma_semaphore, #tpu.memory_space<semaphore_mem>>
      %dma_start3A_93 = tpu.memref_slice %arg3[%add3A_87] : memref<20000xf32, #tpu.memory_space<hbm>> -> memref<624xf32, #tpu.memory_space<hbm>>
      %dma_start3A_94 = tpu.memref_slice %arg3[%add3A_87] : memref<20000xf32, #tpu.memory_space<hbm>> -> memref<624xf32, #tpu.memory_space<hbm>>
      tpu.enqueue_dma source(%arg10 : memref<624xf32, #tpu.memory_space<vmem>>) target(%dma_start3A_94 : memref<624xf32, #tpu.memory_space<hbm>>) target_semaphore(%run_scoped3A : memref<!tpu.dma_semaphore, #tpu.memory_space<semaphore_mem>>)
      %dma_wait3A_95 = tpu.memref_slice %arg3[%add3A_87] : memref<20000xf32, #tpu.memory_space<hbm>> -> memref<624xf32, #tpu.memory_space<hbm>>
      %dma_wait3A_96 = tpu.memref_slice %arg3[%add3A_87] : memref<20000xf32, #tpu.memory_space<hbm>> -> memref<624xf32, #tpu.memory_space<hbm>>
      tpu.wait_dma2 semaphore(%run_scoped3A : memref<!tpu.dma_semaphore, #tpu.memory_space<semaphore_mem>>) src(%arg10 : memref<624xf32, #tpu.memory_space<vmem>>) dst(%dma_wait3A_96 : memref<624xf32, #tpu.memory_space<hbm>>)
      tpu.yield
    }) : () -> ()
    %eq3A_88 = arith.constant 15 : i32
    %eq3A_89 = arith.cmpi eq, %arg1, %eq3A_88 : i32
    %convert_element_type3A_90 = arith.extui %eq3A_89 : i1 to i32
    %cond3A_91 = arith.constant 0 : i32
    %cond3A_92 = arith.cmpi ne, %convert_element_type3A_90, %cond3A_91 : i32
    scf.if %cond3A_92 {
      "tpu.region"() ({
        %run_scoped3A = tpu.sem_alloc : memref<!tpu.dma_semaphore, #tpu.memory_space<semaphore_mem>>
        %dma_start3A_97 = arith.constant 0 : i32
        %dma_start3A_98 = tpu.memref_slice %arg9[%dma_start3A_97] : memref<80xf32, #tpu.memory_space<vmem>> -> memref<16xf32, #tpu.memory_space<vmem>>
        %dma_start3A_99 = arith.constant 9984 : i32
        %dma_start3A_100 = tpu.memref_slice %arg11[%dma_start3A_99] : memref<10000xf32, #tpu.memory_space<vmem_shared>> -> memref<16xf32, #tpu.memory_space<vmem_shared>>
        %dma_start3A_101 = arith.constant 0 : i32
        %dma_start3A_102 = tpu.memref_slice %arg9[%dma_start3A_101] : memref<80xf32, #tpu.memory_space<vmem>> -> memref<16xf32, #tpu.memory_space<vmem>>
        %dma_start3A_103 = arith.constant 9984 : i32
        %dma_start3A_104 = tpu.memref_slice %arg11[%dma_start3A_103] : memref<10000xf32, #tpu.memory_space<vmem_shared>> -> memref<16xf32, #tpu.memory_space<vmem_shared>>
        tpu.enqueue_dma source(%dma_start3A_104 : memref<16xf32, #tpu.memory_space<vmem_shared>>) target(%dma_start3A_102 : memref<16xf32, #tpu.memory_space<vmem>>) target_semaphore(%run_scoped3A : memref<!tpu.dma_semaphore, #tpu.memory_space<semaphore_mem>>)
        %dma_wait3A_105 = arith.constant 0 : i32
        %dma_wait3A_106 = tpu.memref_slice %arg9[%dma_wait3A_105] : memref<80xf32, #tpu.memory_space<vmem>> -> memref<16xf32, #tpu.memory_space<vmem>>
        %dma_wait3A_107 = arith.constant 9984 : i32
        %dma_wait3A_108 = tpu.memref_slice %arg11[%dma_wait3A_107] : memref<10000xf32, #tpu.memory_space<vmem_shared>> -> memref<16xf32, #tpu.memory_space<vmem_shared>>
        %dma_wait3A_109 = arith.constant 0 : i32
        %dma_wait3A_110 = tpu.memref_slice %arg9[%dma_wait3A_109] : memref<80xf32, #tpu.memory_space<vmem>> -> memref<16xf32, #tpu.memory_space<vmem>>
        %dma_wait3A_111 = arith.constant 9984 : i32
        %dma_wait3A_112 = tpu.memref_slice %arg11[%dma_wait3A_111] : memref<10000xf32, #tpu.memory_space<vmem_shared>> -> memref<16xf32, #tpu.memory_space<vmem_shared>>
        tpu.wait_dma2 semaphore(%run_scoped3A : memref<!tpu.dma_semaphore, #tpu.memory_space<semaphore_mem>>) src(%dma_wait3A_112 : memref<16xf32, #tpu.memory_space<vmem_shared>>) dst(%dma_wait3A_110 : memref<16xf32, #tpu.memory_space<vmem>>)
        tpu.yield
      }) : () -> ()
      %mul3A_93 = arith.constant 10000 : i32
      %mul3A_94 = arith.muli %arg0, %mul3A_93 : i32
      %add3A_95 = arith.constant 9984 : i32
      %add3A_96 = arith.addi %mul3A_94, %add3A_95 : i32
      "tpu.region"() ({
        %run_scoped3A = tpu.sem_alloc : memref<!tpu.dma_semaphore, #tpu.memory_space<semaphore_mem>>
        %dma_start3A_97 = arith.constant 0 : i32
        %dma_start3A_98 = tpu.memref_slice %arg9[%dma_start3A_97] : memref<80xf32, #tpu.memory_space<vmem>> -> memref<16xf32, #tpu.memory_space<vmem>>
        %dma_start3A_99 = tpu.memref_slice %arg3[%add3A_96] : memref<20000xf32, #tpu.memory_space<hbm>> -> memref<16xf32, #tpu.memory_space<hbm>>
        %dma_start3A_100 = tpu.memref_slice %arg3[%add3A_96] : memref<20000xf32, #tpu.memory_space<hbm>> -> memref<16xf32, #tpu.memory_space<hbm>>
        %dma_start3A_101 = arith.constant 0 : i32
        %dma_start3A_102 = tpu.memref_slice %arg9[%dma_start3A_101] : memref<80xf32, #tpu.memory_space<vmem>> -> memref<16xf32, #tpu.memory_space<vmem>>
        tpu.enqueue_dma source(%dma_start3A_102 : memref<16xf32, #tpu.memory_space<vmem>>) target(%dma_start3A_100 : memref<16xf32, #tpu.memory_space<hbm>>) target_semaphore(%run_scoped3A : memref<!tpu.dma_semaphore, #tpu.memory_space<semaphore_mem>>)
        %dma_wait3A_103 = arith.constant 0 : i32
        %dma_wait3A_104 = tpu.memref_slice %arg9[%dma_wait3A_103] : memref<80xf32, #tpu.memory_space<vmem>> -> memref<16xf32, #tpu.memory_space<vmem>>
        %dma_wait3A_105 = tpu.memref_slice %arg3[%add3A_96] : memref<20000xf32, #tpu.memory_space<hbm>> -> memref<16xf32, #tpu.memory_space<hbm>>
        %dma_wait3A_106 = tpu.memref_slice %arg3[%add3A_96] : memref<20000xf32, #tpu.memory_space<hbm>> -> memref<16xf32, #tpu.memory_space<hbm>>
        %dma_wait3A_107 = arith.constant 0 : i32
        %dma_wait3A_108 = tpu.memref_slice %arg9[%dma_wait3A_107] : memref<80xf32, #tpu.memory_space<vmem>> -> memref<16xf32, #tpu.memory_space<vmem>>
        tpu.wait_dma2 semaphore(%run_scoped3A : memref<!tpu.dma_semaphore, #tpu.memory_space<semaphore_mem>>) src(%dma_wait3A_108 : memref<16xf32, #tpu.memory_space<vmem>>) dst(%dma_wait3A_106 : memref<16xf32, #tpu.memory_space<hbm>>)
        tpu.yield
      }) : () -> ()
    } else {
    }
    return
  }
}

#map = affine_map<(d0, d1) -> (0)>
#map1 = affine_map<(d0, d1) -> (0, 0)>
#map2 = affine_map<(d0, d1) -> (0, 0, 0)>
module attributes {stable_mosaic.version = 14 : i64} {
  func.func @k(%arg0: i32, %arg1: i32, %arg2: memref<320000xi32, #tpu.memory_space<hbm>>, %arg3: memref<320000xi32, #tpu.memory_space<hbm>>, %arg4: memref<10000x128xf32, #tpu.memory_space<hbm>>, %arg5: memref<2x10000x128xf32, #tpu.memory_space<hbm>>, %arg6: memref<80xi32, #tpu.memory_space<vmem>>, %arg7: memref<80xi32, #tpu.memory_space<vmem>>, %arg8: memref<80xi32, #tpu.memory_space<vmem>>, %arg9: memref<80xi32, #tpu.memory_space<vmem>>, %arg10: memref<80xi32, #tpu.memory_space<vmem>>, %arg11: memref<80xi32, #tpu.memory_space<vmem>>, %arg12: memref<80xi32, #tpu.memory_space<vmem>>, %arg13: memref<80xi32, #tpu.memory_space<vmem>>, %arg14: memref<80x128xf32, #tpu.memory_space<vmem>>, %arg15: memref<80x128xf32, #tpu.memory_space<vmem>>, %arg16: memref<80x128xf32, #tpu.memory_space<vmem>>, %arg17: memref<80x128xf32, #tpu.memory_space<vmem>>, %arg18: memref<10000x128xf32, #tpu.memory_space<vmem_shared>>, %arg19: memref<!tpu.dma_semaphore, #tpu.memory_space<semaphore_mem>>, %arg20: memref<!tpu.dma_semaphore, #tpu.memory_space<semaphore_mem>>, %arg21: memref<!tpu.dma_semaphore, #tpu.memory_space<semaphore_mem>>, %arg22: memref<!tpu.dma_semaphore, #tpu.memory_space<semaphore_mem>>, %arg23: memref<!tpu.dma_semaphore, #tpu.memory_space<semaphore_mem>>, %arg24: memref<!tpu.dma_semaphore, #tpu.memory_space<semaphore_mem>>, %arg25: memref<!tpu.dma_semaphore, #tpu.memory_space<semaphore_mem>>, %arg26: memref<!tpu.dma_semaphore, #tpu.memory_space<semaphore_mem>>, %arg27: memref<!tpu.dma_semaphore, #tpu.memory_space<semaphore_mem>>, %arg28: memref<!tpu.dma_semaphore, #tpu.memory_space<semaphore_mem>>, %arg29: memref<!tpu.dma_semaphore, #tpu.memory_space<semaphore_mem>>, %arg30: memref<!tpu.dma_semaphore, #tpu.memory_space<semaphore_mem>>) attributes {dimension_semantics = [#tpu.dimension_semantics<core_parallel>, #tpu.dimension_semantics<subcore_parallel>], iteration_bounds = array<i64: 2, 16>, scalar_prefetch = 0 : i64, scratch_operands = 25 : i64, tpu.core_type = #tpu.core_type<sc_vector_subcore>, window_params = [{transform_indices = #map}, {transform_indices = #map}, {transform_indices = #map1}, {transform_indices = #map2}]} {
    %mul3A = arith.constant 16 : i32
    %mul3A_0 = arith.muli %arg0, %mul3A : i32
    %add3A = arith.addi %mul3A_0, %arg1 : i32
    %scan3A = arith.constant 0 : i32
    %scan3A_1 = arith.constant 80 : i32
    %scan3A_2 = arith.addi %scan3A, %scan3A_1 : i32
    %scan3A_3 = arith.constant 1 : i32
    scf.for %scan3A_540 = %scan3A to %scan3A_2 step %scan3A_3  : i32 {
      %mul3A_541 = arith.constant 1 : i32
      %mul3A_542 = arith.muli %scan3A_540, %mul3A_541 : i32
      %add3A_543 = arith.constant 0 : i32
      %add3A_544 = arith.addi %add3A_543, %mul3A_542 : i32
      %broadcast_in_dim3A = arith.constant 0.000000e+00 : f32
      %broadcast_in_dim3A_545 = vector.broadcast %broadcast_in_dim3A : f32 to vector<16xf32>
      %swap3A = arith.index_cast %add3A_544 : i32 to index
      %swap3A_546 = arith.constant 0 : index
      %swap3A_547 = tpu.vector_load %arg14[%swap3A, %swap3A_546] {strides = array<i32>} : memref<80x128xf32, #tpu.memory_space<vmem>>, vector<1x16xf32>,
      %swap3A_548 = vector.shape_cast %swap3A_547 : vector<1x16xf32> to vector<16xf32>
      %swap3A_549 = vector.shape_cast %broadcast_in_dim3A_545 : vector<16xf32> to vector<1x16xf32>
      tpu.vector_store %arg14[%swap3A, %swap3A_546], %swap3A_549 {strides = array<i32>} : memref<80x128xf32, #tpu.memory_space<vmem>>, vector<1x16xf32>,
      %broadcast_in_dim3A_550 = arith.constant 0.000000e+00 : f32
      %broadcast_in_dim3A_551 = vector.broadcast %broadcast_in_dim3A_550 : f32 to vector<16xf32>
      %swap3A_552 = arith.index_cast %add3A_544 : i32 to index
      %swap3A_553 = arith.constant 16 : index
      %swap3A_554 = tpu.vector_load %arg14[%swap3A_552, %swap3A_553] {strides = array<i32>} : memref<80x128xf32, #tpu.memory_space<vmem>>, vector<1x16xf32>,
      %swap3A_555 = vector.shape_cast %swap3A_554 : vector<1x16xf32> to vector<16xf32>
      %swap3A_556 = vector.shape_cast %broadcast_in_dim3A_551 : vector<16xf32> to vector<1x16xf32>
      tpu.vector_store %arg14[%swap3A_552, %swap3A_553], %swap3A_556 {strides = array<i32>} : memref<80x128xf32, #tpu.memory_space<vmem>>, vector<1x16xf32>,
      %broadcast_in_dim3A_557 = arith.constant 0.000000e+00 : f32
      %broadcast_in_dim3A_558 = vector.broadcast %broadcast_in_dim3A_557 : f32 to vector<16xf32>
      %swap3A_559 = arith.index_cast %add3A_544 : i32 to index
      %swap3A_560 = arith.constant 32 : index
      %swap3A_561 = tpu.vector_load %arg14[%swap3A_559, %swap3A_560] {strides = array<i32>} : memref<80x128xf32, #tpu.memory_space<vmem>>, vector<1x16xf32>,
      %swap3A_562 = vector.shape_cast %swap3A_561 : vector<1x16xf32> to vector<16xf32>
      %swap3A_563 = vector.shape_cast %broadcast_in_dim3A_558 : vector<16xf32> to vector<1x16xf32>
      tpu.vector_store %arg14[%swap3A_559, %swap3A_560], %swap3A_563 {strides = array<i32>} : memref<80x128xf32, #tpu.memory_space<vmem>>, vector<1x16xf32>,
      %broadcast_in_dim3A_564 = arith.constant 0.000000e+00 : f32
      %broadcast_in_dim3A_565 = vector.broadcast %broadcast_in_dim3A_564 : f32 to vector<16xf32>
      %swap3A_566 = arith.index_cast %add3A_544 : i32 to index
      %swap3A_567 = arith.constant 48 : index
      %swap3A_568 = tpu.vector_load %arg14[%swap3A_566, %swap3A_567] {strides = array<i32>} : memref<80x128xf32, #tpu.memory_space<vmem>>, vector<1x16xf32>,
      %swap3A_569 = vector.shape_cast %swap3A_568 : vector<1x16xf32> to vector<16xf32>
      %swap3A_570 = vector.shape_cast %broadcast_in_dim3A_565 : vector<16xf32> to vector<1x16xf32>
      tpu.vector_store %arg14[%swap3A_566, %swap3A_567], %swap3A_570 {strides = array<i32>} : memref<80x128xf32, #tpu.memory_space<vmem>>, vector<1x16xf32>,
      %broadcast_in_dim3A_571 = arith.constant 0.000000e+00 : f32
      %broadcast_in_dim3A_572 = vector.broadcast %broadcast_in_dim3A_571 : f32 to vector<16xf32>
      %swap3A_573 = arith.index_cast %add3A_544 : i32 to index
      %swap3A_574 = arith.constant 64 : index
      %swap3A_575 = tpu.vector_load %arg14[%swap3A_573, %swap3A_574] {strides = array<i32>} : memref<80x128xf32, #tpu.memory_space<vmem>>, vector<1x16xf32>,
      %swap3A_576 = vector.shape_cast %swap3A_575 : vector<1x16xf32> to vector<16xf32>
      %swap3A_577 = vector.shape_cast %broadcast_in_dim3A_572 : vector<16xf32> to vector<1x16xf32>
      tpu.vector_store %arg14[%swap3A_573, %swap3A_574], %swap3A_577 {strides = array<i32>} : memref<80x128xf32, #tpu.memory_space<vmem>>, vector<1x16xf32>,
      %broadcast_in_dim3A_578 = arith.constant 0.000000e+00 : f32
      %broadcast_in_dim3A_579 = vector.broadcast %broadcast_in_dim3A_578 : f32 to vector<16xf32>
      %swap3A_580 = arith.index_cast %add3A_544 : i32 to index
      %swap3A_581 = arith.constant 80 : index
      %swap3A_582 = tpu.vector_load %arg14[%swap3A_580, %swap3A_581] {strides = array<i32>} : memref<80x128xf32, #tpu.memory_space<vmem>>, vector<1x16xf32>,
      %swap3A_583 = vector.shape_cast %swap3A_582 : vector<1x16xf32> to vector<16xf32>
      %swap3A_584 = vector.shape_cast %broadcast_in_dim3A_579 : vector<16xf32> to vector<1x16xf32>
      tpu.vector_store %arg14[%swap3A_580, %swap3A_581], %swap3A_584 {strides = array<i32>} : memref<80x128xf32, #tpu.memory_space<vmem>>, vector<1x16xf32>,
      %broadcast_in_dim3A_585 = arith.constant 0.000000e+00 : f32
      %broadcast_in_dim3A_586 = vector.broadcast %broadcast_in_dim3A_585 : f32 to vector<16xf32>
      %swap3A_587 = arith.index_cast %add3A_544 : i32 to index
      %swap3A_588 = arith.constant 96 : index
      %swap3A_589 = tpu.vector_load %arg14[%swap3A_587, %swap3A_588] {strides = array<i32>} : memref<80x128xf32, #tpu.memory_space<vmem>>, vector<1x16xf32>,
      %swap3A_590 = vector.shape_cast %swap3A_589 : vector<1x16xf32> to vector<16xf32>
      %swap3A_591 = vector.shape_cast %broadcast_in_dim3A_586 : vector<16xf32> to vector<1x16xf32>
      tpu.vector_store %arg14[%swap3A_587, %swap3A_588], %swap3A_591 {strides = array<i32>} : memref<80x128xf32, #tpu.memory_space<vmem>>, vector<1x16xf32>,
      %broadcast_in_dim3A_592 = arith.constant 0.000000e+00 : f32
      %broadcast_in_dim3A_593 = vector.broadcast %broadcast_in_dim3A_592 : f32 to vector<16xf32>
      %swap3A_594 = arith.index_cast %add3A_544 : i32 to index
      %swap3A_595 = arith.constant 112 : index
      %swap3A_596 = tpu.vector_load %arg14[%swap3A_594, %swap3A_595] {strides = array<i32>} : memref<80x128xf32, #tpu.memory_space<vmem>>, vector<1x16xf32>,
      %swap3A_597 = vector.shape_cast %swap3A_596 : vector<1x16xf32> to vector<16xf32>
      %swap3A_598 = vector.shape_cast %broadcast_in_dim3A_593 : vector<16xf32> to vector<1x16xf32>
      tpu.vector_store %arg14[%swap3A_594, %swap3A_595], %swap3A_598 {strides = array<i32>} : memref<80x128xf32, #tpu.memory_space<vmem>>, vector<1x16xf32>,
    }
    %scan3A_4 = arith.constant 80 : i32
    %mul3A_5 = arith.constant 624 : i32
    %mul3A_6 = arith.muli %arg1, %mul3A_5 : i32
    %add3A_7 = arith.constant 0 : i32
    %add3A_8 = arith.addi %mul3A_6, %add3A_7 : i32
    %dma_start3A = arith.constant 0 : i32
    %dma_start3A_9 = tpu.memref_slice %arg18[%add3A_8, %dma_start3A] : memref<10000x128xf32, #tpu.memory_space<vmem_shared>> -> memref<80x128xf32, #tpu.memory_space<vmem_shared>>
    %dma_start3A_10 = arith.constant 0 : i32
    %dma_start3A_11 = tpu.memref_slice %arg18[%add3A_8, %dma_start3A_10] : memref<10000x128xf32, #tpu.memory_space<vmem_shared>> -> memref<80x128xf32, #tpu.memory_space<vmem_shared>>
    tpu.enqueue_dma source(%arg14 : memref<80x128xf32, #tpu.memory_space<vmem>>) target(%dma_start3A_11 : memref<80x128xf32, #tpu.memory_space<vmem_shared>>) target_semaphore(%arg23 : memref<!tpu.dma_semaphore, #tpu.memory_space<semaphore_mem>>)
    %mul3A_12 = arith.constant 624 : i32
    %mul3A_13 = arith.muli %arg1, %mul3A_12 : i32
    %add3A_14 = arith.constant 80 : i32
    %add3A_15 = arith.addi %mul3A_13, %add3A_14 : i32
    %dma_start3A_16 = arith.constant 0 : i32
    %dma_start3A_17 = tpu.memref_slice %arg18[%add3A_15, %dma_start3A_16] : memref<10000x128xf32, #tpu.memory_space<vmem_shared>> -> memref<80x128xf32, #tpu.memory_space<vmem_shared>>
    %dma_start3A_18 = arith.constant 0 : i32
    %dma_start3A_19 = tpu.memref_slice %arg18[%add3A_15, %dma_start3A_18] : memref<10000x128xf32, #tpu.memory_space<vmem_shared>> -> memref<80x128xf32, #tpu.memory_space<vmem_shared>>
    tpu.enqueue_dma source(%arg14 : memref<80x128xf32, #tpu.memory_space<vmem>>) target(%dma_start3A_19 : memref<80x128xf32, #tpu.memory_space<vmem_shared>>) target_semaphore(%arg24 : memref<!tpu.dma_semaphore, #tpu.memory_space<semaphore_mem>>)
    %mul3A_20 = arith.constant 624 : i32
    %mul3A_21 = arith.muli %arg1, %mul3A_20 : i32
    %add3A_22 = arith.constant 160 : i32
    %add3A_23 = arith.addi %mul3A_21, %add3A_22 : i32
    %dma_start3A_24 = arith.constant 0 : i32
    %dma_start3A_25 = tpu.memref_slice %arg18[%add3A_23, %dma_start3A_24] : memref<10000x128xf32, #tpu.memory_space<vmem_shared>> -> memref<80x128xf32, #tpu.memory_space<vmem_shared>>
    %dma_start3A_26 = arith.constant 0 : i32
    %dma_start3A_27 = tpu.memref_slice %arg18[%add3A_23, %dma_start3A_26] : memref<10000x128xf32, #tpu.memory_space<vmem_shared>> -> memref<80x128xf32, #tpu.memory_space<vmem_shared>>
    tpu.enqueue_dma source(%arg14 : memref<80x128xf32, #tpu.memory_space<vmem>>) target(%dma_start3A_27 : memref<80x128xf32, #tpu.memory_space<vmem_shared>>) target_semaphore(%arg25 : memref<!tpu.dma_semaphore, #tpu.memory_space<semaphore_mem>>)
    %mul3A_28 = arith.constant 624 : i32
    %mul3A_29 = arith.muli %arg1, %mul3A_28 : i32
    %add3A_30 = arith.constant 240 : i32
    %add3A_31 = arith.addi %mul3A_29, %add3A_30 : i32
    %dma_start3A_32 = arith.constant 0 : i32
    %dma_start3A_33 = tpu.memref_slice %arg18[%add3A_31, %dma_start3A_32] : memref<10000x128xf32, #tpu.memory_space<vmem_shared>> -> memref<80x128xf32, #tpu.memory_space<vmem_shared>>
    %dma_start3A_34 = arith.constant 0 : i32
    %dma_start3A_35 = tpu.memref_slice %arg18[%add3A_31, %dma_start3A_34] : memref<10000x128xf32, #tpu.memory_space<vmem_shared>> -> memref<80x128xf32, #tpu.memory_space<vmem_shared>>
    tpu.enqueue_dma source(%arg14 : memref<80x128xf32, #tpu.memory_space<vmem>>) target(%dma_start3A_35 : memref<80x128xf32, #tpu.memory_space<vmem_shared>>) target_semaphore(%arg26 : memref<!tpu.dma_semaphore, #tpu.memory_space<semaphore_mem>>)
    %mul3A_36 = arith.constant 624 : i32
    %mul3A_37 = arith.muli %arg1, %mul3A_36 : i32
    %add3A_38 = arith.constant 320 : i32
    %add3A_39 = arith.addi %mul3A_37, %add3A_38 : i32
    %dma_start3A_40 = arith.constant 0 : i32
    %dma_start3A_41 = tpu.memref_slice %arg18[%add3A_39, %dma_start3A_40] : memref<10000x128xf32, #tpu.memory_space<vmem_shared>> -> memref<80x128xf32, #tpu.memory_space<vmem_shared>>
    %dma_start3A_42 = arith.constant 0 : i32
    %dma_start3A_43 = tpu.memref_slice %arg18[%add3A_39, %dma_start3A_42] : memref<10000x128xf32, #tpu.memory_space<vmem_shared>> -> memref<80x128xf32, #tpu.memory_space<vmem_shared>>
    tpu.enqueue_dma source(%arg14 : memref<80x128xf32, #tpu.memory_space<vmem>>) target(%dma_start3A_43 : memref<80x128xf32, #tpu.memory_space<vmem_shared>>) target_semaphore(%arg27 : memref<!tpu.dma_semaphore, #tpu.memory_space<semaphore_mem>>)
    %mul3A_44 = arith.constant 624 : i32
    %mul3A_45 = arith.muli %arg1, %mul3A_44 : i32
    %add3A_46 = arith.constant 400 : i32
    %add3A_47 = arith.addi %mul3A_45, %add3A_46 : i32
    %dma_start3A_48 = arith.constant 0 : i32
    %dma_start3A_49 = tpu.memref_slice %arg18[%add3A_47, %dma_start3A_48] : memref<10000x128xf32, #tpu.memory_space<vmem_shared>> -> memref<80x128xf32, #tpu.memory_space<vmem_shared>>
    %dma_start3A_50 = arith.constant 0 : i32
    %dma_start3A_51 = tpu.memref_slice %arg18[%add3A_47, %dma_start3A_50] : memref<10000x128xf32, #tpu.memory_space<vmem_shared>> -> memref<80x128xf32, #tpu.memory_space<vmem_shared>>
    tpu.enqueue_dma source(%arg14 : memref<80x128xf32, #tpu.memory_space<vmem>>) target(%dma_start3A_51 : memref<80x128xf32, #tpu.memory_space<vmem_shared>>) target_semaphore(%arg28 : memref<!tpu.dma_semaphore, #tpu.memory_space<semaphore_mem>>)
    %mul3A_52 = arith.constant 624 : i32
    %mul3A_53 = arith.muli %arg1, %mul3A_52 : i32
    %add3A_54 = arith.constant 480 : i32
    %add3A_55 = arith.addi %mul3A_53, %add3A_54 : i32
    %dma_start3A_56 = arith.constant 0 : i32
    %dma_start3A_57 = tpu.memref_slice %arg18[%add3A_55, %dma_start3A_56] : memref<10000x128xf32, #tpu.memory_space<vmem_shared>> -> memref<80x128xf32, #tpu.memory_space<vmem_shared>>
    %dma_start3A_58 = arith.constant 0 : i32
    %dma_start3A_59 = tpu.memref_slice %arg18[%add3A_55, %dma_start3A_58] : memref<10000x128xf32, #tpu.memory_space<vmem_shared>> -> memref<80x128xf32, #tpu.memory_space<vmem_shared>>
    tpu.enqueue_dma source(%arg14 : memref<80x128xf32, #tpu.memory_space<vmem>>) target(%dma_start3A_59 : memref<80x128xf32, #tpu.memory_space<vmem_shared>>) target_semaphore(%arg29 : memref<!tpu.dma_semaphore, #tpu.memory_space<semaphore_mem>>)
    %mul3A_60 = arith.constant 624 : i32
    %mul3A_61 = arith.muli %arg1, %mul3A_60 : i32
    %add3A_62 = arith.constant 560 : i32
    %add3A_63 = arith.addi %mul3A_61, %add3A_62 : i32
    %dma_start3A_64 = arith.constant 0 : i32
    %dma_start3A_65 = arith.constant 0 : i32
    %dma_start3A_66 = tpu.memref_slice %arg14[%dma_start3A_64, %dma_start3A_65] : memref<80x128xf32, #tpu.memory_space<vmem>> -> memref<64x128xf32, #tpu.memory_space<vmem>>
    %dma_start3A_67 = arith.constant 0 : i32
    %dma_start3A_68 = tpu.memref_slice %arg18[%add3A_63, %dma_start3A_67] : memref<10000x128xf32, #tpu.memory_space<vmem_shared>> -> memref<64x128xf32, #tpu.memory_space<vmem_shared>>
    %dma_start3A_69 = arith.constant 0 : i32
    %dma_start3A_70 = tpu.memref_slice %arg18[%add3A_63, %dma_start3A_69] : memref<10000x128xf32, #tpu.memory_space<vmem_shared>> -> memref<64x128xf32, #tpu.memory_space<vmem_shared>>
    %dma_start3A_71 = arith.constant 0 : i32
    %dma_start3A_72 = arith.constant 0 : i32
    %dma_start3A_73 = tpu.memref_slice %arg14[%dma_start3A_71, %dma_start3A_72] : memref<80x128xf32, #tpu.memory_space<vmem>> -> memref<64x128xf32, #tpu.memory_space<vmem>>
    tpu.enqueue_dma source(%dma_start3A_73 : memref<64x128xf32, #tpu.memory_space<vmem>>) target(%dma_start3A_70 : memref<64x128xf32, #tpu.memory_space<vmem_shared>>) target_semaphore(%arg30 : memref<!tpu.dma_semaphore, #tpu.memory_space<semaphore_mem>>)
    %eq3A = arith.constant 15 : i32
    %eq3A_74 = arith.cmpi eq, %arg1, %eq3A : i32
    %convert_element_type3A = arith.extui %eq3A_74 : i1 to i32
    %cond3A = arith.constant 0 : i32
    %cond3A_75 = arith.cmpi ne, %convert_element_type3A, %cond3A : i32
    scf.if %cond3A_75 {
      %dma_start3A_540 = arith.constant 0 : i32
      %dma_start3A_541 = arith.constant 0 : i32
      %dma_start3A_542 = tpu.memref_slice %arg14[%dma_start3A_540, %dma_start3A_541] : memref<80x128xf32, #tpu.memory_space<vmem>> -> memref<16x128xf32, #tpu.memory_space<vmem>>
      %dma_start3A_543 = arith.constant 9984 : i32
      %dma_start3A_544 = arith.constant 0 : i32
      %dma_start3A_545 = tpu.memref_slice %arg18[%dma_start3A_543, %dma_start3A_544] : memref<10000x128xf32, #tpu.memory_space<vmem_shared>> -> memref<16x128xf32, #tpu.memory_space<vmem_shared>>
      %dma_start3A_546 = arith.constant 9984 : i32
      %dma_start3A_547 = arith.constant 0 : i32
      %dma_start3A_548 = tpu.memref_slice %arg18[%dma_start3A_546, %dma_start3A_547] : memref<10000x128xf32, #tpu.memory_space<vmem_shared>> -> memref<16x128xf32, #tpu.memory_space<vmem_shared>>
      %dma_start3A_549 = arith.constant 0 : i32
      %dma_start3A_550 = arith.constant 0 : i32
      %dma_start3A_551 = tpu.memref_slice %arg14[%dma_start3A_549, %dma_start3A_550] : memref<80x128xf32, #tpu.memory_space<vmem>> -> memref<16x128xf32, #tpu.memory_space<vmem>>
      tpu.enqueue_dma source(%dma_start3A_551 : memref<16x128xf32, #tpu.memory_space<vmem>>) target(%dma_start3A_548 : memref<16x128xf32, #tpu.memory_space<vmem_shared>>) target_semaphore(%arg19 : memref<!tpu.dma_semaphore, #tpu.memory_space<semaphore_mem>>)
      %dma_wait3A_552 = arith.constant 0 : i32
      %dma_wait3A_553 = arith.constant 0 : i32
      %dma_wait3A_554 = tpu.memref_slice %arg14[%dma_wait3A_552, %dma_wait3A_553] : memref<80x128xf32, #tpu.memory_space<vmem>> -> memref<16x128xf32, #tpu.memory_space<vmem>>
      %dma_wait3A_555 = arith.constant 9984 : i32
      %dma_wait3A_556 = arith.constant 0 : i32
      %dma_wait3A_557 = tpu.memref_slice %arg18[%dma_wait3A_555, %dma_wait3A_556] : memref<10000x128xf32, #tpu.memory_space<vmem_shared>> -> memref<16x128xf32, #tpu.memory_space<vmem_shared>>
      %dma_wait3A_558 = arith.constant 9984 : i32
      %dma_wait3A_559 = arith.constant 0 : i32
      %dma_wait3A_560 = tpu.memref_slice %arg18[%dma_wait3A_558, %dma_wait3A_559] : memref<10000x128xf32, #tpu.memory_space<vmem_shared>> -> memref<16x128xf32, #tpu.memory_space<vmem_shared>>
      %dma_wait3A_561 = arith.constant 0 : i32
      %dma_wait3A_562 = arith.constant 0 : i32
      %dma_wait3A_563 = tpu.memref_slice %arg14[%dma_wait3A_561, %dma_wait3A_562] : memref<80x128xf32, #tpu.memory_space<vmem>> -> memref<16x128xf32, #tpu.memory_space<vmem>>
      tpu.wait_dma2 semaphore(%arg19 : memref<!tpu.dma_semaphore, #tpu.memory_space<semaphore_mem>>) src(%dma_wait3A_563 : memref<16x128xf32, #tpu.memory_space<vmem>>) dst(%dma_wait3A_560 : memref<16x128xf32, #tpu.memory_space<vmem_shared>>)
    } else {
    }
    %mul3A_76 = arith.constant 624 : i32
    %mul3A_77 = arith.muli %arg1, %mul3A_76 : i32
    %add3A_78 = arith.constant 0 : i32
    %add3A_79 = arith.addi %mul3A_77, %add3A_78 : i32
    %dma_wait3A = arith.constant 0 : i32
    %dma_wait3A_80 = tpu.memref_slice %arg18[%add3A_79, %dma_wait3A] : memref<10000x128xf32, #tpu.memory_space<vmem_shared>> -> memref<80x128xf32, #tpu.memory_space<vmem_shared>>
    %dma_wait3A_81 = arith.constant 0 : i32
    %dma_wait3A_82 = tpu.memref_slice %arg18[%add3A_79, %dma_wait3A_81] : memref<10000x128xf32, #tpu.memory_space<vmem_shared>> -> memref<80x128xf32, #tpu.memory_space<vmem_shared>>
    tpu.wait_dma2 semaphore(%arg23 : memref<!tpu.dma_semaphore, #tpu.memory_space<semaphore_mem>>) src(%arg14 : memref<80x128xf32, #tpu.memory_space<vmem>>) dst(%dma_wait3A_82 : memref<80x128xf32, #tpu.memory_space<vmem_shared>>)
    %mul3A_83 = arith.constant 624 : i32
    %mul3A_84 = arith.muli %arg1, %mul3A_83 : i32
    %add3A_85 = arith.constant 80 : i32
    %add3A_86 = arith.addi %mul3A_84, %add3A_85 : i32
    %dma_wait3A_87 = arith.constant 0 : i32
    %dma_wait3A_88 = tpu.memref_slice %arg18[%add3A_86, %dma_wait3A_87] : memref<10000x128xf32, #tpu.memory_space<vmem_shared>> -> memref<80x128xf32, #tpu.memory_space<vmem_shared>>
    %dma_wait3A_89 = arith.constant 0 : i32
    %dma_wait3A_90 = tpu.memref_slice %arg18[%add3A_86, %dma_wait3A_89] : memref<10000x128xf32, #tpu.memory_space<vmem_shared>> -> memref<80x128xf32, #tpu.memory_space<vmem_shared>>
    tpu.wait_dma2 semaphore(%arg24 : memref<!tpu.dma_semaphore, #tpu.memory_space<semaphore_mem>>) src(%arg14 : memref<80x128xf32, #tpu.memory_space<vmem>>) dst(%dma_wait3A_90 : memref<80x128xf32, #tpu.memory_space<vmem_shared>>)
    %mul3A_91 = arith.constant 624 : i32
    %mul3A_92 = arith.muli %arg1, %mul3A_91 : i32
    %add3A_93 = arith.constant 160 : i32
    %add3A_94 = arith.addi %mul3A_92, %add3A_93 : i32
    %dma_wait3A_95 = arith.constant 0 : i32
    %dma_wait3A_96 = tpu.memref_slice %arg18[%add3A_94, %dma_wait3A_95] : memref<10000x128xf32, #tpu.memory_space<vmem_shared>> -> memref<80x128xf32, #tpu.memory_space<vmem_shared>>
    %dma_wait3A_97 = arith.constant 0 : i32
    %dma_wait3A_98 = tpu.memref_slice %arg18[%add3A_94, %dma_wait3A_97] : memref<10000x128xf32, #tpu.memory_space<vmem_shared>> -> memref<80x128xf32, #tpu.memory_space<vmem_shared>>
    tpu.wait_dma2 semaphore(%arg25 : memref<!tpu.dma_semaphore, #tpu.memory_space<semaphore_mem>>) src(%arg14 : memref<80x128xf32, #tpu.memory_space<vmem>>) dst(%dma_wait3A_98 : memref<80x128xf32, #tpu.memory_space<vmem_shared>>)
    %mul3A_99 = arith.constant 624 : i32
    %mul3A_100 = arith.muli %arg1, %mul3A_99 : i32
    %add3A_101 = arith.constant 240 : i32
    %add3A_102 = arith.addi %mul3A_100, %add3A_101 : i32
    %dma_wait3A_103 = arith.constant 0 : i32
    %dma_wait3A_104 = tpu.memref_slice %arg18[%add3A_102, %dma_wait3A_103] : memref<10000x128xf32, #tpu.memory_space<vmem_shared>> -> memref<80x128xf32, #tpu.memory_space<vmem_shared>>
    %dma_wait3A_105 = arith.constant 0 : i32
    %dma_wait3A_106 = tpu.memref_slice %arg18[%add3A_102, %dma_wait3A_105] : memref<10000x128xf32, #tpu.memory_space<vmem_shared>> -> memref<80x128xf32, #tpu.memory_space<vmem_shared>>
    tpu.wait_dma2 semaphore(%arg26 : memref<!tpu.dma_semaphore, #tpu.memory_space<semaphore_mem>>) src(%arg14 : memref<80x128xf32, #tpu.memory_space<vmem>>) dst(%dma_wait3A_106 : memref<80x128xf32, #tpu.memory_space<vmem_shared>>)
    %mul3A_107 = arith.constant 624 : i32
    %mul3A_108 = arith.muli %arg1, %mul3A_107 : i32
    %add3A_109 = arith.constant 320 : i32
    %add3A_110 = arith.addi %mul3A_108, %add3A_109 : i32
    %dma_wait3A_111 = arith.constant 0 : i32
    %dma_wait3A_112 = tpu.memref_slice %arg18[%add3A_110, %dma_wait3A_111] : memref<10000x128xf32, #tpu.memory_space<vmem_shared>> -> memref<80x128xf32, #tpu.memory_space<vmem_shared>>
    %dma_wait3A_113 = arith.constant 0 : i32
    %dma_wait3A_114 = tpu.memref_slice %arg18[%add3A_110, %dma_wait3A_113] : memref<10000x128xf32, #tpu.memory_space<vmem_shared>> -> memref<80x128xf32, #tpu.memory_space<vmem_shared>>
    tpu.wait_dma2 semaphore(%arg27 : memref<!tpu.dma_semaphore, #tpu.memory_space<semaphore_mem>>) src(%arg14 : memref<80x128xf32, #tpu.memory_space<vmem>>) dst(%dma_wait3A_114 : memref<80x128xf32, #tpu.memory_space<vmem_shared>>)
    %mul3A_115 = arith.constant 624 : i32
    %mul3A_116 = arith.muli %arg1, %mul3A_115 : i32
    %add3A_117 = arith.constant 400 : i32
    %add3A_118 = arith.addi %mul3A_116, %add3A_117 : i32
    %dma_wait3A_119 = arith.constant 0 : i32
    %dma_wait3A_120 = tpu.memref_slice %arg18[%add3A_118, %dma_wait3A_119] : memref<10000x128xf32, #tpu.memory_space<vmem_shared>> -> memref<80x128xf32, #tpu.memory_space<vmem_shared>>
    %dma_wait3A_121 = arith.constant 0 : i32
    %dma_wait3A_122 = tpu.memref_slice %arg18[%add3A_118, %dma_wait3A_121] : memref<10000x128xf32, #tpu.memory_space<vmem_shared>> -> memref<80x128xf32, #tpu.memory_space<vmem_shared>>
    tpu.wait_dma2 semaphore(%arg28 : memref<!tpu.dma_semaphore, #tpu.memory_space<semaphore_mem>>) src(%arg14 : memref<80x128xf32, #tpu.memory_space<vmem>>) dst(%dma_wait3A_122 : memref<80x128xf32, #tpu.memory_space<vmem_shared>>)
    %mul3A_123 = arith.constant 624 : i32
    %mul3A_124 = arith.muli %arg1, %mul3A_123 : i32
    %add3A_125 = arith.constant 480 : i32
    %add3A_126 = arith.addi %mul3A_124, %add3A_125 : i32
    %dma_wait3A_127 = arith.constant 0 : i32
    %dma_wait3A_128 = tpu.memref_slice %arg18[%add3A_126, %dma_wait3A_127] : memref<10000x128xf32, #tpu.memory_space<vmem_shared>> -> memref<80x128xf32, #tpu.memory_space<vmem_shared>>
    %dma_wait3A_129 = arith.constant 0 : i32
    %dma_wait3A_130 = tpu.memref_slice %arg18[%add3A_126, %dma_wait3A_129] : memref<10000x128xf32, #tpu.memory_space<vmem_shared>> -> memref<80x128xf32, #tpu.memory_space<vmem_shared>>
    tpu.wait_dma2 semaphore(%arg29 : memref<!tpu.dma_semaphore, #tpu.memory_space<semaphore_mem>>) src(%arg14 : memref<80x128xf32, #tpu.memory_space<vmem>>) dst(%dma_wait3A_130 : memref<80x128xf32, #tpu.memory_space<vmem_shared>>)
    %mul3A_131 = arith.constant 624 : i32
    %mul3A_132 = arith.muli %arg1, %mul3A_131 : i32
    %add3A_133 = arith.constant 560 : i32
    %add3A_134 = arith.addi %mul3A_132, %add3A_133 : i32
    %dma_wait3A_135 = arith.constant 0 : i32
    %dma_wait3A_136 = arith.constant 0 : i32
    %dma_wait3A_137 = tpu.memref_slice %arg14[%dma_wait3A_135, %dma_wait3A_136] : memref<80x128xf32, #tpu.memory_space<vmem>> -> memref<64x128xf32, #tpu.memory_space<vmem>>
    %dma_wait3A_138 = arith.constant 0 : i32
    %dma_wait3A_139 = tpu.memref_slice %arg18[%add3A_134, %dma_wait3A_138] : memref<10000x128xf32, #tpu.memory_space<vmem_shared>> -> memref<64x128xf32, #tpu.memory_space<vmem_shared>>
    %dma_wait3A_140 = arith.constant 0 : i32
    %dma_wait3A_141 = tpu.memref_slice %arg18[%add3A_134, %dma_wait3A_140] : memref<10000x128xf32, #tpu.memory_space<vmem_shared>> -> memref<64x128xf32, #tpu.memory_space<vmem_shared>>
    %dma_wait3A_142 = arith.constant 0 : i32
    %dma_wait3A_143 = arith.constant 0 : i32
    %dma_wait3A_144 = tpu.memref_slice %arg14[%dma_wait3A_142, %dma_wait3A_143] : memref<80x128xf32, #tpu.memory_space<vmem>> -> memref<64x128xf32, #tpu.memory_space<vmem>>
    tpu.wait_dma2 semaphore(%arg30 : memref<!tpu.dma_semaphore, #tpu.memory_space<semaphore_mem>>) src(%dma_wait3A_144 : memref<64x128xf32, #tpu.memory_space<vmem>>) dst(%dma_wait3A_141 : memref<64x128xf32, #tpu.memory_space<vmem_shared>>)
    %barrier3A = arith.constant 0 : index
    tpu.barrier barrier_id(%barrier3A)
    %mul3A_145 = arith.constant 10000 : i32
    %mul3A_146 = arith.muli %add3A, %mul3A_145 : i32
    %add3A_147 = arith.constant 0 : i32
    %add3A_148 = arith.addi %mul3A_146, %add3A_147 : i32
    %dma_start3A_149 = tpu.memref_slice %arg2[%add3A_148] : memref<320000xi32, #tpu.memory_space<hbm>> -> memref<80xi32, #tpu.memory_space<hbm>>
    %dma_start3A_150 = tpu.memref_slice %arg2[%add3A_148] : memref<320000xi32, #tpu.memory_space<hbm>> -> memref<80xi32, #tpu.memory_space<hbm>>
    tpu.enqueue_dma source(%dma_start3A_150 : memref<80xi32, #tpu.memory_space<hbm>>) target(%arg6 : memref<80xi32, #tpu.memory_space<vmem>>) target_semaphore(%arg19 : memref<!tpu.dma_semaphore, #tpu.memory_space<semaphore_mem>>)
    %dma_start3A_151 = tpu.memref_slice %arg3[%add3A_148] : memref<320000xi32, #tpu.memory_space<hbm>> -> memref<80xi32, #tpu.memory_space<hbm>>
    %dma_start3A_152 = tpu.memref_slice %arg3[%add3A_148] : memref<320000xi32, #tpu.memory_space<hbm>> -> memref<80xi32, #tpu.memory_space<hbm>>
    tpu.enqueue_dma source(%dma_start3A_152 : memref<80xi32, #tpu.memory_space<hbm>>) target(%arg10 : memref<80xi32, #tpu.memory_space<vmem>>) target_semaphore(%arg19 : memref<!tpu.dma_semaphore, #tpu.memory_space<semaphore_mem>>)
    %mul3A_153 = arith.constant 10000 : i32
    %mul3A_154 = arith.muli %add3A, %mul3A_153 : i32
    %add3A_155 = arith.constant 80 : i32
    %add3A_156 = arith.addi %mul3A_154, %add3A_155 : i32
    %dma_start3A_157 = tpu.memref_slice %arg2[%add3A_156] : memref<320000xi32, #tpu.memory_space<hbm>> -> memref<80xi32, #tpu.memory_space<hbm>>
    %dma_start3A_158 = tpu.memref_slice %arg2[%add3A_156] : memref<320000xi32, #tpu.memory_space<hbm>> -> memref<80xi32, #tpu.memory_space<hbm>>
    tpu.enqueue_dma source(%dma_start3A_158 : memref<80xi32, #tpu.memory_space<hbm>>) target(%arg7 : memref<80xi32, #tpu.memory_space<vmem>>) target_semaphore(%arg20 : memref<!tpu.dma_semaphore, #tpu.memory_space<semaphore_mem>>)
    %dma_start3A_159 = tpu.memref_slice %arg3[%add3A_156] : memref<320000xi32, #tpu.memory_space<hbm>> -> memref<80xi32, #tpu.memory_space<hbm>>
    %dma_start3A_160 = tpu.memref_slice %arg3[%add3A_156] : memref<320000xi32, #tpu.memory_space<hbm>> -> memref<80xi32, #tpu.memory_space<hbm>>
    tpu.enqueue_dma source(%dma_start3A_160 : memref<80xi32, #tpu.memory_space<hbm>>) target(%arg11 : memref<80xi32, #tpu.memory_space<vmem>>) target_semaphore(%arg20 : memref<!tpu.dma_semaphore, #tpu.memory_space<semaphore_mem>>)
    %mul3A_161 = arith.constant 10000 : i32
    %mul3A_162 = arith.muli %add3A, %mul3A_161 : i32
    %add3A_163 = arith.constant 160 : i32
    %add3A_164 = arith.addi %mul3A_162, %add3A_163 : i32
    %dma_start3A_165 = tpu.memref_slice %arg2[%add3A_164] : memref<320000xi32, #tpu.memory_space<hbm>> -> memref<80xi32, #tpu.memory_space<hbm>>
    %dma_start3A_166 = tpu.memref_slice %arg2[%add3A_164] : memref<320000xi32, #tpu.memory_space<hbm>> -> memref<80xi32, #tpu.memory_space<hbm>>
    tpu.enqueue_dma source(%dma_start3A_166 : memref<80xi32, #tpu.memory_space<hbm>>) target(%arg8 : memref<80xi32, #tpu.memory_space<vmem>>) target_semaphore(%arg21 : memref<!tpu.dma_semaphore, #tpu.memory_space<semaphore_mem>>)
    %dma_start3A_167 = tpu.memref_slice %arg3[%add3A_164] : memref<320000xi32, #tpu.memory_space<hbm>> -> memref<80xi32, #tpu.memory_space<hbm>>
    %dma_start3A_168 = tpu.memref_slice %arg3[%add3A_164] : memref<320000xi32, #tpu.memory_space<hbm>> -> memref<80xi32, #tpu.memory_space<hbm>>
    tpu.enqueue_dma source(%dma_start3A_168 : memref<80xi32, #tpu.memory_space<hbm>>) target(%arg12 : memref<80xi32, #tpu.memory_space<vmem>>) target_semaphore(%arg21 : memref<!tpu.dma_semaphore, #tpu.memory_space<semaphore_mem>>)
    %mul3A_169 = arith.constant 10000 : i32
    %mul3A_170 = arith.muli %add3A, %mul3A_169 : i32
    %add3A_171 = arith.constant 240 : i32
    %add3A_172 = arith.addi %mul3A_170, %add3A_171 : i32
    %dma_start3A_173 = tpu.memref_slice %arg2[%add3A_172] : memref<320000xi32, #tpu.memory_space<hbm>> -> memref<80xi32, #tpu.memory_space<hbm>>
    %dma_start3A_174 = tpu.memref_slice %arg2[%add3A_172] : memref<320000xi32, #tpu.memory_space<hbm>> -> memref<80xi32, #tpu.memory_space<hbm>>
    tpu.enqueue_dma source(%dma_start3A_174 : memref<80xi32, #tpu.memory_space<hbm>>) target(%arg9 : memref<80xi32, #tpu.memory_space<vmem>>) target_semaphore(%arg22 : memref<!tpu.dma_semaphore, #tpu.memory_space<semaphore_mem>>)
    %dma_start3A_175 = tpu.memref_slice %arg3[%add3A_172] : memref<320000xi32, #tpu.memory_space<hbm>> -> memref<80xi32, #tpu.memory_space<hbm>>
    %dma_start3A_176 = tpu.memref_slice %arg3[%add3A_172] : memref<320000xi32, #tpu.memory_space<hbm>> -> memref<80xi32, #tpu.memory_space<hbm>>
    tpu.enqueue_dma source(%dma_start3A_176 : memref<80xi32, #tpu.memory_space<hbm>>) target(%arg13 : memref<80xi32, #tpu.memory_space<vmem>>) target_semaphore(%arg22 : memref<!tpu.dma_semaphore, #tpu.memory_space<semaphore_mem>>)
    %scan3A_177 = arith.constant 0 : i32
    %scan3A_178 = arith.constant 31 : i32
    %scan3A_179 = arith.addi %scan3A_177, %scan3A_178 : i32
    %scan3A_180 = arith.constant 1 : i32
    scf.for %scan3A_540 = %scan3A_177 to %scan3A_179 step %scan3A_180  : i32 {
      %mul3A_541 = arith.constant 1 : i32
      %mul3A_542 = arith.muli %scan3A_540, %mul3A_541 : i32
      %add3A_543 = arith.constant 0 : i32
      %add3A_544 = arith.addi %add3A_543, %mul3A_542 : i32
      %dma_wait3A_545 = arith.constant 0 : i32
      %dma_wait3A_546 = tpu.memref_slice %arg2[%dma_wait3A_545] : memref<320000xi32, #tpu.memory_space<hbm>> -> memref<80xi32, #tpu.memory_space<hbm>>
      %dma_wait3A_547 = arith.constant 0 : i32
      %dma_wait3A_548 = tpu.memref_slice %arg2[%dma_wait3A_547] : memref<320000xi32, #tpu.memory_space<hbm>> -> memref<80xi32, #tpu.memory_space<hbm>>
      tpu.wait_dma2 semaphore(%arg19 : memref<!tpu.dma_semaphore, #tpu.memory_space<semaphore_mem>>) src(%dma_wait3A_548 : memref<80xi32, #tpu.memory_space<hbm>>) dst(%arg6 : memref<80xi32, #tpu.memory_space<vmem>>)
      %dma_wait3A_549 = arith.constant 0 : i32
      %dma_wait3A_550 = tpu.memref_slice %arg2[%dma_wait3A_549] : memref<320000xi32, #tpu.memory_space<hbm>> -> memref<80xi32, #tpu.memory_space<hbm>>
      %dma_wait3A_551 = arith.constant 0 : i32
      %dma_wait3A_552 = tpu.memref_slice %arg2[%dma_wait3A_551] : memref<320000xi32, #tpu.memory_space<hbm>> -> memref<80xi32, #tpu.memory_space<hbm>>
      tpu.wait_dma2 semaphore(%arg19 : memref<!tpu.dma_semaphore, #tpu.memory_space<semaphore_mem>>) src(%dma_wait3A_552 : memref<80xi32, #tpu.memory_space<hbm>>) dst(%arg10 : memref<80xi32, #tpu.memory_space<vmem>>)
      %dma_start3A_553 = arith.constant 0 : i32
      %dma_start3A_554 = arith.constant 0 : i32
      %dma_start3A_555 = tpu.memref_slice %arg4[%dma_start3A_553, %dma_start3A_554] : memref<10000x128xf32, #tpu.memory_space<hbm>> -> memref<10000x128xf32, #tpu.memory_space<hbm>>
      tpu.enqueue_indirect_dma source(%dma_start3A_555 : memref<10000x128xf32, #tpu.memory_space<hbm>>) target(%arg14 : memref<80x128xf32, #tpu.memory_space<vmem>>) offsets(%arg6 : memref<80xi32, #tpu.memory_space<vmem>>) semaphore(%arg23 : memref<!tpu.dma_semaphore, #tpu.memory_space<semaphore_mem>>)
      %dma_wait3A_556 = arith.constant 0 : i32
      %dma_wait3A_557 = tpu.memref_slice %arg2[%dma_wait3A_556] : memref<320000xi32, #tpu.memory_space<hbm>> -> memref<80xi32, #tpu.memory_space<hbm>>
      %dma_wait3A_558 = arith.constant 0 : i32
      %dma_wait3A_559 = tpu.memref_slice %arg2[%dma_wait3A_558] : memref<320000xi32, #tpu.memory_space<hbm>> -> memref<80xi32, #tpu.memory_space<hbm>>
      tpu.wait_dma2 semaphore(%arg20 : memref<!tpu.dma_semaphore, #tpu.memory_space<semaphore_mem>>) src(%dma_wait3A_559 : memref<80xi32, #tpu.memory_space<hbm>>) dst(%arg7 : memref<80xi32, #tpu.memory_space<vmem>>)
      %dma_wait3A_560 = arith.constant 0 : i32
      %dma_wait3A_561 = tpu.memref_slice %arg2[%dma_wait3A_560] : memref<320000xi32, #tpu.memory_space<hbm>> -> memref<80xi32, #tpu.memory_space<hbm>>
      %dma_wait3A_562 = arith.constant 0 : i32
      %dma_wait3A_563 = tpu.memref_slice %arg2[%dma_wait3A_562] : memref<320000xi32, #tpu.memory_space<hbm>> -> memref<80xi32, #tpu.memory_space<hbm>>
      tpu.wait_dma2 semaphore(%arg20 : memref<!tpu.dma_semaphore, #tpu.memory_space<semaphore_mem>>) src(%dma_wait3A_563 : memref<80xi32, #tpu.memory_space<hbm>>) dst(%arg11 : memref<80xi32, #tpu.memory_space<vmem>>)
      %dma_start3A_564 = arith.constant 0 : i32
      %dma_start3A_565 = arith.constant 0 : i32
      %dma_start3A_566 = tpu.memref_slice %arg4[%dma_start3A_564, %dma_start3A_565] : memref<10000x128xf32, #tpu.memory_space<hbm>> -> memref<10000x128xf32, #tpu.memory_space<hbm>>
      tpu.enqueue_indirect_dma source(%dma_start3A_566 : memref<10000x128xf32, #tpu.memory_space<hbm>>) target(%arg15 : memref<80x128xf32, #tpu.memory_space<vmem>>) offsets(%arg7 : memref<80xi32, #tpu.memory_space<vmem>>) semaphore(%arg24 : memref<!tpu.dma_semaphore, #tpu.memory_space<semaphore_mem>>)
      %dma_wait3A_567 = arith.constant 0 : i32
      %dma_wait3A_568 = tpu.memref_slice %arg2[%dma_wait3A_567] : memref<320000xi32, #tpu.memory_space<hbm>> -> memref<80xi32, #tpu.memory_space<hbm>>
      %dma_wait3A_569 = arith.constant 0 : i32
      %dma_wait3A_570 = tpu.memref_slice %arg2[%dma_wait3A_569] : memref<320000xi32, #tpu.memory_space<hbm>> -> memref<80xi32, #tpu.memory_space<hbm>>
      tpu.wait_dma2 semaphore(%arg21 : memref<!tpu.dma_semaphore, #tpu.memory_space<semaphore_mem>>) src(%dma_wait3A_570 : memref<80xi32, #tpu.memory_space<hbm>>) dst(%arg8 : memref<80xi32, #tpu.memory_space<vmem>>)
      %dma_wait3A_571 = arith.constant 0 : i32
      %dma_wait3A_572 = tpu.memref_slice %arg2[%dma_wait3A_571] : memref<320000xi32, #tpu.memory_space<hbm>> -> memref<80xi32, #tpu.memory_space<hbm>>
      %dma_wait3A_573 = arith.constant 0 : i32
      %dma_wait3A_574 = tpu.memref_slice %arg2[%dma_wait3A_573] : memref<320000xi32, #tpu.memory_space<hbm>> -> memref<80xi32, #tpu.memory_space<hbm>>
      tpu.wait_dma2 semaphore(%arg21 : memref<!tpu.dma_semaphore, #tpu.memory_space<semaphore_mem>>) src(%dma_wait3A_574 : memref<80xi32, #tpu.memory_space<hbm>>) dst(%arg12 : memref<80xi32, #tpu.memory_space<vmem>>)
      %dma_start3A_575 = arith.constant 0 : i32
      %dma_start3A_576 = arith.constant 0 : i32
      %dma_start3A_577 = tpu.memref_slice %arg4[%dma_start3A_575, %dma_start3A_576] : memref<10000x128xf32, #tpu.memory_space<hbm>> -> memref<10000x128xf32, #tpu.memory_space<hbm>>
      tpu.enqueue_indirect_dma source(%dma_start3A_577 : memref<10000x128xf32, #tpu.memory_space<hbm>>) target(%arg16 : memref<80x128xf32, #tpu.memory_space<vmem>>) offsets(%arg8 : memref<80xi32, #tpu.memory_space<vmem>>) semaphore(%arg25 : memref<!tpu.dma_semaphore, #tpu.memory_space<semaphore_mem>>)
      %dma_wait3A_578 = arith.constant 0 : i32
      %dma_wait3A_579 = tpu.memref_slice %arg2[%dma_wait3A_578] : memref<320000xi32, #tpu.memory_space<hbm>> -> memref<80xi32, #tpu.memory_space<hbm>>
      %dma_wait3A_580 = arith.constant 0 : i32
      %dma_wait3A_581 = tpu.memref_slice %arg2[%dma_wait3A_580] : memref<320000xi32, #tpu.memory_space<hbm>> -> memref<80xi32, #tpu.memory_space<hbm>>
      tpu.wait_dma2 semaphore(%arg22 : memref<!tpu.dma_semaphore, #tpu.memory_space<semaphore_mem>>) src(%dma_wait3A_581 : memref<80xi32, #tpu.memory_space<hbm>>) dst(%arg9 : memref<80xi32, #tpu.memory_space<vmem>>)
      %dma_wait3A_582 = arith.constant 0 : i32
      %dma_wait3A_583 = tpu.memref_slice %arg2[%dma_wait3A_582] : memref<320000xi32, #tpu.memory_space<hbm>> -> memref<80xi32, #tpu.memory_space<hbm>>
      %dma_wait3A_584 = arith.constant 0 : i32
      %dma_wait3A_585 = tpu.memref_slice %arg2[%dma_wait3A_584] : memref<320000xi32, #tpu.memory_space<hbm>> -> memref<80xi32, #tpu.memory_space<hbm>>
      tpu.wait_dma2 semaphore(%arg22 : memref<!tpu.dma_semaphore, #tpu.memory_space<semaphore_mem>>) src(%dma_wait3A_585 : memref<80xi32, #tpu.memory_space<hbm>>) dst(%arg13 : memref<80xi32, #tpu.memory_space<vmem>>)
      %dma_start3A_586 = arith.constant 0 : i32
      %dma_start3A_587 = arith.constant 0 : i32
      %dma_start3A_588 = tpu.memref_slice %arg4[%dma_start3A_586, %dma_start3A_587] : memref<10000x128xf32, #tpu.memory_space<hbm>> -> memref<10000x128xf32, #tpu.memory_space<hbm>>
      tpu.enqueue_indirect_dma source(%dma_start3A_588 : memref<10000x128xf32, #tpu.memory_space<hbm>>) target(%arg17 : memref<80x128xf32, #tpu.memory_space<vmem>>) offsets(%arg9 : memref<80xi32, #tpu.memory_space<vmem>>) semaphore(%arg26 : memref<!tpu.dma_semaphore, #tpu.memory_space<semaphore_mem>>)
      %dma_wait3A_589 = arith.constant 0 : i32
      %dma_wait3A_590 = arith.constant 0 : i32
      %dma_wait3A_591 = tpu.memref_slice %arg4[%dma_wait3A_589, %dma_wait3A_590] : memref<10000x128xf32, #tpu.memory_space<hbm>> -> memref<10000x128xf32, #tpu.memory_space<hbm>>
      tpu.wait_indirect_dma semaphore(%arg23 : memref<!tpu.dma_semaphore, #tpu.memory_space<semaphore_mem>>) src(%dma_wait3A_591 : memref<10000x128xf32, #tpu.memory_space<hbm>>) dst(%arg14 : memref<80x128xf32, #tpu.memory_space<vmem>>)
      %dma_start3A_592 = arith.constant 0 : i32
      %dma_start3A_593 = arith.constant 0 : i32
      %dma_start3A_594 = tpu.memref_slice %arg18[%dma_start3A_592, %dma_start3A_593] : memref<10000x128xf32, #tpu.memory_space<vmem_shared>> -> memref<10000x128xf32, #tpu.memory_space<vmem_shared>>
      tpu.enqueue_indirect_dma source(%arg14 : memref<80x128xf32, #tpu.memory_space<vmem>>) target(%dma_start3A_594 : memref<10000x128xf32, #tpu.memory_space<vmem_shared>>) offsets(%arg10 : memref<80xi32, #tpu.memory_space<vmem>>) semaphore(%arg27 : memref<!tpu.dma_semaphore, #tpu.memory_space<semaphore_mem>>) {add = true}
      %dma_wait3A_595 = arith.constant 0 : i32
      %dma_wait3A_596 = arith.constant 0 : i32
      %dma_wait3A_597 = tpu.memref_slice %arg4[%dma_wait3A_595, %dma_wait3A_596] : memref<10000x128xf32, #tpu.memory_space<hbm>> -> memref<10000x128xf32, #tpu.memory_space<hbm>>
      tpu.wait_indirect_dma semaphore(%arg24 : memref<!tpu.dma_semaphore, #tpu.memory_space<semaphore_mem>>) src(%dma_wait3A_597 : memref<10000x128xf32, #tpu.memory_space<hbm>>) dst(%arg15 : memref<80x128xf32, #tpu.memory_space<vmem>>)
      %dma_start3A_598 = arith.constant 0 : i32
      %dma_start3A_599 = arith.constant 0 : i32
      %dma_start3A_600 = tpu.memref_slice %arg18[%dma_start3A_598, %dma_start3A_599] : memref<10000x128xf32, #tpu.memory_space<vmem_shared>> -> memref<10000x128xf32, #tpu.memory_space<vmem_shared>>
      tpu.enqueue_indirect_dma source(%arg15 : memref<80x128xf32, #tpu.memory_space<vmem>>) target(%dma_start3A_600 : memref<10000x128xf32, #tpu.memory_space<vmem_shared>>) offsets(%arg11 : memref<80xi32, #tpu.memory_space<vmem>>) semaphore(%arg28 : memref<!tpu.dma_semaphore, #tpu.memory_space<semaphore_mem>>) {add = true}
      %dma_wait3A_601 = arith.constant 0 : i32
      %dma_wait3A_602 = arith.constant 0 : i32
      %dma_wait3A_603 = tpu.memref_slice %arg4[%dma_wait3A_601, %dma_wait3A_602] : memref<10000x128xf32, #tpu.memory_space<hbm>> -> memref<10000x128xf32, #tpu.memory_space<hbm>>
      tpu.wait_indirect_dma semaphore(%arg25 : memref<!tpu.dma_semaphore, #tpu.memory_space<semaphore_mem>>) src(%dma_wait3A_603 : memref<10000x128xf32, #tpu.memory_space<hbm>>) dst(%arg16 : memref<80x128xf32, #tpu.memory_space<vmem>>)
      %dma_start3A_604 = arith.constant 0 : i32
      %dma_start3A_605 = arith.constant 0 : i32
      %dma_start3A_606 = tpu.memref_slice %arg18[%dma_start3A_604, %dma_start3A_605] : memref<10000x128xf32, #tpu.memory_space<vmem_shared>> -> memref<10000x128xf32, #tpu.memory_space<vmem_shared>>
      tpu.enqueue_indirect_dma source(%arg16 : memref<80x128xf32, #tpu.memory_space<vmem>>) target(%dma_start3A_606 : memref<10000x128xf32, #tpu.memory_space<vmem_shared>>) offsets(%arg12 : memref<80xi32, #tpu.memory_space<vmem>>) semaphore(%arg29 : memref<!tpu.dma_semaphore, #tpu.memory_space<semaphore_mem>>) {add = true}
      %dma_wait3A_607 = arith.constant 0 : i32
      %dma_wait3A_608 = arith.constant 0 : i32
      %dma_wait3A_609 = tpu.memref_slice %arg4[%dma_wait3A_607, %dma_wait3A_608] : memref<10000x128xf32, #tpu.memory_space<hbm>> -> memref<10000x128xf32, #tpu.memory_space<hbm>>
      tpu.wait_indirect_dma semaphore(%arg26 : memref<!tpu.dma_semaphore, #tpu.memory_space<semaphore_mem>>) src(%dma_wait3A_609 : memref<10000x128xf32, #tpu.memory_space<hbm>>) dst(%arg17 : memref<80x128xf32, #tpu.memory_space<vmem>>)
      %dma_start3A_610 = arith.constant 0 : i32
      %dma_start3A_611 = arith.constant 0 : i32
      %dma_start3A_612 = tpu.memref_slice %arg18[%dma_start3A_610, %dma_start3A_611] : memref<10000x128xf32, #tpu.memory_space<vmem_shared>> -> memref<10000x128xf32, #tpu.memory_space<vmem_shared>>
      tpu.enqueue_indirect_dma source(%arg17 : memref<80x128xf32, #tpu.memory_space<vmem>>) target(%dma_start3A_612 : memref<10000x128xf32, #tpu.memory_space<vmem_shared>>) offsets(%arg13 : memref<80xi32, #tpu.memory_space<vmem>>) semaphore(%arg30 : memref<!tpu.dma_semaphore, #tpu.memory_space<semaphore_mem>>) {add = true}
      %lt3A = arith.constant 30 : i32
      %lt3A_613 = arith.cmpi slt, %add3A_544, %lt3A : i32
      %convert_element_type3A_614 = arith.extui %lt3A_613 : i1 to i32
      %cond3A_615 = arith.constant 0 : i32
      %cond3A_616 = arith.cmpi ne, %convert_element_type3A_614, %cond3A_615 : i32
      scf.if %cond3A_616 {
        %dma_wait3A_632 = arith.constant 0 : i32
        %dma_wait3A_633 = arith.constant 0 : i32
        %dma_wait3A_634 = tpu.memref_slice %arg18[%dma_wait3A_632, %dma_wait3A_633] : memref<10000x128xf32, #tpu.memory_space<vmem_shared>> -> memref<10000x128xf32, #tpu.memory_space<vmem_shared>>
        tpu.wait_indirect_dma semaphore(%arg27 : memref<!tpu.dma_semaphore, #tpu.memory_space<semaphore_mem>>) src(%arg14 : memref<80x128xf32, #tpu.memory_space<vmem>>) dst(%dma_wait3A_634 : memref<10000x128xf32, #tpu.memory_space<vmem_shared>>)
        %add3A_635 = arith.constant 1 : i32
        %add3A_636 = arith.addi %add3A_544, %add3A_635 : i32
        %mul3A_637 = arith.constant 10000 : i32
        %mul3A_638 = arith.muli %add3A, %mul3A_637 : i32
        %mul3A_639 = arith.constant 4 : i32
        %mul3A_640 = arith.muli %add3A_636, %mul3A_639 : i32
        %add3A_641 = arith.constant 0 : i32
        %add3A_642 = arith.addi %mul3A_640, %add3A_641 : i32
        %mul3A_643 = arith.constant 80 : i32
        %mul3A_644 = arith.muli %add3A_642, %mul3A_643 : i32
        %add3A_645 = arith.addi %mul3A_638, %mul3A_644 : i32
        %dma_start3A_646 = tpu.memref_slice %arg2[%add3A_645] : memref<320000xi32, #tpu.memory_space<hbm>> -> memref<80xi32, #tpu.memory_space<hbm>>
        %dma_start3A_647 = tpu.memref_slice %arg2[%add3A_645] : memref<320000xi32, #tpu.memory_space<hbm>> -> memref<80xi32, #tpu.memory_space<hbm>>
        tpu.enqueue_dma source(%dma_start3A_647 : memref<80xi32, #tpu.memory_space<hbm>>) target(%arg6 : memref<80xi32, #tpu.memory_space<vmem>>) target_semaphore(%arg19 : memref<!tpu.dma_semaphore, #tpu.memory_space<semaphore_mem>>)
        %dma_start3A_648 = tpu.memref_slice %arg3[%add3A_645] : memref<320000xi32, #tpu.memory_space<hbm>> -> memref<80xi32, #tpu.memory_space<hbm>>
        %dma_start3A_649 = tpu.memref_slice %arg3[%add3A_645] : memref<320000xi32, #tpu.memory_space<hbm>> -> memref<80xi32, #tpu.memory_space<hbm>>
        tpu.enqueue_dma source(%dma_start3A_649 : memref<80xi32, #tpu.memory_space<hbm>>) target(%arg10 : memref<80xi32, #tpu.memory_space<vmem>>) target_semaphore(%arg19 : memref<!tpu.dma_semaphore, #tpu.memory_space<semaphore_mem>>)
      } else {
      }
      %lt3A_617 = arith.constant 30 : i32
      %lt3A_618 = arith.cmpi slt, %add3A_544, %lt3A_617 : i32
      %convert_element_type3A_619 = arith.extui %lt3A_618 : i1 to i32
      %cond3A_620 = arith.constant 0 : i32
      %cond3A_621 = arith.cmpi ne, %convert_element_type3A_619, %cond3A_620 : i32
      scf.if %cond3A_621 {
        %dma_wait3A_632 = arith.constant 0 : i32
        %dma_wait3A_633 = arith.constant 0 : i32
        %dma_wait3A_634 = tpu.memref_slice %arg18[%dma_wait3A_632, %dma_wait3A_633] : memref<10000x128xf32, #tpu.memory_space<vmem_shared>> -> memref<10000x128xf32, #tpu.memory_space<vmem_shared>>
        tpu.wait_indirect_dma semaphore(%arg28 : memref<!tpu.dma_semaphore, #tpu.memory_space<semaphore_mem>>) src(%arg15 : memref<80x128xf32, #tpu.memory_space<vmem>>) dst(%dma_wait3A_634 : memref<10000x128xf32, #tpu.memory_space<vmem_shared>>)
        %add3A_635 = arith.constant 1 : i32
        %add3A_636 = arith.addi %add3A_544, %add3A_635 : i32
        %mul3A_637 = arith.constant 10000 : i32
        %mul3A_638 = arith.muli %add3A, %mul3A_637 : i32
        %mul3A_639 = arith.constant 4 : i32
        %mul3A_640 = arith.muli %add3A_636, %mul3A_639 : i32
        %add3A_641 = arith.constant 1 : i32
        %add3A_642 = arith.addi %mul3A_640, %add3A_641 : i32
        %mul3A_643 = arith.constant 80 : i32
        %mul3A_644 = arith.muli %add3A_642, %mul3A_643 : i32
        %add3A_645 = arith.addi %mul3A_638, %mul3A_644 : i32
        %dma_start3A_646 = tpu.memref_slice %arg2[%add3A_645] : memref<320000xi32, #tpu.memory_space<hbm>> -> memref<80xi32, #tpu.memory_space<hbm>>
        %dma_start3A_647 = tpu.memref_slice %arg2[%add3A_645] : memref<320000xi32, #tpu.memory_space<hbm>> -> memref<80xi32, #tpu.memory_space<hbm>>
        tpu.enqueue_dma source(%dma_start3A_647 : memref<80xi32, #tpu.memory_space<hbm>>) target(%arg7 : memref<80xi32, #tpu.memory_space<vmem>>) target_semaphore(%arg20 : memref<!tpu.dma_semaphore, #tpu.memory_space<semaphore_mem>>)
        %dma_start3A_648 = tpu.memref_slice %arg3[%add3A_645] : memref<320000xi32, #tpu.memory_space<hbm>> -> memref<80xi32, #tpu.memory_space<hbm>>
        %dma_start3A_649 = tpu.memref_slice %arg3[%add3A_645] : memref<320000xi32, #tpu.memory_space<hbm>> -> memref<80xi32, #tpu.memory_space<hbm>>
        tpu.enqueue_dma source(%dma_start3A_649 : memref<80xi32, #tpu.memory_space<hbm>>) target(%arg11 : memref<80xi32, #tpu.memory_space<vmem>>) target_semaphore(%arg20 : memref<!tpu.dma_semaphore, #tpu.memory_space<semaphore_mem>>)
      } else {
      }
      %lt3A_622 = arith.constant 30 : i32
      %lt3A_623 = arith.cmpi slt, %add3A_544, %lt3A_622 : i32
      %convert_element_type3A_624 = arith.extui %lt3A_623 : i1 to i32
      %cond3A_625 = arith.constant 0 : i32
      %cond3A_626 = arith.cmpi ne, %convert_element_type3A_624, %cond3A_625 : i32
      scf.if %cond3A_626 {
        %dma_wait3A_632 = arith.constant 0 : i32
        %dma_wait3A_633 = arith.constant 0 : i32
        %dma_wait3A_634 = tpu.memref_slice %arg18[%dma_wait3A_632, %dma_wait3A_633] : memref<10000x128xf32, #tpu.memory_space<vmem_shared>> -> memref<10000x128xf32, #tpu.memory_space<vmem_shared>>
        tpu.wait_indirect_dma semaphore(%arg29 : memref<!tpu.dma_semaphore, #tpu.memory_space<semaphore_mem>>) src(%arg16 : memref<80x128xf32, #tpu.memory_space<vmem>>) dst(%dma_wait3A_634 : memref<10000x128xf32, #tpu.memory_space<vmem_shared>>)
        %add3A_635 = arith.constant 1 : i32
        %add3A_636 = arith.addi %add3A_544, %add3A_635 : i32
        %mul3A_637 = arith.constant 10000 : i32
        %mul3A_638 = arith.muli %add3A, %mul3A_637 : i32
        %mul3A_639 = arith.constant 4 : i32
        %mul3A_640 = arith.muli %add3A_636, %mul3A_639 : i32
        %add3A_641 = arith.constant 2 : i32
        %add3A_642 = arith.addi %mul3A_640, %add3A_641 : i32
        %mul3A_643 = arith.constant 80 : i32
        %mul3A_644 = arith.muli %add3A_642, %mul3A_643 : i32
        %add3A_645 = arith.addi %mul3A_638, %mul3A_644 : i32
        %dma_start3A_646 = tpu.memref_slice %arg2[%add3A_645] : memref<320000xi32, #tpu.memory_space<hbm>> -> memref<80xi32, #tpu.memory_space<hbm>>
        %dma_start3A_647 = tpu.memref_slice %arg2[%add3A_645] : memref<320000xi32, #tpu.memory_space<hbm>> -> memref<80xi32, #tpu.memory_space<hbm>>
        tpu.enqueue_dma source(%dma_start3A_647 : memref<80xi32, #tpu.memory_space<hbm>>) target(%arg8 : memref<80xi32, #tpu.memory_space<vmem>>) target_semaphore(%arg21 : memref<!tpu.dma_semaphore, #tpu.memory_space<semaphore_mem>>)
        %dma_start3A_648 = tpu.memref_slice %arg3[%add3A_645] : memref<320000xi32, #tpu.memory_space<hbm>> -> memref<80xi32, #tpu.memory_space<hbm>>
        %dma_start3A_649 = tpu.memref_slice %arg3[%add3A_645] : memref<320000xi32, #tpu.memory_space<hbm>> -> memref<80xi32, #tpu.memory_space<hbm>>
        tpu.enqueue_dma source(%dma_start3A_649 : memref<80xi32, #tpu.memory_space<hbm>>) target(%arg12 : memref<80xi32, #tpu.memory_space<vmem>>) target_semaphore(%arg21 : memref<!tpu.dma_semaphore, #tpu.memory_space<semaphore_mem>>)
      } else {
      }
      %lt3A_627 = arith.constant 30 : i32
      %lt3A_628 = arith.cmpi slt, %add3A_544, %lt3A_627 : i32
      %convert_element_type3A_629 = arith.extui %lt3A_628 : i1 to i32
      %cond3A_630 = arith.constant 0 : i32
      %cond3A_631 = arith.cmpi ne, %convert_element_type3A_629, %cond3A_630 : i32
      scf.if %cond3A_631 {
        %dma_wait3A_632 = arith.constant 0 : i32
        %dma_wait3A_633 = arith.constant 0 : i32
        %dma_wait3A_634 = tpu.memref_slice %arg18[%dma_wait3A_632, %dma_wait3A_633] : memref<10000x128xf32, #tpu.memory_space<vmem_shared>> -> memref<10000x128xf32, #tpu.memory_space<vmem_shared>>
        tpu.wait_indirect_dma semaphore(%arg30 : memref<!tpu.dma_semaphore, #tpu.memory_space<semaphore_mem>>) src(%arg17 : memref<80x128xf32, #tpu.memory_space<vmem>>) dst(%dma_wait3A_634 : memref<10000x128xf32, #tpu.memory_space<vmem_shared>>)
        %add3A_635 = arith.constant 1 : i32
        %add3A_636 = arith.addi %add3A_544, %add3A_635 : i32
        %mul3A_637 = arith.constant 10000 : i32
        %mul3A_638 = arith.muli %add3A, %mul3A_637 : i32
        %mul3A_639 = arith.constant 4 : i32
        %mul3A_640 = arith.muli %add3A_636, %mul3A_639 : i32
        %add3A_641 = arith.constant 3 : i32
        %add3A_642 = arith.addi %mul3A_640, %add3A_641 : i32
        %mul3A_643 = arith.constant 80 : i32
        %mul3A_644 = arith.muli %add3A_642, %mul3A_643 : i32
        %add3A_645 = arith.addi %mul3A_638, %mul3A_644 : i32
        %dma_start3A_646 = tpu.memref_slice %arg2[%add3A_645] : memref<320000xi32, #tpu.memory_space<hbm>> -> memref<80xi32, #tpu.memory_space<hbm>>
        %dma_start3A_647 = tpu.memref_slice %arg2[%add3A_645] : memref<320000xi32, #tpu.memory_space<hbm>> -> memref<80xi32, #tpu.memory_space<hbm>>
        tpu.enqueue_dma source(%dma_start3A_647 : memref<80xi32, #tpu.memory_space<hbm>>) target(%arg9 : memref<80xi32, #tpu.memory_space<vmem>>) target_semaphore(%arg22 : memref<!tpu.dma_semaphore, #tpu.memory_space<semaphore_mem>>)
        %dma_start3A_648 = tpu.memref_slice %arg3[%add3A_645] : memref<320000xi32, #tpu.memory_space<hbm>> -> memref<80xi32, #tpu.memory_space<hbm>>
        %dma_start3A_649 = tpu.memref_slice %arg3[%add3A_645] : memref<320000xi32, #tpu.memory_space<hbm>> -> memref<80xi32, #tpu.memory_space<hbm>>
        tpu.enqueue_dma source(%dma_start3A_649 : memref<80xi32, #tpu.memory_space<hbm>>) target(%arg13 : memref<80xi32, #tpu.memory_space<vmem>>) target_semaphore(%arg22 : memref<!tpu.dma_semaphore, #tpu.memory_space<semaphore_mem>>)
      } else {
      }
    }
    %scan3A_181 = arith.constant 31 : i32
    %dma_wait3A_182 = arith.constant 0 : i32
    %dma_wait3A_183 = arith.constant 0 : i32
    %dma_wait3A_184 = tpu.memref_slice %arg18[%dma_wait3A_182, %dma_wait3A_183] : memref<10000x128xf32, #tpu.memory_space<vmem_shared>> -> memref<10000x128xf32, #tpu.memory_space<vmem_shared>>
    tpu.wait_indirect_dma semaphore(%arg27 : memref<!tpu.dma_semaphore, #tpu.memory_space<semaphore_mem>>) src(%arg14 : memref<80x128xf32, #tpu.memory_space<vmem>>) dst(%dma_wait3A_184 : memref<10000x128xf32, #tpu.memory_space<vmem_shared>>)
    %mul3A_185 = arith.constant 10000 : i32
    %mul3A_186 = arith.muli %add3A, %mul3A_185 : i32
    %add3A_187 = arith.constant 9920 : i32
    %add3A_188 = arith.addi %mul3A_186, %add3A_187 : i32
    %dma_start3A_189 = tpu.memref_slice %arg2[%add3A_188] : memref<320000xi32, #tpu.memory_space<hbm>> -> memref<80xi32, #tpu.memory_space<hbm>>
    %dma_start3A_190 = tpu.memref_slice %arg2[%add3A_188] : memref<320000xi32, #tpu.memory_space<hbm>> -> memref<80xi32, #tpu.memory_space<hbm>>
    tpu.enqueue_dma source(%dma_start3A_190 : memref<80xi32, #tpu.memory_space<hbm>>) target(%arg6 : memref<80xi32, #tpu.memory_space<vmem>>) target_semaphore(%arg19 : memref<!tpu.dma_semaphore, #tpu.memory_space<semaphore_mem>>)
    %dma_start3A_191 = tpu.memref_slice %arg3[%add3A_188] : memref<320000xi32, #tpu.memory_space<hbm>> -> memref<80xi32, #tpu.memory_space<hbm>>
    %dma_start3A_192 = tpu.memref_slice %arg3[%add3A_188] : memref<320000xi32, #tpu.memory_space<hbm>> -> memref<80xi32, #tpu.memory_space<hbm>>
    tpu.enqueue_dma source(%dma_start3A_192 : memref<80xi32, #tpu.memory_space<hbm>>) target(%arg10 : memref<80xi32, #tpu.memory_space<vmem>>) target_semaphore(%arg19 : memref<!tpu.dma_semaphore, #tpu.memory_space<semaphore_mem>>)
    %dma_wait3A_193 = arith.constant 0 : i32
    %dma_wait3A_194 = tpu.memref_slice %arg2[%dma_wait3A_193] : memref<320000xi32, #tpu.memory_space<hbm>> -> memref<80xi32, #tpu.memory_space<hbm>>
    %dma_wait3A_195 = arith.constant 0 : i32
    %dma_wait3A_196 = tpu.memref_slice %arg2[%dma_wait3A_195] : memref<320000xi32, #tpu.memory_space<hbm>> -> memref<80xi32, #tpu.memory_space<hbm>>
    tpu.wait_dma2 semaphore(%arg19 : memref<!tpu.dma_semaphore, #tpu.memory_space<semaphore_mem>>) src(%dma_wait3A_196 : memref<80xi32, #tpu.memory_space<hbm>>) dst(%arg6 : memref<80xi32, #tpu.memory_space<vmem>>)
    %dma_wait3A_197 = arith.constant 0 : i32
    %dma_wait3A_198 = tpu.memref_slice %arg2[%dma_wait3A_197] : memref<320000xi32, #tpu.memory_space<hbm>> -> memref<80xi32, #tpu.memory_space<hbm>>
    %dma_wait3A_199 = arith.constant 0 : i32
    %dma_wait3A_200 = tpu.memref_slice %arg2[%dma_wait3A_199] : memref<320000xi32, #tpu.memory_space<hbm>> -> memref<80xi32, #tpu.memory_space<hbm>>
    tpu.wait_dma2 semaphore(%arg19 : memref<!tpu.dma_semaphore, #tpu.memory_space<semaphore_mem>>) src(%dma_wait3A_200 : memref<80xi32, #tpu.memory_space<hbm>>) dst(%arg10 : memref<80xi32, #tpu.memory_space<vmem>>)
    %dma_start3A_201 = arith.constant 0 : i32
    %dma_start3A_202 = arith.constant 0 : i32
    %dma_start3A_203 = tpu.memref_slice %arg4[%dma_start3A_201, %dma_start3A_202] : memref<10000x128xf32, #tpu.memory_space<hbm>> -> memref<10000x128xf32, #tpu.memory_space<hbm>>
    tpu.enqueue_indirect_dma source(%dma_start3A_203 : memref<10000x128xf32, #tpu.memory_space<hbm>>) target(%arg14 : memref<80x128xf32, #tpu.memory_space<vmem>>) offsets(%arg6 : memref<80xi32, #tpu.memory_space<vmem>>) semaphore(%arg23 : memref<!tpu.dma_semaphore, #tpu.memory_space<semaphore_mem>>)
    %dma_wait3A_204 = arith.constant 0 : i32
    %dma_wait3A_205 = arith.constant 0 : i32
    %dma_wait3A_206 = tpu.memref_slice %arg4[%dma_wait3A_204, %dma_wait3A_205] : memref<10000x128xf32, #tpu.memory_space<hbm>> -> memref<10000x128xf32, #tpu.memory_space<hbm>>
    tpu.wait_indirect_dma semaphore(%arg23 : memref<!tpu.dma_semaphore, #tpu.memory_space<semaphore_mem>>) src(%dma_wait3A_206 : memref<10000x128xf32, #tpu.memory_space<hbm>>) dst(%arg14 : memref<80x128xf32, #tpu.memory_space<vmem>>)
    %dma_start3A_207 = arith.constant 0 : i32
    %dma_start3A_208 = arith.constant 0 : i32
    %dma_start3A_209 = tpu.memref_slice %arg18[%dma_start3A_207, %dma_start3A_208] : memref<10000x128xf32, #tpu.memory_space<vmem_shared>> -> memref<10000x128xf32, #tpu.memory_space<vmem_shared>>
    tpu.enqueue_indirect_dma source(%arg14 : memref<80x128xf32, #tpu.memory_space<vmem>>) target(%dma_start3A_209 : memref<10000x128xf32, #tpu.memory_space<vmem_shared>>) offsets(%arg10 : memref<80xi32, #tpu.memory_space<vmem>>) semaphore(%arg27 : memref<!tpu.dma_semaphore, #tpu.memory_space<semaphore_mem>>) {add = true}
    %dma_wait3A_210 = arith.constant 0 : i32
    %dma_wait3A_211 = arith.constant 0 : i32
    %dma_wait3A_212 = tpu.memref_slice %arg18[%dma_wait3A_210, %dma_wait3A_211] : memref<10000x128xf32, #tpu.memory_space<vmem_shared>> -> memref<10000x128xf32, #tpu.memory_space<vmem_shared>>
    tpu.wait_indirect_dma semaphore(%arg27 : memref<!tpu.dma_semaphore, #tpu.memory_space<semaphore_mem>>) src(%arg14 : memref<80x128xf32, #tpu.memory_space<vmem>>) dst(%dma_wait3A_212 : memref<10000x128xf32, #tpu.memory_space<vmem_shared>>)
    %dma_wait3A_213 = arith.constant 0 : i32
    %dma_wait3A_214 = arith.constant 0 : i32
    %dma_wait3A_215 = tpu.memref_slice %arg18[%dma_wait3A_213, %dma_wait3A_214] : memref<10000x128xf32, #tpu.memory_space<vmem_shared>> -> memref<10000x128xf32, #tpu.memory_space<vmem_shared>>
    tpu.wait_indirect_dma semaphore(%arg28 : memref<!tpu.dma_semaphore, #tpu.memory_space<semaphore_mem>>) src(%arg15 : memref<80x128xf32, #tpu.memory_space<vmem>>) dst(%dma_wait3A_215 : memref<10000x128xf32, #tpu.memory_space<vmem_shared>>)
    %dma_wait3A_216 = arith.constant 0 : i32
    %dma_wait3A_217 = arith.constant 0 : i32
    %dma_wait3A_218 = tpu.memref_slice %arg18[%dma_wait3A_216, %dma_wait3A_217] : memref<10000x128xf32, #tpu.memory_space<vmem_shared>> -> memref<10000x128xf32, #tpu.memory_space<vmem_shared>>
    tpu.wait_indirect_dma semaphore(%arg29 : memref<!tpu.dma_semaphore, #tpu.memory_space<semaphore_mem>>) src(%arg16 : memref<80x128xf32, #tpu.memory_space<vmem>>) dst(%dma_wait3A_218 : memref<10000x128xf32, #tpu.memory_space<vmem_shared>>)
    %dma_wait3A_219 = arith.constant 0 : i32
    %dma_wait3A_220 = arith.constant 0 : i32
    %dma_wait3A_221 = tpu.memref_slice %arg18[%dma_wait3A_219, %dma_wait3A_220] : memref<10000x128xf32, #tpu.memory_space<vmem_shared>> -> memref<10000x128xf32, #tpu.memory_space<vmem_shared>>
    tpu.wait_indirect_dma semaphore(%arg30 : memref<!tpu.dma_semaphore, #tpu.memory_space<semaphore_mem>>) src(%arg17 : memref<80x128xf32, #tpu.memory_space<vmem>>) dst(%dma_wait3A_221 : memref<10000x128xf32, #tpu.memory_space<vmem_shared>>)
    %barrier3A_222 = arith.constant 0 : index
    tpu.barrier barrier_id(%barrier3A_222)
    %mul3A_223 = arith.constant 624 : i32
    %mul3A_224 = arith.muli %arg1, %mul3A_223 : i32
    %add3A_225 = arith.constant 0 : i32
    %add3A_226 = arith.addi %mul3A_224, %add3A_225 : i32
    %dma_start3A_227 = arith.constant 0 : i32
    %dma_start3A_228 = tpu.memref_slice %arg18[%add3A_226, %dma_start3A_227] : memref<10000x128xf32, #tpu.memory_space<vmem_shared>> -> memref<80x128xf32, #tpu.memory_space<vmem_shared>>
    %dma_start3A_229 = arith.constant 0 : i32
    %dma_start3A_230 = tpu.memref_slice %arg18[%add3A_226, %dma_start3A_229] : memref<10000x128xf32, #tpu.memory_space<vmem_shared>> -> memref<80x128xf32, #tpu.memory_space<vmem_shared>>
    tpu.enqueue_dma source(%dma_start3A_230 : memref<80x128xf32, #tpu.memory_space<vmem_shared>>) target(%arg14 : memref<80x128xf32, #tpu.memory_space<vmem>>) target_semaphore(%arg23 : memref<!tpu.dma_semaphore, #tpu.memory_space<semaphore_mem>>)
    %mul3A_231 = arith.constant 624 : i32
    %mul3A_232 = arith.muli %arg1, %mul3A_231 : i32
    %add3A_233 = arith.constant 80 : i32
    %add3A_234 = arith.addi %mul3A_232, %add3A_233 : i32
    %dma_start3A_235 = arith.constant 0 : i32
    %dma_start3A_236 = tpu.memref_slice %arg18[%add3A_234, %dma_start3A_235] : memref<10000x128xf32, #tpu.memory_space<vmem_shared>> -> memref<80x128xf32, #tpu.memory_space<vmem_shared>>
    %dma_start3A_237 = arith.constant 0 : i32
    %dma_start3A_238 = tpu.memref_slice %arg18[%add3A_234, %dma_start3A_237] : memref<10000x128xf32, #tpu.memory_space<vmem_shared>> -> memref<80x128xf32, #tpu.memory_space<vmem_shared>>
    tpu.enqueue_dma source(%dma_start3A_238 : memref<80x128xf32, #tpu.memory_space<vmem_shared>>) target(%arg15 : memref<80x128xf32, #tpu.memory_space<vmem>>) target_semaphore(%arg24 : memref<!tpu.dma_semaphore, #tpu.memory_space<semaphore_mem>>)
    %mul3A_239 = arith.constant 624 : i32
    %mul3A_240 = arith.muli %arg1, %mul3A_239 : i32
    %add3A_241 = arith.constant 160 : i32
    %add3A_242 = arith.addi %mul3A_240, %add3A_241 : i32
    %dma_start3A_243 = arith.constant 0 : i32
    %dma_start3A_244 = tpu.memref_slice %arg18[%add3A_242, %dma_start3A_243] : memref<10000x128xf32, #tpu.memory_space<vmem_shared>> -> memref<80x128xf32, #tpu.memory_space<vmem_shared>>
    %dma_start3A_245 = arith.constant 0 : i32
    %dma_start3A_246 = tpu.memref_slice %arg18[%add3A_242, %dma_start3A_245] : memref<10000x128xf32, #tpu.memory_space<vmem_shared>> -> memref<80x128xf32, #tpu.memory_space<vmem_shared>>
    tpu.enqueue_dma source(%dma_start3A_246 : memref<80x128xf32, #tpu.memory_space<vmem_shared>>) target(%arg16 : memref<80x128xf32, #tpu.memory_space<vmem>>) target_semaphore(%arg25 : memref<!tpu.dma_semaphore, #tpu.memory_space<semaphore_mem>>)
    %mul3A_247 = arith.constant 624 : i32
    %mul3A_248 = arith.muli %arg1, %mul3A_247 : i32
    %add3A_249 = arith.constant 240 : i32
    %add3A_250 = arith.addi %mul3A_248, %add3A_249 : i32
    %dma_start3A_251 = arith.constant 0 : i32
    %dma_start3A_252 = tpu.memref_slice %arg18[%add3A_250, %dma_start3A_251] : memref<10000x128xf32, #tpu.memory_space<vmem_shared>> -> memref<80x128xf32, #tpu.memory_space<vmem_shared>>
    %dma_start3A_253 = arith.constant 0 : i32
    %dma_start3A_254 = tpu.memref_slice %arg18[%add3A_250, %dma_start3A_253] : memref<10000x128xf32, #tpu.memory_space<vmem_shared>> -> memref<80x128xf32, #tpu.memory_space<vmem_shared>>
    tpu.enqueue_dma source(%dma_start3A_254 : memref<80x128xf32, #tpu.memory_space<vmem_shared>>) target(%arg17 : memref<80x128xf32, #tpu.memory_space<vmem>>) target_semaphore(%arg26 : memref<!tpu.dma_semaphore, #tpu.memory_space<semaphore_mem>>)
    %mul3A_255 = arith.constant 624 : i32
    %mul3A_256 = arith.muli %arg1, %mul3A_255 : i32
    %add3A_257 = arith.constant 0 : i32
    %add3A_258 = arith.addi %mul3A_256, %add3A_257 : i32
    %dma_wait3A_259 = arith.constant 0 : i32
    %dma_wait3A_260 = tpu.memref_slice %arg18[%add3A_258, %dma_wait3A_259] : memref<10000x128xf32, #tpu.memory_space<vmem_shared>> -> memref<80x128xf32, #tpu.memory_space<vmem_shared>>
    %dma_wait3A_261 = arith.constant 0 : i32
    %dma_wait3A_262 = tpu.memref_slice %arg18[%add3A_258, %dma_wait3A_261] : memref<10000x128xf32, #tpu.memory_space<vmem_shared>> -> memref<80x128xf32, #tpu.memory_space<vmem_shared>>
    tpu.wait_dma2 semaphore(%arg23 : memref<!tpu.dma_semaphore, #tpu.memory_space<semaphore_mem>>) src(%dma_wait3A_262 : memref<80x128xf32, #tpu.memory_space<vmem_shared>>) dst(%arg14 : memref<80x128xf32, #tpu.memory_space<vmem>>)
    %mul3A_263 = arith.constant 624 : i32
    %mul3A_264 = arith.muli %arg1, %mul3A_263 : i32
    %add3A_265 = arith.constant 0 : i32
    %add3A_266 = arith.addi %mul3A_264, %add3A_265 : i32
    %dma_start3A_267 = arith.constant 0 : i32
    %dma_start3A_268 = tpu.memref_slice %arg5[%arg0, %add3A_266, %dma_start3A_267] : memref<2x10000x128xf32, #tpu.memory_space<hbm>> -> memref<1x80x128xf32, #tpu.memory_space<hbm>>
    %dma_start3A_269 = tpu.memref_squeeze %dma_start3A_268 : memref<1x80x128xf32, #tpu.memory_space<hbm>> -> memref<80x128xf32, #tpu.memory_space<hbm>>
    %dma_start3A_270 = arith.constant 0 : i32
    %dma_start3A_271 = tpu.memref_slice %arg5[%arg0, %add3A_266, %dma_start3A_270] : memref<2x10000x128xf32, #tpu.memory_space<hbm>> -> memref<1x80x128xf32, #tpu.memory_space<hbm>>
    %dma_start3A_272 = tpu.memref_squeeze %dma_start3A_271 : memref<1x80x128xf32, #tpu.memory_space<hbm>> -> memref<80x128xf32, #tpu.memory_space<hbm>>
    tpu.enqueue_dma source(%arg14 : memref<80x128xf32, #tpu.memory_space<vmem>>) target(%dma_start3A_272 : memref<80x128xf32, #tpu.memory_space<hbm>>) target_semaphore(%arg27 : memref<!tpu.dma_semaphore, #tpu.memory_space<semaphore_mem>>)
    %mul3A_273 = arith.constant 624 : i32
    %mul3A_274 = arith.muli %arg1, %mul3A_273 : i32
    %add3A_275 = arith.constant 0 : i32
    %add3A_276 = arith.addi %mul3A_274, %add3A_275 : i32
    %dma_wait3A_277 = arith.constant 0 : i32
    %dma_wait3A_278 = tpu.memref_slice %arg5[%arg0, %add3A_276, %dma_wait3A_277] : memref<2x10000x128xf32, #tpu.memory_space<hbm>> -> memref<1x80x128xf32, #tpu.memory_space<hbm>>
    %dma_wait3A_279 = tpu.memref_squeeze %dma_wait3A_278 : memref<1x80x128xf32, #tpu.memory_space<hbm>> -> memref<80x128xf32, #tpu.memory_space<hbm>>
    %dma_wait3A_280 = arith.constant 0 : i32
    %dma_wait3A_281 = tpu.memref_slice %arg5[%arg0, %add3A_276, %dma_wait3A_280] : memref<2x10000x128xf32, #tpu.memory_space<hbm>> -> memref<1x80x128xf32, #tpu.memory_space<hbm>>
    %dma_wait3A_282 = tpu.memref_squeeze %dma_wait3A_281 : memref<1x80x128xf32, #tpu.memory_space<hbm>> -> memref<80x128xf32, #tpu.memory_space<hbm>>
    tpu.wait_dma2 semaphore(%arg27 : memref<!tpu.dma_semaphore, #tpu.memory_space<semaphore_mem>>) src(%arg14 : memref<80x128xf32, #tpu.memory_space<vmem>>) dst(%dma_wait3A_282 : memref<80x128xf32, #tpu.memory_space<hbm>>)
    %mul3A_283 = arith.constant 624 : i32
    %mul3A_284 = arith.muli %arg1, %mul3A_283 : i32
    %add3A_285 = arith.constant 320 : i32
    %add3A_286 = arith.addi %mul3A_284, %add3A_285 : i32
    %dma_start3A_287 = arith.constant 0 : i32
    %dma_start3A_288 = tpu.memref_slice %arg18[%add3A_286, %dma_start3A_287] : memref<10000x128xf32, #tpu.memory_space<vmem_shared>> -> memref<80x128xf32, #tpu.memory_space<vmem_shared>>
    %dma_start3A_289 = arith.constant 0 : i32
    %dma_start3A_290 = tpu.memref_slice %arg18[%add3A_286, %dma_start3A_289] : memref<10000x128xf32, #tpu.memory_space<vmem_shared>> -> memref<80x128xf32, #tpu.memory_space<vmem_shared>>
    tpu.enqueue_dma source(%dma_start3A_290 : memref<80x128xf32, #tpu.memory_space<vmem_shared>>) target(%arg14 : memref<80x128xf32, #tpu.memory_space<vmem>>) target_semaphore(%arg23 : memref<!tpu.dma_semaphore, #tpu.memory_space<semaphore_mem>>)
    %mul3A_291 = arith.constant 624 : i32
    %mul3A_292 = arith.muli %arg1, %mul3A_291 : i32
    %add3A_293 = arith.constant 80 : i32
    %add3A_294 = arith.addi %mul3A_292, %add3A_293 : i32
    %dma_wait3A_295 = arith.constant 0 : i32
    %dma_wait3A_296 = tpu.memref_slice %arg18[%add3A_294, %dma_wait3A_295] : memref<10000x128xf32, #tpu.memory_space<vmem_shared>> -> memref<80x128xf32, #tpu.memory_space<vmem_shared>>
    %dma_wait3A_297 = arith.constant 0 : i32
    %dma_wait3A_298 = tpu.memref_slice %arg18[%add3A_294, %dma_wait3A_297] : memref<10000x128xf32, #tpu.memory_space<vmem_shared>> -> memref<80x128xf32, #tpu.memory_space<vmem_shared>>
    tpu.wait_dma2 semaphore(%arg24 : memref<!tpu.dma_semaphore, #tpu.memory_space<semaphore_mem>>) src(%dma_wait3A_298 : memref<80x128xf32, #tpu.memory_space<vmem_shared>>) dst(%arg15 : memref<80x128xf32, #tpu.memory_space<vmem>>)
    %mul3A_299 = arith.constant 624 : i32
    %mul3A_300 = arith.muli %arg1, %mul3A_299 : i32
    %add3A_301 = arith.constant 80 : i32
    %add3A_302 = arith.addi %mul3A_300, %add3A_301 : i32
    %dma_start3A_303 = arith.constant 0 : i32
    %dma_start3A_304 = tpu.memref_slice %arg5[%arg0, %add3A_302, %dma_start3A_303] : memref<2x10000x128xf32, #tpu.memory_space<hbm>> -> memref<1x80x128xf32, #tpu.memory_space<hbm>>
    %dma_start3A_305 = tpu.memref_squeeze %dma_start3A_304 : memref<1x80x128xf32, #tpu.memory_space<hbm>> -> memref<80x128xf32, #tpu.memory_space<hbm>>
    %dma_start3A_306 = arith.constant 0 : i32
    %dma_start3A_307 = tpu.memref_slice %arg5[%arg0, %add3A_302, %dma_start3A_306] : memref<2x10000x128xf32, #tpu.memory_space<hbm>> -> memref<1x80x128xf32, #tpu.memory_space<hbm>>
    %dma_start3A_308 = tpu.memref_squeeze %dma_start3A_307 : memref<1x80x128xf32, #tpu.memory_space<hbm>> -> memref<80x128xf32, #tpu.memory_space<hbm>>
    tpu.enqueue_dma source(%arg15 : memref<80x128xf32, #tpu.memory_space<vmem>>) target(%dma_start3A_308 : memref<80x128xf32, #tpu.memory_space<hbm>>) target_semaphore(%arg28 : memref<!tpu.dma_semaphore, #tpu.memory_space<semaphore_mem>>)
    %mul3A_309 = arith.constant 624 : i32
    %mul3A_310 = arith.muli %arg1, %mul3A_309 : i32
    %add3A_311 = arith.constant 80 : i32
    %add3A_312 = arith.addi %mul3A_310, %add3A_311 : i32
    %dma_wait3A_313 = arith.constant 0 : i32
    %dma_wait3A_314 = tpu.memref_slice %arg5[%arg0, %add3A_312, %dma_wait3A_313] : memref<2x10000x128xf32, #tpu.memory_space<hbm>> -> memref<1x80x128xf32, #tpu.memory_space<hbm>>
    %dma_wait3A_315 = tpu.memref_squeeze %dma_wait3A_314 : memref<1x80x128xf32, #tpu.memory_space<hbm>> -> memref<80x128xf32, #tpu.memory_space<hbm>>
    %dma_wait3A_316 = arith.constant 0 : i32
    %dma_wait3A_317 = tpu.memref_slice %arg5[%arg0, %add3A_312, %dma_wait3A_316] : memref<2x10000x128xf32, #tpu.memory_space<hbm>> -> memref<1x80x128xf32, #tpu.memory_space<hbm>>
    %dma_wait3A_318 = tpu.memref_squeeze %dma_wait3A_317 : memref<1x80x128xf32, #tpu.memory_space<hbm>> -> memref<80x128xf32, #tpu.memory_space<hbm>>
    tpu.wait_dma2 semaphore(%arg28 : memref<!tpu.dma_semaphore, #tpu.memory_space<semaphore_mem>>) src(%arg15 : memref<80x128xf32, #tpu.memory_space<vmem>>) dst(%dma_wait3A_318 : memref<80x128xf32, #tpu.memory_space<hbm>>)
    %mul3A_319 = arith.constant 624 : i32
    %mul3A_320 = arith.muli %arg1, %mul3A_319 : i32
    %add3A_321 = arith.constant 400 : i32
    %add3A_322 = arith.addi %mul3A_320, %add3A_321 : i32
    %dma_start3A_323 = arith.constant 0 : i32
    %dma_start3A_324 = tpu.memref_slice %arg18[%add3A_322, %dma_start3A_323] : memref<10000x128xf32, #tpu.memory_space<vmem_shared>> -> memref<80x128xf32, #tpu.memory_space<vmem_shared>>
    %dma_start3A_325 = arith.constant 0 : i32
    %dma_start3A_326 = tpu.memref_slice %arg18[%add3A_322, %dma_start3A_325] : memref<10000x128xf32, #tpu.memory_space<vmem_shared>> -> memref<80x128xf32, #tpu.memory_space<vmem_shared>>
    tpu.enqueue_dma source(%dma_start3A_326 : memref<80x128xf32, #tpu.memory_space<vmem_shared>>) target(%arg15 : memref<80x128xf32, #tpu.memory_space<vmem>>) target_semaphore(%arg24 : memref<!tpu.dma_semaphore, #tpu.memory_space<semaphore_mem>>)
    %mul3A_327 = arith.constant 624 : i32
    %mul3A_328 = arith.muli %arg1, %mul3A_327 : i32
    %add3A_329 = arith.constant 160 : i32
    %add3A_330 = arith.addi %mul3A_328, %add3A_329 : i32
    %dma_wait3A_331 = arith.constant 0 : i32
    %dma_wait3A_332 = tpu.memref_slice %arg18[%add3A_330, %dma_wait3A_331] : memref<10000x128xf32, #tpu.memory_space<vmem_shared>> -> memref<80x128xf32, #tpu.memory_space<vmem_shared>>
    %dma_wait3A_333 = arith.constant 0 : i32
    %dma_wait3A_334 = tpu.memref_slice %arg18[%add3A_330, %dma_wait3A_333] : memref<10000x128xf32, #tpu.memory_space<vmem_shared>> -> memref<80x128xf32, #tpu.memory_space<vmem_shared>>
    tpu.wait_dma2 semaphore(%arg25 : memref<!tpu.dma_semaphore, #tpu.memory_space<semaphore_mem>>) src(%dma_wait3A_334 : memref<80x128xf32, #tpu.memory_space<vmem_shared>>) dst(%arg16 : memref<80x128xf32, #tpu.memory_space<vmem>>)
    %mul3A_335 = arith.constant 624 : i32
    %mul3A_336 = arith.muli %arg1, %mul3A_335 : i32
    %add3A_337 = arith.constant 160 : i32
    %add3A_338 = arith.addi %mul3A_336, %add3A_337 : i32
    %dma_start3A_339 = arith.constant 0 : i32
    %dma_start3A_340 = tpu.memref_slice %arg5[%arg0, %add3A_338, %dma_start3A_339] : memref<2x10000x128xf32, #tpu.memory_space<hbm>> -> memref<1x80x128xf32, #tpu.memory_space<hbm>>
    %dma_start3A_341 = tpu.memref_squeeze %dma_start3A_340 : memref<1x80x128xf32, #tpu.memory_space<hbm>> -> memref<80x128xf32, #tpu.memory_space<hbm>>
    %dma_start3A_342 = arith.constant 0 : i32
    %dma_start3A_343 = tpu.memref_slice %arg5[%arg0, %add3A_338, %dma_start3A_342] : memref<2x10000x128xf32, #tpu.memory_space<hbm>> -> memref<1x80x128xf32, #tpu.memory_space<hbm>>
    %dma_start3A_344 = tpu.memref_squeeze %dma_start3A_343 : memref<1x80x128xf32, #tpu.memory_space<hbm>> -> memref<80x128xf32, #tpu.memory_space<hbm>>
    tpu.enqueue_dma source(%arg16 : memref<80x128xf32, #tpu.memory_space<vmem>>) target(%dma_start3A_344 : memref<80x128xf32, #tpu.memory_space<hbm>>) target_semaphore(%arg29 : memref<!tpu.dma_semaphore, #tpu.memory_space<semaphore_mem>>)
    %mul3A_345 = arith.constant 624 : i32
    %mul3A_346 = arith.muli %arg1, %mul3A_345 : i32
    %add3A_347 = arith.constant 160 : i32
    %add3A_348 = arith.addi %mul3A_346, %add3A_347 : i32
    %dma_wait3A_349 = arith.constant 0 : i32
    %dma_wait3A_350 = tpu.memref_slice %arg5[%arg0, %add3A_348, %dma_wait3A_349] : memref<2x10000x128xf32, #tpu.memory_space<hbm>> -> memref<1x80x128xf32, #tpu.memory_space<hbm>>
    %dma_wait3A_351 = tpu.memref_squeeze %dma_wait3A_350 : memref<1x80x128xf32, #tpu.memory_space<hbm>> -> memref<80x128xf32, #tpu.memory_space<hbm>>
    %dma_wait3A_352 = arith.constant 0 : i32
    %dma_wait3A_353 = tpu.memref_slice %arg5[%arg0, %add3A_348, %dma_wait3A_352] : memref<2x10000x128xf32, #tpu.memory_space<hbm>> -> memref<1x80x128xf32, #tpu.memory_space<hbm>>
    %dma_wait3A_354 = tpu.memref_squeeze %dma_wait3A_353 : memref<1x80x128xf32, #tpu.memory_space<hbm>> -> memref<80x128xf32, #tpu.memory_space<hbm>>
    tpu.wait_dma2 semaphore(%arg29 : memref<!tpu.dma_semaphore, #tpu.memory_space<semaphore_mem>>) src(%arg16 : memref<80x128xf32, #tpu.memory_space<vmem>>) dst(%dma_wait3A_354 : memref<80x128xf32, #tpu.memory_space<hbm>>)
    %mul3A_355 = arith.constant 624 : i32
    %mul3A_356 = arith.muli %arg1, %mul3A_355 : i32
    %add3A_357 = arith.constant 480 : i32
    %add3A_358 = arith.addi %mul3A_356, %add3A_357 : i32
    %dma_start3A_359 = arith.constant 0 : i32
    %dma_start3A_360 = tpu.memref_slice %arg18[%add3A_358, %dma_start3A_359] : memref<10000x128xf32, #tpu.memory_space<vmem_shared>> -> memref<80x128xf32, #tpu.memory_space<vmem_shared>>
    %dma_start3A_361 = arith.constant 0 : i32
    %dma_start3A_362 = tpu.memref_slice %arg18[%add3A_358, %dma_start3A_361] : memref<10000x128xf32, #tpu.memory_space<vmem_shared>> -> memref<80x128xf32, #tpu.memory_space<vmem_shared>>
    tpu.enqueue_dma source(%dma_start3A_362 : memref<80x128xf32, #tpu.memory_space<vmem_shared>>) target(%arg16 : memref<80x128xf32, #tpu.memory_space<vmem>>) target_semaphore(%arg25 : memref<!tpu.dma_semaphore, #tpu.memory_space<semaphore_mem>>)
    %mul3A_363 = arith.constant 624 : i32
    %mul3A_364 = arith.muli %arg1, %mul3A_363 : i32
    %add3A_365 = arith.constant 240 : i32
    %add3A_366 = arith.addi %mul3A_364, %add3A_365 : i32
    %dma_wait3A_367 = arith.constant 0 : i32
    %dma_wait3A_368 = tpu.memref_slice %arg18[%add3A_366, %dma_wait3A_367] : memref<10000x128xf32, #tpu.memory_space<vmem_shared>> -> memref<80x128xf32, #tpu.memory_space<vmem_shared>>
    %dma_wait3A_369 = arith.constant 0 : i32
    %dma_wait3A_370 = tpu.memref_slice %arg18[%add3A_366, %dma_wait3A_369] : memref<10000x128xf32, #tpu.memory_space<vmem_shared>> -> memref<80x128xf32, #tpu.memory_space<vmem_shared>>
    tpu.wait_dma2 semaphore(%arg26 : memref<!tpu.dma_semaphore, #tpu.memory_space<semaphore_mem>>) src(%dma_wait3A_370 : memref<80x128xf32, #tpu.memory_space<vmem_shared>>) dst(%arg17 : memref<80x128xf32, #tpu.memory_space<vmem>>)
    %mul3A_371 = arith.constant 624 : i32
    %mul3A_372 = arith.muli %arg1, %mul3A_371 : i32
    %add3A_373 = arith.constant 240 : i32
    %add3A_374 = arith.addi %mul3A_372, %add3A_373 : i32
    %dma_start3A_375 = arith.constant 0 : i32
    %dma_start3A_376 = tpu.memref_slice %arg5[%arg0, %add3A_374, %dma_start3A_375] : memref<2x10000x128xf32, #tpu.memory_space<hbm>> -> memref<1x80x128xf32, #tpu.memory_space<hbm>>
    %dma_start3A_377 = tpu.memref_squeeze %dma_start3A_376 : memref<1x80x128xf32, #tpu.memory_space<hbm>> -> memref<80x128xf32, #tpu.memory_space<hbm>>
    %dma_start3A_378 = arith.constant 0 : i32
    %dma_start3A_379 = tpu.memref_slice %arg5[%arg0, %add3A_374, %dma_start3A_378] : memref<2x10000x128xf32, #tpu.memory_space<hbm>> -> memref<1x80x128xf32, #tpu.memory_space<hbm>>
    %dma_start3A_380 = tpu.memref_squeeze %dma_start3A_379 : memref<1x80x128xf32, #tpu.memory_space<hbm>> -> memref<80x128xf32, #tpu.memory_space<hbm>>
    tpu.enqueue_dma source(%arg17 : memref<80x128xf32, #tpu.memory_space<vmem>>) target(%dma_start3A_380 : memref<80x128xf32, #tpu.memory_space<hbm>>) target_semaphore(%arg30 : memref<!tpu.dma_semaphore, #tpu.memory_space<semaphore_mem>>)
    %mul3A_381 = arith.constant 624 : i32
    %mul3A_382 = arith.muli %arg1, %mul3A_381 : i32
    %add3A_383 = arith.constant 240 : i32
    %add3A_384 = arith.addi %mul3A_382, %add3A_383 : i32
    %dma_wait3A_385 = arith.constant 0 : i32
    %dma_wait3A_386 = tpu.memref_slice %arg5[%arg0, %add3A_384, %dma_wait3A_385] : memref<2x10000x128xf32, #tpu.memory_space<hbm>> -> memref<1x80x128xf32, #tpu.memory_space<hbm>>
    %dma_wait3A_387 = tpu.memref_squeeze %dma_wait3A_386 : memref<1x80x128xf32, #tpu.memory_space<hbm>> -> memref<80x128xf32, #tpu.memory_space<hbm>>
    %dma_wait3A_388 = arith.constant 0 : i32
    %dma_wait3A_389 = tpu.memref_slice %arg5[%arg0, %add3A_384, %dma_wait3A_388] : memref<2x10000x128xf32, #tpu.memory_space<hbm>> -> memref<1x80x128xf32, #tpu.memory_space<hbm>>
    %dma_wait3A_390 = tpu.memref_squeeze %dma_wait3A_389 : memref<1x80x128xf32, #tpu.memory_space<hbm>> -> memref<80x128xf32, #tpu.memory_space<hbm>>
    tpu.wait_dma2 semaphore(%arg30 : memref<!tpu.dma_semaphore, #tpu.memory_space<semaphore_mem>>) src(%arg17 : memref<80x128xf32, #tpu.memory_space<vmem>>) dst(%dma_wait3A_390 : memref<80x128xf32, #tpu.memory_space<hbm>>)
    %mul3A_391 = arith.constant 624 : i32
    %mul3A_392 = arith.muli %arg1, %mul3A_391 : i32
    %add3A_393 = arith.constant 560 : i32
    %add3A_394 = arith.addi %mul3A_392, %add3A_393 : i32
    %dma_start3A_395 = arith.constant 0 : i32
    %dma_start3A_396 = arith.constant 0 : i32
    %dma_start3A_397 = tpu.memref_slice %arg17[%dma_start3A_395, %dma_start3A_396] : memref<80x128xf32, #tpu.memory_space<vmem>> -> memref<64x128xf32, #tpu.memory_space<vmem>>
    %dma_start3A_398 = arith.constant 0 : i32
    %dma_start3A_399 = tpu.memref_slice %arg18[%add3A_394, %dma_start3A_398] : memref<10000x128xf32, #tpu.memory_space<vmem_shared>> -> memref<64x128xf32, #tpu.memory_space<vmem_shared>>
    %dma_start3A_400 = arith.constant 0 : i32
    %dma_start3A_401 = arith.constant 0 : i32
    %dma_start3A_402 = tpu.memref_slice %arg17[%dma_start3A_400, %dma_start3A_401] : memref<80x128xf32, #tpu.memory_space<vmem>> -> memref<64x128xf32, #tpu.memory_space<vmem>>
    %dma_start3A_403 = arith.constant 0 : i32
    %dma_start3A_404 = tpu.memref_slice %arg18[%add3A_394, %dma_start3A_403] : memref<10000x128xf32, #tpu.memory_space<vmem_shared>> -> memref<64x128xf32, #tpu.memory_space<vmem_shared>>
    tpu.enqueue_dma source(%dma_start3A_404 : memref<64x128xf32, #tpu.memory_space<vmem_shared>>) target(%dma_start3A_402 : memref<64x128xf32, #tpu.memory_space<vmem>>) target_semaphore(%arg26 : memref<!tpu.dma_semaphore, #tpu.memory_space<semaphore_mem>>)
    %mul3A_405 = arith.constant 624 : i32
    %mul3A_406 = arith.muli %arg1, %mul3A_405 : i32
    %add3A_407 = arith.constant 320 : i32
    %add3A_408 = arith.addi %mul3A_406, %add3A_407 : i32
    %dma_wait3A_409 = arith.constant 0 : i32
    %dma_wait3A_410 = tpu.memref_slice %arg18[%add3A_408, %dma_wait3A_409] : memref<10000x128xf32, #tpu.memory_space<vmem_shared>> -> memref<80x128xf32, #tpu.memory_space<vmem_shared>>
    %dma_wait3A_411 = arith.constant 0 : i32
    %dma_wait3A_412 = tpu.memref_slice %arg18[%add3A_408, %dma_wait3A_411] : memref<10000x128xf32, #tpu.memory_space<vmem_shared>> -> memref<80x128xf32, #tpu.memory_space<vmem_shared>>
    tpu.wait_dma2 semaphore(%arg23 : memref<!tpu.dma_semaphore, #tpu.memory_space<semaphore_mem>>) src(%dma_wait3A_412 : memref<80x128xf32, #tpu.memory_space<vmem_shared>>) dst(%arg14 : memref<80x128xf32, #tpu.memory_space<vmem>>)
    %mul3A_413 = arith.constant 624 : i32
    %mul3A_414 = arith.muli %arg1, %mul3A_413 : i32
    %add3A_415 = arith.constant 320 : i32
    %add3A_416 = arith.addi %mul3A_414, %add3A_415 : i32
    %dma_start3A_417 = arith.constant 0 : i32
    %dma_start3A_418 = tpu.memref_slice %arg5[%arg0, %add3A_416, %dma_start3A_417] : memref<2x10000x128xf32, #tpu.memory_space<hbm>> -> memref<1x80x128xf32, #tpu.memory_space<hbm>>
    %dma_start3A_419 = tpu.memref_squeeze %dma_start3A_418 : memref<1x80x128xf32, #tpu.memory_space<hbm>> -> memref<80x128xf32, #tpu.memory_space<hbm>>
    %dma_start3A_420 = arith.constant 0 : i32
    %dma_start3A_421 = tpu.memref_slice %arg5[%arg0, %add3A_416, %dma_start3A_420] : memref<2x10000x128xf32, #tpu.memory_space<hbm>> -> memref<1x80x128xf32, #tpu.memory_space<hbm>>
    %dma_start3A_422 = tpu.memref_squeeze %dma_start3A_421 : memref<1x80x128xf32, #tpu.memory_space<hbm>> -> memref<80x128xf32, #tpu.memory_space<hbm>>
    tpu.enqueue_dma source(%arg14 : memref<80x128xf32, #tpu.memory_space<vmem>>) target(%dma_start3A_422 : memref<80x128xf32, #tpu.memory_space<hbm>>) target_semaphore(%arg27 : memref<!tpu.dma_semaphore, #tpu.memory_space<semaphore_mem>>)
    %mul3A_423 = arith.constant 624 : i32
    %mul3A_424 = arith.muli %arg1, %mul3A_423 : i32
    %add3A_425 = arith.constant 400 : i32
    %add3A_426 = arith.addi %mul3A_424, %add3A_425 : i32
    %dma_wait3A_427 = arith.constant 0 : i32
    %dma_wait3A_428 = tpu.memref_slice %arg18[%add3A_426, %dma_wait3A_427] : memref<10000x128xf32, #tpu.memory_space<vmem_shared>> -> memref<80x128xf32, #tpu.memory_space<vmem_shared>>
    %dma_wait3A_429 = arith.constant 0 : i32
    %dma_wait3A_430 = tpu.memref_slice %arg18[%add3A_426, %dma_wait3A_429] : memref<10000x128xf32, #tpu.memory_space<vmem_shared>> -> memref<80x128xf32, #tpu.memory_space<vmem_shared>>
    tpu.wait_dma2 semaphore(%arg24 : memref<!tpu.dma_semaphore, #tpu.memory_space<semaphore_mem>>) src(%dma_wait3A_430 : memref<80x128xf32, #tpu.memory_space<vmem_shared>>) dst(%arg15 : memref<80x128xf32, #tpu.memory_space<vmem>>)
    %mul3A_431 = arith.constant 624 : i32
    %mul3A_432 = arith.muli %arg1, %mul3A_431 : i32
    %add3A_433 = arith.constant 400 : i32
    %add3A_434 = arith.addi %mul3A_432, %add3A_433 : i32
    %dma_start3A_435 = arith.constant 0 : i32
    %dma_start3A_436 = tpu.memref_slice %arg5[%arg0, %add3A_434, %dma_start3A_435] : memref<2x10000x128xf32, #tpu.memory_space<hbm>> -> memref<1x80x128xf32, #tpu.memory_space<hbm>>
    %dma_start3A_437 = tpu.memref_squeeze %dma_start3A_436 : memref<1x80x128xf32, #tpu.memory_space<hbm>> -> memref<80x128xf32, #tpu.memory_space<hbm>>
    %dma_start3A_438 = arith.constant 0 : i32
    %dma_start3A_439 = tpu.memref_slice %arg5[%arg0, %add3A_434, %dma_start3A_438] : memref<2x10000x128xf32, #tpu.memory_space<hbm>> -> memref<1x80x128xf32, #tpu.memory_space<hbm>>
    %dma_start3A_440 = tpu.memref_squeeze %dma_start3A_439 : memref<1x80x128xf32, #tpu.memory_space<hbm>> -> memref<80x128xf32, #tpu.memory_space<hbm>>
    tpu.enqueue_dma source(%arg15 : memref<80x128xf32, #tpu.memory_space<vmem>>) target(%dma_start3A_440 : memref<80x128xf32, #tpu.memory_space<hbm>>) target_semaphore(%arg28 : memref<!tpu.dma_semaphore, #tpu.memory_space<semaphore_mem>>)
    %mul3A_441 = arith.constant 624 : i32
    %mul3A_442 = arith.muli %arg1, %mul3A_441 : i32
    %add3A_443 = arith.constant 480 : i32
    %add3A_444 = arith.addi %mul3A_442, %add3A_443 : i32
    %dma_wait3A_445 = arith.constant 0 : i32
    %dma_wait3A_446 = tpu.memref_slice %arg18[%add3A_444, %dma_wait3A_445] : memref<10000x128xf32, #tpu.memory_space<vmem_shared>> -> memref<80x128xf32, #tpu.memory_space<vmem_shared>>
    %dma_wait3A_447 = arith.constant 0 : i32
    %dma_wait3A_448 = tpu.memref_slice %arg18[%add3A_444, %dma_wait3A_447] : memref<10000x128xf32, #tpu.memory_space<vmem_shared>> -> memref<80x128xf32, #tpu.memory_space<vmem_shared>>
    tpu.wait_dma2 semaphore(%arg25 : memref<!tpu.dma_semaphore, #tpu.memory_space<semaphore_mem>>) src(%dma_wait3A_448 : memref<80x128xf32, #tpu.memory_space<vmem_shared>>) dst(%arg16 : memref<80x128xf32, #tpu.memory_space<vmem>>)
    %mul3A_449 = arith.constant 624 : i32
    %mul3A_450 = arith.muli %arg1, %mul3A_449 : i32
    %add3A_451 = arith.constant 480 : i32
    %add3A_452 = arith.addi %mul3A_450, %add3A_451 : i32
    %dma_start3A_453 = arith.constant 0 : i32
    %dma_start3A_454 = tpu.memref_slice %arg5[%arg0, %add3A_452, %dma_start3A_453] : memref<2x10000x128xf32, #tpu.memory_space<hbm>> -> memref<1x80x128xf32, #tpu.memory_space<hbm>>
    %dma_start3A_455 = tpu.memref_squeeze %dma_start3A_454 : memref<1x80x128xf32, #tpu.memory_space<hbm>> -> memref<80x128xf32, #tpu.memory_space<hbm>>
    %dma_start3A_456 = arith.constant 0 : i32
    %dma_start3A_457 = tpu.memref_slice %arg5[%arg0, %add3A_452, %dma_start3A_456] : memref<2x10000x128xf32, #tpu.memory_space<hbm>> -> memref<1x80x128xf32, #tpu.memory_space<hbm>>
    %dma_start3A_458 = tpu.memref_squeeze %dma_start3A_457 : memref<1x80x128xf32, #tpu.memory_space<hbm>> -> memref<80x128xf32, #tpu.memory_space<hbm>>
    tpu.enqueue_dma source(%arg16 : memref<80x128xf32, #tpu.memory_space<vmem>>) target(%dma_start3A_458 : memref<80x128xf32, #tpu.memory_space<hbm>>) target_semaphore(%arg29 : memref<!tpu.dma_semaphore, #tpu.memory_space<semaphore_mem>>)
    %mul3A_459 = arith.constant 624 : i32
    %mul3A_460 = arith.muli %arg1, %mul3A_459 : i32
    %add3A_461 = arith.constant 560 : i32
    %add3A_462 = arith.addi %mul3A_460, %add3A_461 : i32
    %dma_wait3A_463 = arith.constant 0 : i32
    %dma_wait3A_464 = arith.constant 0 : i32
    %dma_wait3A_465 = tpu.memref_slice %arg17[%dma_wait3A_463, %dma_wait3A_464] : memref<80x128xf32, #tpu.memory_space<vmem>> -> memref<64x128xf32, #tpu.memory_space<vmem>>
    %dma_wait3A_466 = arith.constant 0 : i32
    %dma_wait3A_467 = tpu.memref_slice %arg18[%add3A_462, %dma_wait3A_466] : memref<10000x128xf32, #tpu.memory_space<vmem_shared>> -> memref<64x128xf32, #tpu.memory_space<vmem_shared>>
    %dma_wait3A_468 = arith.constant 0 : i32
    %dma_wait3A_469 = arith.constant 0 : i32
    %dma_wait3A_470 = tpu.memref_slice %arg17[%dma_wait3A_468, %dma_wait3A_469] : memref<80x128xf32, #tpu.memory_space<vmem>> -> memref<64x128xf32, #tpu.memory_space<vmem>>
    %dma_wait3A_471 = arith.constant 0 : i32
    %dma_wait3A_472 = tpu.memref_slice %arg18[%add3A_462, %dma_wait3A_471] : memref<10000x128xf32, #tpu.memory_space<vmem_shared>> -> memref<64x128xf32, #tpu.memory_space<vmem_shared>>
    tpu.wait_dma2 semaphore(%arg26 : memref<!tpu.dma_semaphore, #tpu.memory_space<semaphore_mem>>) src(%dma_wait3A_472 : memref<64x128xf32, #tpu.memory_space<vmem_shared>>) dst(%dma_wait3A_470 : memref<64x128xf32, #tpu.memory_space<vmem>>)
    %mul3A_473 = arith.constant 624 : i32
    %mul3A_474 = arith.muli %arg1, %mul3A_473 : i32
    %add3A_475 = arith.constant 560 : i32
    %add3A_476 = arith.addi %mul3A_474, %add3A_475 : i32
    %dma_start3A_477 = arith.constant 0 : i32
    %dma_start3A_478 = arith.constant 0 : i32
    %dma_start3A_479 = tpu.memref_slice %arg17[%dma_start3A_477, %dma_start3A_478] : memref<80x128xf32, #tpu.memory_space<vmem>> -> memref<64x128xf32, #tpu.memory_space<vmem>>
    %dma_start3A_480 = arith.constant 0 : i32
    %dma_start3A_481 = tpu.memref_slice %arg5[%arg0, %add3A_476, %dma_start3A_480] : memref<2x10000x128xf32, #tpu.memory_space<hbm>> -> memref<1x64x128xf32, #tpu.memory_space<hbm>>
    %dma_start3A_482 = tpu.memref_squeeze %dma_start3A_481 : memref<1x64x128xf32, #tpu.memory_space<hbm>> -> memref<64x128xf32, #tpu.memory_space<hbm>>
    %dma_start3A_483 = arith.constant 0 : i32
    %dma_start3A_484 = tpu.memref_slice %arg5[%arg0, %add3A_476, %dma_start3A_483] : memref<2x10000x128xf32, #tpu.memory_space<hbm>> -> memref<1x64x128xf32, #tpu.memory_space<hbm>>
    %dma_start3A_485 = tpu.memref_squeeze %dma_start3A_484 : memref<1x64x128xf32, #tpu.memory_space<hbm>> -> memref<64x128xf32, #tpu.memory_space<hbm>>
    %dma_start3A_486 = arith.constant 0 : i32
    %dma_start3A_487 = arith.constant 0 : i32
    %dma_start3A_488 = tpu.memref_slice %arg17[%dma_start3A_486, %dma_start3A_487] : memref<80x128xf32, #tpu.memory_space<vmem>> -> memref<64x128xf32, #tpu.memory_space<vmem>>
    tpu.enqueue_dma source(%dma_start3A_488 : memref<64x128xf32, #tpu.memory_space<vmem>>) target(%dma_start3A_485 : memref<64x128xf32, #tpu.memory_space<hbm>>) target_semaphore(%arg30 : memref<!tpu.dma_semaphore, #tpu.memory_space<semaphore_mem>>)
    %mul3A_489 = arith.constant 624 : i32
    %mul3A_490 = arith.muli %arg1, %mul3A_489 : i32
    %add3A_491 = arith.constant 320 : i32
    %add3A_492 = arith.addi %mul3A_490, %add3A_491 : i32
    %dma_wait3A_493 = arith.constant 0 : i32
    %dma_wait3A_494 = tpu.memref_slice %arg5[%arg0, %add3A_492, %dma_wait3A_493] : memref<2x10000x128xf32, #tpu.memory_space<hbm>> -> memref<1x80x128xf32, #tpu.memory_space<hbm>>
    %dma_wait3A_495 = tpu.memref_squeeze %dma_wait3A_494 : memref<1x80x128xf32, #tpu.memory_space<hbm>> -> memref<80x128xf32, #tpu.memory_space<hbm>>
    %dma_wait3A_496 = arith.constant 0 : i32
    %dma_wait3A_497 = tpu.memref_slice %arg5[%arg0, %add3A_492, %dma_wait3A_496] : memref<2x10000x128xf32, #tpu.memory_space<hbm>> -> memref<1x80x128xf32, #tpu.memory_space<hbm>>
    %dma_wait3A_498 = tpu.memref_squeeze %dma_wait3A_497 : memref<1x80x128xf32, #tpu.memory_space<hbm>> -> memref<80x128xf32, #tpu.memory_space<hbm>>
    tpu.wait_dma2 semaphore(%arg27 : memref<!tpu.dma_semaphore, #tpu.memory_space<semaphore_mem>>) src(%arg14 : memref<80x128xf32, #tpu.memory_space<vmem>>) dst(%dma_wait3A_498 : memref<80x128xf32, #tpu.memory_space<hbm>>)
    %mul3A_499 = arith.constant 624 : i32
    %mul3A_500 = arith.muli %arg1, %mul3A_499 : i32
    %add3A_501 = arith.constant 400 : i32
    %add3A_502 = arith.addi %mul3A_500, %add3A_501 : i32
    %dma_wait3A_503 = arith.constant 0 : i32
    %dma_wait3A_504 = tpu.memref_slice %arg5[%arg0, %add3A_502, %dma_wait3A_503] : memref<2x10000x128xf32, #tpu.memory_space<hbm>> -> memref<1x80x128xf32, #tpu.memory_space<hbm>>
    %dma_wait3A_505 = tpu.memref_squeeze %dma_wait3A_504 : memref<1x80x128xf32, #tpu.memory_space<hbm>> -> memref<80x128xf32, #tpu.memory_space<hbm>>
    %dma_wait3A_506 = arith.constant 0 : i32
    %dma_wait3A_507 = tpu.memref_slice %arg5[%arg0, %add3A_502, %dma_wait3A_506] : memref<2x10000x128xf32, #tpu.memory_space<hbm>> -> memref<1x80x128xf32, #tpu.memory_space<hbm>>
    %dma_wait3A_508 = tpu.memref_squeeze %dma_wait3A_507 : memref<1x80x128xf32, #tpu.memory_space<hbm>> -> memref<80x128xf32, #tpu.memory_space<hbm>>
    tpu.wait_dma2 semaphore(%arg28 : memref<!tpu.dma_semaphore, #tpu.memory_space<semaphore_mem>>) src(%arg15 : memref<80x128xf32, #tpu.memory_space<vmem>>) dst(%dma_wait3A_508 : memref<80x128xf32, #tpu.memory_space<hbm>>)
    %mul3A_509 = arith.constant 624 : i32
    %mul3A_510 = arith.muli %arg1, %mul3A_509 : i32
    %add3A_511 = arith.constant 480 : i32
    %add3A_512 = arith.addi %mul3A_510, %add3A_511 : i32
    %dma_wait3A_513 = arith.constant 0 : i32
    %dma_wait3A_514 = tpu.memref_slice %arg5[%arg0, %add3A_512, %dma_wait3A_513] : memref<2x10000x128xf32, #tpu.memory_space<hbm>> -> memref<1x80x128xf32, #tpu.memory_space<hbm>>
    %dma_wait3A_515 = tpu.memref_squeeze %dma_wait3A_514 : memref<1x80x128xf32, #tpu.memory_space<hbm>> -> memref<80x128xf32, #tpu.memory_space<hbm>>
    %dma_wait3A_516 = arith.constant 0 : i32
    %dma_wait3A_517 = tpu.memref_slice %arg5[%arg0, %add3A_512, %dma_wait3A_516] : memref<2x10000x128xf32, #tpu.memory_space<hbm>> -> memref<1x80x128xf32, #tpu.memory_space<hbm>>
    %dma_wait3A_518 = tpu.memref_squeeze %dma_wait3A_517 : memref<1x80x128xf32, #tpu.memory_space<hbm>> -> memref<80x128xf32, #tpu.memory_space<hbm>>
    tpu.wait_dma2 semaphore(%arg29 : memref<!tpu.dma_semaphore, #tpu.memory_space<semaphore_mem>>) src(%arg16 : memref<80x128xf32, #tpu.memory_space<vmem>>) dst(%dma_wait3A_518 : memref<80x128xf32, #tpu.memory_space<hbm>>)
    %mul3A_519 = arith.constant 624 : i32
    %mul3A_520 = arith.muli %arg1, %mul3A_519 : i32
    %add3A_521 = arith.constant 560 : i32
    %add3A_522 = arith.addi %mul3A_520, %add3A_521 : i32
    %dma_wait3A_523 = arith.constant 0 : i32
    %dma_wait3A_524 = arith.constant 0 : i32
    %dma_wait3A_525 = tpu.memref_slice %arg17[%dma_wait3A_523, %dma_wait3A_524] : memref<80x128xf32, #tpu.memory_space<vmem>> -> memref<64x128xf32, #tpu.memory_space<vmem>>
    %dma_wait3A_526 = arith.constant 0 : i32
    %dma_wait3A_527 = tpu.memref_slice %arg5[%arg0, %add3A_522, %dma_wait3A_526] : memref<2x10000x128xf32, #tpu.memory_space<hbm>> -> memref<1x64x128xf32, #tpu.memory_space<hbm>>
    %dma_wait3A_528 = tpu.memref_squeeze %dma_wait3A_527 : memref<1x64x128xf32, #tpu.memory_space<hbm>> -> memref<64x128xf32, #tpu.memory_space<hbm>>
    %dma_wait3A_529 = arith.constant 0 : i32
    %dma_wait3A_530 = tpu.memref_slice %arg5[%arg0, %add3A_522, %dma_wait3A_529] : memref<2x10000x128xf32, #tpu.memory_space<hbm>> -> memref<1x64x128xf32, #tpu.memory_space<hbm>>
    %dma_wait3A_531 = tpu.memref_squeeze %dma_wait3A_530 : memref<1x64x128xf32, #tpu.memory_space<hbm>> -> memref<64x128xf32, #tpu.memory_space<hbm>>
    %dma_wait3A_532 = arith.constant 0 : i32
    %dma_wait3A_533 = arith.constant 0 : i32
    %dma_wait3A_534 = tpu.memref_slice %arg17[%dma_wait3A_532, %dma_wait3A_533] : memref<80x128xf32, #tpu.memory_space<vmem>> -> memref<64x128xf32, #tpu.memory_space<vmem>>
    tpu.wait_dma2 semaphore(%arg30 : memref<!tpu.dma_semaphore, #tpu.memory_space<semaphore_mem>>) src(%dma_wait3A_534 : memref<64x128xf32, #tpu.memory_space<vmem>>) dst(%dma_wait3A_531 : memref<64x128xf32, #tpu.memory_space<hbm>>)
    %eq3A_535 = arith.constant 15 : i32
    %eq3A_536 = arith.cmpi eq, %arg1, %eq3A_535 : i32
    %convert_element_type3A_537 = arith.extui %eq3A_536 : i1 to i32
    %cond3A_538 = arith.constant 0 : i32
    %cond3A_539 = arith.cmpi ne, %convert_element_type3A_537, %cond3A_538 : i32
    scf.if %cond3A_539 {
      "tpu.region"() ({
        %run_scoped3A = tpu.sem_alloc : memref<!tpu.dma_semaphore, #tpu.memory_space<semaphore_mem>>
        %dma_start3A_540 = arith.constant 0 : i32
        %dma_start3A_541 = arith.constant 0 : i32
        %dma_start3A_542 = tpu.memref_slice %arg14[%dma_start3A_540, %dma_start3A_541] : memref<80x128xf32, #tpu.memory_space<vmem>> -> memref<16x128xf32, #tpu.memory_space<vmem>>
        %dma_start3A_543 = arith.constant 9984 : i32
        %dma_start3A_544 = arith.constant 0 : i32
        %dma_start3A_545 = tpu.memref_slice %arg18[%dma_start3A_543, %dma_start3A_544] : memref<10000x128xf32, #tpu.memory_space<vmem_shared>> -> memref<16x128xf32, #tpu.memory_space<vmem_shared>>
        %dma_start3A_546 = arith.constant 0 : i32
        %dma_start3A_547 = arith.constant 0 : i32
        %dma_start3A_548 = tpu.memref_slice %arg14[%dma_start3A_546, %dma_start3A_547] : memref<80x128xf32, #tpu.memory_space<vmem>> -> memref<16x128xf32, #tpu.memory_space<vmem>>
        %dma_start3A_549 = arith.constant 9984 : i32
        %dma_start3A_550 = arith.constant 0 : i32
        %dma_start3A_551 = tpu.memref_slice %arg18[%dma_start3A_549, %dma_start3A_550] : memref<10000x128xf32, #tpu.memory_space<vmem_shared>> -> memref<16x128xf32, #tpu.memory_space<vmem_shared>>
        tpu.enqueue_dma source(%dma_start3A_551 : memref<16x128xf32, #tpu.memory_space<vmem_shared>>) target(%dma_start3A_548 : memref<16x128xf32, #tpu.memory_space<vmem>>) target_semaphore(%run_scoped3A : memref<!tpu.dma_semaphore, #tpu.memory_space<semaphore_mem>>)
        %dma_wait3A_552 = arith.constant 0 : i32
        %dma_wait3A_553 = arith.constant 0 : i32
        %dma_wait3A_554 = tpu.memref_slice %arg14[%dma_wait3A_552, %dma_wait3A_553] : memref<80x128xf32, #tpu.memory_space<vmem>> -> memref<16x128xf32, #tpu.memory_space<vmem>>
        %dma_wait3A_555 = arith.constant 9984 : i32
        %dma_wait3A_556 = arith.constant 0 : i32
        %dma_wait3A_557 = tpu.memref_slice %arg18[%dma_wait3A_555, %dma_wait3A_556] : memref<10000x128xf32, #tpu.memory_space<vmem_shared>> -> memref<16x128xf32, #tpu.memory_space<vmem_shared>>
        %dma_wait3A_558 = arith.constant 0 : i32
        %dma_wait3A_559 = arith.constant 0 : i32
        %dma_wait3A_560 = tpu.memref_slice %arg14[%dma_wait3A_558, %dma_wait3A_559] : memref<80x128xf32, #tpu.memory_space<vmem>> -> memref<16x128xf32, #tpu.memory_space<vmem>>
        %dma_wait3A_561 = arith.constant 9984 : i32
        %dma_wait3A_562 = arith.constant 0 : i32
        %dma_wait3A_563 = tpu.memref_slice %arg18[%dma_wait3A_561, %dma_wait3A_562] : memref<10000x128xf32, #tpu.memory_space<vmem_shared>> -> memref<16x128xf32, #tpu.memory_space<vmem_shared>>
        tpu.wait_dma2 semaphore(%run_scoped3A : memref<!tpu.dma_semaphore, #tpu.memory_space<semaphore_mem>>) src(%dma_wait3A_563 : memref<16x128xf32, #tpu.memory_space<vmem_shared>>) dst(%dma_wait3A_560 : memref<16x128xf32, #tpu.memory_space<vmem>>)
        tpu.yield
      }) : () -> ()
      "tpu.region"() ({
        %run_scoped3A = tpu.sem_alloc : memref<!tpu.dma_semaphore, #tpu.memory_space<semaphore_mem>>
        %dma_start3A_540 = arith.constant 0 : i32
        %dma_start3A_541 = arith.constant 0 : i32
        %dma_start3A_542 = tpu.memref_slice %arg14[%dma_start3A_540, %dma_start3A_541] : memref<80x128xf32, #tpu.memory_space<vmem>> -> memref<16x128xf32, #tpu.memory_space<vmem>>
        %dma_start3A_543 = arith.constant 9984 : i32
        %dma_start3A_544 = arith.constant 0 : i32
        %dma_start3A_545 = tpu.memref_slice %arg5[%arg0, %dma_start3A_543, %dma_start3A_544] : memref<2x10000x128xf32, #tpu.memory_space<hbm>> -> memref<1x16x128xf32, #tpu.memory_space<hbm>>
        %dma_start3A_546 = tpu.memref_squeeze %dma_start3A_545 : memref<1x16x128xf32, #tpu.memory_space<hbm>> -> memref<16x128xf32, #tpu.memory_space<hbm>>
        %dma_start3A_547 = arith.constant 9984 : i32
        %dma_start3A_548 = arith.constant 0 : i32
        %dma_start3A_549 = tpu.memref_slice %arg5[%arg0, %dma_start3A_547, %dma_start3A_548] : memref<2x10000x128xf32, #tpu.memory_space<hbm>> -> memref<1x16x128xf32, #tpu.memory_space<hbm>>
        %dma_start3A_550 = tpu.memref_squeeze %dma_start3A_549 : memref<1x16x128xf32, #tpu.memory_space<hbm>> -> memref<16x128xf32, #tpu.memory_space<hbm>>
        %dma_start3A_551 = arith.constant 0 : i32
        %dma_start3A_552 = arith.constant 0 : i32
        %dma_start3A_553 = tpu.memref_slice %arg14[%dma_start3A_551, %dma_start3A_552] : memref<80x128xf32, #tpu.memory_space<vmem>> -> memref<16x128xf32, #tpu.memory_space<vmem>>
        tpu.enqueue_dma source(%dma_start3A_553 : memref<16x128xf32, #tpu.memory_space<vmem>>) target(%dma_start3A_550 : memref<16x128xf32, #tpu.memory_space<hbm>>) target_semaphore(%run_scoped3A : memref<!tpu.dma_semaphore, #tpu.memory_space<semaphore_mem>>)
        %dma_wait3A_554 = arith.constant 0 : i32
        %dma_wait3A_555 = arith.constant 0 : i32
        %dma_wait3A_556 = tpu.memref_slice %arg14[%dma_wait3A_554, %dma_wait3A_555] : memref<80x128xf32, #tpu.memory_space<vmem>> -> memref<16x128xf32, #tpu.memory_space<vmem>>
        %dma_wait3A_557 = arith.constant 9984 : i32
        %dma_wait3A_558 = arith.constant 0 : i32
        %dma_wait3A_559 = tpu.memref_slice %arg5[%arg0, %dma_wait3A_557, %dma_wait3A_558] : memref<2x10000x128xf32, #tpu.memory_space<hbm>> -> memref<1x16x128xf32, #tpu.memory_space<hbm>>
        %dma_wait3A_560 = tpu.memref_squeeze %dma_wait3A_559 : memref<1x16x128xf32, #tpu.memory_space<hbm>> -> memref<16x128xf32, #tpu.memory_space<hbm>>
        %dma_wait3A_561 = arith.constant 9984 : i32
        %dma_wait3A_562 = arith.constant 0 : i32
        %dma_wait3A_563 = tpu.memref_slice %arg5[%arg0, %dma_wait3A_561, %dma_wait3A_562] : memref<2x10000x128xf32, #tpu.memory_space<hbm>> -> memref<1x16x128xf32, #tpu.memory_space<hbm>>
        %dma_wait3A_564 = tpu.memref_squeeze %dma_wait3A_563 : memref<1x16x128xf32, #tpu.memory_space<hbm>> -> memref<16x128xf32, #tpu.memory_space<hbm>>
        %dma_wait3A_565 = arith.constant 0 : i32
        %dma_wait3A_566 = arith.constant 0 : i32
        %dma_wait3A_567 = tpu.memref_slice %arg14[%dma_wait3A_565, %dma_wait3A_566] : memref<80x128xf32, #tpu.memory_space<vmem>> -> memref<16x128xf32, #tpu.memory_space<vmem>>
        tpu.wait_dma2 semaphore(%run_scoped3A : memref<!tpu.dma_semaphore, #tpu.memory_space<semaphore_mem>>) src(%dma_wait3A_567 : memref<16x128xf32, #tpu.memory_space<vmem>>) dst(%dma_wait3A_564 : memref<16x128xf32, #tpu.memory_space<hbm>>)
        tpu.yield
      }) : () -> ()
    } else {
    }
    return
  }
}

#map = affine_map<(d0, d1) -> (0)>
#map1 = affine_map<(d0, d1) -> (0, 0)>
#map2 = affine_map<(d0, d1) -> (0, 0, 0)>
module attributes {stable_mosaic.version = 14 : i64} {
  func.func @k(%arg0: i32, %arg1: i32, %arg2: memref<320000xi32, #tpu.memory_space<hbm>>, %arg3: memref<320000xi32, #tpu.memory_space<hbm>>, %arg4: memref<10000x128xf32, #tpu.memory_space<hbm>>, %arg5: memref<2x10000x128xf32, #tpu.memory_space<hbm>>, %arg6: memref<80xi32, #tpu.memory_space<vmem>>, %arg7: memref<80xi32, #tpu.memory_space<vmem>>, %arg8: memref<80xi32, #tpu.memory_space<vmem>>, %arg9: memref<80xi32, #tpu.memory_space<vmem>>, %arg10: memref<80xi32, #tpu.memory_space<vmem>>, %arg11: memref<80xi32, #tpu.memory_space<vmem>>, %arg12: memref<80xi32, #tpu.memory_space<vmem>>, %arg13: memref<80xi32, #tpu.memory_space<vmem>>, %arg14: memref<80x128xf32, #tpu.memory_space<vmem>>, %arg15: memref<80x128xf32, #tpu.memory_space<vmem>>, %arg16: memref<80x128xf32, #tpu.memory_space<vmem>>, %arg17: memref<80x128xf32, #tpu.memory_space<vmem>>, %arg18: memref<10000x128xf32, #tpu.memory_space<vmem_shared>>, %arg19: memref<!tpu.dma_semaphore, #tpu.memory_space<semaphore_mem>>, %arg20: memref<!tpu.dma_semaphore, #tpu.memory_space<semaphore_mem>>, %arg21: memref<!tpu.dma_semaphore, #tpu.memory_space<semaphore_mem>>, %arg22: memref<!tpu.dma_semaphore, #tpu.memory_space<semaphore_mem>>, %arg23: memref<!tpu.dma_semaphore, #tpu.memory_space<semaphore_mem>>, %arg24: memref<!tpu.dma_semaphore, #tpu.memory_space<semaphore_mem>>, %arg25: memref<!tpu.dma_semaphore, #tpu.memory_space<semaphore_mem>>, %arg26: memref<!tpu.dma_semaphore, #tpu.memory_space<semaphore_mem>>, %arg27: memref<!tpu.dma_semaphore, #tpu.memory_space<semaphore_mem>>, %arg28: memref<!tpu.dma_semaphore, #tpu.memory_space<semaphore_mem>>, %arg29: memref<!tpu.dma_semaphore, #tpu.memory_space<semaphore_mem>>, %arg30: memref<!tpu.dma_semaphore, #tpu.memory_space<semaphore_mem>>) attributes {dimension_semantics = [#tpu.dimension_semantics<core_parallel>, #tpu.dimension_semantics<subcore_parallel>], iteration_bounds = array<i64: 2, 16>, scalar_prefetch = 0 : i64, scratch_operands = 25 : i64, tpu.core_type = #tpu.core_type<sc_vector_subcore>, window_params = [{transform_indices = #map}, {transform_indices = #map}, {transform_indices = #map1}, {transform_indices = #map2}]} {
    %mul3A = arith.constant 16 : i32
    %mul3A_0 = arith.muli %arg0, %mul3A : i32
    %add3A = arith.addi %mul3A_0, %arg1 : i32
    %scan3A = arith.constant 0 : i32
    %scan3A_1 = arith.constant 80 : i32
    %scan3A_2 = arith.addi %scan3A, %scan3A_1 : i32
    %scan3A_3 = arith.constant 1 : i32
    scf.for %scan3A_540 = %scan3A to %scan3A_2 step %scan3A_3  : i32 {
      %mul3A_541 = arith.constant 1 : i32
      %mul3A_542 = arith.muli %scan3A_540, %mul3A_541 : i32
      %add3A_543 = arith.constant 0 : i32
      %add3A_544 = arith.addi %add3A_543, %mul3A_542 : i32
      %broadcast_in_dim3A = arith.constant 0.000000e+00 : f32
      %broadcast_in_dim3A_545 = vector.broadcast %broadcast_in_dim3A : f32 to vector<16xf32>
      %swap3A = arith.index_cast %add3A_544 : i32 to index
      %swap3A_546 = arith.constant 0 : index
      %swap3A_547 = tpu.vector_load %arg14[%swap3A, %swap3A_546] {strides = array<i32>} : memref<80x128xf32, #tpu.memory_space<vmem>>, vector<1x16xf32>,
      %swap3A_548 = vector.shape_cast %swap3A_547 : vector<1x16xf32> to vector<16xf32>
      %swap3A_549 = vector.shape_cast %broadcast_in_dim3A_545 : vector<16xf32> to vector<1x16xf32>
      tpu.vector_store %arg14[%swap3A, %swap3A_546], %swap3A_549 {strides = array<i32>} : memref<80x128xf32, #tpu.memory_space<vmem>>, vector<1x16xf32>,
      %broadcast_in_dim3A_550 = arith.constant 0.000000e+00 : f32
      %broadcast_in_dim3A_551 = vector.broadcast %broadcast_in_dim3A_550 : f32 to vector<16xf32>
      %swap3A_552 = arith.index_cast %add3A_544 : i32 to index
      %swap3A_553 = arith.constant 16 : index
      %swap3A_554 = tpu.vector_load %arg14[%swap3A_552, %swap3A_553] {strides = array<i32>} : memref<80x128xf32, #tpu.memory_space<vmem>>, vector<1x16xf32>,
      %swap3A_555 = vector.shape_cast %swap3A_554 : vector<1x16xf32> to vector<16xf32>
      %swap3A_556 = vector.shape_cast %broadcast_in_dim3A_551 : vector<16xf32> to vector<1x16xf32>
      tpu.vector_store %arg14[%swap3A_552, %swap3A_553], %swap3A_556 {strides = array<i32>} : memref<80x128xf32, #tpu.memory_space<vmem>>, vector<1x16xf32>,
      %broadcast_in_dim3A_557 = arith.constant 0.000000e+00 : f32
      %broadcast_in_dim3A_558 = vector.broadcast %broadcast_in_dim3A_557 : f32 to vector<16xf32>
      %swap3A_559 = arith.index_cast %add3A_544 : i32 to index
      %swap3A_560 = arith.constant 32 : index
      %swap3A_561 = tpu.vector_load %arg14[%swap3A_559, %swap3A_560] {strides = array<i32>} : memref<80x128xf32, #tpu.memory_space<vmem>>, vector<1x16xf32>,
      %swap3A_562 = vector.shape_cast %swap3A_561 : vector<1x16xf32> to vector<16xf32>
      %swap3A_563 = vector.shape_cast %broadcast_in_dim3A_558 : vector<16xf32> to vector<1x16xf32>
      tpu.vector_store %arg14[%swap3A_559, %swap3A_560], %swap3A_563 {strides = array<i32>} : memref<80x128xf32, #tpu.memory_space<vmem>>, vector<1x16xf32>,
      %broadcast_in_dim3A_564 = arith.constant 0.000000e+00 : f32
      %broadcast_in_dim3A_565 = vector.broadcast %broadcast_in_dim3A_564 : f32 to vector<16xf32>
      %swap3A_566 = arith.index_cast %add3A_544 : i32 to index
      %swap3A_567 = arith.constant 48 : index
      %swap3A_568 = tpu.vector_load %arg14[%swap3A_566, %swap3A_567] {strides = array<i32>} : memref<80x128xf32, #tpu.memory_space<vmem>>, vector<1x16xf32>,
      %swap3A_569 = vector.shape_cast %swap3A_568 : vector<1x16xf32> to vector<16xf32>
      %swap3A_570 = vector.shape_cast %broadcast_in_dim3A_565 : vector<16xf32> to vector<1x16xf32>
      tpu.vector_store %arg14[%swap3A_566, %swap3A_567], %swap3A_570 {strides = array<i32>} : memref<80x128xf32, #tpu.memory_space<vmem>>, vector<1x16xf32>,
      %broadcast_in_dim3A_571 = arith.constant 0.000000e+00 : f32
      %broadcast_in_dim3A_572 = vector.broadcast %broadcast_in_dim3A_571 : f32 to vector<16xf32>
      %swap3A_573 = arith.index_cast %add3A_544 : i32 to index
      %swap3A_574 = arith.constant 64 : index
      %swap3A_575 = tpu.vector_load %arg14[%swap3A_573, %swap3A_574] {strides = array<i32>} : memref<80x128xf32, #tpu.memory_space<vmem>>, vector<1x16xf32>,
      %swap3A_576 = vector.shape_cast %swap3A_575 : vector<1x16xf32> to vector<16xf32>
      %swap3A_577 = vector.shape_cast %broadcast_in_dim3A_572 : vector<16xf32> to vector<1x16xf32>
      tpu.vector_store %arg14[%swap3A_573, %swap3A_574], %swap3A_577 {strides = array<i32>} : memref<80x128xf32, #tpu.memory_space<vmem>>, vector<1x16xf32>,
      %broadcast_in_dim3A_578 = arith.constant 0.000000e+00 : f32
      %broadcast_in_dim3A_579 = vector.broadcast %broadcast_in_dim3A_578 : f32 to vector<16xf32>
      %swap3A_580 = arith.index_cast %add3A_544 : i32 to index
      %swap3A_581 = arith.constant 80 : index
      %swap3A_582 = tpu.vector_load %arg14[%swap3A_580, %swap3A_581] {strides = array<i32>} : memref<80x128xf32, #tpu.memory_space<vmem>>, vector<1x16xf32>,
      %swap3A_583 = vector.shape_cast %swap3A_582 : vector<1x16xf32> to vector<16xf32>
      %swap3A_584 = vector.shape_cast %broadcast_in_dim3A_579 : vector<16xf32> to vector<1x16xf32>
      tpu.vector_store %arg14[%swap3A_580, %swap3A_581], %swap3A_584 {strides = array<i32>} : memref<80x128xf32, #tpu.memory_space<vmem>>, vector<1x16xf32>,
      %broadcast_in_dim3A_585 = arith.constant 0.000000e+00 : f32
      %broadcast_in_dim3A_586 = vector.broadcast %broadcast_in_dim3A_585 : f32 to vector<16xf32>
      %swap3A_587 = arith.index_cast %add3A_544 : i32 to index
      %swap3A_588 = arith.constant 96 : index
      %swap3A_589 = tpu.vector_load %arg14[%swap3A_587, %swap3A_588] {strides = array<i32>} : memref<80x128xf32, #tpu.memory_space<vmem>>, vector<1x16xf32>,
      %swap3A_590 = vector.shape_cast %swap3A_589 : vector<1x16xf32> to vector<16xf32>
      %swap3A_591 = vector.shape_cast %broadcast_in_dim3A_586 : vector<16xf32> to vector<1x16xf32>
      tpu.vector_store %arg14[%swap3A_587, %swap3A_588], %swap3A_591 {strides = array<i32>} : memref<80x128xf32, #tpu.memory_space<vmem>>, vector<1x16xf32>,
      %broadcast_in_dim3A_592 = arith.constant 0.000000e+00 : f32
      %broadcast_in_dim3A_593 = vector.broadcast %broadcast_in_dim3A_592 : f32 to vector<16xf32>
      %swap3A_594 = arith.index_cast %add3A_544 : i32 to index
      %swap3A_595 = arith.constant 112 : index
      %swap3A_596 = tpu.vector_load %arg14[%swap3A_594, %swap3A_595] {strides = array<i32>} : memref<80x128xf32, #tpu.memory_space<vmem>>, vector<1x16xf32>,
      %swap3A_597 = vector.shape_cast %swap3A_596 : vector<1x16xf32> to vector<16xf32>
      %swap3A_598 = vector.shape_cast %broadcast_in_dim3A_593 : vector<16xf32> to vector<1x16xf32>
      tpu.vector_store %arg14[%swap3A_594, %swap3A_595], %swap3A_598 {strides = array<i32>} : memref<80x128xf32, #tpu.memory_space<vmem>>, vector<1x16xf32>,
    }
    %scan3A_4 = arith.constant 80 : i32
    %mul3A_5 = arith.constant 624 : i32
    %mul3A_6 = arith.muli %arg1, %mul3A_5 : i32
    %add3A_7 = arith.constant 0 : i32
    %add3A_8 = arith.addi %mul3A_6, %add3A_7 : i32
    %dma_start3A = arith.constant 0 : i32
    %dma_start3A_9 = tpu.memref_slice %arg18[%add3A_8, %dma_start3A] : memref<10000x128xf32, #tpu.memory_space<vmem_shared>> -> memref<80x128xf32, #tpu.memory_space<vmem_shared>>
    %dma_start3A_10 = arith.constant 0 : i32
    %dma_start3A_11 = tpu.memref_slice %arg18[%add3A_8, %dma_start3A_10] : memref<10000x128xf32, #tpu.memory_space<vmem_shared>> -> memref<80x128xf32, #tpu.memory_space<vmem_shared>>
    tpu.enqueue_dma source(%arg14 : memref<80x128xf32, #tpu.memory_space<vmem>>) target(%dma_start3A_11 : memref<80x128xf32, #tpu.memory_space<vmem_shared>>) target_semaphore(%arg23 : memref<!tpu.dma_semaphore, #tpu.memory_space<semaphore_mem>>)
    %mul3A_12 = arith.constant 624 : i32
    %mul3A_13 = arith.muli %arg1, %mul3A_12 : i32
    %add3A_14 = arith.constant 80 : i32
    %add3A_15 = arith.addi %mul3A_13, %add3A_14 : i32
    %dma_start3A_16 = arith.constant 0 : i32
    %dma_start3A_17 = tpu.memref_slice %arg18[%add3A_15, %dma_start3A_16] : memref<10000x128xf32, #tpu.memory_space<vmem_shared>> -> memref<80x128xf32, #tpu.memory_space<vmem_shared>>
    %dma_start3A_18 = arith.constant 0 : i32
    %dma_start3A_19 = tpu.memref_slice %arg18[%add3A_15, %dma_start3A_18] : memref<10000x128xf32, #tpu.memory_space<vmem_shared>> -> memref<80x128xf32, #tpu.memory_space<vmem_shared>>
    tpu.enqueue_dma source(%arg14 : memref<80x128xf32, #tpu.memory_space<vmem>>) target(%dma_start3A_19 : memref<80x128xf32, #tpu.memory_space<vmem_shared>>) target_semaphore(%arg24 : memref<!tpu.dma_semaphore, #tpu.memory_space<semaphore_mem>>)
    %mul3A_20 = arith.constant 624 : i32
    %mul3A_21 = arith.muli %arg1, %mul3A_20 : i32
    %add3A_22 = arith.constant 160 : i32
    %add3A_23 = arith.addi %mul3A_21, %add3A_22 : i32
    %dma_start3A_24 = arith.constant 0 : i32
    %dma_start3A_25 = tpu.memref_slice %arg18[%add3A_23, %dma_start3A_24] : memref<10000x128xf32, #tpu.memory_space<vmem_shared>> -> memref<80x128xf32, #tpu.memory_space<vmem_shared>>
    %dma_start3A_26 = arith.constant 0 : i32
    %dma_start3A_27 = tpu.memref_slice %arg18[%add3A_23, %dma_start3A_26] : memref<10000x128xf32, #tpu.memory_space<vmem_shared>> -> memref<80x128xf32, #tpu.memory_space<vmem_shared>>
    tpu.enqueue_dma source(%arg14 : memref<80x128xf32, #tpu.memory_space<vmem>>) target(%dma_start3A_27 : memref<80x128xf32, #tpu.memory_space<vmem_shared>>) target_semaphore(%arg25 : memref<!tpu.dma_semaphore, #tpu.memory_space<semaphore_mem>>)
    %mul3A_28 = arith.constant 624 : i32
    %mul3A_29 = arith.muli %arg1, %mul3A_28 : i32
    %add3A_30 = arith.constant 240 : i32
    %add3A_31 = arith.addi %mul3A_29, %add3A_30 : i32
    %dma_start3A_32 = arith.constant 0 : i32
    %dma_start3A_33 = tpu.memref_slice %arg18[%add3A_31, %dma_start3A_32] : memref<10000x128xf32, #tpu.memory_space<vmem_shared>> -> memref<80x128xf32, #tpu.memory_space<vmem_shared>>
    %dma_start3A_34 = arith.constant 0 : i32
    %dma_start3A_35 = tpu.memref_slice %arg18[%add3A_31, %dma_start3A_34] : memref<10000x128xf32, #tpu.memory_space<vmem_shared>> -> memref<80x128xf32, #tpu.memory_space<vmem_shared>>
    tpu.enqueue_dma source(%arg14 : memref<80x128xf32, #tpu.memory_space<vmem>>) target(%dma_start3A_35 : memref<80x128xf32, #tpu.memory_space<vmem_shared>>) target_semaphore(%arg26 : memref<!tpu.dma_semaphore, #tpu.memory_space<semaphore_mem>>)
    %mul3A_36 = arith.constant 624 : i32
    %mul3A_37 = arith.muli %arg1, %mul3A_36 : i32
    %add3A_38 = arith.constant 320 : i32
    %add3A_39 = arith.addi %mul3A_37, %add3A_38 : i32
    %dma_start3A_40 = arith.constant 0 : i32
    %dma_start3A_41 = tpu.memref_slice %arg18[%add3A_39, %dma_start3A_40] : memref<10000x128xf32, #tpu.memory_space<vmem_shared>> -> memref<80x128xf32, #tpu.memory_space<vmem_shared>>
    %dma_start3A_42 = arith.constant 0 : i32
    %dma_start3A_43 = tpu.memref_slice %arg18[%add3A_39, %dma_start3A_42] : memref<10000x128xf32, #tpu.memory_space<vmem_shared>> -> memref<80x128xf32, #tpu.memory_space<vmem_shared>>
    tpu.enqueue_dma source(%arg14 : memref<80x128xf32, #tpu.memory_space<vmem>>) target(%dma_start3A_43 : memref<80x128xf32, #tpu.memory_space<vmem_shared>>) target_semaphore(%arg27 : memref<!tpu.dma_semaphore, #tpu.memory_space<semaphore_mem>>)
    %mul3A_44 = arith.constant 624 : i32
    %mul3A_45 = arith.muli %arg1, %mul3A_44 : i32
    %add3A_46 = arith.constant 400 : i32
    %add3A_47 = arith.addi %mul3A_45, %add3A_46 : i32
    %dma_start3A_48 = arith.constant 0 : i32
    %dma_start3A_49 = tpu.memref_slice %arg18[%add3A_47, %dma_start3A_48] : memref<10000x128xf32, #tpu.memory_space<vmem_shared>> -> memref<80x128xf32, #tpu.memory_space<vmem_shared>>
    %dma_start3A_50 = arith.constant 0 : i32
    %dma_start3A_51 = tpu.memref_slice %arg18[%add3A_47, %dma_start3A_50] : memref<10000x128xf32, #tpu.memory_space<vmem_shared>> -> memref<80x128xf32, #tpu.memory_space<vmem_shared>>
    tpu.enqueue_dma source(%arg14 : memref<80x128xf32, #tpu.memory_space<vmem>>) target(%dma_start3A_51 : memref<80x128xf32, #tpu.memory_space<vmem_shared>>) target_semaphore(%arg28 : memref<!tpu.dma_semaphore, #tpu.memory_space<semaphore_mem>>)
    %mul3A_52 = arith.constant 624 : i32
    %mul3A_53 = arith.muli %arg1, %mul3A_52 : i32
    %add3A_54 = arith.constant 480 : i32
    %add3A_55 = arith.addi %mul3A_53, %add3A_54 : i32
    %dma_start3A_56 = arith.constant 0 : i32
    %dma_start3A_57 = tpu.memref_slice %arg18[%add3A_55, %dma_start3A_56] : memref<10000x128xf32, #tpu.memory_space<vmem_shared>> -> memref<80x128xf32, #tpu.memory_space<vmem_shared>>
    %dma_start3A_58 = arith.constant 0 : i32
    %dma_start3A_59 = tpu.memref_slice %arg18[%add3A_55, %dma_start3A_58] : memref<10000x128xf32, #tpu.memory_space<vmem_shared>> -> memref<80x128xf32, #tpu.memory_space<vmem_shared>>
    tpu.enqueue_dma source(%arg14 : memref<80x128xf32, #tpu.memory_space<vmem>>) target(%dma_start3A_59 : memref<80x128xf32, #tpu.memory_space<vmem_shared>>) target_semaphore(%arg29 : memref<!tpu.dma_semaphore, #tpu.memory_space<semaphore_mem>>)
    %mul3A_60 = arith.constant 624 : i32
    %mul3A_61 = arith.muli %arg1, %mul3A_60 : i32
    %add3A_62 = arith.constant 560 : i32
    %add3A_63 = arith.addi %mul3A_61, %add3A_62 : i32
    %dma_start3A_64 = arith.constant 0 : i32
    %dma_start3A_65 = arith.constant 0 : i32
    %dma_start3A_66 = tpu.memref_slice %arg14[%dma_start3A_64, %dma_start3A_65] : memref<80x128xf32, #tpu.memory_space<vmem>> -> memref<64x128xf32, #tpu.memory_space<vmem>>
    %dma_start3A_67 = arith.constant 0 : i32
    %dma_start3A_68 = tpu.memref_slice %arg18[%add3A_63, %dma_start3A_67] : memref<10000x128xf32, #tpu.memory_space<vmem_shared>> -> memref<64x128xf32, #tpu.memory_space<vmem_shared>>
    %dma_start3A_69 = arith.constant 0 : i32
    %dma_start3A_70 = tpu.memref_slice %arg18[%add3A_63, %dma_start3A_69] : memref<10000x128xf32, #tpu.memory_space<vmem_shared>> -> memref<64x128xf32, #tpu.memory_space<vmem_shared>>
    %dma_start3A_71 = arith.constant 0 : i32
    %dma_start3A_72 = arith.constant 0 : i32
    %dma_start3A_73 = tpu.memref_slice %arg14[%dma_start3A_71, %dma_start3A_72] : memref<80x128xf32, #tpu.memory_space<vmem>> -> memref<64x128xf32, #tpu.memory_space<vmem>>
    tpu.enqueue_dma source(%dma_start3A_73 : memref<64x128xf32, #tpu.memory_space<vmem>>) target(%dma_start3A_70 : memref<64x128xf32, #tpu.memory_space<vmem_shared>>) target_semaphore(%arg30 : memref<!tpu.dma_semaphore, #tpu.memory_space<semaphore_mem>>)
    %eq3A = arith.constant 15 : i32
    %eq3A_74 = arith.cmpi eq, %arg1, %eq3A : i32
    %convert_element_type3A = arith.extui %eq3A_74 : i1 to i32
    %cond3A = arith.constant 0 : i32
    %cond3A_75 = arith.cmpi ne, %convert_element_type3A, %cond3A : i32
    scf.if %cond3A_75 {
      %dma_start3A_540 = arith.constant 0 : i32
      %dma_start3A_541 = arith.constant 0 : i32
      %dma_start3A_542 = tpu.memref_slice %arg14[%dma_start3A_540, %dma_start3A_541] : memref<80x128xf32, #tpu.memory_space<vmem>> -> memref<16x128xf32, #tpu.memory_space<vmem>>
      %dma_start3A_543 = arith.constant 9984 : i32
      %dma_start3A_544 = arith.constant 0 : i32
      %dma_start3A_545 = tpu.memref_slice %arg18[%dma_start3A_543, %dma_start3A_544] : memref<10000x128xf32, #tpu.memory_space<vmem_shared>> -> memref<16x128xf32, #tpu.memory_space<vmem_shared>>
      %dma_start3A_546 = arith.constant 9984 : i32
      %dma_start3A_547 = arith.constant 0 : i32
      %dma_start3A_548 = tpu.memref_slice %arg18[%dma_start3A_546, %dma_start3A_547] : memref<10000x128xf32, #tpu.memory_space<vmem_shared>> -> memref<16x128xf32, #tpu.memory_space<vmem_shared>>
      %dma_start3A_549 = arith.constant 0 : i32
      %dma_start3A_550 = arith.constant 0 : i32
      %dma_start3A_551 = tpu.memref_slice %arg14[%dma_start3A_549, %dma_start3A_550] : memref<80x128xf32, #tpu.memory_space<vmem>> -> memref<16x128xf32, #tpu.memory_space<vmem>>
      tpu.enqueue_dma source(%dma_start3A_551 : memref<16x128xf32, #tpu.memory_space<vmem>>) target(%dma_start3A_548 : memref<16x128xf32, #tpu.memory_space<vmem_shared>>) target_semaphore(%arg19 : memref<!tpu.dma_semaphore, #tpu.memory_space<semaphore_mem>>)
      %dma_wait3A_552 = arith.constant 0 : i32
      %dma_wait3A_553 = arith.constant 0 : i32
      %dma_wait3A_554 = tpu.memref_slice %arg14[%dma_wait3A_552, %dma_wait3A_553] : memref<80x128xf32, #tpu.memory_space<vmem>> -> memref<16x128xf32, #tpu.memory_space<vmem>>
      %dma_wait3A_555 = arith.constant 9984 : i32
      %dma_wait3A_556 = arith.constant 0 : i32
      %dma_wait3A_557 = tpu.memref_slice %arg18[%dma_wait3A_555, %dma_wait3A_556] : memref<10000x128xf32, #tpu.memory_space<vmem_shared>> -> memref<16x128xf32, #tpu.memory_space<vmem_shared>>
      %dma_wait3A_558 = arith.constant 9984 : i32
      %dma_wait3A_559 = arith.constant 0 : i32
      %dma_wait3A_560 = tpu.memref_slice %arg18[%dma_wait3A_558, %dma_wait3A_559] : memref<10000x128xf32, #tpu.memory_space<vmem_shared>> -> memref<16x128xf32, #tpu.memory_space<vmem_shared>>
      %dma_wait3A_561 = arith.constant 0 : i32
      %dma_wait3A_562 = arith.constant 0 : i32
      %dma_wait3A_563 = tpu.memref_slice %arg14[%dma_wait3A_561, %dma_wait3A_562] : memref<80x128xf32, #tpu.memory_space<vmem>> -> memref<16x128xf32, #tpu.memory_space<vmem>>
      tpu.wait_dma2 semaphore(%arg19 : memref<!tpu.dma_semaphore, #tpu.memory_space<semaphore_mem>>) src(%dma_wait3A_563 : memref<16x128xf32, #tpu.memory_space<vmem>>) dst(%dma_wait3A_560 : memref<16x128xf32, #tpu.memory_space<vmem_shared>>)
    } else {
    }
    %mul3A_76 = arith.constant 624 : i32
    %mul3A_77 = arith.muli %arg1, %mul3A_76 : i32
    %add3A_78 = arith.constant 0 : i32
    %add3A_79 = arith.addi %mul3A_77, %add3A_78 : i32
    %dma_wait3A = arith.constant 0 : i32
    %dma_wait3A_80 = tpu.memref_slice %arg18[%add3A_79, %dma_wait3A] : memref<10000x128xf32, #tpu.memory_space<vmem_shared>> -> memref<80x128xf32, #tpu.memory_space<vmem_shared>>
    %dma_wait3A_81 = arith.constant 0 : i32
    %dma_wait3A_82 = tpu.memref_slice %arg18[%add3A_79, %dma_wait3A_81] : memref<10000x128xf32, #tpu.memory_space<vmem_shared>> -> memref<80x128xf32, #tpu.memory_space<vmem_shared>>
    tpu.wait_dma2 semaphore(%arg23 : memref<!tpu.dma_semaphore, #tpu.memory_space<semaphore_mem>>) src(%arg14 : memref<80x128xf32, #tpu.memory_space<vmem>>) dst(%dma_wait3A_82 : memref<80x128xf32, #tpu.memory_space<vmem_shared>>)
    %mul3A_83 = arith.constant 624 : i32
    %mul3A_84 = arith.muli %arg1, %mul3A_83 : i32
    %add3A_85 = arith.constant 80 : i32
    %add3A_86 = arith.addi %mul3A_84, %add3A_85 : i32
    %dma_wait3A_87 = arith.constant 0 : i32
    %dma_wait3A_88 = tpu.memref_slice %arg18[%add3A_86, %dma_wait3A_87] : memref<10000x128xf32, #tpu.memory_space<vmem_shared>> -> memref<80x128xf32, #tpu.memory_space<vmem_shared>>
    %dma_wait3A_89 = arith.constant 0 : i32
    %dma_wait3A_90 = tpu.memref_slice %arg18[%add3A_86, %dma_wait3A_89] : memref<10000x128xf32, #tpu.memory_space<vmem_shared>> -> memref<80x128xf32, #tpu.memory_space<vmem_shared>>
    tpu.wait_dma2 semaphore(%arg24 : memref<!tpu.dma_semaphore, #tpu.memory_space<semaphore_mem>>) src(%arg14 : memref<80x128xf32, #tpu.memory_space<vmem>>) dst(%dma_wait3A_90 : memref<80x128xf32, #tpu.memory_space<vmem_shared>>)
    %mul3A_91 = arith.constant 624 : i32
    %mul3A_92 = arith.muli %arg1, %mul3A_91 : i32
    %add3A_93 = arith.constant 160 : i32
    %add3A_94 = arith.addi %mul3A_92, %add3A_93 : i32
    %dma_wait3A_95 = arith.constant 0 : i32
    %dma_wait3A_96 = tpu.memref_slice %arg18[%add3A_94, %dma_wait3A_95] : memref<10000x128xf32, #tpu.memory_space<vmem_shared>> -> memref<80x128xf32, #tpu.memory_space<vmem_shared>>
    %dma_wait3A_97 = arith.constant 0 : i32
    %dma_wait3A_98 = tpu.memref_slice %arg18[%add3A_94, %dma_wait3A_97] : memref<10000x128xf32, #tpu.memory_space<vmem_shared>> -> memref<80x128xf32, #tpu.memory_space<vmem_shared>>
    tpu.wait_dma2 semaphore(%arg25 : memref<!tpu.dma_semaphore, #tpu.memory_space<semaphore_mem>>) src(%arg14 : memref<80x128xf32, #tpu.memory_space<vmem>>) dst(%dma_wait3A_98 : memref<80x128xf32, #tpu.memory_space<vmem_shared>>)
    %mul3A_99 = arith.constant 624 : i32
    %mul3A_100 = arith.muli %arg1, %mul3A_99 : i32
    %add3A_101 = arith.constant 240 : i32
    %add3A_102 = arith.addi %mul3A_100, %add3A_101 : i32
    %dma_wait3A_103 = arith.constant 0 : i32
    %dma_wait3A_104 = tpu.memref_slice %arg18[%add3A_102, %dma_wait3A_103] : memref<10000x128xf32, #tpu.memory_space<vmem_shared>> -> memref<80x128xf32, #tpu.memory_space<vmem_shared>>
    %dma_wait3A_105 = arith.constant 0 : i32
    %dma_wait3A_106 = tpu.memref_slice %arg18[%add3A_102, %dma_wait3A_105] : memref<10000x128xf32, #tpu.memory_space<vmem_shared>> -> memref<80x128xf32, #tpu.memory_space<vmem_shared>>
    tpu.wait_dma2 semaphore(%arg26 : memref<!tpu.dma_semaphore, #tpu.memory_space<semaphore_mem>>) src(%arg14 : memref<80x128xf32, #tpu.memory_space<vmem>>) dst(%dma_wait3A_106 : memref<80x128xf32, #tpu.memory_space<vmem_shared>>)
    %mul3A_107 = arith.constant 624 : i32
    %mul3A_108 = arith.muli %arg1, %mul3A_107 : i32
    %add3A_109 = arith.constant 320 : i32
    %add3A_110 = arith.addi %mul3A_108, %add3A_109 : i32
    %dma_wait3A_111 = arith.constant 0 : i32
    %dma_wait3A_112 = tpu.memref_slice %arg18[%add3A_110, %dma_wait3A_111] : memref<10000x128xf32, #tpu.memory_space<vmem_shared>> -> memref<80x128xf32, #tpu.memory_space<vmem_shared>>
    %dma_wait3A_113 = arith.constant 0 : i32
    %dma_wait3A_114 = tpu.memref_slice %arg18[%add3A_110, %dma_wait3A_113] : memref<10000x128xf32, #tpu.memory_space<vmem_shared>> -> memref<80x128xf32, #tpu.memory_space<vmem_shared>>
    tpu.wait_dma2 semaphore(%arg27 : memref<!tpu.dma_semaphore, #tpu.memory_space<semaphore_mem>>) src(%arg14 : memref<80x128xf32, #tpu.memory_space<vmem>>) dst(%dma_wait3A_114 : memref<80x128xf32, #tpu.memory_space<vmem_shared>>)
    %mul3A_115 = arith.constant 624 : i32
    %mul3A_116 = arith.muli %arg1, %mul3A_115 : i32
    %add3A_117 = arith.constant 400 : i32
    %add3A_118 = arith.addi %mul3A_116, %add3A_117 : i32
    %dma_wait3A_119 = arith.constant 0 : i32
    %dma_wait3A_120 = tpu.memref_slice %arg18[%add3A_118, %dma_wait3A_119] : memref<10000x128xf32, #tpu.memory_space<vmem_shared>> -> memref<80x128xf32, #tpu.memory_space<vmem_shared>>
    %dma_wait3A_121 = arith.constant 0 : i32
    %dma_wait3A_122 = tpu.memref_slice %arg18[%add3A_118, %dma_wait3A_121] : memref<10000x128xf32, #tpu.memory_space<vmem_shared>> -> memref<80x128xf32, #tpu.memory_space<vmem_shared>>
    tpu.wait_dma2 semaphore(%arg28 : memref<!tpu.dma_semaphore, #tpu.memory_space<semaphore_mem>>) src(%arg14 : memref<80x128xf32, #tpu.memory_space<vmem>>) dst(%dma_wait3A_122 : memref<80x128xf32, #tpu.memory_space<vmem_shared>>)
    %mul3A_123 = arith.constant 624 : i32
    %mul3A_124 = arith.muli %arg1, %mul3A_123 : i32
    %add3A_125 = arith.constant 480 : i32
    %add3A_126 = arith.addi %mul3A_124, %add3A_125 : i32
    %dma_wait3A_127 = arith.constant 0 : i32
    %dma_wait3A_128 = tpu.memref_slice %arg18[%add3A_126, %dma_wait3A_127] : memref<10000x128xf32, #tpu.memory_space<vmem_shared>> -> memref<80x128xf32, #tpu.memory_space<vmem_shared>>
    %dma_wait3A_129 = arith.constant 0 : i32
    %dma_wait3A_130 = tpu.memref_slice %arg18[%add3A_126, %dma_wait3A_129] : memref<10000x128xf32, #tpu.memory_space<vmem_shared>> -> memref<80x128xf32, #tpu.memory_space<vmem_shared>>
    tpu.wait_dma2 semaphore(%arg29 : memref<!tpu.dma_semaphore, #tpu.memory_space<semaphore_mem>>) src(%arg14 : memref<80x128xf32, #tpu.memory_space<vmem>>) dst(%dma_wait3A_130 : memref<80x128xf32, #tpu.memory_space<vmem_shared>>)
    %mul3A_131 = arith.constant 624 : i32
    %mul3A_132 = arith.muli %arg1, %mul3A_131 : i32
    %add3A_133 = arith.constant 560 : i32
    %add3A_134 = arith.addi %mul3A_132, %add3A_133 : i32
    %dma_wait3A_135 = arith.constant 0 : i32
    %dma_wait3A_136 = arith.constant 0 : i32
    %dma_wait3A_137 = tpu.memref_slice %arg14[%dma_wait3A_135, %dma_wait3A_136] : memref<80x128xf32, #tpu.memory_space<vmem>> -> memref<64x128xf32, #tpu.memory_space<vmem>>
    %dma_wait3A_138 = arith.constant 0 : i32
    %dma_wait3A_139 = tpu.memref_slice %arg18[%add3A_134, %dma_wait3A_138] : memref<10000x128xf32, #tpu.memory_space<vmem_shared>> -> memref<64x128xf32, #tpu.memory_space<vmem_shared>>
    %dma_wait3A_140 = arith.constant 0 : i32
    %dma_wait3A_141 = tpu.memref_slice %arg18[%add3A_134, %dma_wait3A_140] : memref<10000x128xf32, #tpu.memory_space<vmem_shared>> -> memref<64x128xf32, #tpu.memory_space<vmem_shared>>
    %dma_wait3A_142 = arith.constant 0 : i32
    %dma_wait3A_143 = arith.constant 0 : i32
    %dma_wait3A_144 = tpu.memref_slice %arg14[%dma_wait3A_142, %dma_wait3A_143] : memref<80x128xf32, #tpu.memory_space<vmem>> -> memref<64x128xf32, #tpu.memory_space<vmem>>
    tpu.wait_dma2 semaphore(%arg30 : memref<!tpu.dma_semaphore, #tpu.memory_space<semaphore_mem>>) src(%dma_wait3A_144 : memref<64x128xf32, #tpu.memory_space<vmem>>) dst(%dma_wait3A_141 : memref<64x128xf32, #tpu.memory_space<vmem_shared>>)
    %barrier3A = arith.constant 0 : index
    tpu.barrier barrier_id(%barrier3A)
    %mul3A_145 = arith.constant 10000 : i32
    %mul3A_146 = arith.muli %add3A, %mul3A_145 : i32
    %add3A_147 = arith.constant 0 : i32
    %add3A_148 = arith.addi %mul3A_146, %add3A_147 : i32
    %dma_start3A_149 = tpu.memref_slice %arg2[%add3A_148] : memref<320000xi32, #tpu.memory_space<hbm>> -> memref<80xi32, #tpu.memory_space<hbm>>
    %dma_start3A_150 = tpu.memref_slice %arg2[%add3A_148] : memref<320000xi32, #tpu.memory_space<hbm>> -> memref<80xi32, #tpu.memory_space<hbm>>
    tpu.enqueue_dma source(%dma_start3A_150 : memref<80xi32, #tpu.memory_space<hbm>>) target(%arg6 : memref<80xi32, #tpu.memory_space<vmem>>) target_semaphore(%arg19 : memref<!tpu.dma_semaphore, #tpu.memory_space<semaphore_mem>>)
    %dma_start3A_151 = tpu.memref_slice %arg3[%add3A_148] : memref<320000xi32, #tpu.memory_space<hbm>> -> memref<80xi32, #tpu.memory_space<hbm>>
    %dma_start3A_152 = tpu.memref_slice %arg3[%add3A_148] : memref<320000xi32, #tpu.memory_space<hbm>> -> memref<80xi32, #tpu.memory_space<hbm>>
    tpu.enqueue_dma source(%dma_start3A_152 : memref<80xi32, #tpu.memory_space<hbm>>) target(%arg10 : memref<80xi32, #tpu.memory_space<vmem>>) target_semaphore(%arg19 : memref<!tpu.dma_semaphore, #tpu.memory_space<semaphore_mem>>)
    %mul3A_153 = arith.constant 10000 : i32
    %mul3A_154 = arith.muli %add3A, %mul3A_153 : i32
    %add3A_155 = arith.constant 80 : i32
    %add3A_156 = arith.addi %mul3A_154, %add3A_155 : i32
    %dma_start3A_157 = tpu.memref_slice %arg2[%add3A_156] : memref<320000xi32, #tpu.memory_space<hbm>> -> memref<80xi32, #tpu.memory_space<hbm>>
    %dma_start3A_158 = tpu.memref_slice %arg2[%add3A_156] : memref<320000xi32, #tpu.memory_space<hbm>> -> memref<80xi32, #tpu.memory_space<hbm>>
    tpu.enqueue_dma source(%dma_start3A_158 : memref<80xi32, #tpu.memory_space<hbm>>) target(%arg7 : memref<80xi32, #tpu.memory_space<vmem>>) target_semaphore(%arg20 : memref<!tpu.dma_semaphore, #tpu.memory_space<semaphore_mem>>)
    %dma_start3A_159 = tpu.memref_slice %arg3[%add3A_156] : memref<320000xi32, #tpu.memory_space<hbm>> -> memref<80xi32, #tpu.memory_space<hbm>>
    %dma_start3A_160 = tpu.memref_slice %arg3[%add3A_156] : memref<320000xi32, #tpu.memory_space<hbm>> -> memref<80xi32, #tpu.memory_space<hbm>>
    tpu.enqueue_dma source(%dma_start3A_160 : memref<80xi32, #tpu.memory_space<hbm>>) target(%arg11 : memref<80xi32, #tpu.memory_space<vmem>>) target_semaphore(%arg20 : memref<!tpu.dma_semaphore, #tpu.memory_space<semaphore_mem>>)
    %mul3A_161 = arith.constant 10000 : i32
    %mul3A_162 = arith.muli %add3A, %mul3A_161 : i32
    %add3A_163 = arith.constant 160 : i32
    %add3A_164 = arith.addi %mul3A_162, %add3A_163 : i32
    %dma_start3A_165 = tpu.memref_slice %arg2[%add3A_164] : memref<320000xi32, #tpu.memory_space<hbm>> -> memref<80xi32, #tpu.memory_space<hbm>>
    %dma_start3A_166 = tpu.memref_slice %arg2[%add3A_164] : memref<320000xi32, #tpu.memory_space<hbm>> -> memref<80xi32, #tpu.memory_space<hbm>>
    tpu.enqueue_dma source(%dma_start3A_166 : memref<80xi32, #tpu.memory_space<hbm>>) target(%arg8 : memref<80xi32, #tpu.memory_space<vmem>>) target_semaphore(%arg21 : memref<!tpu.dma_semaphore, #tpu.memory_space<semaphore_mem>>)
    %dma_start3A_167 = tpu.memref_slice %arg3[%add3A_164] : memref<320000xi32, #tpu.memory_space<hbm>> -> memref<80xi32, #tpu.memory_space<hbm>>
    %dma_start3A_168 = tpu.memref_slice %arg3[%add3A_164] : memref<320000xi32, #tpu.memory_space<hbm>> -> memref<80xi32, #tpu.memory_space<hbm>>
    tpu.enqueue_dma source(%dma_start3A_168 : memref<80xi32, #tpu.memory_space<hbm>>) target(%arg12 : memref<80xi32, #tpu.memory_space<vmem>>) target_semaphore(%arg21 : memref<!tpu.dma_semaphore, #tpu.memory_space<semaphore_mem>>)
    %mul3A_169 = arith.constant 10000 : i32
    %mul3A_170 = arith.muli %add3A, %mul3A_169 : i32
    %add3A_171 = arith.constant 240 : i32
    %add3A_172 = arith.addi %mul3A_170, %add3A_171 : i32
    %dma_start3A_173 = tpu.memref_slice %arg2[%add3A_172] : memref<320000xi32, #tpu.memory_space<hbm>> -> memref<80xi32, #tpu.memory_space<hbm>>
    %dma_start3A_174 = tpu.memref_slice %arg2[%add3A_172] : memref<320000xi32, #tpu.memory_space<hbm>> -> memref<80xi32, #tpu.memory_space<hbm>>
    tpu.enqueue_dma source(%dma_start3A_174 : memref<80xi32, #tpu.memory_space<hbm>>) target(%arg9 : memref<80xi32, #tpu.memory_space<vmem>>) target_semaphore(%arg22 : memref<!tpu.dma_semaphore, #tpu.memory_space<semaphore_mem>>)
    %dma_start3A_175 = tpu.memref_slice %arg3[%add3A_172] : memref<320000xi32, #tpu.memory_space<hbm>> -> memref<80xi32, #tpu.memory_space<hbm>>
    %dma_start3A_176 = tpu.memref_slice %arg3[%add3A_172] : memref<320000xi32, #tpu.memory_space<hbm>> -> memref<80xi32, #tpu.memory_space<hbm>>
    tpu.enqueue_dma source(%dma_start3A_176 : memref<80xi32, #tpu.memory_space<hbm>>) target(%arg13 : memref<80xi32, #tpu.memory_space<vmem>>) target_semaphore(%arg22 : memref<!tpu.dma_semaphore, #tpu.memory_space<semaphore_mem>>)
    %scan3A_177 = arith.constant 0 : i32
    %scan3A_178 = arith.constant 31 : i32
    %scan3A_179 = arith.addi %scan3A_177, %scan3A_178 : i32
    %scan3A_180 = arith.constant 1 : i32
    scf.for %scan3A_540 = %scan3A_177 to %scan3A_179 step %scan3A_180  : i32 {
      %mul3A_541 = arith.constant 1 : i32
      %mul3A_542 = arith.muli %scan3A_540, %mul3A_541 : i32
      %add3A_543 = arith.constant 0 : i32
      %add3A_544 = arith.addi %add3A_543, %mul3A_542 : i32
      %dma_wait3A_545 = arith.constant 0 : i32
      %dma_wait3A_546 = tpu.memref_slice %arg2[%dma_wait3A_545] : memref<320000xi32, #tpu.memory_space<hbm>> -> memref<80xi32, #tpu.memory_space<hbm>>
      %dma_wait3A_547 = arith.constant 0 : i32
      %dma_wait3A_548 = tpu.memref_slice %arg2[%dma_wait3A_547] : memref<320000xi32, #tpu.memory_space<hbm>> -> memref<80xi32, #tpu.memory_space<hbm>>
      tpu.wait_dma2 semaphore(%arg19 : memref<!tpu.dma_semaphore, #tpu.memory_space<semaphore_mem>>) src(%dma_wait3A_548 : memref<80xi32, #tpu.memory_space<hbm>>) dst(%arg6 : memref<80xi32, #tpu.memory_space<vmem>>)
      %dma_wait3A_549 = arith.constant 0 : i32
      %dma_wait3A_550 = tpu.memref_slice %arg2[%dma_wait3A_549] : memref<320000xi32, #tpu.memory_space<hbm>> -> memref<80xi32, #tpu.memory_space<hbm>>
      %dma_wait3A_551 = arith.constant 0 : i32
      %dma_wait3A_552 = tpu.memref_slice %arg2[%dma_wait3A_551] : memref<320000xi32, #tpu.memory_space<hbm>> -> memref<80xi32, #tpu.memory_space<hbm>>
      tpu.wait_dma2 semaphore(%arg19 : memref<!tpu.dma_semaphore, #tpu.memory_space<semaphore_mem>>) src(%dma_wait3A_552 : memref<80xi32, #tpu.memory_space<hbm>>) dst(%arg10 : memref<80xi32, #tpu.memory_space<vmem>>)
      %dma_start3A_553 = arith.constant 0 : i32
      %dma_start3A_554 = arith.constant 0 : i32
      %dma_start3A_555 = tpu.memref_slice %arg4[%dma_start3A_553, %dma_start3A_554] : memref<10000x128xf32, #tpu.memory_space<hbm>> -> memref<10000x128xf32, #tpu.memory_space<hbm>>
      tpu.enqueue_indirect_dma source(%dma_start3A_555 : memref<10000x128xf32, #tpu.memory_space<hbm>>) target(%arg14 : memref<80x128xf32, #tpu.memory_space<vmem>>) offsets(%arg6 : memref<80xi32, #tpu.memory_space<vmem>>) semaphore(%arg23 : memref<!tpu.dma_semaphore, #tpu.memory_space<semaphore_mem>>)
      %dma_wait3A_556 = arith.constant 0 : i32
      %dma_wait3A_557 = tpu.memref_slice %arg2[%dma_wait3A_556] : memref<320000xi32, #tpu.memory_space<hbm>> -> memref<80xi32, #tpu.memory_space<hbm>>
      %dma_wait3A_558 = arith.constant 0 : i32
      %dma_wait3A_559 = tpu.memref_slice %arg2[%dma_wait3A_558] : memref<320000xi32, #tpu.memory_space<hbm>> -> memref<80xi32, #tpu.memory_space<hbm>>
      tpu.wait_dma2 semaphore(%arg20 : memref<!tpu.dma_semaphore, #tpu.memory_space<semaphore_mem>>) src(%dma_wait3A_559 : memref<80xi32, #tpu.memory_space<hbm>>) dst(%arg7 : memref<80xi32, #tpu.memory_space<vmem>>)
      %dma_wait3A_560 = arith.constant 0 : i32
      %dma_wait3A_561 = tpu.memref_slice %arg2[%dma_wait3A_560] : memref<320000xi32, #tpu.memory_space<hbm>> -> memref<80xi32, #tpu.memory_space<hbm>>
      %dma_wait3A_562 = arith.constant 0 : i32
      %dma_wait3A_563 = tpu.memref_slice %arg2[%dma_wait3A_562] : memref<320000xi32, #tpu.memory_space<hbm>> -> memref<80xi32, #tpu.memory_space<hbm>>
      tpu.wait_dma2 semaphore(%arg20 : memref<!tpu.dma_semaphore, #tpu.memory_space<semaphore_mem>>) src(%dma_wait3A_563 : memref<80xi32, #tpu.memory_space<hbm>>) dst(%arg11 : memref<80xi32, #tpu.memory_space<vmem>>)
      %dma_start3A_564 = arith.constant 0 : i32
      %dma_start3A_565 = arith.constant 0 : i32
      %dma_start3A_566 = tpu.memref_slice %arg4[%dma_start3A_564, %dma_start3A_565] : memref<10000x128xf32, #tpu.memory_space<hbm>> -> memref<10000x128xf32, #tpu.memory_space<hbm>>
      tpu.enqueue_indirect_dma source(%dma_start3A_566 : memref<10000x128xf32, #tpu.memory_space<hbm>>) target(%arg15 : memref<80x128xf32, #tpu.memory_space<vmem>>) offsets(%arg7 : memref<80xi32, #tpu.memory_space<vmem>>) semaphore(%arg24 : memref<!tpu.dma_semaphore, #tpu.memory_space<semaphore_mem>>)
      %dma_wait3A_567 = arith.constant 0 : i32
      %dma_wait3A_568 = tpu.memref_slice %arg2[%dma_wait3A_567] : memref<320000xi32, #tpu.memory_space<hbm>> -> memref<80xi32, #tpu.memory_space<hbm>>
      %dma_wait3A_569 = arith.constant 0 : i32
      %dma_wait3A_570 = tpu.memref_slice %arg2[%dma_wait3A_569] : memref<320000xi32, #tpu.memory_space<hbm>> -> memref<80xi32, #tpu.memory_space<hbm>>
      tpu.wait_dma2 semaphore(%arg21 : memref<!tpu.dma_semaphore, #tpu.memory_space<semaphore_mem>>) src(%dma_wait3A_570 : memref<80xi32, #tpu.memory_space<hbm>>) dst(%arg8 : memref<80xi32, #tpu.memory_space<vmem>>)
      %dma_wait3A_571 = arith.constant 0 : i32
      %dma_wait3A_572 = tpu.memref_slice %arg2[%dma_wait3A_571] : memref<320000xi32, #tpu.memory_space<hbm>> -> memref<80xi32, #tpu.memory_space<hbm>>
      %dma_wait3A_573 = arith.constant 0 : i32
      %dma_wait3A_574 = tpu.memref_slice %arg2[%dma_wait3A_573] : memref<320000xi32, #tpu.memory_space<hbm>> -> memref<80xi32, #tpu.memory_space<hbm>>
      tpu.wait_dma2 semaphore(%arg21 : memref<!tpu.dma_semaphore, #tpu.memory_space<semaphore_mem>>) src(%dma_wait3A_574 : memref<80xi32, #tpu.memory_space<hbm>>) dst(%arg12 : memref<80xi32, #tpu.memory_space<vmem>>)
      %dma_start3A_575 = arith.constant 0 : i32
      %dma_start3A_576 = arith.constant 0 : i32
      %dma_start3A_577 = tpu.memref_slice %arg4[%dma_start3A_575, %dma_start3A_576] : memref<10000x128xf32, #tpu.memory_space<hbm>> -> memref<10000x128xf32, #tpu.memory_space<hbm>>
      tpu.enqueue_indirect_dma source(%dma_start3A_577 : memref<10000x128xf32, #tpu.memory_space<hbm>>) target(%arg16 : memref<80x128xf32, #tpu.memory_space<vmem>>) offsets(%arg8 : memref<80xi32, #tpu.memory_space<vmem>>) semaphore(%arg25 : memref<!tpu.dma_semaphore, #tpu.memory_space<semaphore_mem>>)
      %dma_wait3A_578 = arith.constant 0 : i32
      %dma_wait3A_579 = tpu.memref_slice %arg2[%dma_wait3A_578] : memref<320000xi32, #tpu.memory_space<hbm>> -> memref<80xi32, #tpu.memory_space<hbm>>
      %dma_wait3A_580 = arith.constant 0 : i32
      %dma_wait3A_581 = tpu.memref_slice %arg2[%dma_wait3A_580] : memref<320000xi32, #tpu.memory_space<hbm>> -> memref<80xi32, #tpu.memory_space<hbm>>
      tpu.wait_dma2 semaphore(%arg22 : memref<!tpu.dma_semaphore, #tpu.memory_space<semaphore_mem>>) src(%dma_wait3A_581 : memref<80xi32, #tpu.memory_space<hbm>>) dst(%arg9 : memref<80xi32, #tpu.memory_space<vmem>>)
      %dma_wait3A_582 = arith.constant 0 : i32
      %dma_wait3A_583 = tpu.memref_slice %arg2[%dma_wait3A_582] : memref<320000xi32, #tpu.memory_space<hbm>> -> memref<80xi32, #tpu.memory_space<hbm>>
      %dma_wait3A_584 = arith.constant 0 : i32
      %dma_wait3A_585 = tpu.memref_slice %arg2[%dma_wait3A_584] : memref<320000xi32, #tpu.memory_space<hbm>> -> memref<80xi32, #tpu.memory_space<hbm>>
      tpu.wait_dma2 semaphore(%arg22 : memref<!tpu.dma_semaphore, #tpu.memory_space<semaphore_mem>>) src(%dma_wait3A_585 : memref<80xi32, #tpu.memory_space<hbm>>) dst(%arg13 : memref<80xi32, #tpu.memory_space<vmem>>)
      %dma_start3A_586 = arith.constant 0 : i32
      %dma_start3A_587 = arith.constant 0 : i32
      %dma_start3A_588 = tpu.memref_slice %arg4[%dma_start3A_586, %dma_start3A_587] : memref<10000x128xf32, #tpu.memory_space<hbm>> -> memref<10000x128xf32, #tpu.memory_space<hbm>>
      tpu.enqueue_indirect_dma source(%dma_start3A_588 : memref<10000x128xf32, #tpu.memory_space<hbm>>) target(%arg17 : memref<80x128xf32, #tpu.memory_space<vmem>>) offsets(%arg9 : memref<80xi32, #tpu.memory_space<vmem>>) semaphore(%arg26 : memref<!tpu.dma_semaphore, #tpu.memory_space<semaphore_mem>>)
      %dma_wait3A_589 = arith.constant 0 : i32
      %dma_wait3A_590 = arith.constant 0 : i32
      %dma_wait3A_591 = tpu.memref_slice %arg4[%dma_wait3A_589, %dma_wait3A_590] : memref<10000x128xf32, #tpu.memory_space<hbm>> -> memref<10000x128xf32, #tpu.memory_space<hbm>>
      tpu.wait_indirect_dma semaphore(%arg23 : memref<!tpu.dma_semaphore, #tpu.memory_space<semaphore_mem>>) src(%dma_wait3A_591 : memref<10000x128xf32, #tpu.memory_space<hbm>>) dst(%arg14 : memref<80x128xf32, #tpu.memory_space<vmem>>)
      %dma_start3A_592 = arith.constant 0 : i32
      %dma_start3A_593 = arith.constant 0 : i32
      %dma_start3A_594 = tpu.memref_slice %arg18[%dma_start3A_592, %dma_start3A_593] : memref<10000x128xf32, #tpu.memory_space<vmem_shared>> -> memref<10000x128xf32, #tpu.memory_space<vmem_shared>>
      tpu.enqueue_indirect_dma source(%arg14 : memref<80x128xf32, #tpu.memory_space<vmem>>) target(%dma_start3A_594 : memref<10000x128xf32, #tpu.memory_space<vmem_shared>>) offsets(%arg10 : memref<80xi32, #tpu.memory_space<vmem>>) semaphore(%arg27 : memref<!tpu.dma_semaphore, #tpu.memory_space<semaphore_mem>>) {add = true}
      %dma_wait3A_595 = arith.constant 0 : i32
      %dma_wait3A_596 = arith.constant 0 : i32
      %dma_wait3A_597 = tpu.memref_slice %arg4[%dma_wait3A_595, %dma_wait3A_596] : memref<10000x128xf32, #tpu.memory_space<hbm>> -> memref<10000x128xf32, #tpu.memory_space<hbm>>
      tpu.wait_indirect_dma semaphore(%arg24 : memref<!tpu.dma_semaphore, #tpu.memory_space<semaphore_mem>>) src(%dma_wait3A_597 : memref<10000x128xf32, #tpu.memory_space<hbm>>) dst(%arg15 : memref<80x128xf32, #tpu.memory_space<vmem>>)
      %dma_start3A_598 = arith.constant 0 : i32
      %dma_start3A_599 = arith.constant 0 : i32
      %dma_start3A_600 = tpu.memref_slice %arg18[%dma_start3A_598, %dma_start3A_599] : memref<10000x128xf32, #tpu.memory_space<vmem_shared>> -> memref<10000x128xf32, #tpu.memory_space<vmem_shared>>
      tpu.enqueue_indirect_dma source(%arg15 : memref<80x128xf32, #tpu.memory_space<vmem>>) target(%dma_start3A_600 : memref<10000x128xf32, #tpu.memory_space<vmem_shared>>) offsets(%arg11 : memref<80xi32, #tpu.memory_space<vmem>>) semaphore(%arg28 : memref<!tpu.dma_semaphore, #tpu.memory_space<semaphore_mem>>) {add = true}
      %dma_wait3A_601 = arith.constant 0 : i32
      %dma_wait3A_602 = arith.constant 0 : i32
      %dma_wait3A_603 = tpu.memref_slice %arg4[%dma_wait3A_601, %dma_wait3A_602] : memref<10000x128xf32, #tpu.memory_space<hbm>> -> memref<10000x128xf32, #tpu.memory_space<hbm>>
      tpu.wait_indirect_dma semaphore(%arg25 : memref<!tpu.dma_semaphore, #tpu.memory_space<semaphore_mem>>) src(%dma_wait3A_603 : memref<10000x128xf32, #tpu.memory_space<hbm>>) dst(%arg16 : memref<80x128xf32, #tpu.memory_space<vmem>>)
      %dma_start3A_604 = arith.constant 0 : i32
      %dma_start3A_605 = arith.constant 0 : i32
      %dma_start3A_606 = tpu.memref_slice %arg18[%dma_start3A_604, %dma_start3A_605] : memref<10000x128xf32, #tpu.memory_space<vmem_shared>> -> memref<10000x128xf32, #tpu.memory_space<vmem_shared>>
      tpu.enqueue_indirect_dma source(%arg16 : memref<80x128xf32, #tpu.memory_space<vmem>>) target(%dma_start3A_606 : memref<10000x128xf32, #tpu.memory_space<vmem_shared>>) offsets(%arg12 : memref<80xi32, #tpu.memory_space<vmem>>) semaphore(%arg29 : memref<!tpu.dma_semaphore, #tpu.memory_space<semaphore_mem>>) {add = true}
      %dma_wait3A_607 = arith.constant 0 : i32
      %dma_wait3A_608 = arith.constant 0 : i32
      %dma_wait3A_609 = tpu.memref_slice %arg4[%dma_wait3A_607, %dma_wait3A_608] : memref<10000x128xf32, #tpu.memory_space<hbm>> -> memref<10000x128xf32, #tpu.memory_space<hbm>>
      tpu.wait_indirect_dma semaphore(%arg26 : memref<!tpu.dma_semaphore, #tpu.memory_space<semaphore_mem>>) src(%dma_wait3A_609 : memref<10000x128xf32, #tpu.memory_space<hbm>>) dst(%arg17 : memref<80x128xf32, #tpu.memory_space<vmem>>)
      %dma_start3A_610 = arith.constant 0 : i32
      %dma_start3A_611 = arith.constant 0 : i32
      %dma_start3A_612 = tpu.memref_slice %arg18[%dma_start3A_610, %dma_start3A_611] : memref<10000x128xf32, #tpu.memory_space<vmem_shared>> -> memref<10000x128xf32, #tpu.memory_space<vmem_shared>>
      tpu.enqueue_indirect_dma source(%arg17 : memref<80x128xf32, #tpu.memory_space<vmem>>) target(%dma_start3A_612 : memref<10000x128xf32, #tpu.memory_space<vmem_shared>>) offsets(%arg13 : memref<80xi32, #tpu.memory_space<vmem>>) semaphore(%arg30 : memref<!tpu.dma_semaphore, #tpu.memory_space<semaphore_mem>>) {add = true}
      %lt3A = arith.constant 30 : i32
      %lt3A_613 = arith.cmpi slt, %add3A_544, %lt3A : i32
      %convert_element_type3A_614 = arith.extui %lt3A_613 : i1 to i32
      %cond3A_615 = arith.constant 0 : i32
      %cond3A_616 = arith.cmpi ne, %convert_element_type3A_614, %cond3A_615 : i32
      scf.if %cond3A_616 {
        %dma_wait3A_632 = arith.constant 0 : i32
        %dma_wait3A_633 = arith.constant 0 : i32
        %dma_wait3A_634 = tpu.memref_slice %arg18[%dma_wait3A_632, %dma_wait3A_633] : memref<10000x128xf32, #tpu.memory_space<vmem_shared>> -> memref<10000x128xf32, #tpu.memory_space<vmem_shared>>
        tpu.wait_indirect_dma semaphore(%arg27 : memref<!tpu.dma_semaphore, #tpu.memory_space<semaphore_mem>>) src(%arg14 : memref<80x128xf32, #tpu.memory_space<vmem>>) dst(%dma_wait3A_634 : memref<10000x128xf32, #tpu.memory_space<vmem_shared>>)
        %add3A_635 = arith.constant 1 : i32
        %add3A_636 = arith.addi %add3A_544, %add3A_635 : i32
        %mul3A_637 = arith.constant 10000 : i32
        %mul3A_638 = arith.muli %add3A, %mul3A_637 : i32
        %mul3A_639 = arith.constant 4 : i32
        %mul3A_640 = arith.muli %add3A_636, %mul3A_639 : i32
        %add3A_641 = arith.constant 0 : i32
        %add3A_642 = arith.addi %mul3A_640, %add3A_641 : i32
        %mul3A_643 = arith.constant 80 : i32
        %mul3A_644 = arith.muli %add3A_642, %mul3A_643 : i32
        %add3A_645 = arith.addi %mul3A_638, %mul3A_644 : i32
        %dma_start3A_646 = tpu.memref_slice %arg2[%add3A_645] : memref<320000xi32, #tpu.memory_space<hbm>> -> memref<80xi32, #tpu.memory_space<hbm>>
        %dma_start3A_647 = tpu.memref_slice %arg2[%add3A_645] : memref<320000xi32, #tpu.memory_space<hbm>> -> memref<80xi32, #tpu.memory_space<hbm>>
        tpu.enqueue_dma source(%dma_start3A_647 : memref<80xi32, #tpu.memory_space<hbm>>) target(%arg6 : memref<80xi32, #tpu.memory_space<vmem>>) target_semaphore(%arg19 : memref<!tpu.dma_semaphore, #tpu.memory_space<semaphore_mem>>)
        %dma_start3A_648 = tpu.memref_slice %arg3[%add3A_645] : memref<320000xi32, #tpu.memory_space<hbm>> -> memref<80xi32, #tpu.memory_space<hbm>>
        %dma_start3A_649 = tpu.memref_slice %arg3[%add3A_645] : memref<320000xi32, #tpu.memory_space<hbm>> -> memref<80xi32, #tpu.memory_space<hbm>>
        tpu.enqueue_dma source(%dma_start3A_649 : memref<80xi32, #tpu.memory_space<hbm>>) target(%arg10 : memref<80xi32, #tpu.memory_space<vmem>>) target_semaphore(%arg19 : memref<!tpu.dma_semaphore, #tpu.memory_space<semaphore_mem>>)
      } else {
      }
      %lt3A_617 = arith.constant 30 : i32
      %lt3A_618 = arith.cmpi slt, %add3A_544, %lt3A_617 : i32
      %convert_element_type3A_619 = arith.extui %lt3A_618 : i1 to i32
      %cond3A_620 = arith.constant 0 : i32
      %cond3A_621 = arith.cmpi ne, %convert_element_type3A_619, %cond3A_620 : i32
      scf.if %cond3A_621 {
        %dma_wait3A_632 = arith.constant 0 : i32
        %dma_wait3A_633 = arith.constant 0 : i32
        %dma_wait3A_634 = tpu.memref_slice %arg18[%dma_wait3A_632, %dma_wait3A_633] : memref<10000x128xf32, #tpu.memory_space<vmem_shared>> -> memref<10000x128xf32, #tpu.memory_space<vmem_shared>>
        tpu.wait_indirect_dma semaphore(%arg28 : memref<!tpu.dma_semaphore, #tpu.memory_space<semaphore_mem>>) src(%arg15 : memref<80x128xf32, #tpu.memory_space<vmem>>) dst(%dma_wait3A_634 : memref<10000x128xf32, #tpu.memory_space<vmem_shared>>)
        %add3A_635 = arith.constant 1 : i32
        %add3A_636 = arith.addi %add3A_544, %add3A_635 : i32
        %mul3A_637 = arith.constant 10000 : i32
        %mul3A_638 = arith.muli %add3A, %mul3A_637 : i32
        %mul3A_639 = arith.constant 4 : i32
        %mul3A_640 = arith.muli %add3A_636, %mul3A_639 : i32
        %add3A_641 = arith.constant 1 : i32
        %add3A_642 = arith.addi %mul3A_640, %add3A_641 : i32
        %mul3A_643 = arith.constant 80 : i32
        %mul3A_644 = arith.muli %add3A_642, %mul3A_643 : i32
        %add3A_645 = arith.addi %mul3A_638, %mul3A_644 : i32
        %dma_start3A_646 = tpu.memref_slice %arg2[%add3A_645] : memref<320000xi32, #tpu.memory_space<hbm>> -> memref<80xi32, #tpu.memory_space<hbm>>
        %dma_start3A_647 = tpu.memref_slice %arg2[%add3A_645] : memref<320000xi32, #tpu.memory_space<hbm>> -> memref<80xi32, #tpu.memory_space<hbm>>
        tpu.enqueue_dma source(%dma_start3A_647 : memref<80xi32, #tpu.memory_space<hbm>>) target(%arg7 : memref<80xi32, #tpu.memory_space<vmem>>) target_semaphore(%arg20 : memref<!tpu.dma_semaphore, #tpu.memory_space<semaphore_mem>>)
        %dma_start3A_648 = tpu.memref_slice %arg3[%add3A_645] : memref<320000xi32, #tpu.memory_space<hbm>> -> memref<80xi32, #tpu.memory_space<hbm>>
        %dma_start3A_649 = tpu.memref_slice %arg3[%add3A_645] : memref<320000xi32, #tpu.memory_space<hbm>> -> memref<80xi32, #tpu.memory_space<hbm>>
        tpu.enqueue_dma source(%dma_start3A_649 : memref<80xi32, #tpu.memory_space<hbm>>) target(%arg11 : memref<80xi32, #tpu.memory_space<vmem>>) target_semaphore(%arg20 : memref<!tpu.dma_semaphore, #tpu.memory_space<semaphore_mem>>)
      } else {
      }
      %lt3A_622 = arith.constant 30 : i32
      %lt3A_623 = arith.cmpi slt, %add3A_544, %lt3A_622 : i32
      %convert_element_type3A_624 = arith.extui %lt3A_623 : i1 to i32
      %cond3A_625 = arith.constant 0 : i32
      %cond3A_626 = arith.cmpi ne, %convert_element_type3A_624, %cond3A_625 : i32
      scf.if %cond3A_626 {
        %dma_wait3A_632 = arith.constant 0 : i32
        %dma_wait3A_633 = arith.constant 0 : i32
        %dma_wait3A_634 = tpu.memref_slice %arg18[%dma_wait3A_632, %dma_wait3A_633] : memref<10000x128xf32, #tpu.memory_space<vmem_shared>> -> memref<10000x128xf32, #tpu.memory_space<vmem_shared>>
        tpu.wait_indirect_dma semaphore(%arg29 : memref<!tpu.dma_semaphore, #tpu.memory_space<semaphore_mem>>) src(%arg16 : memref<80x128xf32, #tpu.memory_space<vmem>>) dst(%dma_wait3A_634 : memref<10000x128xf32, #tpu.memory_space<vmem_shared>>)
        %add3A_635 = arith.constant 1 : i32
        %add3A_636 = arith.addi %add3A_544, %add3A_635 : i32
        %mul3A_637 = arith.constant 10000 : i32
        %mul3A_638 = arith.muli %add3A, %mul3A_637 : i32
        %mul3A_639 = arith.constant 4 : i32
        %mul3A_640 = arith.muli %add3A_636, %mul3A_639 : i32
        %add3A_641 = arith.constant 2 : i32
        %add3A_642 = arith.addi %mul3A_640, %add3A_641 : i32
        %mul3A_643 = arith.constant 80 : i32
        %mul3A_644 = arith.muli %add3A_642, %mul3A_643 : i32
        %add3A_645 = arith.addi %mul3A_638, %mul3A_644 : i32
        %dma_start3A_646 = tpu.memref_slice %arg2[%add3A_645] : memref<320000xi32, #tpu.memory_space<hbm>> -> memref<80xi32, #tpu.memory_space<hbm>>
        %dma_start3A_647 = tpu.memref_slice %arg2[%add3A_645] : memref<320000xi32, #tpu.memory_space<hbm>> -> memref<80xi32, #tpu.memory_space<hbm>>
        tpu.enqueue_dma source(%dma_start3A_647 : memref<80xi32, #tpu.memory_space<hbm>>) target(%arg8 : memref<80xi32, #tpu.memory_space<vmem>>) target_semaphore(%arg21 : memref<!tpu.dma_semaphore, #tpu.memory_space<semaphore_mem>>)
        %dma_start3A_648 = tpu.memref_slice %arg3[%add3A_645] : memref<320000xi32, #tpu.memory_space<hbm>> -> memref<80xi32, #tpu.memory_space<hbm>>
        %dma_start3A_649 = tpu.memref_slice %arg3[%add3A_645] : memref<320000xi32, #tpu.memory_space<hbm>> -> memref<80xi32, #tpu.memory_space<hbm>>
        tpu.enqueue_dma source(%dma_start3A_649 : memref<80xi32, #tpu.memory_space<hbm>>) target(%arg12 : memref<80xi32, #tpu.memory_space<vmem>>) target_semaphore(%arg21 : memref<!tpu.dma_semaphore, #tpu.memory_space<semaphore_mem>>)
      } else {
      }
      %lt3A_627 = arith.constant 30 : i32
      %lt3A_628 = arith.cmpi slt, %add3A_544, %lt3A_627 : i32
      %convert_element_type3A_629 = arith.extui %lt3A_628 : i1 to i32
      %cond3A_630 = arith.constant 0 : i32
      %cond3A_631 = arith.cmpi ne, %convert_element_type3A_629, %cond3A_630 : i32
      scf.if %cond3A_631 {
        %dma_wait3A_632 = arith.constant 0 : i32
        %dma_wait3A_633 = arith.constant 0 : i32
        %dma_wait3A_634 = tpu.memref_slice %arg18[%dma_wait3A_632, %dma_wait3A_633] : memref<10000x128xf32, #tpu.memory_space<vmem_shared>> -> memref<10000x128xf32, #tpu.memory_space<vmem_shared>>
        tpu.wait_indirect_dma semaphore(%arg30 : memref<!tpu.dma_semaphore, #tpu.memory_space<semaphore_mem>>) src(%arg17 : memref<80x128xf32, #tpu.memory_space<vmem>>) dst(%dma_wait3A_634 : memref<10000x128xf32, #tpu.memory_space<vmem_shared>>)
        %add3A_635 = arith.constant 1 : i32
        %add3A_636 = arith.addi %add3A_544, %add3A_635 : i32
        %mul3A_637 = arith.constant 10000 : i32
        %mul3A_638 = arith.muli %add3A, %mul3A_637 : i32
        %mul3A_639 = arith.constant 4 : i32
        %mul3A_640 = arith.muli %add3A_636, %mul3A_639 : i32
        %add3A_641 = arith.constant 3 : i32
        %add3A_642 = arith.addi %mul3A_640, %add3A_641 : i32
        %mul3A_643 = arith.constant 80 : i32
        %mul3A_644 = arith.muli %add3A_642, %mul3A_643 : i32
        %add3A_645 = arith.addi %mul3A_638, %mul3A_644 : i32
        %dma_start3A_646 = tpu.memref_slice %arg2[%add3A_645] : memref<320000xi32, #tpu.memory_space<hbm>> -> memref<80xi32, #tpu.memory_space<hbm>>
        %dma_start3A_647 = tpu.memref_slice %arg2[%add3A_645] : memref<320000xi32, #tpu.memory_space<hbm>> -> memref<80xi32, #tpu.memory_space<hbm>>
        tpu.enqueue_dma source(%dma_start3A_647 : memref<80xi32, #tpu.memory_space<hbm>>) target(%arg9 : memref<80xi32, #tpu.memory_space<vmem>>) target_semaphore(%arg22 : memref<!tpu.dma_semaphore, #tpu.memory_space<semaphore_mem>>)
        %dma_start3A_648 = tpu.memref_slice %arg3[%add3A_645] : memref<320000xi32, #tpu.memory_space<hbm>> -> memref<80xi32, #tpu.memory_space<hbm>>
        %dma_start3A_649 = tpu.memref_slice %arg3[%add3A_645] : memref<320000xi32, #tpu.memory_space<hbm>> -> memref<80xi32, #tpu.memory_space<hbm>>
        tpu.enqueue_dma source(%dma_start3A_649 : memref<80xi32, #tpu.memory_space<hbm>>) target(%arg13 : memref<80xi32, #tpu.memory_space<vmem>>) target_semaphore(%arg22 : memref<!tpu.dma_semaphore, #tpu.memory_space<semaphore_mem>>)
      } else {
      }
    }
    %scan3A_181 = arith.constant 31 : i32
    %dma_wait3A_182 = arith.constant 0 : i32
    %dma_wait3A_183 = arith.constant 0 : i32
    %dma_wait3A_184 = tpu.memref_slice %arg18[%dma_wait3A_182, %dma_wait3A_183] : memref<10000x128xf32, #tpu.memory_space<vmem_shared>> -> memref<10000x128xf32, #tpu.memory_space<vmem_shared>>
    tpu.wait_indirect_dma semaphore(%arg27 : memref<!tpu.dma_semaphore, #tpu.memory_space<semaphore_mem>>) src(%arg14 : memref<80x128xf32, #tpu.memory_space<vmem>>) dst(%dma_wait3A_184 : memref<10000x128xf32, #tpu.memory_space<vmem_shared>>)
    %mul3A_185 = arith.constant 10000 : i32
    %mul3A_186 = arith.muli %add3A, %mul3A_185 : i32
    %add3A_187 = arith.constant 9920 : i32
    %add3A_188 = arith.addi %mul3A_186, %add3A_187 : i32
    %dma_start3A_189 = tpu.memref_slice %arg2[%add3A_188] : memref<320000xi32, #tpu.memory_space<hbm>> -> memref<80xi32, #tpu.memory_space<hbm>>
    %dma_start3A_190 = tpu.memref_slice %arg2[%add3A_188] : memref<320000xi32, #tpu.memory_space<hbm>> -> memref<80xi32, #tpu.memory_space<hbm>>
    tpu.enqueue_dma source(%dma_start3A_190 : memref<80xi32, #tpu.memory_space<hbm>>) target(%arg6 : memref<80xi32, #tpu.memory_space<vmem>>) target_semaphore(%arg19 : memref<!tpu.dma_semaphore, #tpu.memory_space<semaphore_mem>>)
    %dma_start3A_191 = tpu.memref_slice %arg3[%add3A_188] : memref<320000xi32, #tpu.memory_space<hbm>> -> memref<80xi32, #tpu.memory_space<hbm>>
    %dma_start3A_192 = tpu.memref_slice %arg3[%add3A_188] : memref<320000xi32, #tpu.memory_space<hbm>> -> memref<80xi32, #tpu.memory_space<hbm>>
    tpu.enqueue_dma source(%dma_start3A_192 : memref<80xi32, #tpu.memory_space<hbm>>) target(%arg10 : memref<80xi32, #tpu.memory_space<vmem>>) target_semaphore(%arg19 : memref<!tpu.dma_semaphore, #tpu.memory_space<semaphore_mem>>)
    %dma_wait3A_193 = arith.constant 0 : i32
    %dma_wait3A_194 = tpu.memref_slice %arg2[%dma_wait3A_193] : memref<320000xi32, #tpu.memory_space<hbm>> -> memref<80xi32, #tpu.memory_space<hbm>>
    %dma_wait3A_195 = arith.constant 0 : i32
    %dma_wait3A_196 = tpu.memref_slice %arg2[%dma_wait3A_195] : memref<320000xi32, #tpu.memory_space<hbm>> -> memref<80xi32, #tpu.memory_space<hbm>>
    tpu.wait_dma2 semaphore(%arg19 : memref<!tpu.dma_semaphore, #tpu.memory_space<semaphore_mem>>) src(%dma_wait3A_196 : memref<80xi32, #tpu.memory_space<hbm>>) dst(%arg6 : memref<80xi32, #tpu.memory_space<vmem>>)
    %dma_wait3A_197 = arith.constant 0 : i32
    %dma_wait3A_198 = tpu.memref_slice %arg2[%dma_wait3A_197] : memref<320000xi32, #tpu.memory_space<hbm>> -> memref<80xi32, #tpu.memory_space<hbm>>
    %dma_wait3A_199 = arith.constant 0 : i32
    %dma_wait3A_200 = tpu.memref_slice %arg2[%dma_wait3A_199] : memref<320000xi32, #tpu.memory_space<hbm>> -> memref<80xi32, #tpu.memory_space<hbm>>
    tpu.wait_dma2 semaphore(%arg19 : memref<!tpu.dma_semaphore, #tpu.memory_space<semaphore_mem>>) src(%dma_wait3A_200 : memref<80xi32, #tpu.memory_space<hbm>>) dst(%arg10 : memref<80xi32, #tpu.memory_space<vmem>>)
    %dma_start3A_201 = arith.constant 0 : i32
    %dma_start3A_202 = arith.constant 0 : i32
    %dma_start3A_203 = tpu.memref_slice %arg4[%dma_start3A_201, %dma_start3A_202] : memref<10000x128xf32, #tpu.memory_space<hbm>> -> memref<10000x128xf32, #tpu.memory_space<hbm>>
    tpu.enqueue_indirect_dma source(%dma_start3A_203 : memref<10000x128xf32, #tpu.memory_space<hbm>>) target(%arg14 : memref<80x128xf32, #tpu.memory_space<vmem>>) offsets(%arg6 : memref<80xi32, #tpu.memory_space<vmem>>) semaphore(%arg23 : memref<!tpu.dma_semaphore, #tpu.memory_space<semaphore_mem>>)
    %dma_wait3A_204 = arith.constant 0 : i32
    %dma_wait3A_205 = arith.constant 0 : i32
    %dma_wait3A_206 = tpu.memref_slice %arg4[%dma_wait3A_204, %dma_wait3A_205] : memref<10000x128xf32, #tpu.memory_space<hbm>> -> memref<10000x128xf32, #tpu.memory_space<hbm>>
    tpu.wait_indirect_dma semaphore(%arg23 : memref<!tpu.dma_semaphore, #tpu.memory_space<semaphore_mem>>) src(%dma_wait3A_206 : memref<10000x128xf32, #tpu.memory_space<hbm>>) dst(%arg14 : memref<80x128xf32, #tpu.memory_space<vmem>>)
    %dma_start3A_207 = arith.constant 0 : i32
    %dma_start3A_208 = arith.constant 0 : i32
    %dma_start3A_209 = tpu.memref_slice %arg18[%dma_start3A_207, %dma_start3A_208] : memref<10000x128xf32, #tpu.memory_space<vmem_shared>> -> memref<10000x128xf32, #tpu.memory_space<vmem_shared>>
    tpu.enqueue_indirect_dma source(%arg14 : memref<80x128xf32, #tpu.memory_space<vmem>>) target(%dma_start3A_209 : memref<10000x128xf32, #tpu.memory_space<vmem_shared>>) offsets(%arg10 : memref<80xi32, #tpu.memory_space<vmem>>) semaphore(%arg27 : memref<!tpu.dma_semaphore, #tpu.memory_space<semaphore_mem>>) {add = true}
    %dma_wait3A_210 = arith.constant 0 : i32
    %dma_wait3A_211 = arith.constant 0 : i32
    %dma_wait3A_212 = tpu.memref_slice %arg18[%dma_wait3A_210, %dma_wait3A_211] : memref<10000x128xf32, #tpu.memory_space<vmem_shared>> -> memref<10000x128xf32, #tpu.memory_space<vmem_shared>>
    tpu.wait_indirect_dma semaphore(%arg27 : memref<!tpu.dma_semaphore, #tpu.memory_space<semaphore_mem>>) src(%arg14 : memref<80x128xf32, #tpu.memory_space<vmem>>) dst(%dma_wait3A_212 : memref<10000x128xf32, #tpu.memory_space<vmem_shared>>)
    %dma_wait3A_213 = arith.constant 0 : i32
    %dma_wait3A_214 = arith.constant 0 : i32
    %dma_wait3A_215 = tpu.memref_slice %arg18[%dma_wait3A_213, %dma_wait3A_214] : memref<10000x128xf32, #tpu.memory_space<vmem_shared>> -> memref<10000x128xf32, #tpu.memory_space<vmem_shared>>
    tpu.wait_indirect_dma semaphore(%arg28 : memref<!tpu.dma_semaphore, #tpu.memory_space<semaphore_mem>>) src(%arg15 : memref<80x128xf32, #tpu.memory_space<vmem>>) dst(%dma_wait3A_215 : memref<10000x128xf32, #tpu.memory_space<vmem_shared>>)
    %dma_wait3A_216 = arith.constant 0 : i32
    %dma_wait3A_217 = arith.constant 0 : i32
    %dma_wait3A_218 = tpu.memref_slice %arg18[%dma_wait3A_216, %dma_wait3A_217] : memref<10000x128xf32, #tpu.memory_space<vmem_shared>> -> memref<10000x128xf32, #tpu.memory_space<vmem_shared>>
    tpu.wait_indirect_dma semaphore(%arg29 : memref<!tpu.dma_semaphore, #tpu.memory_space<semaphore_mem>>) src(%arg16 : memref<80x128xf32, #tpu.memory_space<vmem>>) dst(%dma_wait3A_218 : memref<10000x128xf32, #tpu.memory_space<vmem_shared>>)
    %dma_wait3A_219 = arith.constant 0 : i32
    %dma_wait3A_220 = arith.constant 0 : i32
    %dma_wait3A_221 = tpu.memref_slice %arg18[%dma_wait3A_219, %dma_wait3A_220] : memref<10000x128xf32, #tpu.memory_space<vmem_shared>> -> memref<10000x128xf32, #tpu.memory_space<vmem_shared>>
    tpu.wait_indirect_dma semaphore(%arg30 : memref<!tpu.dma_semaphore, #tpu.memory_space<semaphore_mem>>) src(%arg17 : memref<80x128xf32, #tpu.memory_space<vmem>>) dst(%dma_wait3A_221 : memref<10000x128xf32, #tpu.memory_space<vmem_shared>>)
    %barrier3A_222 = arith.constant 0 : index
    tpu.barrier barrier_id(%barrier3A_222)
    %mul3A_223 = arith.constant 624 : i32
    %mul3A_224 = arith.muli %arg1, %mul3A_223 : i32
    %add3A_225 = arith.constant 0 : i32
    %add3A_226 = arith.addi %mul3A_224, %add3A_225 : i32
    %dma_start3A_227 = arith.constant 0 : i32
    %dma_start3A_228 = tpu.memref_slice %arg18[%add3A_226, %dma_start3A_227] : memref<10000x128xf32, #tpu.memory_space<vmem_shared>> -> memref<80x128xf32, #tpu.memory_space<vmem_shared>>
    %dma_start3A_229 = arith.constant 0 : i32
    %dma_start3A_230 = tpu.memref_slice %arg18[%add3A_226, %dma_start3A_229] : memref<10000x128xf32, #tpu.memory_space<vmem_shared>> -> memref<80x128xf32, #tpu.memory_space<vmem_shared>>
    tpu.enqueue_dma source(%dma_start3A_230 : memref<80x128xf32, #tpu.memory_space<vmem_shared>>) target(%arg14 : memref<80x128xf32, #tpu.memory_space<vmem>>) target_semaphore(%arg23 : memref<!tpu.dma_semaphore, #tpu.memory_space<semaphore_mem>>)
    %mul3A_231 = arith.constant 624 : i32
    %mul3A_232 = arith.muli %arg1, %mul3A_231 : i32
    %add3A_233 = arith.constant 80 : i32
    %add3A_234 = arith.addi %mul3A_232, %add3A_233 : i32
    %dma_start3A_235 = arith.constant 0 : i32
    %dma_start3A_236 = tpu.memref_slice %arg18[%add3A_234, %dma_start3A_235] : memref<10000x128xf32, #tpu.memory_space<vmem_shared>> -> memref<80x128xf32, #tpu.memory_space<vmem_shared>>
    %dma_start3A_237 = arith.constant 0 : i32
    %dma_start3A_238 = tpu.memref_slice %arg18[%add3A_234, %dma_start3A_237] : memref<10000x128xf32, #tpu.memory_space<vmem_shared>> -> memref<80x128xf32, #tpu.memory_space<vmem_shared>>
    tpu.enqueue_dma source(%dma_start3A_238 : memref<80x128xf32, #tpu.memory_space<vmem_shared>>) target(%arg15 : memref<80x128xf32, #tpu.memory_space<vmem>>) target_semaphore(%arg24 : memref<!tpu.dma_semaphore, #tpu.memory_space<semaphore_mem>>)
    %mul3A_239 = arith.constant 624 : i32
    %mul3A_240 = arith.muli %arg1, %mul3A_239 : i32
    %add3A_241 = arith.constant 160 : i32
    %add3A_242 = arith.addi %mul3A_240, %add3A_241 : i32
    %dma_start3A_243 = arith.constant 0 : i32
    %dma_start3A_244 = tpu.memref_slice %arg18[%add3A_242, %dma_start3A_243] : memref<10000x128xf32, #tpu.memory_space<vmem_shared>> -> memref<80x128xf32, #tpu.memory_space<vmem_shared>>
    %dma_start3A_245 = arith.constant 0 : i32
    %dma_start3A_246 = tpu.memref_slice %arg18[%add3A_242, %dma_start3A_245] : memref<10000x128xf32, #tpu.memory_space<vmem_shared>> -> memref<80x128xf32, #tpu.memory_space<vmem_shared>>
    tpu.enqueue_dma source(%dma_start3A_246 : memref<80x128xf32, #tpu.memory_space<vmem_shared>>) target(%arg16 : memref<80x128xf32, #tpu.memory_space<vmem>>) target_semaphore(%arg25 : memref<!tpu.dma_semaphore, #tpu.memory_space<semaphore_mem>>)
    %mul3A_247 = arith.constant 624 : i32
    %mul3A_248 = arith.muli %arg1, %mul3A_247 : i32
    %add3A_249 = arith.constant 240 : i32
    %add3A_250 = arith.addi %mul3A_248, %add3A_249 : i32
    %dma_start3A_251 = arith.constant 0 : i32
    %dma_start3A_252 = tpu.memref_slice %arg18[%add3A_250, %dma_start3A_251] : memref<10000x128xf32, #tpu.memory_space<vmem_shared>> -> memref<80x128xf32, #tpu.memory_space<vmem_shared>>
    %dma_start3A_253 = arith.constant 0 : i32
    %dma_start3A_254 = tpu.memref_slice %arg18[%add3A_250, %dma_start3A_253] : memref<10000x128xf32, #tpu.memory_space<vmem_shared>> -> memref<80x128xf32, #tpu.memory_space<vmem_shared>>
    tpu.enqueue_dma source(%dma_start3A_254 : memref<80x128xf32, #tpu.memory_space<vmem_shared>>) target(%arg17 : memref<80x128xf32, #tpu.memory_space<vmem>>) target_semaphore(%arg26 : memref<!tpu.dma_semaphore, #tpu.memory_space<semaphore_mem>>)
    %mul3A_255 = arith.constant 624 : i32
    %mul3A_256 = arith.muli %arg1, %mul3A_255 : i32
    %add3A_257 = arith.constant 0 : i32
    %add3A_258 = arith.addi %mul3A_256, %add3A_257 : i32
    %dma_wait3A_259 = arith.constant 0 : i32
    %dma_wait3A_260 = tpu.memref_slice %arg18[%add3A_258, %dma_wait3A_259] : memref<10000x128xf32, #tpu.memory_space<vmem_shared>> -> memref<80x128xf32, #tpu.memory_space<vmem_shared>>
    %dma_wait3A_261 = arith.constant 0 : i32
    %dma_wait3A_262 = tpu.memref_slice %arg18[%add3A_258, %dma_wait3A_261] : memref<10000x128xf32, #tpu.memory_space<vmem_shared>> -> memref<80x128xf32, #tpu.memory_space<vmem_shared>>
    tpu.wait_dma2 semaphore(%arg23 : memref<!tpu.dma_semaphore, #tpu.memory_space<semaphore_mem>>) src(%dma_wait3A_262 : memref<80x128xf32, #tpu.memory_space<vmem_shared>>) dst(%arg14 : memref<80x128xf32, #tpu.memory_space<vmem>>)
    %mul3A_263 = arith.constant 624 : i32
    %mul3A_264 = arith.muli %arg1, %mul3A_263 : i32
    %add3A_265 = arith.constant 0 : i32
    %add3A_266 = arith.addi %mul3A_264, %add3A_265 : i32
    %dma_start3A_267 = arith.constant 0 : i32
    %dma_start3A_268 = tpu.memref_slice %arg5[%arg0, %add3A_266, %dma_start3A_267] : memref<2x10000x128xf32, #tpu.memory_space<hbm>> -> memref<1x80x128xf32, #tpu.memory_space<hbm>>
    %dma_start3A_269 = tpu.memref_squeeze %dma_start3A_268 : memref<1x80x128xf32, #tpu.memory_space<hbm>> -> memref<80x128xf32, #tpu.memory_space<hbm>>
    %dma_start3A_270 = arith.constant 0 : i32
    %dma_start3A_271 = tpu.memref_slice %arg5[%arg0, %add3A_266, %dma_start3A_270] : memref<2x10000x128xf32, #tpu.memory_space<hbm>> -> memref<1x80x128xf32, #tpu.memory_space<hbm>>
    %dma_start3A_272 = tpu.memref_squeeze %dma_start3A_271 : memref<1x80x128xf32, #tpu.memory_space<hbm>> -> memref<80x128xf32, #tpu.memory_space<hbm>>
    tpu.enqueue_dma source(%arg14 : memref<80x128xf32, #tpu.memory_space<vmem>>) target(%dma_start3A_272 : memref<80x128xf32, #tpu.memory_space<hbm>>) target_semaphore(%arg27 : memref<!tpu.dma_semaphore, #tpu.memory_space<semaphore_mem>>)
    %mul3A_273 = arith.constant 624 : i32
    %mul3A_274 = arith.muli %arg1, %mul3A_273 : i32
    %add3A_275 = arith.constant 0 : i32
    %add3A_276 = arith.addi %mul3A_274, %add3A_275 : i32
    %dma_wait3A_277 = arith.constant 0 : i32
    %dma_wait3A_278 = tpu.memref_slice %arg5[%arg0, %add3A_276, %dma_wait3A_277] : memref<2x10000x128xf32, #tpu.memory_space<hbm>> -> memref<1x80x128xf32, #tpu.memory_space<hbm>>
    %dma_wait3A_279 = tpu.memref_squeeze %dma_wait3A_278 : memref<1x80x128xf32, #tpu.memory_space<hbm>> -> memref<80x128xf32, #tpu.memory_space<hbm>>
    %dma_wait3A_280 = arith.constant 0 : i32
    %dma_wait3A_281 = tpu.memref_slice %arg5[%arg0, %add3A_276, %dma_wait3A_280] : memref<2x10000x128xf32, #tpu.memory_space<hbm>> -> memref<1x80x128xf32, #tpu.memory_space<hbm>>
    %dma_wait3A_282 = tpu.memref_squeeze %dma_wait3A_281 : memref<1x80x128xf32, #tpu.memory_space<hbm>> -> memref<80x128xf32, #tpu.memory_space<hbm>>
    tpu.wait_dma2 semaphore(%arg27 : memref<!tpu.dma_semaphore, #tpu.memory_space<semaphore_mem>>) src(%arg14 : memref<80x128xf32, #tpu.memory_space<vmem>>) dst(%dma_wait3A_282 : memref<80x128xf32, #tpu.memory_space<hbm>>)
    %mul3A_283 = arith.constant 624 : i32
    %mul3A_284 = arith.muli %arg1, %mul3A_283 : i32
    %add3A_285 = arith.constant 320 : i32
    %add3A_286 = arith.addi %mul3A_284, %add3A_285 : i32
    %dma_start3A_287 = arith.constant 0 : i32
    %dma_start3A_288 = tpu.memref_slice %arg18[%add3A_286, %dma_start3A_287] : memref<10000x128xf32, #tpu.memory_space<vmem_shared>> -> memref<80x128xf32, #tpu.memory_space<vmem_shared>>
    %dma_start3A_289 = arith.constant 0 : i32
    %dma_start3A_290 = tpu.memref_slice %arg18[%add3A_286, %dma_start3A_289] : memref<10000x128xf32, #tpu.memory_space<vmem_shared>> -> memref<80x128xf32, #tpu.memory_space<vmem_shared>>
    tpu.enqueue_dma source(%dma_start3A_290 : memref<80x128xf32, #tpu.memory_space<vmem_shared>>) target(%arg14 : memref<80x128xf32, #tpu.memory_space<vmem>>) target_semaphore(%arg23 : memref<!tpu.dma_semaphore, #tpu.memory_space<semaphore_mem>>)
    %mul3A_291 = arith.constant 624 : i32
    %mul3A_292 = arith.muli %arg1, %mul3A_291 : i32
    %add3A_293 = arith.constant 80 : i32
    %add3A_294 = arith.addi %mul3A_292, %add3A_293 : i32
    %dma_wait3A_295 = arith.constant 0 : i32
    %dma_wait3A_296 = tpu.memref_slice %arg18[%add3A_294, %dma_wait3A_295] : memref<10000x128xf32, #tpu.memory_space<vmem_shared>> -> memref<80x128xf32, #tpu.memory_space<vmem_shared>>
    %dma_wait3A_297 = arith.constant 0 : i32
    %dma_wait3A_298 = tpu.memref_slice %arg18[%add3A_294, %dma_wait3A_297] : memref<10000x128xf32, #tpu.memory_space<vmem_shared>> -> memref<80x128xf32, #tpu.memory_space<vmem_shared>>
    tpu.wait_dma2 semaphore(%arg24 : memref<!tpu.dma_semaphore, #tpu.memory_space<semaphore_mem>>) src(%dma_wait3A_298 : memref<80x128xf32, #tpu.memory_space<vmem_shared>>) dst(%arg15 : memref<80x128xf32, #tpu.memory_space<vmem>>)
    %mul3A_299 = arith.constant 624 : i32
    %mul3A_300 = arith.muli %arg1, %mul3A_299 : i32
    %add3A_301 = arith.constant 80 : i32
    %add3A_302 = arith.addi %mul3A_300, %add3A_301 : i32
    %dma_start3A_303 = arith.constant 0 : i32
    %dma_start3A_304 = tpu.memref_slice %arg5[%arg0, %add3A_302, %dma_start3A_303] : memref<2x10000x128xf32, #tpu.memory_space<hbm>> -> memref<1x80x128xf32, #tpu.memory_space<hbm>>
    %dma_start3A_305 = tpu.memref_squeeze %dma_start3A_304 : memref<1x80x128xf32, #tpu.memory_space<hbm>> -> memref<80x128xf32, #tpu.memory_space<hbm>>
    %dma_start3A_306 = arith.constant 0 : i32
    %dma_start3A_307 = tpu.memref_slice %arg5[%arg0, %add3A_302, %dma_start3A_306] : memref<2x10000x128xf32, #tpu.memory_space<hbm>> -> memref<1x80x128xf32, #tpu.memory_space<hbm>>
    %dma_start3A_308 = tpu.memref_squeeze %dma_start3A_307 : memref<1x80x128xf32, #tpu.memory_space<hbm>> -> memref<80x128xf32, #tpu.memory_space<hbm>>
    tpu.enqueue_dma source(%arg15 : memref<80x128xf32, #tpu.memory_space<vmem>>) target(%dma_start3A_308 : memref<80x128xf32, #tpu.memory_space<hbm>>) target_semaphore(%arg28 : memref<!tpu.dma_semaphore, #tpu.memory_space<semaphore_mem>>)
    %mul3A_309 = arith.constant 624 : i32
    %mul3A_310 = arith.muli %arg1, %mul3A_309 : i32
    %add3A_311 = arith.constant 80 : i32
    %add3A_312 = arith.addi %mul3A_310, %add3A_311 : i32
    %dma_wait3A_313 = arith.constant 0 : i32
    %dma_wait3A_314 = tpu.memref_slice %arg5[%arg0, %add3A_312, %dma_wait3A_313] : memref<2x10000x128xf32, #tpu.memory_space<hbm>> -> memref<1x80x128xf32, #tpu.memory_space<hbm>>
    %dma_wait3A_315 = tpu.memref_squeeze %dma_wait3A_314 : memref<1x80x128xf32, #tpu.memory_space<hbm>> -> memref<80x128xf32, #tpu.memory_space<hbm>>
    %dma_wait3A_316 = arith.constant 0 : i32
    %dma_wait3A_317 = tpu.memref_slice %arg5[%arg0, %add3A_312, %dma_wait3A_316] : memref<2x10000x128xf32, #tpu.memory_space<hbm>> -> memref<1x80x128xf32, #tpu.memory_space<hbm>>
    %dma_wait3A_318 = tpu.memref_squeeze %dma_wait3A_317 : memref<1x80x128xf32, #tpu.memory_space<hbm>> -> memref<80x128xf32, #tpu.memory_space<hbm>>
    tpu.wait_dma2 semaphore(%arg28 : memref<!tpu.dma_semaphore, #tpu.memory_space<semaphore_mem>>) src(%arg15 : memref<80x128xf32, #tpu.memory_space<vmem>>) dst(%dma_wait3A_318 : memref<80x128xf32, #tpu.memory_space<hbm>>)
    %mul3A_319 = arith.constant 624 : i32
    %mul3A_320 = arith.muli %arg1, %mul3A_319 : i32
    %add3A_321 = arith.constant 400 : i32
    %add3A_322 = arith.addi %mul3A_320, %add3A_321 : i32
    %dma_start3A_323 = arith.constant 0 : i32
    %dma_start3A_324 = tpu.memref_slice %arg18[%add3A_322, %dma_start3A_323] : memref<10000x128xf32, #tpu.memory_space<vmem_shared>> -> memref<80x128xf32, #tpu.memory_space<vmem_shared>>
    %dma_start3A_325 = arith.constant 0 : i32
    %dma_start3A_326 = tpu.memref_slice %arg18[%add3A_322, %dma_start3A_325] : memref<10000x128xf32, #tpu.memory_space<vmem_shared>> -> memref<80x128xf32, #tpu.memory_space<vmem_shared>>
    tpu.enqueue_dma source(%dma_start3A_326 : memref<80x128xf32, #tpu.memory_space<vmem_shared>>) target(%arg15 : memref<80x128xf32, #tpu.memory_space<vmem>>) target_semaphore(%arg24 : memref<!tpu.dma_semaphore, #tpu.memory_space<semaphore_mem>>)
    %mul3A_327 = arith.constant 624 : i32
    %mul3A_328 = arith.muli %arg1, %mul3A_327 : i32
    %add3A_329 = arith.constant 160 : i32
    %add3A_330 = arith.addi %mul3A_328, %add3A_329 : i32
    %dma_wait3A_331 = arith.constant 0 : i32
    %dma_wait3A_332 = tpu.memref_slice %arg18[%add3A_330, %dma_wait3A_331] : memref<10000x128xf32, #tpu.memory_space<vmem_shared>> -> memref<80x128xf32, #tpu.memory_space<vmem_shared>>
    %dma_wait3A_333 = arith.constant 0 : i32
    %dma_wait3A_334 = tpu.memref_slice %arg18[%add3A_330, %dma_wait3A_333] : memref<10000x128xf32, #tpu.memory_space<vmem_shared>> -> memref<80x128xf32, #tpu.memory_space<vmem_shared>>
    tpu.wait_dma2 semaphore(%arg25 : memref<!tpu.dma_semaphore, #tpu.memory_space<semaphore_mem>>) src(%dma_wait3A_334 : memref<80x128xf32, #tpu.memory_space<vmem_shared>>) dst(%arg16 : memref<80x128xf32, #tpu.memory_space<vmem>>)
    %mul3A_335 = arith.constant 624 : i32
    %mul3A_336 = arith.muli %arg1, %mul3A_335 : i32
    %add3A_337 = arith.constant 160 : i32
    %add3A_338 = arith.addi %mul3A_336, %add3A_337 : i32
    %dma_start3A_339 = arith.constant 0 : i32
    %dma_start3A_340 = tpu.memref_slice %arg5[%arg0, %add3A_338, %dma_start3A_339] : memref<2x10000x128xf32, #tpu.memory_space<hbm>> -> memref<1x80x128xf32, #tpu.memory_space<hbm>>
    %dma_start3A_341 = tpu.memref_squeeze %dma_start3A_340 : memref<1x80x128xf32, #tpu.memory_space<hbm>> -> memref<80x128xf32, #tpu.memory_space<hbm>>
    %dma_start3A_342 = arith.constant 0 : i32
    %dma_start3A_343 = tpu.memref_slice %arg5[%arg0, %add3A_338, %dma_start3A_342] : memref<2x10000x128xf32, #tpu.memory_space<hbm>> -> memref<1x80x128xf32, #tpu.memory_space<hbm>>
    %dma_start3A_344 = tpu.memref_squeeze %dma_start3A_343 : memref<1x80x128xf32, #tpu.memory_space<hbm>> -> memref<80x128xf32, #tpu.memory_space<hbm>>
    tpu.enqueue_dma source(%arg16 : memref<80x128xf32, #tpu.memory_space<vmem>>) target(%dma_start3A_344 : memref<80x128xf32, #tpu.memory_space<hbm>>) target_semaphore(%arg29 : memref<!tpu.dma_semaphore, #tpu.memory_space<semaphore_mem>>)
    %mul3A_345 = arith.constant 624 : i32
    %mul3A_346 = arith.muli %arg1, %mul3A_345 : i32
    %add3A_347 = arith.constant 160 : i32
    %add3A_348 = arith.addi %mul3A_346, %add3A_347 : i32
    %dma_wait3A_349 = arith.constant 0 : i32
    %dma_wait3A_350 = tpu.memref_slice %arg5[%arg0, %add3A_348, %dma_wait3A_349] : memref<2x10000x128xf32, #tpu.memory_space<hbm>> -> memref<1x80x128xf32, #tpu.memory_space<hbm>>
    %dma_wait3A_351 = tpu.memref_squeeze %dma_wait3A_350 : memref<1x80x128xf32, #tpu.memory_space<hbm>> -> memref<80x128xf32, #tpu.memory_space<hbm>>
    %dma_wait3A_352 = arith.constant 0 : i32
    %dma_wait3A_353 = tpu.memref_slice %arg5[%arg0, %add3A_348, %dma_wait3A_352] : memref<2x10000x128xf32, #tpu.memory_space<hbm>> -> memref<1x80x128xf32, #tpu.memory_space<hbm>>
    %dma_wait3A_354 = tpu.memref_squeeze %dma_wait3A_353 : memref<1x80x128xf32, #tpu.memory_space<hbm>> -> memref<80x128xf32, #tpu.memory_space<hbm>>
    tpu.wait_dma2 semaphore(%arg29 : memref<!tpu.dma_semaphore, #tpu.memory_space<semaphore_mem>>) src(%arg16 : memref<80x128xf32, #tpu.memory_space<vmem>>) dst(%dma_wait3A_354 : memref<80x128xf32, #tpu.memory_space<hbm>>)
    %mul3A_355 = arith.constant 624 : i32
    %mul3A_356 = arith.muli %arg1, %mul3A_355 : i32
    %add3A_357 = arith.constant 480 : i32
    %add3A_358 = arith.addi %mul3A_356, %add3A_357 : i32
    %dma_start3A_359 = arith.constant 0 : i32
    %dma_start3A_360 = tpu.memref_slice %arg18[%add3A_358, %dma_start3A_359] : memref<10000x128xf32, #tpu.memory_space<vmem_shared>> -> memref<80x128xf32, #tpu.memory_space<vmem_shared>>
    %dma_start3A_361 = arith.constant 0 : i32
    %dma_start3A_362 = tpu.memref_slice %arg18[%add3A_358, %dma_start3A_361] : memref<10000x128xf32, #tpu.memory_space<vmem_shared>> -> memref<80x128xf32, #tpu.memory_space<vmem_shared>>
    tpu.enqueue_dma source(%dma_start3A_362 : memref<80x128xf32, #tpu.memory_space<vmem_shared>>) target(%arg16 : memref<80x128xf32, #tpu.memory_space<vmem>>) target_semaphore(%arg25 : memref<!tpu.dma_semaphore, #tpu.memory_space<semaphore_mem>>)
    %mul3A_363 = arith.constant 624 : i32
    %mul3A_364 = arith.muli %arg1, %mul3A_363 : i32
    %add3A_365 = arith.constant 240 : i32
    %add3A_366 = arith.addi %mul3A_364, %add3A_365 : i32
    %dma_wait3A_367 = arith.constant 0 : i32
    %dma_wait3A_368 = tpu.memref_slice %arg18[%add3A_366, %dma_wait3A_367] : memref<10000x128xf32, #tpu.memory_space<vmem_shared>> -> memref<80x128xf32, #tpu.memory_space<vmem_shared>>
    %dma_wait3A_369 = arith.constant 0 : i32
    %dma_wait3A_370 = tpu.memref_slice %arg18[%add3A_366, %dma_wait3A_369] : memref<10000x128xf32, #tpu.memory_space<vmem_shared>> -> memref<80x128xf32, #tpu.memory_space<vmem_shared>>
    tpu.wait_dma2 semaphore(%arg26 : memref<!tpu.dma_semaphore, #tpu.memory_space<semaphore_mem>>) src(%dma_wait3A_370 : memref<80x128xf32, #tpu.memory_space<vmem_shared>>) dst(%arg17 : memref<80x128xf32, #tpu.memory_space<vmem>>)
    %mul3A_371 = arith.constant 624 : i32
    %mul3A_372 = arith.muli %arg1, %mul3A_371 : i32
    %add3A_373 = arith.constant 240 : i32
    %add3A_374 = arith.addi %mul3A_372, %add3A_373 : i32
    %dma_start3A_375 = arith.constant 0 : i32
    %dma_start3A_376 = tpu.memref_slice %arg5[%arg0, %add3A_374, %dma_start3A_375] : memref<2x10000x128xf32, #tpu.memory_space<hbm>> -> memref<1x80x128xf32, #tpu.memory_space<hbm>>
    %dma_start3A_377 = tpu.memref_squeeze %dma_start3A_376 : memref<1x80x128xf32, #tpu.memory_space<hbm>> -> memref<80x128xf32, #tpu.memory_space<hbm>>
    %dma_start3A_378 = arith.constant 0 : i32
    %dma_start3A_379 = tpu.memref_slice %arg5[%arg0, %add3A_374, %dma_start3A_378] : memref<2x10000x128xf32, #tpu.memory_space<hbm>> -> memref<1x80x128xf32, #tpu.memory_space<hbm>>
    %dma_start3A_380 = tpu.memref_squeeze %dma_start3A_379 : memref<1x80x128xf32, #tpu.memory_space<hbm>> -> memref<80x128xf32, #tpu.memory_space<hbm>>
    tpu.enqueue_dma source(%arg17 : memref<80x128xf32, #tpu.memory_space<vmem>>) target(%dma_start3A_380 : memref<80x128xf32, #tpu.memory_space<hbm>>) target_semaphore(%arg30 : memref<!tpu.dma_semaphore, #tpu.memory_space<semaphore_mem>>)
    %mul3A_381 = arith.constant 624 : i32
    %mul3A_382 = arith.muli %arg1, %mul3A_381 : i32
    %add3A_383 = arith.constant 240 : i32
    %add3A_384 = arith.addi %mul3A_382, %add3A_383 : i32
    %dma_wait3A_385 = arith.constant 0 : i32
    %dma_wait3A_386 = tpu.memref_slice %arg5[%arg0, %add3A_384, %dma_wait3A_385] : memref<2x10000x128xf32, #tpu.memory_space<hbm>> -> memref<1x80x128xf32, #tpu.memory_space<hbm>>
    %dma_wait3A_387 = tpu.memref_squeeze %dma_wait3A_386 : memref<1x80x128xf32, #tpu.memory_space<hbm>> -> memref<80x128xf32, #tpu.memory_space<hbm>>
    %dma_wait3A_388 = arith.constant 0 : i32
    %dma_wait3A_389 = tpu.memref_slice %arg5[%arg0, %add3A_384, %dma_wait3A_388] : memref<2x10000x128xf32, #tpu.memory_space<hbm>> -> memref<1x80x128xf32, #tpu.memory_space<hbm>>
    %dma_wait3A_390 = tpu.memref_squeeze %dma_wait3A_389 : memref<1x80x128xf32, #tpu.memory_space<hbm>> -> memref<80x128xf32, #tpu.memory_space<hbm>>
    tpu.wait_dma2 semaphore(%arg30 : memref<!tpu.dma_semaphore, #tpu.memory_space<semaphore_mem>>) src(%arg17 : memref<80x128xf32, #tpu.memory_space<vmem>>) dst(%dma_wait3A_390 : memref<80x128xf32, #tpu.memory_space<hbm>>)
    %mul3A_391 = arith.constant 624 : i32
    %mul3A_392 = arith.muli %arg1, %mul3A_391 : i32
    %add3A_393 = arith.constant 560 : i32
    %add3A_394 = arith.addi %mul3A_392, %add3A_393 : i32
    %dma_start3A_395 = arith.constant 0 : i32
    %dma_start3A_396 = arith.constant 0 : i32
    %dma_start3A_397 = tpu.memref_slice %arg17[%dma_start3A_395, %dma_start3A_396] : memref<80x128xf32, #tpu.memory_space<vmem>> -> memref<64x128xf32, #tpu.memory_space<vmem>>
    %dma_start3A_398 = arith.constant 0 : i32
    %dma_start3A_399 = tpu.memref_slice %arg18[%add3A_394, %dma_start3A_398] : memref<10000x128xf32, #tpu.memory_space<vmem_shared>> -> memref<64x128xf32, #tpu.memory_space<vmem_shared>>
    %dma_start3A_400 = arith.constant 0 : i32
    %dma_start3A_401 = arith.constant 0 : i32
    %dma_start3A_402 = tpu.memref_slice %arg17[%dma_start3A_400, %dma_start3A_401] : memref<80x128xf32, #tpu.memory_space<vmem>> -> memref<64x128xf32, #tpu.memory_space<vmem>>
    %dma_start3A_403 = arith.constant 0 : i32
    %dma_start3A_404 = tpu.memref_slice %arg18[%add3A_394, %dma_start3A_403] : memref<10000x128xf32, #tpu.memory_space<vmem_shared>> -> memref<64x128xf32, #tpu.memory_space<vmem_shared>>
    tpu.enqueue_dma source(%dma_start3A_404 : memref<64x128xf32, #tpu.memory_space<vmem_shared>>) target(%dma_start3A_402 : memref<64x128xf32, #tpu.memory_space<vmem>>) target_semaphore(%arg26 : memref<!tpu.dma_semaphore, #tpu.memory_space<semaphore_mem>>)
    %mul3A_405 = arith.constant 624 : i32
    %mul3A_406 = arith.muli %arg1, %mul3A_405 : i32
    %add3A_407 = arith.constant 320 : i32
    %add3A_408 = arith.addi %mul3A_406, %add3A_407 : i32
    %dma_wait3A_409 = arith.constant 0 : i32
    %dma_wait3A_410 = tpu.memref_slice %arg18[%add3A_408, %dma_wait3A_409] : memref<10000x128xf32, #tpu.memory_space<vmem_shared>> -> memref<80x128xf32, #tpu.memory_space<vmem_shared>>
    %dma_wait3A_411 = arith.constant 0 : i32
    %dma_wait3A_412 = tpu.memref_slice %arg18[%add3A_408, %dma_wait3A_411] : memref<10000x128xf32, #tpu.memory_space<vmem_shared>> -> memref<80x128xf32, #tpu.memory_space<vmem_shared>>
    tpu.wait_dma2 semaphore(%arg23 : memref<!tpu.dma_semaphore, #tpu.memory_space<semaphore_mem>>) src(%dma_wait3A_412 : memref<80x128xf32, #tpu.memory_space<vmem_shared>>) dst(%arg14 : memref<80x128xf32, #tpu.memory_space<vmem>>)
    %mul3A_413 = arith.constant 624 : i32
    %mul3A_414 = arith.muli %arg1, %mul3A_413 : i32
    %add3A_415 = arith.constant 320 : i32
    %add3A_416 = arith.addi %mul3A_414, %add3A_415 : i32
    %dma_start3A_417 = arith.constant 0 : i32
    %dma_start3A_418 = tpu.memref_slice %arg5[%arg0, %add3A_416, %dma_start3A_417] : memref<2x10000x128xf32, #tpu.memory_space<hbm>> -> memref<1x80x128xf32, #tpu.memory_space<hbm>>
    %dma_start3A_419 = tpu.memref_squeeze %dma_start3A_418 : memref<1x80x128xf32, #tpu.memory_space<hbm>> -> memref<80x128xf32, #tpu.memory_space<hbm>>
    %dma_start3A_420 = arith.constant 0 : i32
    %dma_start3A_421 = tpu.memref_slice %arg5[%arg0, %add3A_416, %dma_start3A_420] : memref<2x10000x128xf32, #tpu.memory_space<hbm>> -> memref<1x80x128xf32, #tpu.memory_space<hbm>>
    %dma_start3A_422 = tpu.memref_squeeze %dma_start3A_421 : memref<1x80x128xf32, #tpu.memory_space<hbm>> -> memref<80x128xf32, #tpu.memory_space<hbm>>
    tpu.enqueue_dma source(%arg14 : memref<80x128xf32, #tpu.memory_space<vmem>>) target(%dma_start3A_422 : memref<80x128xf32, #tpu.memory_space<hbm>>) target_semaphore(%arg27 : memref<!tpu.dma_semaphore, #tpu.memory_space<semaphore_mem>>)
    %mul3A_423 = arith.constant 624 : i32
    %mul3A_424 = arith.muli %arg1, %mul3A_423 : i32
    %add3A_425 = arith.constant 400 : i32
    %add3A_426 = arith.addi %mul3A_424, %add3A_425 : i32
    %dma_wait3A_427 = arith.constant 0 : i32
    %dma_wait3A_428 = tpu.memref_slice %arg18[%add3A_426, %dma_wait3A_427] : memref<10000x128xf32, #tpu.memory_space<vmem_shared>> -> memref<80x128xf32, #tpu.memory_space<vmem_shared>>
    %dma_wait3A_429 = arith.constant 0 : i32
    %dma_wait3A_430 = tpu.memref_slice %arg18[%add3A_426, %dma_wait3A_429] : memref<10000x128xf32, #tpu.memory_space<vmem_shared>> -> memref<80x128xf32, #tpu.memory_space<vmem_shared>>
    tpu.wait_dma2 semaphore(%arg24 : memref<!tpu.dma_semaphore, #tpu.memory_space<semaphore_mem>>) src(%dma_wait3A_430 : memref<80x128xf32, #tpu.memory_space<vmem_shared>>) dst(%arg15 : memref<80x128xf32, #tpu.memory_space<vmem>>)
    %mul3A_431 = arith.constant 624 : i32
    %mul3A_432 = arith.muli %arg1, %mul3A_431 : i32
    %add3A_433 = arith.constant 400 : i32
    %add3A_434 = arith.addi %mul3A_432, %add3A_433 : i32
    %dma_start3A_435 = arith.constant 0 : i32
    %dma_start3A_436 = tpu.memref_slice %arg5[%arg0, %add3A_434, %dma_start3A_435] : memref<2x10000x128xf32, #tpu.memory_space<hbm>> -> memref<1x80x128xf32, #tpu.memory_space<hbm>>
    %dma_start3A_437 = tpu.memref_squeeze %dma_start3A_436 : memref<1x80x128xf32, #tpu.memory_space<hbm>> -> memref<80x128xf32, #tpu.memory_space<hbm>>
    %dma_start3A_438 = arith.constant 0 : i32
    %dma_start3A_439 = tpu.memref_slice %arg5[%arg0, %add3A_434, %dma_start3A_438] : memref<2x10000x128xf32, #tpu.memory_space<hbm>> -> memref<1x80x128xf32, #tpu.memory_space<hbm>>
    %dma_start3A_440 = tpu.memref_squeeze %dma_start3A_439 : memref<1x80x128xf32, #tpu.memory_space<hbm>> -> memref<80x128xf32, #tpu.memory_space<hbm>>
    tpu.enqueue_dma source(%arg15 : memref<80x128xf32, #tpu.memory_space<vmem>>) target(%dma_start3A_440 : memref<80x128xf32, #tpu.memory_space<hbm>>) target_semaphore(%arg28 : memref<!tpu.dma_semaphore, #tpu.memory_space<semaphore_mem>>)
    %mul3A_441 = arith.constant 624 : i32
    %mul3A_442 = arith.muli %arg1, %mul3A_441 : i32
    %add3A_443 = arith.constant 480 : i32
    %add3A_444 = arith.addi %mul3A_442, %add3A_443 : i32
    %dma_wait3A_445 = arith.constant 0 : i32
    %dma_wait3A_446 = tpu.memref_slice %arg18[%add3A_444, %dma_wait3A_445] : memref<10000x128xf32, #tpu.memory_space<vmem_shared>> -> memref<80x128xf32, #tpu.memory_space<vmem_shared>>
    %dma_wait3A_447 = arith.constant 0 : i32
    %dma_wait3A_448 = tpu.memref_slice %arg18[%add3A_444, %dma_wait3A_447] : memref<10000x128xf32, #tpu.memory_space<vmem_shared>> -> memref<80x128xf32, #tpu.memory_space<vmem_shared>>
    tpu.wait_dma2 semaphore(%arg25 : memref<!tpu.dma_semaphore, #tpu.memory_space<semaphore_mem>>) src(%dma_wait3A_448 : memref<80x128xf32, #tpu.memory_space<vmem_shared>>) dst(%arg16 : memref<80x128xf32, #tpu.memory_space<vmem>>)
    %mul3A_449 = arith.constant 624 : i32
    %mul3A_450 = arith.muli %arg1, %mul3A_449 : i32
    %add3A_451 = arith.constant 480 : i32
    %add3A_452 = arith.addi %mul3A_450, %add3A_451 : i32
    %dma_start3A_453 = arith.constant 0 : i32
    %dma_start3A_454 = tpu.memref_slice %arg5[%arg0, %add3A_452, %dma_start3A_453] : memref<2x10000x128xf32, #tpu.memory_space<hbm>> -> memref<1x80x128xf32, #tpu.memory_space<hbm>>
    %dma_start3A_455 = tpu.memref_squeeze %dma_start3A_454 : memref<1x80x128xf32, #tpu.memory_space<hbm>> -> memref<80x128xf32, #tpu.memory_space<hbm>>
    %dma_start3A_456 = arith.constant 0 : i32
    %dma_start3A_457 = tpu.memref_slice %arg5[%arg0, %add3A_452, %dma_start3A_456] : memref<2x10000x128xf32, #tpu.memory_space<hbm>> -> memref<1x80x128xf32, #tpu.memory_space<hbm>>
    %dma_start3A_458 = tpu.memref_squeeze %dma_start3A_457 : memref<1x80x128xf32, #tpu.memory_space<hbm>> -> memref<80x128xf32, #tpu.memory_space<hbm>>
    tpu.enqueue_dma source(%arg16 : memref<80x128xf32, #tpu.memory_space<vmem>>) target(%dma_start3A_458 : memref<80x128xf32, #tpu.memory_space<hbm>>) target_semaphore(%arg29 : memref<!tpu.dma_semaphore, #tpu.memory_space<semaphore_mem>>)
    %mul3A_459 = arith.constant 624 : i32
    %mul3A_460 = arith.muli %arg1, %mul3A_459 : i32
    %add3A_461 = arith.constant 560 : i32
    %add3A_462 = arith.addi %mul3A_460, %add3A_461 : i32
    %dma_wait3A_463 = arith.constant 0 : i32
    %dma_wait3A_464 = arith.constant 0 : i32
    %dma_wait3A_465 = tpu.memref_slice %arg17[%dma_wait3A_463, %dma_wait3A_464] : memref<80x128xf32, #tpu.memory_space<vmem>> -> memref<64x128xf32, #tpu.memory_space<vmem>>
    %dma_wait3A_466 = arith.constant 0 : i32
    %dma_wait3A_467 = tpu.memref_slice %arg18[%add3A_462, %dma_wait3A_466] : memref<10000x128xf32, #tpu.memory_space<vmem_shared>> -> memref<64x128xf32, #tpu.memory_space<vmem_shared>>
    %dma_wait3A_468 = arith.constant 0 : i32
    %dma_wait3A_469 = arith.constant 0 : i32
    %dma_wait3A_470 = tpu.memref_slice %arg17[%dma_wait3A_468, %dma_wait3A_469] : memref<80x128xf32, #tpu.memory_space<vmem>> -> memref<64x128xf32, #tpu.memory_space<vmem>>
    %dma_wait3A_471 = arith.constant 0 : i32
    %dma_wait3A_472 = tpu.memref_slice %arg18[%add3A_462, %dma_wait3A_471] : memref<10000x128xf32, #tpu.memory_space<vmem_shared>> -> memref<64x128xf32, #tpu.memory_space<vmem_shared>>
    tpu.wait_dma2 semaphore(%arg26 : memref<!tpu.dma_semaphore, #tpu.memory_space<semaphore_mem>>) src(%dma_wait3A_472 : memref<64x128xf32, #tpu.memory_space<vmem_shared>>) dst(%dma_wait3A_470 : memref<64x128xf32, #tpu.memory_space<vmem>>)
    %mul3A_473 = arith.constant 624 : i32
    %mul3A_474 = arith.muli %arg1, %mul3A_473 : i32
    %add3A_475 = arith.constant 560 : i32
    %add3A_476 = arith.addi %mul3A_474, %add3A_475 : i32
    %dma_start3A_477 = arith.constant 0 : i32
    %dma_start3A_478 = arith.constant 0 : i32
    %dma_start3A_479 = tpu.memref_slice %arg17[%dma_start3A_477, %dma_start3A_478] : memref<80x128xf32, #tpu.memory_space<vmem>> -> memref<64x128xf32, #tpu.memory_space<vmem>>
    %dma_start3A_480 = arith.constant 0 : i32
    %dma_start3A_481 = tpu.memref_slice %arg5[%arg0, %add3A_476, %dma_start3A_480] : memref<2x10000x128xf32, #tpu.memory_space<hbm>> -> memref<1x64x128xf32, #tpu.memory_space<hbm>>
    %dma_start3A_482 = tpu.memref_squeeze %dma_start3A_481 : memref<1x64x128xf32, #tpu.memory_space<hbm>> -> memref<64x128xf32, #tpu.memory_space<hbm>>
    %dma_start3A_483 = arith.constant 0 : i32
    %dma_start3A_484 = tpu.memref_slice %arg5[%arg0, %add3A_476, %dma_start3A_483] : memref<2x10000x128xf32, #tpu.memory_space<hbm>> -> memref<1x64x128xf32, #tpu.memory_space<hbm>>
    %dma_start3A_485 = tpu.memref_squeeze %dma_start3A_484 : memref<1x64x128xf32, #tpu.memory_space<hbm>> -> memref<64x128xf32, #tpu.memory_space<hbm>>
    %dma_start3A_486 = arith.constant 0 : i32
    %dma_start3A_487 = arith.constant 0 : i32
    %dma_start3A_488 = tpu.memref_slice %arg17[%dma_start3A_486, %dma_start3A_487] : memref<80x128xf32, #tpu.memory_space<vmem>> -> memref<64x128xf32, #tpu.memory_space<vmem>>
    tpu.enqueue_dma source(%dma_start3A_488 : memref<64x128xf32, #tpu.memory_space<vmem>>) target(%dma_start3A_485 : memref<64x128xf32, #tpu.memory_space<hbm>>) target_semaphore(%arg30 : memref<!tpu.dma_semaphore, #tpu.memory_space<semaphore_mem>>)
    %mul3A_489 = arith.constant 624 : i32
    %mul3A_490 = arith.muli %arg1, %mul3A_489 : i32
    %add3A_491 = arith.constant 320 : i32
    %add3A_492 = arith.addi %mul3A_490, %add3A_491 : i32
    %dma_wait3A_493 = arith.constant 0 : i32
    %dma_wait3A_494 = tpu.memref_slice %arg5[%arg0, %add3A_492, %dma_wait3A_493] : memref<2x10000x128xf32, #tpu.memory_space<hbm>> -> memref<1x80x128xf32, #tpu.memory_space<hbm>>
    %dma_wait3A_495 = tpu.memref_squeeze %dma_wait3A_494 : memref<1x80x128xf32, #tpu.memory_space<hbm>> -> memref<80x128xf32, #tpu.memory_space<hbm>>
    %dma_wait3A_496 = arith.constant 0 : i32
    %dma_wait3A_497 = tpu.memref_slice %arg5[%arg0, %add3A_492, %dma_wait3A_496] : memref<2x10000x128xf32, #tpu.memory_space<hbm>> -> memref<1x80x128xf32, #tpu.memory_space<hbm>>
    %dma_wait3A_498 = tpu.memref_squeeze %dma_wait3A_497 : memref<1x80x128xf32, #tpu.memory_space<hbm>> -> memref<80x128xf32, #tpu.memory_space<hbm>>
    tpu.wait_dma2 semaphore(%arg27 : memref<!tpu.dma_semaphore, #tpu.memory_space<semaphore_mem>>) src(%arg14 : memref<80x128xf32, #tpu.memory_space<vmem>>) dst(%dma_wait3A_498 : memref<80x128xf32, #tpu.memory_space<hbm>>)
    %mul3A_499 = arith.constant 624 : i32
    %mul3A_500 = arith.muli %arg1, %mul3A_499 : i32
    %add3A_501 = arith.constant 400 : i32
    %add3A_502 = arith.addi %mul3A_500, %add3A_501 : i32
    %dma_wait3A_503 = arith.constant 0 : i32
    %dma_wait3A_504 = tpu.memref_slice %arg5[%arg0, %add3A_502, %dma_wait3A_503] : memref<2x10000x128xf32, #tpu.memory_space<hbm>> -> memref<1x80x128xf32, #tpu.memory_space<hbm>>
    %dma_wait3A_505 = tpu.memref_squeeze %dma_wait3A_504 : memref<1x80x128xf32, #tpu.memory_space<hbm>> -> memref<80x128xf32, #tpu.memory_space<hbm>>
    %dma_wait3A_506 = arith.constant 0 : i32
    %dma_wait3A_507 = tpu.memref_slice %arg5[%arg0, %add3A_502, %dma_wait3A_506] : memref<2x10000x128xf32, #tpu.memory_space<hbm>> -> memref<1x80x128xf32, #tpu.memory_space<hbm>>
    %dma_wait3A_508 = tpu.memref_squeeze %dma_wait3A_507 : memref<1x80x128xf32, #tpu.memory_space<hbm>> -> memref<80x128xf32, #tpu.memory_space<hbm>>
    tpu.wait_dma2 semaphore(%arg28 : memref<!tpu.dma_semaphore, #tpu.memory_space<semaphore_mem>>) src(%arg15 : memref<80x128xf32, #tpu.memory_space<vmem>>) dst(%dma_wait3A_508 : memref<80x128xf32, #tpu.memory_space<hbm>>)
    %mul3A_509 = arith.constant 624 : i32
    %mul3A_510 = arith.muli %arg1, %mul3A_509 : i32
    %add3A_511 = arith.constant 480 : i32
    %add3A_512 = arith.addi %mul3A_510, %add3A_511 : i32
    %dma_wait3A_513 = arith.constant 0 : i32
    %dma_wait3A_514 = tpu.memref_slice %arg5[%arg0, %add3A_512, %dma_wait3A_513] : memref<2x10000x128xf32, #tpu.memory_space<hbm>> -> memref<1x80x128xf32, #tpu.memory_space<hbm>>
    %dma_wait3A_515 = tpu.memref_squeeze %dma_wait3A_514 : memref<1x80x128xf32, #tpu.memory_space<hbm>> -> memref<80x128xf32, #tpu.memory_space<hbm>>
    %dma_wait3A_516 = arith.constant 0 : i32
    %dma_wait3A_517 = tpu.memref_slice %arg5[%arg0, %add3A_512, %dma_wait3A_516] : memref<2x10000x128xf32, #tpu.memory_space<hbm>> -> memref<1x80x128xf32, #tpu.memory_space<hbm>>
    %dma_wait3A_518 = tpu.memref_squeeze %dma_wait3A_517 : memref<1x80x128xf32, #tpu.memory_space<hbm>> -> memref<80x128xf32, #tpu.memory_space<hbm>>
    tpu.wait_dma2 semaphore(%arg29 : memref<!tpu.dma_semaphore, #tpu.memory_space<semaphore_mem>>) src(%arg16 : memref<80x128xf32, #tpu.memory_space<vmem>>) dst(%dma_wait3A_518 : memref<80x128xf32, #tpu.memory_space<hbm>>)
    %mul3A_519 = arith.constant 624 : i32
    %mul3A_520 = arith.muli %arg1, %mul3A_519 : i32
    %add3A_521 = arith.constant 560 : i32
    %add3A_522 = arith.addi %mul3A_520, %add3A_521 : i32
    %dma_wait3A_523 = arith.constant 0 : i32
    %dma_wait3A_524 = arith.constant 0 : i32
    %dma_wait3A_525 = tpu.memref_slice %arg17[%dma_wait3A_523, %dma_wait3A_524] : memref<80x128xf32, #tpu.memory_space<vmem>> -> memref<64x128xf32, #tpu.memory_space<vmem>>
    %dma_wait3A_526 = arith.constant 0 : i32
    %dma_wait3A_527 = tpu.memref_slice %arg5[%arg0, %add3A_522, %dma_wait3A_526] : memref<2x10000x128xf32, #tpu.memory_space<hbm>> -> memref<1x64x128xf32, #tpu.memory_space<hbm>>
    %dma_wait3A_528 = tpu.memref_squeeze %dma_wait3A_527 : memref<1x64x128xf32, #tpu.memory_space<hbm>> -> memref<64x128xf32, #tpu.memory_space<hbm>>
    %dma_wait3A_529 = arith.constant 0 : i32
    %dma_wait3A_530 = tpu.memref_slice %arg5[%arg0, %add3A_522, %dma_wait3A_529] : memref<2x10000x128xf32, #tpu.memory_space<hbm>> -> memref<1x64x128xf32, #tpu.memory_space<hbm>>
    %dma_wait3A_531 = tpu.memref_squeeze %dma_wait3A_530 : memref<1x64x128xf32, #tpu.memory_space<hbm>> -> memref<64x128xf32, #tpu.memory_space<hbm>>
    %dma_wait3A_532 = arith.constant 0 : i32
    %dma_wait3A_533 = arith.constant 0 : i32
    %dma_wait3A_534 = tpu.memref_slice %arg17[%dma_wait3A_532, %dma_wait3A_533] : memref<80x128xf32, #tpu.memory_space<vmem>> -> memref<64x128xf32, #tpu.memory_space<vmem>>
    tpu.wait_dma2 semaphore(%arg30 : memref<!tpu.dma_semaphore, #tpu.memory_space<semaphore_mem>>) src(%dma_wait3A_534 : memref<64x128xf32, #tpu.memory_space<vmem>>) dst(%dma_wait3A_531 : memref<64x128xf32, #tpu.memory_space<hbm>>)
    %eq3A_535 = arith.constant 15 : i32
    %eq3A_536 = arith.cmpi eq, %arg1, %eq3A_535 : i32
    %convert_element_type3A_537 = arith.extui %eq3A_536 : i1 to i32
    %cond3A_538 = arith.constant 0 : i32
    %cond3A_539 = arith.cmpi ne, %convert_element_type3A_537, %cond3A_538 : i32
    scf.if %cond3A_539 {
      "tpu.region"() ({
        %run_scoped3A = tpu.sem_alloc : memref<!tpu.dma_semaphore, #tpu.memory_space<semaphore_mem>>
        %dma_start3A_540 = arith.constant 0 : i32
        %dma_start3A_541 = arith.constant 0 : i32
        %dma_start3A_542 = tpu.memref_slice %arg14[%dma_start3A_540, %dma_start3A_541] : memref<80x128xf32, #tpu.memory_space<vmem>> -> memref<16x128xf32, #tpu.memory_space<vmem>>
        %dma_start3A_543 = arith.constant 9984 : i32
        %dma_start3A_544 = arith.constant 0 : i32
        %dma_start3A_545 = tpu.memref_slice %arg18[%dma_start3A_543, %dma_start3A_544] : memref<10000x128xf32, #tpu.memory_space<vmem_shared>> -> memref<16x128xf32, #tpu.memory_space<vmem_shared>>
        %dma_start3A_546 = arith.constant 0 : i32
        %dma_start3A_547 = arith.constant 0 : i32
        %dma_start3A_548 = tpu.memref_slice %arg14[%dma_start3A_546, %dma_start3A_547] : memref<80x128xf32, #tpu.memory_space<vmem>> -> memref<16x128xf32, #tpu.memory_space<vmem>>
        %dma_start3A_549 = arith.constant 9984 : i32
        %dma_start3A_550 = arith.constant 0 : i32
        %dma_start3A_551 = tpu.memref_slice %arg18[%dma_start3A_549, %dma_start3A_550] : memref<10000x128xf32, #tpu.memory_space<vmem_shared>> -> memref<16x128xf32, #tpu.memory_space<vmem_shared>>
        tpu.enqueue_dma source(%dma_start3A_551 : memref<16x128xf32, #tpu.memory_space<vmem_shared>>) target(%dma_start3A_548 : memref<16x128xf32, #tpu.memory_space<vmem>>) target_semaphore(%run_scoped3A : memref<!tpu.dma_semaphore, #tpu.memory_space<semaphore_mem>>)
        %dma_wait3A_552 = arith.constant 0 : i32
        %dma_wait3A_553 = arith.constant 0 : i32
        %dma_wait3A_554 = tpu.memref_slice %arg14[%dma_wait3A_552, %dma_wait3A_553] : memref<80x128xf32, #tpu.memory_space<vmem>> -> memref<16x128xf32, #tpu.memory_space<vmem>>
        %dma_wait3A_555 = arith.constant 9984 : i32
        %dma_wait3A_556 = arith.constant 0 : i32
        %dma_wait3A_557 = tpu.memref_slice %arg18[%dma_wait3A_555, %dma_wait3A_556] : memref<10000x128xf32, #tpu.memory_space<vmem_shared>> -> memref<16x128xf32, #tpu.memory_space<vmem_shared>>
        %dma_wait3A_558 = arith.constant 0 : i32
        %dma_wait3A_559 = arith.constant 0 : i32
        %dma_wait3A_560 = tpu.memref_slice %arg14[%dma_wait3A_558, %dma_wait3A_559] : memref<80x128xf32, #tpu.memory_space<vmem>> -> memref<16x128xf32, #tpu.memory_space<vmem>>
        %dma_wait3A_561 = arith.constant 9984 : i32
        %dma_wait3A_562 = arith.constant 0 : i32
        %dma_wait3A_563 = tpu.memref_slice %arg18[%dma_wait3A_561, %dma_wait3A_562] : memref<10000x128xf32, #tpu.memory_space<vmem_shared>> -> memref<16x128xf32, #tpu.memory_space<vmem_shared>>
        tpu.wait_dma2 semaphore(%run_scoped3A : memref<!tpu.dma_semaphore, #tpu.memory_space<semaphore_mem>>) src(%dma_wait3A_563 : memref<16x128xf32, #tpu.memory_space<vmem_shared>>) dst(%dma_wait3A_560 : memref<16x128xf32, #tpu.memory_space<vmem>>)
        tpu.yield
      }) : () -> ()
      "tpu.region"() ({
        %run_scoped3A = tpu.sem_alloc : memref<!tpu.dma_semaphore, #tpu.memory_space<semaphore_mem>>
        %dma_start3A_540 = arith.constant 0 : i32
        %dma_start3A_541 = arith.constant 0 : i32
        %dma_start3A_542 = tpu.memref_slice %arg14[%dma_start3A_540, %dma_start3A_541] : memref<80x128xf32, #tpu.memory_space<vmem>> -> memref<16x128xf32, #tpu.memory_space<vmem>>
        %dma_start3A_543 = arith.constant 9984 : i32
        %dma_start3A_544 = arith.constant 0 : i32
        %dma_start3A_545 = tpu.memref_slice %arg5[%arg0, %dma_start3A_543, %dma_start3A_544] : memref<2x10000x128xf32, #tpu.memory_space<hbm>> -> memref<1x16x128xf32, #tpu.memory_space<hbm>>
        %dma_start3A_546 = tpu.memref_squeeze %dma_start3A_545 : memref<1x16x128xf32, #tpu.memory_space<hbm>> -> memref<16x128xf32, #tpu.memory_space<hbm>>
        %dma_start3A_547 = arith.constant 9984 : i32
        %dma_start3A_548 = arith.constant 0 : i32
        %dma_start3A_549 = tpu.memref_slice %arg5[%arg0, %dma_start3A_547, %dma_start3A_548] : memref<2x10000x128xf32, #tpu.memory_space<hbm>> -> memref<1x16x128xf32, #tpu.memory_space<hbm>>
        %dma_start3A_550 = tpu.memref_squeeze %dma_start3A_549 : memref<1x16x128xf32, #tpu.memory_space<hbm>> -> memref<16x128xf32, #tpu.memory_space<hbm>>
        %dma_start3A_551 = arith.constant 0 : i32
        %dma_start3A_552 = arith.constant 0 : i32
        %dma_start3A_553 = tpu.memref_slice %arg14[%dma_start3A_551, %dma_start3A_552] : memref<80x128xf32, #tpu.memory_space<vmem>> -> memref<16x128xf32, #tpu.memory_space<vmem>>
        tpu.enqueue_dma source(%dma_start3A_553 : memref<16x128xf32, #tpu.memory_space<vmem>>) target(%dma_start3A_550 : memref<16x128xf32, #tpu.memory_space<hbm>>) target_semaphore(%run_scoped3A : memref<!tpu.dma_semaphore, #tpu.memory_space<semaphore_mem>>)
        %dma_wait3A_554 = arith.constant 0 : i32
        %dma_wait3A_555 = arith.constant 0 : i32
        %dma_wait3A_556 = tpu.memref_slice %arg14[%dma_wait3A_554, %dma_wait3A_555] : memref<80x128xf32, #tpu.memory_space<vmem>> -> memref<16x128xf32, #tpu.memory_space<vmem>>
        %dma_wait3A_557 = arith.constant 9984 : i32
        %dma_wait3A_558 = arith.constant 0 : i32
        %dma_wait3A_559 = tpu.memref_slice %arg5[%arg0, %dma_wait3A_557, %dma_wait3A_558] : memref<2x10000x128xf32, #tpu.memory_space<hbm>> -> memref<1x16x128xf32, #tpu.memory_space<hbm>>
        %dma_wait3A_560 = tpu.memref_squeeze %dma_wait3A_559 : memref<1x16x128xf32, #tpu.memory_space<hbm>> -> memref<16x128xf32, #tpu.memory_space<hbm>>
        %dma_wait3A_561 = arith.constant 9984 : i32
        %dma_wait3A_562 = arith.constant 0 : i32
        %dma_wait3A_563 = tpu.memref_slice %arg5[%arg0, %dma_wait3A_561, %dma_wait3A_562] : memref<2x10000x128xf32, #tpu.memory_space<hbm>> -> memref<1x16x128xf32, #tpu.memory_space<hbm>>
        %dma_wait3A_564 = tpu.memref_squeeze %dma_wait3A_563 : memref<1x16x128xf32, #tpu.memory_space<hbm>> -> memref<16x128xf32, #tpu.memory_space<hbm>>
        %dma_wait3A_565 = arith.constant 0 : i32
        %dma_wait3A_566 = arith.constant 0 : i32
        %dma_wait3A_567 = tpu.memref_slice %arg14[%dma_wait3A_565, %dma_wait3A_566] : memref<80x128xf32, #tpu.memory_space<vmem>> -> memref<16x128xf32, #tpu.memory_space<vmem>>
        tpu.wait_dma2 semaphore(%run_scoped3A : memref<!tpu.dma_semaphore, #tpu.memory_space<semaphore_mem>>) src(%dma_wait3A_567 : memref<16x128xf32, #tpu.memory_space<vmem>>) dst(%dma_wait3A_564 : memref<16x128xf32, #tpu.memory_space<hbm>>)
        tpu.yield
      }) : () -> ()
    } else {
    }
    return
  }
}

module attributes {stable_mosaic.version = 14 : i64} {
  func.func @body(%arg0: i32, %arg1: memref<1000x128xf32, #tpu.memory_space<vmem>>, %arg2: memref<128x128xf32, #tpu.memory_space<vmem>>, %arg3: memref<1000x128xf32, #tpu.memory_space<vmem>>) attributes {dimension_semantics = [#tpu.dimension_semantics<arbitrary>], iteration_bounds = array<i64: 10>, scalar_prefetch = 0 : i64, scratch_operands = 0 : i64, tpu.core_type = #tpu.core_type<tc>, window_params = [{transform_indices = @transform_0, window_bounds = array<i64: 1000, 128>}, {pipeline_mode = #tpu.pipeline_mode<synchronous>, transform_indices = @transform_1, window_bounds = array<i64: 128, 128>}, {transform_indices = @transform_2, window_bounds = array<i64: 1000, 128>}]} {
    %get3A = arith.constant 0 : index
    %get3A_0 = arith.constant 0 : index
    %get3A_1 = vector.load %arg1[%get3A, %get3A_0] : memref<1000x128xf32, #tpu.memory_space<vmem>>, vector<1000x128xf32>
    %get3A_2 = arith.constant 0 : index
    %get3A_3 = arith.constant 0 : index
    %get3A_4 = vector.load %arg2[%get3A_2, %get3A_3] : memref<128x128xf32, #tpu.memory_space<vmem>>, vector<128x128xf32>
    %dot_general3A = arith.constant dense<0.000000e+00> : vector<1000x128xf32>
    %dot_general3A_5 = tpu.matmul %get3A_1, %get3A_4, %dot_general3A {dimension_numbers = #tpu.dot_dimension_numbers<[1], [0], [0], [1], [0, 0, 1, 1], [], []>, transpose_lhs_hint = false} : vector<1000x128xf32>, vector<128x128xf32>, vector<1000x128xf32> -> vector<1000x128xf32>
    %swap3A = arith.constant 0 : index
    %swap3A_6 = arith.constant 0 : index
    %swap3A_7 = vector.load %arg3[%swap3A, %swap3A_6] : memref<1000x128xf32, #tpu.memory_space<vmem>>, vector<1000x128xf32>
    tpu.vector_store %arg3[%swap3A, %swap3A_6], %dot_general3A_5 {strides = array<i32>} : memref<1000x128xf32, #tpu.memory_space<vmem>>, vector<1000x128xf32>,
    return
  }
  func.func @transform_0(%arg0: i32) -> (i32, i32) {
    %c0_i32 = arith.constant 0 : i32
    %c0_i32_0 = arith.constant 0 : i32
    return %arg0, %c0_i32 : i32, i32
  }
  func.func @transform_1(%arg0: i32) -> (i32, i32) {
    %c0_i32 = arith.constant 0 : i32
    %c0_i32_0 = arith.constant 0 : i32
    %c0_i32_1 = arith.constant 0 : i32
    return %c0_i32, %c0_i32_0 : i32, i32
  }
  func.func @transform_2(%arg0: i32) -> (i32, i32) {
    %c0_i32 = arith.constant 0 : i32
    %c0_i32_0 = arith.constant 0 : i32
    return %arg0, %c0_i32 : i32, i32
  }
}

module attributes {stable_mosaic.version = 14 : i64} {
  func.func @body(%arg0: i32, %arg1: memref<1000x2xf32, #tpu.memory_space<vmem>>, %arg2: memref<1000x128xf32, #tpu.memory_space<vmem>>, %arg3: memref<1000x1xf32, #tpu.memory_space<vmem>>, %arg4: memref<1000x128xf32, #tpu.memory_space<vmem>>) attributes {dimension_semantics = [#tpu.dimension_semantics<arbitrary>], iteration_bounds = array<i64: 10>, scalar_prefetch = 0 : i64, scratch_operands = 0 : i64, tpu.core_type = #tpu.core_type<tc>, window_params = [{transform_indices = @transform_0, window_bounds = array<i64: 1000, 2>}, {transform_indices = @transform_1, window_bounds = array<i64: 1000, 128>}, {transform_indices = @transform_2, window_bounds = array<i64: 1000, 1>}, {transform_indices = @transform_3, window_bounds = array<i64: 1000, 128>}]} {
    %get3A = arith.constant 0 : index
    %get3A_0 = arith.constant 0 : index
    %get3A_1 = vector.load %arg1[%get3A, %get3A_0] : memref<1000x2xf32, #tpu.memory_space<vmem>>, vector<1000x1xf32>
    %get3A_2 = arith.constant 0 : index
    %get3A_3 = arith.constant 1 : index
    %get3A_4 = vector.load %arg1[%get3A_2, %get3A_3] : memref<1000x2xf32, #tpu.memory_space<vmem>>, vector<1000x1xf32>
    %add3A = arith.addf %get3A_1, %get3A_4 : vector<1000x1xf32>
    %add3A_5 = arith.constant 1.000000e+00 : f32
    %add3A_6 = vector.broadcast %add3A_5 : f32 to vector<1000x1xf32>
    %add3A_7 = arith.addf %add3A, %add3A_6 : vector<1000x1xf32>
    %rsqrt3A = math.rsqrt %add3A_7 : vector<1000x1xf32>
    %swap3A = arith.constant 0 : index
    %swap3A_8 = arith.constant 0 : index
    %swap3A_9 = vector.load %arg3[%swap3A, %swap3A_8] : memref<1000x1xf32, #tpu.memory_space<vmem>>, vector<1000x1xf32>
    tpu.vector_store %arg3[%swap3A, %swap3A_8], %rsqrt3A {strides = array<i32>} : memref<1000x1xf32, #tpu.memory_space<vmem>>, vector<1000x1xf32>,
    %get3A_10 = arith.constant 0 : index
    %get3A_11 = arith.constant 0 : index
    %get3A_12 = vector.load %arg2[%get3A_10, %get3A_11] : memref<1000x128xf32, #tpu.memory_space<vmem>>, vector<1000x128xf32>
    %mul3A = vector.broadcast %rsqrt3A : vector<1000x1xf32> to vector<1000x128xf32>
    %mul3A_13 = arith.mulf %get3A_12, %mul3A : vector<1000x128xf32>
    %swap3A_14 = arith.constant 0 : index
    %swap3A_15 = arith.constant 0 : index
    %swap3A_16 = vector.load %arg4[%swap3A_14, %swap3A_15] : memref<1000x128xf32, #tpu.memory_space<vmem>>, vector<1000x128xf32>
    tpu.vector_store %arg4[%swap3A_14, %swap3A_15], %mul3A_13 {strides = array<i32>} : memref<1000x128xf32, #tpu.memory_space<vmem>>, vector<1000x128xf32>,
    return
  }
  func.func @transform_0(%arg0: i32) -> (i32, i32) {
    %c0_i32 = arith.constant 0 : i32
    %c0_i32_0 = arith.constant 0 : i32
    return %arg0, %c0_i32 : i32, i32
  }
  func.func @transform_1(%arg0: i32) -> (i32, i32) {
    %c0_i32 = arith.constant 0 : i32
    %c0_i32_0 = arith.constant 0 : i32
    return %arg0, %c0_i32 : i32, i32
  }
  func.func @transform_2(%arg0: i32) -> (i32, i32) {
    %c0_i32 = arith.constant 0 : i32
    %c0_i32_0 = arith.constant 0 : i32
    return %arg0, %c0_i32 : i32, i32
  }
  func.func @transform_3(%arg0: i32) -> (i32, i32) {
    %c0_i32 = arith.constant 0 : i32
    %c0_i32_0 = arith.constant 0 : i32
    return %arg0, %c0_i32 : i32, i32
  }
}

module attributes {stable_mosaic.version = 14 : i64} {
  func.func @body(%arg0: i32, %arg1: memref<2x1000x128xf32, #tpu.memory_space<vmem>>, %arg2: memref<1000x128xf32, #tpu.memory_space<vmem>>, %arg3: memref<1000x1xf32, #tpu.memory_space<vmem>>, %arg4: memref<1x128xf32, #tpu.memory_space<vmem>>, %arg5: memref<1x128xf32, #tpu.memory_space<vmem>>, %arg6: memref<1x128xf32, #tpu.memory_space<vmem>>, %arg7: memref<128x64xf32, #tpu.memory_space<vmem>>, %arg8: memref<1000x128xf32, #tpu.memory_space<vmem>>) attributes {dimension_semantics = [#tpu.dimension_semantics<arbitrary>], iteration_bounds = array<i64: 10>, scalar_prefetch = 0 : i64, scratch_operands = 0 : i64, tpu.core_type = #tpu.core_type<tc>, window_params = [{transform_indices = @transform_0, window_bounds = array<i64: 2, 1000, 128>}, {transform_indices = @transform_1, window_bounds = array<i64: 1000, 128>}, {transform_indices = @transform_2, window_bounds = array<i64: 1000, 1>}, {pipeline_mode = #tpu.pipeline_mode<synchronous>, transform_indices = @transform_3, window_bounds = array<i64: 1, 128>}, {pipeline_mode = #tpu.pipeline_mode<synchronous>, transform_indices = @transform_4, window_bounds = array<i64: 1, 128>}, {pipeline_mode = #tpu.pipeline_mode<synchronous>, transform_indices = @transform_5, window_bounds = array<i64: 1, 128>}, {pipeline_mode = #tpu.pipeline_mode<synchronous>, transform_indices = @transform_6, window_bounds = array<i64: 128, 64>}, {transform_indices = @transform_7, window_bounds = array<i64: 1000, 128>}]} {
    %get3A = arith.constant 0 : index
    %get3A_0 = arith.constant 0 : index
    %get3A_1 = vector.load %arg3[%get3A, %get3A_0] : memref<1000x1xf32, #tpu.memory_space<vmem>>, vector<1000x1xf32>
    %get3A_2 = arith.constant 0 : index
    %get3A_3 = arith.constant 0 : index
    %get3A_4 = arith.constant 0 : index
    %get3A_5 = vector.load %arg1[%get3A_2, %get3A_3, %get3A_4] : memref<2x1000x128xf32, #tpu.memory_space<vmem>>, vector<1x1000x128xf32>
    %get3A_6 = vector.shape_cast %get3A_5 : vector<1x1000x128xf32> to vector<1000x128xf32>
    %get3A_7 = arith.constant 1 : index
    %get3A_8 = arith.constant 0 : index
    %get3A_9 = arith.constant 0 : index
    %get3A_10 = vector.load %arg1[%get3A_7, %get3A_8, %get3A_9] : memref<2x1000x128xf32, #tpu.memory_space<vmem>>, vector<1x1000x128xf32>
    %get3A_11 = vector.shape_cast %get3A_10 : vector<1x1000x128xf32> to vector<1000x128xf32>
    %add3A = arith.addf %get3A_6, %get3A_11 : vector<1000x128xf32>
    %get3A_12 = arith.constant 0 : index
    %get3A_13 = arith.constant 0 : index
    %get3A_14 = vector.load %arg2[%get3A_12, %get3A_13] : memref<1000x128xf32, #tpu.memory_space<vmem>>, vector<1000x128xf32>
    %add3A_15 = arith.addf %add3A, %get3A_14 : vector<1000x128xf32>
    %mul3A = vector.broadcast %get3A_1 : vector<1000x1xf32> to vector<1000x128xf32>
    %mul3A_16 = arith.mulf %add3A_15, %mul3A : vector<1000x128xf32>
    %get3A_17 = arith.constant 0 : index
    %get3A_18 = arith.constant 0 : index
    %get3A_19 = vector.load %arg4[%get3A_17, %get3A_18] : memref<1x128xf32, #tpu.memory_space<vmem>>, vector<1x128xf32>
    %add3A_20 = vector.broadcast %get3A_19 : vector<1x128xf32> to vector<1000x128xf32>
    %add3A_21 = arith.addf %mul3A_16, %add3A_20 : vector<1000x128xf32>
    %reduce_sum3A = arith.constant dense<0.000000e+00> : vector<1000xf32>
    %reduce_sum3A_22 = vector.multi_reduction <add>, %add3A_21, %reduce_sum3A [1] : vector<1000x128xf32> to vector<1000xf32>
    %broadcast_in_dim3A = vector.shape_cast %reduce_sum3A_22 : vector<1000xf32> to vector<1000x1xf32>
    %div3A = arith.constant 1.280000e+02 : f32
    %div3A_23 = vector.broadcast %div3A : f32 to vector<1000x1xf32>
    %div3A_24 = arith.divf %broadcast_in_dim3A, %div3A_23 : vector<1000x1xf32>
    %sub3A = vector.broadcast %div3A_24 : vector<1000x1xf32> to vector<1000x128xf32>
    %sub3A_25 = arith.subf %add3A_21, %sub3A : vector<1000x128xf32>
    %integer_pow3A = arith.mulf %sub3A_25, %sub3A_25 : vector<1000x128xf32>
    %reduce_sum3A_26 = arith.constant dense<0.000000e+00> : vector<1000xf32>
    %reduce_sum3A_27 = vector.multi_reduction <add>, %integer_pow3A, %reduce_sum3A_26 [1] : vector<1000x128xf32> to vector<1000xf32>
    %broadcast_in_dim3A_28 = vector.shape_cast %reduce_sum3A_27 : vector<1000xf32> to vector<1000x1xf32>
    %div3A_29 = arith.constant 1.280000e+02 : f32
    %div3A_30 = vector.broadcast %div3A_29 : f32 to vector<1000x1xf32>
    %div3A_31 = arith.divf %broadcast_in_dim3A_28, %div3A_30 : vector<1000x1xf32>
    %sub3A_32 = vector.broadcast %div3A_24 : vector<1000x1xf32> to vector<1000x128xf32>
    %sub3A_33 = arith.subf %add3A_21, %sub3A_32 : vector<1000x128xf32>
    %add3A_34 = arith.constant 9.99999974E-6 : f32
    %add3A_35 = vector.broadcast %add3A_34 : f32 to vector<1000x1xf32>
    %add3A_36 = arith.addf %div3A_31, %add3A_35 : vector<1000x1xf32>
    %sqrt3A = math.sqrt %add3A_36 : vector<1000x1xf32>
    %div3A_37 = vector.broadcast %sqrt3A : vector<1000x1xf32> to vector<1000x128xf32>
    %div3A_38 = arith.divf %sub3A_33, %div3A_37 : vector<1000x128xf32>
    %get3A_39 = arith.constant 0 : index
    %get3A_40 = arith.constant 0 : index
    %get3A_41 = vector.load %arg5[%get3A_39, %get3A_40] : memref<1x128xf32, #tpu.memory_space<vmem>>, vector<1x128xf32>
    %mul3A_42 = vector.broadcast %get3A_41 : vector<1x128xf32> to vector<1000x128xf32>
    %mul3A_43 = arith.mulf %div3A_38, %mul3A_42 : vector<1000x128xf32>
    %get3A_44 = arith.constant 0 : index
    %get3A_45 = arith.constant 0 : index
    %get3A_46 = vector.load %arg6[%get3A_44, %get3A_45] : memref<1x128xf32, #tpu.memory_space<vmem>>, vector<1x128xf32>
    %add3A_47 = vector.broadcast %get3A_46 : vector<1x128xf32> to vector<1000x128xf32>
    %add3A_48 = arith.addf %mul3A_43, %add3A_47 : vector<1000x128xf32>
    %max3A = arith.constant 0.000000e+00 : f32
    %max3A_49 = vector.broadcast %max3A : f32 to vector<1000x128xf32>
    %max3A_50 = arith.maximumf %add3A_48, %max3A_49 : vector<1000x128xf32>
    %get3A_51 = arith.constant 0 : index
    %get3A_52 = arith.constant 0 : index
    %get3A_53 = vector.load %arg7[%get3A_51, %get3A_52] : memref<128x64xf32, #tpu.memory_space<vmem>>, vector<128x64xf32>
    %dot_general3A = arith.constant dense<0.000000e+00> : vector<1000x64xf32>
    %dot_general3A_54 = tpu.matmul %max3A_50, %get3A_53, %dot_general3A {dimension_numbers = #tpu.dot_dimension_numbers<[1], [0], [0], [1], [0, 0, 1, 1], [], []>, transpose_lhs_hint = false} : vector<1000x128xf32>, vector<128x64xf32>, vector<1000x64xf32> -> vector<1000x64xf32>
    %mul3A_55 = vector.broadcast %get3A_1 : vector<1000x1xf32> to vector<1000x64xf32>
    %mul3A_56 = arith.mulf %dot_general3A_54, %mul3A_55 : vector<1000x64xf32>
    %broadcast_in_dim3A_57 = arith.constant 0.000000e+00 : f32
    %broadcast_in_dim3A_58 = vector.broadcast %broadcast_in_dim3A_57 : f32 to vector<1000x64xf32>
    %concatenate3A = tpu.concatenate %mul3A_56, %broadcast_in_dim3A_58 in 1 : vector<1000x64xf32>, vector<1000x64xf32> -> vector<1000x128xf32>
    %swap3A = arith.constant 0 : index
    %swap3A_59 = arith.constant 0 : index
    %swap3A_60 = vector.load %arg8[%swap3A, %swap3A_59] : memref<1000x128xf32, #tpu.memory_space<vmem>>, vector<1000x128xf32>
    tpu.vector_store %arg8[%swap3A, %swap3A_59], %concatenate3A {strides = array<i32>} : memref<1000x128xf32, #tpu.memory_space<vmem>>, vector<1000x128xf32>,
    return
  }
  func.func @transform_0(%arg0: i32) -> (i32, i32, i32) {
    %c0_i32 = arith.constant 0 : i32
    %c0_i32_0 = arith.constant 0 : i32
    %c0_i32_1 = arith.constant 0 : i32
    return %c0_i32, %arg0, %c0_i32_0 : i32, i32, i32
  }
  func.func @transform_1(%arg0: i32) -> (i32, i32) {
    %c0_i32 = arith.constant 0 : i32
    %c0_i32_0 = arith.constant 0 : i32
    return %arg0, %c0_i32 : i32, i32
  }
  func.func @transform_2(%arg0: i32) -> (i32, i32) {
    %c0_i32 = arith.constant 0 : i32
    %c0_i32_0 = arith.constant 0 : i32
    return %arg0, %c0_i32 : i32, i32
  }
  func.func @transform_3(%arg0: i32) -> (i32, i32) {
    %c0_i32 = arith.constant 0 : i32
    %c0_i32_0 = arith.constant 0 : i32
    %c0_i32_1 = arith.constant 0 : i32
    return %c0_i32, %c0_i32_0 : i32, i32
  }
  func.func @transform_4(%arg0: i32) -> (i32, i32) {
    %c0_i32 = arith.constant 0 : i32
    %c0_i32_0 = arith.constant 0 : i32
    %c0_i32_1 = arith.constant 0 : i32
    return %c0_i32, %c0_i32_0 : i32, i32
  }
  func.func @transform_5(%arg0: i32) -> (i32, i32) {
    %c0_i32 = arith.constant 0 : i32
    %c0_i32_0 = arith.constant 0 : i32
    %c0_i32_1 = arith.constant 0 : i32
    return %c0_i32, %c0_i32_0 : i32, i32
  }
  func.func @transform_6(%arg0: i32) -> (i32, i32) {
    %c0_i32 = arith.constant 0 : i32
    %c0_i32_0 = arith.constant 0 : i32
    %c0_i32_1 = arith.constant 0 : i32
    return %c0_i32, %c0_i32_0 : i32, i32
  }
  func.func @transform_7(%arg0: i32) -> (i32, i32) {
    %c0_i32 = arith.constant 0 : i32
    %c0_i32_0 = arith.constant 0 : i32
    return %arg0, %c0_i32 : i32, i32
  }
}

module attributes {stable_mosaic.version = 14 : i64} {
  func.func @body(%arg0: i32, %arg1: memref<2x1000x128xf32, #tpu.memory_space<vmem>>, %arg2: memref<1000x128xf32, #tpu.memory_space<vmem>>, %arg3: memref<1000x1xf32, #tpu.memory_space<vmem>>, %arg4: memref<1x64xf32, #tpu.memory_space<vmem>>, %arg5: memref<64x128xf32, #tpu.memory_space<vmem>>, %arg6: memref<1000x64xf32, #tpu.memory_space<vmem>>, %arg7: memref<1000x128xf32, #tpu.memory_space<vmem>>) attributes {dimension_semantics = [#tpu.dimension_semantics<arbitrary>], iteration_bounds = array<i64: 10>, scalar_prefetch = 0 : i64, scratch_operands = 0 : i64, tpu.core_type = #tpu.core_type<tc>, window_params = [{transform_indices = @transform_0, window_bounds = array<i64: 2, 1000, 128>}, {transform_indices = @transform_1, window_bounds = array<i64: 1000, 128>}, {transform_indices = @transform_2, window_bounds = array<i64: 1000, 1>}, {pipeline_mode = #tpu.pipeline_mode<synchronous>, transform_indices = @transform_3, window_bounds = array<i64: 1, 64>}, {pipeline_mode = #tpu.pipeline_mode<synchronous>, transform_indices = @transform_4, window_bounds = array<i64: 64, 128>}, {transform_indices = @transform_5, window_bounds = array<i64: 1000, 64>}, {transform_indices = @transform_6, window_bounds = array<i64: 1000, 128>}]} {
    %get3A = arith.constant 0 : index
    %get3A_0 = arith.constant 0 : index
    %get3A_1 = vector.load %arg3[%get3A, %get3A_0] : memref<1000x1xf32, #tpu.memory_space<vmem>>, vector<1000x1xf32>
    %get3A_2 = arith.constant 0 : index
    %get3A_3 = arith.constant 0 : index
    %get3A_4 = arith.constant 0 : index
    %get3A_5 = vector.load %arg1[%get3A_2, %get3A_3, %get3A_4] : memref<2x1000x128xf32, #tpu.memory_space<vmem>>, vector<1x1000x64xf32>
    %get3A_6 = vector.shape_cast %get3A_5 : vector<1x1000x64xf32> to vector<1000x64xf32>
    %get3A_7 = arith.constant 1 : index
    %get3A_8 = arith.constant 0 : index
    %get3A_9 = arith.constant 0 : index
    %get3A_10 = vector.load %arg1[%get3A_7, %get3A_8, %get3A_9] : memref<2x1000x128xf32, #tpu.memory_space<vmem>>, vector<1x1000x64xf32>
    %get3A_11 = vector.shape_cast %get3A_10 : vector<1x1000x64xf32> to vector<1000x64xf32>
    %add3A = arith.addf %get3A_6, %get3A_11 : vector<1000x64xf32>
    %get3A_12 = arith.constant 0 : index
    %get3A_13 = arith.constant 0 : index
    %get3A_14 = vector.load %arg2[%get3A_12, %get3A_13] : memref<1000x128xf32, #tpu.memory_space<vmem>>, vector<1000x64xf32>
    %add3A_15 = arith.addf %add3A, %get3A_14 : vector<1000x64xf32>
    %mul3A = vector.broadcast %get3A_1 : vector<1000x1xf32> to vector<1000x64xf32>
    %mul3A_16 = arith.mulf %add3A_15, %mul3A : vector<1000x64xf32>
    %get3A_17 = arith.constant 0 : index
    %get3A_18 = arith.constant 0 : index
    %get3A_19 = vector.load %arg4[%get3A_17, %get3A_18] : memref<1x64xf32, #tpu.memory_space<vmem>>, vector<1x64xf32>
    %add3A_20 = vector.broadcast %get3A_19 : vector<1x64xf32> to vector<1000x64xf32>
    %add3A_21 = arith.addf %mul3A_16, %add3A_20 : vector<1000x64xf32>
    %swap3A = arith.constant 0 : index
    %swap3A_22 = arith.constant 0 : index
    %swap3A_23 = vector.load %arg6[%swap3A, %swap3A_22] : memref<1000x64xf32, #tpu.memory_space<vmem>>, vector<1000x64xf32>
    tpu.vector_store %arg6[%swap3A, %swap3A_22], %add3A_21 {strides = array<i32>} : memref<1000x64xf32, #tpu.memory_space<vmem>>, vector<1000x64xf32>,
    %get3A_24 = arith.constant 0 : index
    %get3A_25 = arith.constant 0 : index
    %get3A_26 = vector.load %arg5[%get3A_24, %get3A_25] : memref<64x128xf32, #tpu.memory_space<vmem>>, vector<64x128xf32>
    %dot_general3A = arith.constant dense<0.000000e+00> : vector<1000x128xf32>
    %dot_general3A_27 = tpu.matmul %add3A_21, %get3A_26, %dot_general3A {dimension_numbers = #tpu.dot_dimension_numbers<[1], [0], [0], [1], [0, 0, 1, 1], [], []>, transpose_lhs_hint = false} : vector<1000x64xf32>, vector<64x128xf32>, vector<1000x128xf32> -> vector<1000x128xf32>
    %mul3A_28 = vector.broadcast %get3A_1 : vector<1000x1xf32> to vector<1000x128xf32>
    %mul3A_29 = arith.mulf %dot_general3A_27, %mul3A_28 : vector<1000x128xf32>
    %swap3A_30 = arith.constant 0 : index
    %swap3A_31 = arith.constant 0 : index
    %swap3A_32 = vector.load %arg7[%swap3A_30, %swap3A_31] : memref<1000x128xf32, #tpu.memory_space<vmem>>, vector<1000x128xf32>
    tpu.vector_store %arg7[%swap3A_30, %swap3A_31], %mul3A_29 {strides = array<i32>} : memref<1000x128xf32, #tpu.memory_space<vmem>>, vector<1000x128xf32>,
    return
  }
  func.func @transform_0(%arg0: i32) -> (i32, i32, i32) {
    %c0_i32 = arith.constant 0 : i32
    %c0_i32_0 = arith.constant 0 : i32
    %c0_i32_1 = arith.constant 0 : i32
    return %c0_i32, %arg0, %c0_i32_0 : i32, i32, i32
  }
  func.func @transform_1(%arg0: i32) -> (i32, i32) {
    %c0_i32 = arith.constant 0 : i32
    %c0_i32_0 = arith.constant 0 : i32
    return %arg0, %c0_i32 : i32, i32
  }
  func.func @transform_2(%arg0: i32) -> (i32, i32) {
    %c0_i32 = arith.constant 0 : i32
    %c0_i32_0 = arith.constant 0 : i32
    return %arg0, %c0_i32 : i32, i32
  }
  func.func @transform_3(%arg0: i32) -> (i32, i32) {
    %c0_i32 = arith.constant 0 : i32
    %c0_i32_0 = arith.constant 0 : i32
    %c0_i32_1 = arith.constant 0 : i32
    return %c0_i32, %c0_i32_0 : i32, i32
  }
  func.func @transform_4(%arg0: i32) -> (i32, i32) {
    %c0_i32 = arith.constant 0 : i32
    %c0_i32_0 = arith.constant 0 : i32
    %c0_i32_1 = arith.constant 0 : i32
    return %c0_i32, %c0_i32_0 : i32, i32
  }
  func.func @transform_5(%arg0: i32) -> (i32, i32) {
    %c0_i32 = arith.constant 0 : i32
    %c0_i32_0 = arith.constant 0 : i32
    return %arg0, %c0_i32 : i32, i32
  }
  func.func @transform_6(%arg0: i32) -> (i32, i32) {
    %c0_i32 = arith.constant 0 : i32
    %c0_i32_0 = arith.constant 0 : i32
    return %arg0, %c0_i32 : i32, i32
  }
}

module attributes {stable_mosaic.version = 14 : i64} {
  func.func @body(%arg0: i32, %arg1: memref<1000x64xf32, #tpu.memory_space<vmem>>, %arg2: memref<64x64xf32, #tpu.memory_space<vmem>>, %arg3: memref<64x4xf32, #tpu.memory_space<vmem>>, %arg4: memref<1000x64xf32, #tpu.memory_space<vmem>>, %arg5: memref<1000x4xf32, #tpu.memory_space<vmem>>) attributes {dimension_semantics = [#tpu.dimension_semantics<arbitrary>], iteration_bounds = array<i64: 10>, scalar_prefetch = 0 : i64, scratch_operands = 0 : i64, tpu.core_type = #tpu.core_type<tc>, window_params = [{transform_indices = @transform_0, window_bounds = array<i64: 1000, 64>}, {pipeline_mode = #tpu.pipeline_mode<synchronous>, transform_indices = @transform_1, window_bounds = array<i64: 64, 64>}, {pipeline_mode = #tpu.pipeline_mode<synchronous>, transform_indices = @transform_2, window_bounds = array<i64: 64, 4>}, {transform_indices = @transform_3, window_bounds = array<i64: 1000, 64>}, {transform_indices = @transform_4, window_bounds = array<i64: 1000, 4>}]} {
    %get3A = arith.constant 0 : index
    %get3A_0 = arith.constant 0 : index
    %get3A_1 = vector.load %arg1[%get3A, %get3A_0] : memref<1000x64xf32, #tpu.memory_space<vmem>>, vector<1000x64xf32>
    %mul3A = arith.mulf %get3A_1, %get3A_1 : vector<1000x64xf32>
    %reduce_sum3A = arith.constant dense<0.000000e+00> : vector<1000xf32>
    %reduce_sum3A_2 = vector.multi_reduction <add>, %mul3A, %reduce_sum3A [1] : vector<1000x64xf32> to vector<1000xf32>
    %broadcast_in_dim3A = vector.shape_cast %reduce_sum3A_2 : vector<1000xf32> to vector<1000x1xf32>
    %sqrt3A = math.sqrt %broadcast_in_dim3A : vector<1000x1xf32>
    %max3A = arith.constant 9.99999996E-13 : f32
    %max3A_3 = vector.broadcast %max3A : f32 to vector<1000x1xf32>
    %max3A_4 = arith.maximumf %sqrt3A, %max3A_3 : vector<1000x1xf32>
    %div3A = vector.broadcast %max3A_4 : vector<1000x1xf32> to vector<1000x64xf32>
    %div3A_5 = arith.divf %get3A_1, %div3A : vector<1000x64xf32>
    %get3A_6 = arith.constant 0 : index
    %get3A_7 = arith.constant 0 : index
    %get3A_8 = vector.load %arg2[%get3A_6, %get3A_7] : memref<64x64xf32, #tpu.memory_space<vmem>>, vector<64x64xf32>
    %mul3A_9 = arith.mulf %get3A_8, %get3A_8 : vector<64x64xf32>
    %reduce_sum3A_10 = arith.constant dense<0.000000e+00> : vector<64xf32>
    %reduce_sum3A_11 = vector.multi_reduction <add>, %mul3A_9, %reduce_sum3A_10 [0] : vector<64x64xf32> to vector<64xf32>
    %broadcast_in_dim3A_12 = vector.shape_cast %reduce_sum3A_11 : vector<64xf32> to vector<1x64xf32>
    %sqrt3A_13 = math.sqrt %broadcast_in_dim3A_12 : vector<1x64xf32>
    %max3A_14 = arith.constant 9.99999996E-13 : f32
    %max3A_15 = vector.broadcast %max3A_14 : f32 to vector<1x64xf32>
    %max3A_16 = arith.maximumf %sqrt3A_13, %max3A_15 : vector<1x64xf32>
    %div3A_17 = vector.broadcast %max3A_16 : vector<1x64xf32> to vector<64x64xf32>
    %div3A_18 = arith.divf %get3A_8, %div3A_17 : vector<64x64xf32>
    %dot_general3A = arith.constant dense<0.000000e+00> : vector<1000x64xf32>
    %dot_general3A_19 = tpu.matmul %div3A_5, %div3A_18, %dot_general3A {dimension_numbers = #tpu.dot_dimension_numbers<[1], [0], [0], [1], [0, 0, 1, 1], [], []>, transpose_lhs_hint = false} : vector<1000x64xf32>, vector<64x64xf32>, vector<1000x64xf32> -> vector<1000x64xf32>
    %mul3A_20 = arith.constant 5.000000e+00 : f32
    %mul3A_21 = vector.broadcast %mul3A_20 : f32 to vector<1000x64xf32>
    %mul3A_22 = arith.mulf %mul3A_21, %dot_general3A_19 : vector<1000x64xf32>
    %swap3A = arith.constant 0 : index
    %swap3A_23 = arith.constant 0 : index
    %swap3A_24 = vector.load %arg4[%swap3A, %swap3A_23] : memref<1000x64xf32, #tpu.memory_space<vmem>>, vector<1000x64xf32>
    tpu.vector_store %arg4[%swap3A, %swap3A_23], %mul3A_22 {strides = array<i32>} : memref<1000x64xf32, #tpu.memory_space<vmem>>, vector<1000x64xf32>,
    %get3A_25 = arith.constant 0 : index
    %get3A_26 = arith.constant 0 : index
    %get3A_27 = vector.load %arg3[%get3A_25, %get3A_26] : memref<64x4xf32, #tpu.memory_space<vmem>>, vector<64x4xf32>
    %mul3A_28 = arith.mulf %get3A_27, %get3A_27 : vector<64x4xf32>
    %reduce_sum3A_29 = arith.constant dense<0.000000e+00> : vector<4xf32>
    %reduce_sum3A_30 = vector.multi_reduction <add>, %mul3A_28, %reduce_sum3A_29 [0] : vector<64x4xf32> to vector<4xf32>
    %broadcast_in_dim3A_31 = vector.shape_cast %reduce_sum3A_30 : vector<4xf32> to vector<1x4xf32>
    %sqrt3A_32 = math.sqrt %broadcast_in_dim3A_31 : vector<1x4xf32>
    %max3A_33 = arith.constant 9.99999996E-13 : f32
    %max3A_34 = vector.broadcast %max3A_33 : f32 to vector<1x4xf32>
    %max3A_35 = arith.maximumf %sqrt3A_32, %max3A_34 : vector<1x4xf32>
    %div3A_36 = vector.broadcast %max3A_35 : vector<1x4xf32> to vector<64x4xf32>
    %div3A_37 = arith.divf %get3A_27, %div3A_36 : vector<64x4xf32>
    %dot_general3A_38 = arith.constant dense<0.000000e+00> : vector<1000x4xf32>
    %dot_general3A_39 = tpu.matmul %div3A_5, %div3A_37, %dot_general3A_38 {dimension_numbers = #tpu.dot_dimension_numbers<[1], [0], [0], [1], [0, 0, 1, 1], [], []>, transpose_lhs_hint = false} : vector<1000x64xf32>, vector<64x4xf32>, vector<1000x4xf32> -> vector<1000x4xf32>
    %mul3A_40 = arith.constant 5.000000e+00 : f32
    %mul3A_41 = vector.broadcast %mul3A_40 : f32 to vector<1000x4xf32>
    %mul3A_42 = arith.mulf %mul3A_41, %dot_general3A_39 : vector<1000x4xf32>
    %swap3A_43 = arith.constant 0 : index
    %swap3A_44 = arith.constant 0 : index
    %swap3A_45 = vector.load %arg5[%swap3A_43, %swap3A_44] : memref<1000x4xf32, #tpu.memory_space<vmem>>, vector<1000x4xf32>
    tpu.vector_store %arg5[%swap3A_43, %swap3A_44], %mul3A_42 {strides = array<i32>} : memref<1000x4xf32, #tpu.memory_space<vmem>>, vector<1000x4xf32>,
    return
  }
  func.func @transform_0(%arg0: i32) -> (i32, i32) {
    %c0_i32 = arith.constant 0 : i32
    %c0_i32_0 = arith.constant 0 : i32
    return %arg0, %c0_i32 : i32, i32
  }
  func.func @transform_1(%arg0: i32) -> (i32, i32) {
    %c0_i32 = arith.constant 0 : i32
    %c0_i32_0 = arith.constant 0 : i32
    %c0_i32_1 = arith.constant 0 : i32
    return %c0_i32, %c0_i32_0 : i32, i32
  }
  func.func @transform_2(%arg0: i32) -> (i32, i32) {
    %c0_i32 = arith.constant 0 : i32
    %c0_i32_0 = arith.constant 0 : i32
    %c0_i32_1 = arith.constant 0 : i32
    return %c0_i32, %c0_i32_0 : i32, i32
  }
  func.func @transform_3(%arg0: i32) -> (i32, i32) {
    %c0_i32 = arith.constant 0 : i32
    %c0_i32_0 = arith.constant 0 : i32
    return %arg0, %c0_i32 : i32, i32
  }
  func.func @transform_4(%arg0: i32) -> (i32, i32) {
    %c0_i32 = arith.constant 0 : i32
    %c0_i32_0 = arith.constant 0 : i32
    return %arg0, %c0_i32 : i32, i32
  }
}

module attributes {stable_mosaic.version = 14 : i64} {
  func.func @body(%arg0: i32, %arg1: memref<2x1000x128xf32, #tpu.memory_space<vmem>>, %arg2: memref<1000x128xf32, #tpu.memory_space<vmem>>, %arg3: memref<1000x1xf32, #tpu.memory_space<vmem>>, %arg4: memref<1x128xf32, #tpu.memory_space<vmem>>, %arg5: memref<1000x128xf32, #tpu.memory_space<vmem>>) attributes {dimension_semantics = [#tpu.dimension_semantics<arbitrary>], iteration_bounds = array<i64: 10>, scalar_prefetch = 0 : i64, scratch_operands = 0 : i64, tpu.core_type = #tpu.core_type<tc>, window_params = [{transform_indices = @transform_0, window_bounds = array<i64: 2, 1000, 128>}, {transform_indices = @transform_1, window_bounds = array<i64: 1000, 128>}, {transform_indices = @transform_2, window_bounds = array<i64: 1000, 1>}, {pipeline_mode = #tpu.pipeline_mode<synchronous>, transform_indices = @transform_3, window_bounds = array<i64: 1, 128>}, {transform_indices = @transform_4, window_bounds = array<i64: 1000, 128>}]} {
    %get3A = arith.constant 0 : index
    %get3A_0 = arith.constant 0 : index
    %get3A_1 = arith.constant 0 : index
    %get3A_2 = vector.load %arg1[%get3A, %get3A_0, %get3A_1] : memref<2x1000x128xf32, #tpu.memory_space<vmem>>, vector<1x1000x128xf32>
    %get3A_3 = vector.shape_cast %get3A_2 : vector<1x1000x128xf32> to vector<1000x128xf32>
    %get3A_4 = arith.constant 1 : index
    %get3A_5 = arith.constant 0 : index
    %get3A_6 = arith.constant 0 : index
    %get3A_7 = vector.load %arg1[%get3A_4, %get3A_5, %get3A_6] : memref<2x1000x128xf32, #tpu.memory_space<vmem>>, vector<1x1000x128xf32>
    %get3A_8 = vector.shape_cast %get3A_7 : vector<1x1000x128xf32> to vector<1000x128xf32>
    %add3A = arith.addf %get3A_3, %get3A_8 : vector<1000x128xf32>
    %get3A_9 = arith.constant 0 : index
    %get3A_10 = arith.constant 0 : index
    %get3A_11 = vector.load %arg2[%get3A_9, %get3A_10] : memref<1000x128xf32, #tpu.memory_space<vmem>>, vector<1000x128xf32>
    %add3A_12 = arith.addf %add3A, %get3A_11 : vector<1000x128xf32>
    %get3A_13 = arith.constant 0 : index
    %get3A_14 = arith.constant 0 : index
    %get3A_15 = vector.load %arg3[%get3A_13, %get3A_14] : memref<1000x1xf32, #tpu.memory_space<vmem>>, vector<1000x1xf32>
    %mul3A = vector.broadcast %get3A_15 : vector<1000x1xf32> to vector<1000x128xf32>
    %mul3A_16 = arith.mulf %add3A_12, %mul3A : vector<1000x128xf32>
    %get3A_17 = arith.constant 0 : index
    %get3A_18 = arith.constant 0 : index
    %get3A_19 = vector.load %arg4[%get3A_17, %get3A_18] : memref<1x128xf32, #tpu.memory_space<vmem>>, vector<1x128xf32>
    %add3A_20 = vector.broadcast %get3A_19 : vector<1x128xf32> to vector<1000x128xf32>
    %add3A_21 = arith.addf %mul3A_16, %add3A_20 : vector<1000x128xf32>
    %swap3A = arith.constant 0 : index
    %swap3A_22 = arith.constant 0 : index
    %swap3A_23 = vector.load %arg5[%swap3A, %swap3A_22] : memref<1000x128xf32, #tpu.memory_space<vmem>>, vector<1000x128xf32>
    tpu.vector_store %arg5[%swap3A, %swap3A_22], %add3A_21 {strides = array<i32>} : memref<1000x128xf32, #tpu.memory_space<vmem>>, vector<1000x128xf32>,
    return
  }
  func.func @transform_0(%arg0: i32) -> (i32, i32, i32) {
    %c0_i32 = arith.constant 0 : i32
    %c0_i32_0 = arith.constant 0 : i32
    %c0_i32_1 = arith.constant 0 : i32
    return %c0_i32, %arg0, %c0_i32_0 : i32, i32, i32
  }
  func.func @transform_1(%arg0: i32) -> (i32, i32) {
    %c0_i32 = arith.constant 0 : i32
    %c0_i32_0 = arith.constant 0 : i32
    return %arg0, %c0_i32 : i32, i32
  }
  func.func @transform_2(%arg0: i32) -> (i32, i32) {
    %c0_i32 = arith.constant 0 : i32
    %c0_i32_0 = arith.constant 0 : i32
    return %arg0, %c0_i32 : i32, i32
  }
  func.func @transform_3(%arg0: i32) -> (i32, i32) {
    %c0_i32 = arith.constant 0 : i32
    %c0_i32_0 = arith.constant 0 : i32
    %c0_i32_1 = arith.constant 0 : i32
    return %c0_i32, %c0_i32_0 : i32, i32
  }
  func.func @transform_4(%arg0: i32) -> (i32, i32) {
    %c0_i32 = arith.constant 0 : i32
    %c0_i32_0 = arith.constant 0 : i32
    return %arg0, %c0_i32 : i32, i32
  }
}

</mosaic_0001>

<sc_bundles>
// kernel: kernel.12.cloned.1.call-start
scs
__scs_entry_jumppad:
0x0: {  	(pc) =	sbr.rel $0x88, $3  }
0x1: {  	(tag) =	ssettag $0x0;
	lr =	simm.s32 $0x1  }
0x2: {  	[smem:$0x3F95] =	sst lr;
	_ =	strace $0xD0000000  }
0x3: {  	_ = 	snop  }
0x4: {  	_ = 	snop  }
0x5: {  	_ = 	snop  }
0x6: {  	_ = 	snop  }
0x7: {  	_ = 	snop  }
__scs_overlays_trampoline_lowered:
0x8: {  	[smem:$0x3FA4] =	sst s0  }
0x9: {  	[smem:$0x3FA5] =	sst s1  }
0xa: {  	[smem:$0x3FA6] =	sst s2  }
0xb: {  	[smem:$0x3FA7] =	sst s3  }
0xc: {  	[smem:$0x3FA8] =	sst s4  }
0xd: {  	[smem:$0x3FA9] =	sst s5  }
0xe: {  	[smem:$0x3FAA] =	sst s6  }
0xf: {  	[smem:$0x3FAB] =	sst s7  }
0x10: {  	[smem:$0x3FAC] =	sst s8  }
0x11: {  	[smem:$0x3FAD] =	sst s9;
	s0 =	simm.s32 @!p0 $0x0  }
0x12: {  	s1 =	sld [smem:$0x3F93];
	s0 =	simm.s32 @p0 $0x1  }
0x13: {  	[smem:$0x3FAE] =	sst s0;
	s0 =	simm.s32 @!p1 $0x0  }
0x14: {  	s2 =	sld [smem:$0x3F92];
	s0 =	simm.s32 @p1 $0x1  }
0x15: {  	[smem:$0x3FAF] =	sst s0;
	s0 =	simm.s32 @!p2 $0x0  }
0x16: {  	s3 =	sld [smem:$0x3FDB];
	s0 =	simm.s32 @p2 $0x1  }
0x17: {  	s4 =	simm.s32 $0x1BF5;
	[smem:$0x3FB1] =	sst s0  }
0x18: {  	s0 =	sld [smem:$0x3F94];
	_ =	swait.ge [sflag:s4], $0x0  }
0x19: {  	s7 =	sld [smem:$0x3F95]  }
0x1a: {  	s8 =	sadd.s32 $0xFFFFE003, lr  }
0x1b: {  	s9 =	sadd.s32 $0xFFFFFEF7, lr;
	s5 =	simm.s32 $0xFFFFFFFF;
	p2 =	slt.u32 s8, $0xFFFFF086  }
0x1c: {  	p1 =	slt.u32 s9, $0xF7A;
	s5 =	simm.s32 @!p2 $0x0  }
0x1d: {  	s5 =	simm.s32 @p1 $0x1;
	p0 =	seq.s32 s7, s2  }
0x1e: {  	s7 =	smul.u32 @!p0 $0xF7A, s2;
	p2 =	seq.s32 @!p0 s5, $0x0  }
0x1f: {  	s9 =	smul.u32 $0xF7A, s1;
	s8 =	simm.s32 @!p0 $0x1BF5;
	p2 =	por !p2, p0  }
0x20: {  	[sflag:s8] =	ssyncset.s32 @!p0 $0xFFFFF086;
	s6 =	sadd.s32 @!p0 s3, s7;
	s7 =	simm.s32 @!p0 $0x108  }
0x21: {  	s3 =	sadd.s32 s3, s9;
	s6 =	sadd.s32 @!p0 $0x88, s6;
	s7 =	simm.s32 @p2 $0x1082  }
0x22: {  	[simem:s7], [sflag:s8] =	dma.local @!p0 [hbm:s6], $0xF7A  }
0x23: {  	s9 =	sor.u32 $0xD0000000, s2;
	s6 =	simm.s32 $0x108;
	_ =	swait.ge @!p0 [sflag:s8], $0x0  }
0x24: {  	s3 =	sadd.s32 $0x88, s3;
	s6 =	simm.s32 @!p1 $0x1082;
	[sflag:s4] =	ssyncset.s32 $0xFFFFF086  }
0x25: {  	[simem:s6], [sflag:s4] =	dma.local [hbm:s3], $0xF7A  }
0x26: {  	[smem:$0x3F95] =	sst s1;
	(tag) =	ssettag s2;
	_ =	strace s9  }
0x27: {  	s1 =	sld [smem:$0x3FA5]  }
0x28: {  	s2 =	sld [smem:$0x3FA6]  }
0x29: {  	s4 =	sld [smem:$0x3FA8]  }
0x2a: {  	p0 =	seq.s32 s5, $0x0;
	s5 =	sld [smem:$0x3FA9]  }
0x2b: {  	s6 =	sld [smem:$0x3FAA]  }
0x2c: {  	s7 =	sld [smem:$0x3FAB]  }
0x2d: {  	s3 =	simm.s32 $0x108;
	s8 =	sld [smem:$0x3FAC]  }
0x2e: {  	s3 =	simm.s32 @!p0 $0x1082;
	s9 =	sld [smem:$0x3FAD]  }
0x2f: {  	lr =	sadd.s32 s0, s3;
	s0 =	sld [smem:$0x3FA4]  }
0x30: {  	s3 =	sld [smem:$0x3FA7]  }
0x31: {  	[smem:$0x3FB0] =	sst s10  }
0x32: {  	s10 =	sld [smem:$0x3FAE];
	_ =	sdelay $0x3  }
0x33: {  	p0 =	seq.s32 s10, $0x1;
	s10 =	sld [smem:$0x3FB0];
	_ =	sdelay $0x3  }
0x34: {  	[smem:$0x3FB0] =	sst s10  }
0x35: {  	s10 =	sld [smem:$0x3FAF];
	_ =	sdelay $0x3  }
0x36: {  	p1 =	seq.s32 s10, $0x1;
	s10 =	sld [smem:$0x3FB0];
	_ =	sdelay $0x3  }
0x37: {  	[smem:$0x3FB0] =	sst s10  }
0x38: {  	s10 =	sld [smem:$0x3FB1]  }
0x39: {  	_ = 	snop;
	(pc) =	sbr.ind lr, $3  }
0x3a: {  	_ = 	snop  }
0x3b: {  	_ = 	snop  }
0x3c: {  	p2 =	seq.s32 s10, $0x1;
	s10 =	sld [smem:$0x3FB0]  }
0x3d: {  	_ =	shalt  }
0x3e: {  	_ =	shalt  }
0x3f: {  	_ =	shalt  }
0x40: {  	_ =	shalt  }
0x41: {  	_ =	shalt  }
0x42: {  	_ =	shalt  }
0x43: {  	_ =	shalt  }
0x44: {  	_ =	shalt  }
0x45: {  	_ =	shalt  }
0x46: {  	_ =	shalt  }
0x47: {  	_ =	shalt  }
0x48: {  	_ =	shalt  }
0x49: {  	_ =	shalt  }
0x4a: {  	_ =	shalt  }
0x4b: {  	_ =	shalt  }
0x4c: {  	_ =	shalt  }
0x4d: {  	_ =	shalt  }
0x4e: {  	_ =	shalt  }
0x4f: {  	_ =	shalt  }
0x50: {  	_ =	shalt  }
0x51: {  	_ =	shalt  }
0x52: {  	_ =	shalt  }
0x53: {  	_ =	shalt  }
0x54: {  	_ =	shalt  }
0x55: {  	_ =	shalt  }
0x56: {  	_ =	shalt  }
0x57: {  	_ =	shalt  }
0x58: {  	_ =	shalt  }
0x59: {  	_ =	shalt  }
0x5a: {  	_ =	shalt  }
0x5b: {  	_ =	shalt  }
0x5c: {  	_ =	shalt  }
0x5d: {  	_ =	shalt  }
0x5e: {  	_ =	shalt  }
0x5f: {  	_ =	shalt  }
0x60: {  	_ =	shalt  }
0x61: {  	_ =	shalt  }
0x62: {  	_ =	shalt  }
0x63: {  	_ =	shalt  }
0x64: {  	_ =	shalt  }
0x65: {  	_ =	shalt  }
0x66: {  	_ =	shalt  }
0x67: {  	_ =	shalt  }
0x68: {  	_ =	shalt  }
0x69: {  	_ =	shalt  }
0x6a: {  	_ =	shalt  }
0x6b: {  	_ =	shalt  }
0x6c: {  	_ =	shalt  }
0x6d: {  	_ =	shalt  }
0x6e: {  	_ =	shalt  }
0x6f: {  	_ =	shalt  }
0x70: {  	_ =	shalt  }
0x71: {  	_ =	shalt  }
0x72: {  	_ =	shalt  }
0x73: {  	_ =	shalt  }
0x74: {  	_ =	shalt  }
0x75: {  	_ =	shalt  }
0x76: {  	_ =	shalt  }
0x77: {  	_ =	shalt  }
0x78: {  	_ =	shalt  }
0x79: {  	_ =	shalt  }
0x7a: {  	_ =	shalt  }
0x7b: {  	_ =	shalt  }
0x7c: {  	_ =	shalt  }
0x7d: {  	_ =	shalt  }
0x7e: {  	_ =	shalt  }
0x7f: {  	_ =	shalt  }
0x80: {  	_ =	shalt  }
0x81: {  	_ =	shalt  }
0x82: {  	_ =	shalt  }
0x83: {  	_ =	shalt  }
0x84: {  	_ =	shalt  }
0x85: {  	_ =	shalt  }
0x86: {  	_ =	shalt  }
0x87: {  	_ =	shalt  }
.Lfunc_end0:
.L_simem_size_0:
called_computation_lowered:
.L_overlay_start_0:
0x88: {  	s2 =	sld [smem:$0x3FD9]  }
0x89: {  	s3 =	sld [smem:$0x3FFE];
	_ =	sdelay $0x1  }
0x8a: {  	s1 =	srdreg.scid  }
0x8b: {  	s0 =	sand.u32 $0x1, s1  }
0x8c: {  	s14 =	sshll.u32 s0, $0xA;
	s2 =	sadd.s32 s3, s2  }
0x8d: {  	s2 =	sadd.s32 s2, s14  }
0x8e: {  	[smem:$0x3FBC] =	sst s2  }
0x8f: {  	_ = 	snop  }
0x90: {  	s2 =	sld [smem:$0x3FD0];
	_ =	sdelay $0x2  }
0x91: {  	s15 =	simm.s32 $0xA;
	s4 =	simm.s32 $0x10  }
0x92: {  	[smem:s4], [sflag:s15] =	dma.local [hbm:s2], $0x1  }
0x93: {  	_ =	swait.eq [sflag:s15], $0x1  }
0x94: {  	[sflag:s15] =	ssyncset.done $0x0  }
0x95: {  	[sflag:s15] =	ssyncadd.s32 $0xFFFFFFFF  }
0x96: {  	s16 =	sld [smem:$0x11];
	(tm) =	ssettm $0x1  }
0x97: {  	s17 =	sld [smem:$0x3FFB];
	_ =	sdelay $0x3  }
0x98: {  	_ =	strace s17  }
0x99: {  	s3 =	sld [smem:$0x3FFC];
	_ =	sdelay $0x3  }
0x9a: {  	_ =	strace s3  }
0x9b: {  	s3 =	sld [smem:$0x3FFD];
	_ =	sdelay $0x3  }
0x9c: {  	_ =	strace s3  }
0x9d: {  	_ =	strace $0x8FFFFFFF  }
0x9e: {  	s18 =	sld [smem:$0x3FDB];
	_ =	sdelay $0x1  }
0x9f: {  	s19 =	simm.s32 $_scs_section_size  }
0xa0: {  	s5 =	simm.s32 $_size__tile_overlayer_lowered;
	s6 =	simm.s32 $_tile_overlayer_lowered  }
0xa1: {  	s22 =	simm.s32 $0x1BFF;
	s21 =	sshll.u32 s6, $0x1;
	s3 =	sadd.s32 s19, s18  }
0xa2: {  	s7 =	simm.s32 $0x0;
	s20 =	sshll.u32 s5, $0x1;
	s5 =	sadd.s32 s21, s3  }
0xa3: {  	[timem:s7], [sflag:s22] =	dma.local [hbm:s5], s20  }
0xa4: {  	_ =	swait.ge [sflag:s22], s20  }
0xa5: {  	s4 =	ssub.s32 $0x0, s20;
	[sflag:s22] =	ssyncset.done $0x0  }
0xa6: {  	[sflag:s22] =	ssyncadd.s32 s4;
	_ =	sdelay $0x1  }
0xa7: {  	s23 =	simm.s32 $0x1B8B  }
0xa8: {  	_ =	swait.ge [sflag:s23], $0x1  }
0xa9: {  	[sflag:s23] =	ssyncset.done $0x0  }
0xaa: {  	s25 =	simm.s32 $0x1B8E;
	s24 =	sld [smem:$0x3FFE];
	[sflag:s23] =	ssyncadd.s32 $0xFFFFFFFF  }
0xab: {  	s26 =	simm.s32 $execute0_lowered;
	[smem:$0x3FD2] =	sst s25  }
0xac: {  	s5 =	sshll.u32 s26, $0x1;
	_ =	strace $0x80000046;
	[dreg:$0x1] =	wrdreg $0xFFFFFFFF  }
0xad: {  	s28 =	simm.s32 $_size_execute0_lowered;
	s3 =	sadd.s32 s3, s5;
	[dreg:$0x0] =	wrdreg $0x0  }
0xae: {  	s5 =	sshll.u32 s28, $0x1;
	[dreg:$0x2] =	wrdreg s3  }
0xaf: {  	[dreg:$0x3] =	wrdreg s5  }
0xb0: {  	[dreg:$0x4] =	wrdreg $0xC0  }
0xb1: {  	_ =	task [dreg:s7], $0x5FFFF  }
0xb2: {  	[dreg:$0x1] =	wrdreg $0xFFFFFFFF  }
0xb3: {  	[dreg:$0x0] =	wrdreg $0x60  }
0xb4: {  	[dreg:$0x2] =	wrdreg s24  }
0xb5: {  	[dreg:$0x3] =	wrdreg s16  }
0xb6: {  	[dreg:$0x4] =	wrdreg $0x5800  }
0xb7: {  	[dreg:$0x5] =	wrdreg $0x9  }
0xb8: {  	_ =	task.clear_ibuf [dreg:s7], $0x6FFFF;
	_ =	strace $0x90000046  }
0xb9: {  	s29 =	simm.s32 $0x9;
	_ =	strace $0x80000048  }
0xba: {  	_ =	swait.ge [sflag:s29], $0x1  }
0xbb: {  	[sflag:s29] =	ssyncadd.s32 $0xFFFFFFFF  }
0xbc: {  	_ =	strace $0x90000048  }
0xbd: {  	_ =	sfence  }
0xbe: {  	s30 =	sld [smem:$0x0];
	_ =	sdelay $0x2  }
0xbf: {  	s31 =	sshll.u32 s1, $0xD;
	s1 =	sshrl.u32 s1, $0x2  }
0xc0: {  	s3 =	sand.u32 $0x4000, s31;
	s1 =	sadd.s32 s1, s30  }
0xc1: {  	s0 =	sor.u32 s3, s0;
	s1 =	sshll.u32 s1, $0x11  }
0xc2: {  	s0 =	sor.u32 s1, s0  }
0xc3: {  	s0 =	sadd.s32 $0x8F2B, s0  }
0xc4: {  	[sflag:s0] =	ssyncadd.remote.s32 $0x1  }
0xc5: {  	_ =	sfence.sel $0xFFFF  }
0xc6: {  	[dreg:$0x0] =	wrdreg $0xFFFFFFFF;
	(pc) =	sbr.abs _section_cstart, $3  }
0xc7: {  	[dreg:$0x1] =	wrdreg $0xFFFFFFFF  }
0xc8: {  	_ =	task.clear_ibuf [dreg:s7], $0x2FFFF;
	_ =	strace $0x9FFFFFFF  }
0xc9: {  	(tm) =	ssettm $0x7FFFFFFF  }
tec
execute0_lowered:
.L_overlay_start_1:
0x0: {  	(tag) =	ssettag $0x1  }
0x1: {  	s0 =	rddreg [dreg:$0x0]  }
0x2: {  	s2 =	rddreg [dreg:$0x1]  }
0x3: {  	s1 =	rddreg [dreg:$0x2];
	s4 =	srdreg.scid  }
0x4: {  	s3 =	simm.s32 $0x0;
	s11 =	stileid.u32;
	s28 =	simm.s32 $0x50  }
0x5: {  	s29 =	simm.s32 $0x280;
	s30 =	simm.s32 $0x2;
	s31 =	simm.s32 $0x3  }
0x6: {  	s6 =	sand.u32 $0x1, s4;
	[smem:$0x7FF] =	sst s3;
	s7 =	smul.u32 $0x270, s11  }
0x7: {  	s19 =	smul.u32 $0x2710, s11;
	p0 =	sne.s32 s11, $0xF;
	s4 =	sshll.u32 s6, $0x4  }
0x8: {  	s5 =	ssub.s32 $0x2, s6;
	_ =	strace $0x80000047;
	s18 =	smul.u32 $0x2710, s6  }
0x9: {  	s10 =	smul.u32 $0x27100, s6;
	s6 =	sadd.s32 $0x2700, s1;
	s4 =	sor.u32 s11, s4  }
0xa: {  	s8 =	sshrl.u32 s5, $0x1;
	s11 =	simm.s32 $0x9;
	s9 =	smul.u32 $0x2710, s4  }
0xb: {  	s17 =	ssub.s32 s5, s8;
	s5 =	sadd.s32 s7, s1;
	s7 =	sadd.s32 s7, s18  }
0xc: {  	s4 =	sadd.s32 $0x3E00, s0;
	s8 =	sshrl.u32 s18, $0x3;
	s7 =	sshrl.u32 s7, $0x3  }
0xd: {  	s0 =	smax.u32 s17, $0x1;
	s9 =	sshrl.u32 s9, $0x3;
	s7 =	sadd.s32 s2, s7  }
0xe: {  	s2 =	sadd.s32 s2, s8;
	[dreg:$0xb] =	wrdreg s0;
	s8 =	simm.s32 $0x6  }
0xf: {  	s12 =	sadd.s32 s4, s9;
	s9 =	sadd.s32 s19, s10;
	[dreg:$0x9] =	wrdreg s7  }
0x10: {  	s2 =	sadd.s32 $0x4E0, s2;
	s13 =	sadd.s32 $0xA, s12;
	[dreg:$0x4] =	wrdreg s12  }
0x11: {  	s20 =	sadd.s32 $0x14, s12;
	s21 =	sadd.s32 $0x1E, s12;
	[dreg:$0xa] =	wrdreg s2  }
0x12: {  	s12 =	sadd.s32 $0x28, s12;
	s10 =	sadd.s32 $0x2D0, s9;
	[dreg:$0x5] =	wrdreg s13  }
0x13: {  	s23 =	sadd.s32 $0x280, s9;
	s24 =	sadd.s32 $0x230, s9;
	[dreg:$0x6] =	wrdreg s20  }
0x14: {  	s25 =	sadd.s32 $0x1E0, s9;
	s26 =	sadd.s32 $0x190, s9;
	[dreg:$0x7] =	wrdreg s21  }
0x15: {  	s9 =	simm.s32 $0x7;
	[dreg:$0x8] =	wrdreg s12;
	s22 =	sshrl.u32 s10, $0x3  }
0x16: {  	s0 =	sshrl.u32 s23, $0x3;
	s2 =	sshrl.u32 s24, $0x3;
	s7 =	sshrl.u32 s25, $0x3  }
0x17: {  	[dreg:$0xc] =	wrdreg s26;
	s20 =	simm.s32 $0x300;
	s21 =	simm.s32 $0xB  }
.Ltmp0:
0x18: {  	s23 =	simm.s32 $0x100;
	s24 =	simm.s32 $0x180;
	(pc) =	sbr.rel .LBB2_1-.Ltmp0, $4  }
0x19: {  	s25 =	simm.s32 $0x200;
	s26 =	simm.s32 $0x1;
	s10 =	simm.s32 $0x8  }
0x1a: {  	s12 =	simm.s32 $0xA;
	s13 =	simm.s32 $0x0;
	s15 =	sadd.s32 s22, s4  }
0x1b: {  	s16 =	sadd.s32 s0, s4;
	s17 =	sadd.s32 s2, s4;
	s18 =	sadd.s32 s7, s4  }
0x1c: {  	v0 =	vimm.f32 $1.000000000e+00;
	v1 =	vimm.f32 $0.0e+00;
	s22 =	simm.s32 $0x80;
	s0 =	simm.s32 $0x4;
	s2 =	simm.s32 $0x5  }
.LBB2_4:
0x1d: {  	_ =	swait.ge [sflag:s9], $0x50  }
0x1e: {  	[sflag:s9] =	ssyncset.done $0x0  }
0x1f: {  	[sflag:s9] =	ssyncadd.s32 $0xFFFFFFB0  }
0x20: {  	_ =	swait.ge [sflag:s10], $0x50  }
0x21: {  	[sflag:s10] =	ssyncset.done $0x0  }
0x22: {  	[sflag:s10] =	ssyncadd.s32 $0xFFFFFFB0  }
0x23: {  	_ =	swait.ge [sflag:s11], $0x50  }
0x24: {  	[sflag:s11] =	ssyncset.done $0x0  }
0x25: {  	[sflag:s11] =	ssyncadd.s32 $0xFFFFFFB0  }
0x26: {  	_ =	swait.ge [sflag:s12], $0x50  }
0x27: {  	[sflag:s12] =	ssyncset.done $0x0  }
0x28: {  	[sflag:s12] =	ssyncadd.s32 $0xFFFFFFB0  }
0x29: {  	[bflag:$0x0] =	sbarrier.arrive $0xFFFF  }
0x2a: {  	[tilespmem:s20], [sflag:$0xB] =	stream.linear.gather [spmem:s5], $0x270, $0x38;
	[tilespmem:$0x7F8] =	vst v63  }
0x2b: {  	_ =	swait.ge [sflag:s21], $0x270  }
0x2c: {  	[sflag:s21] =	ssyncset.done $0x0  }
0x2d: {  	s7 =	rddreg [dreg:$0x9];
	[sflag:s21] =	ssyncadd.s32 $0xFFFFFD90  }
0x2e: {  	[hbm4b:s7+s3] =	stream.linear.scatter [tilespmem:s20], [sflag:$0xB], $0x270, $0x38;
	[tilespmem:$0x7F8] =	vst v63  }
0x2f: {  	_ =	swait.ge [sflag:s21], $0x270  }
0x30: {  	[sflag:s21] =	ssyncset.done $0x0  }
0x31: {  	s14 =	simm.s32 @!p0 $0xB;
	s7 =	simm.s32 @!p0 $0x280;
	[sflag:s21] =	ssyncadd.s32 $0xFFFFFD90  }
0x32: {  	[tilespmem:s7], [sflag:$0xB] =	stream.linear.gather @!p0 [spmem:s6], $0x10, $0x38;
	[tilespmem:$0x7F8] =	vst v63  }
0x33: {  	_ =	swait.ge @!p0 [sflag:s14], $0x10  }
0x34: {  	[sflag:s14] =	ssyncset.done @!p0 $0x0  }
0x35: {  	s19 =	simm.s32 @!p0 $0x0;
	s20 =	rddreg [dreg:$0xa];
	[sflag:s14] =	ssyncadd.s32 @!p0 $0xFFFFFFF0  }
0x36: {  	[hbm4b:s20+s19] =	stream.linear.scatter @!p0 [tilespmem:s7], [sflag:$0xB], $0x10, $0x38;
	[tilespmem:$0x7F8] =	vst v63  }
0x37: {  	_ =	swait.ge @!p0 [sflag:s14], $0x10  }
0x38: {  	s13 =	sadd.s32 $0x1, s13;
	s19 =	rddreg [dreg:$0xb]  }
0x39: {  	p1 =	sne.s32 s13, s19  }
.Ltmp1:
0x3a: {  	_ = 	snop;
	(pc) =	sbr.rel @!p1 .LBB2_5-.Ltmp1, $3  }
0x3b: {  	_ =	sdelay $0x1  }
0x3c: {  	[sflag:s14] =	ssyncset.done @!p0 $0x0  }
0x3d: {  	s20 =	simm.s32 $0x300;
	[sflag:s14] =	ssyncadd.s32 @!p0 $0xFFFFFFF0  }
.LBB2_1:
0x3e: {  	[tilespmem:$0x280] =	vst v0  }
0x3f: {  	[tilespmem:$0x290] =	vst v0  }
0x40: {  	[tilespmem:$0x2A0] =	vst v0  }
0x41: {  	[tilespmem:$0x2B0] =	vst v0  }
0x42: {  	[tilespmem:$0x2C0] =	vst v0  }
0x43: {  	[tilespmem:$0x300] =	vst v1  }
0x44: {  	[tilespmem:$0x310] =	vst v1  }
0x45: {  	[tilespmem:$0x320] =	vst v1  }
0x46: {  	[tilespmem:$0x330] =	vst v1  }
0x47: {  	[tilespmem:$0x340] =	vst v1  }
0x48: {  	[tilespmem:$0x350] =	vst v1  }
0x49: {  	[tilespmem:$0x360] =	vst v1  }
0x4a: {  	[tilespmem:$0x370] =	vst v1  }
0x4b: {  	[tilespmem:$0x380] =	vst v1  }
0x4c: {  	[tilespmem:$0x390] =	vst v1  }
0x4d: {  	[tilespmem:$0x3A0] =	vst v1  }
0x4e: {  	[tilespmem:$0x3B0] =	vst v1  }
0x4f: {  	[tilespmem:$0x3C0] =	vst v1  }
0x50: {  	[tilespmem:$0x3D0] =	vst v1  }
0x51: {  	[tilespmem:$0x3E0] =	vst v1  }
0x52: {  	[tilespmem:$0x3F0] =	vst v1  }
0x53: {  	[tilespmem:$0x400] =	vst v1  }
0x54: {  	[tilespmem:$0x410] =	vst v1  }
0x55: {  	[tilespmem:$0x420] =	vst v1  }
0x56: {  	[tilespmem:$0x430] =	vst v1  }
0x57: {  	[tilespmem:$0x440] =	vst v1  }
0x58: {  	[tilespmem:$0x450] =	vst v1  }
0x59: {  	[tilespmem:$0x460] =	vst v1  }
0x5a: {  	[tilespmem:$0x470] =	vst v1  }
0x5b: {  	[tilespmem:$0x480] =	vst v1  }
0x5c: {  	[tilespmem:$0x490] =	vst v1  }
0x5d: {  	[tilespmem:$0x4A0] =	vst v1  }
0x5e: {  	[tilespmem:$0x4B0] =	vst v1  }
0x5f: {  	[tilespmem:$0x4C0] =	vst v1  }
0x60: {  	[tilespmem:$0x4D0] =	vst v1  }
0x61: {  	[tilespmem:$0x4E0] =	vst v1  }
0x62: {  	[tilespmem:$0x4F0] =	vst v1  }
0x63: {  	[tilespmem:$0x500] =	vst v1  }
0x64: {  	[tilespmem:$0x510] =	vst v1  }
0x65: {  	[tilespmem:$0x520] =	vst v1  }
0x66: {  	[tilespmem:$0x530] =	vst v1  }
0x67: {  	[tilespmem:$0x540] =	vst v1  }
0x68: {  	[tilespmem:$0x550] =	vst v1  }
0x69: {  	[tilespmem:$0x560] =	vst v1  }
0x6a: {  	[spmem:s5] =	stream.linear.scatter [tilespmem:s20], [sflag:$0xB], $0x270, $0x38;
	[tilespmem:$0x7F8] =	vst v63  }
0x6b: {  	_ =	swait.ge [sflag:s21], $0x270  }
0x6c: {  	[sflag:s21] =	ssyncset.done $0x0  }
0x6d: {  	s7 =	simm.s32 @!p0 $0x300;
	[sflag:s21] =	ssyncadd.s32 $0xFFFFFD90  }
0x6e: {  	[spmem:s6] =	stream.linear.scatter @!p0 [tilespmem:s7], [sflag:$0xB], $0x10, $0x38;
	[tilespmem:$0x7F8] =	vst v63  }
0x6f: {  	s7 =	simm.s32 @!p0 $0xB  }
0x70: {  	_ =	swait.ge @!p0 [sflag:s7], $0x10  }
0x71: {  	[sflag:s7] =	ssyncset.done @!p0 $0x0  }
0x72: {  	[sflag:s7] =	ssyncadd.s32 @!p0 $0xFFFFFFF0  }
0x73: {  	[bflag:$0x0] =	sbarrier.arrive $0xFFFF  }
0x74: {  	s19 =	rddreg [dreg:$0x4]  }
0x75: {  	[tilespmem:s3], [sflag:$0x1] =	stream.linear.gather [hbm4b:s19+s3], $0x50, $0x38;
	[tilespmem:$0x7F8] =	vst v63  }
0x76: {  	s14 =	rddreg [dreg:$0x5]  }
0x77: {  	[tilespmem:s22], [sflag:$0x2] =	stream.linear.gather [hbm4b:s14+s3], $0x50, $0x38;
	[tilespmem:$0x7F8] =	vst v63  }
0x78: {  	s19 =	rddreg [dreg:$0x6]  }
0x79: {  	[tilespmem:s23], [sflag:$0x3] =	stream.linear.gather [hbm4b:s19+s3], $0x50, $0x38;
	[tilespmem:$0x7F8] =	vst v63  }
0x7a: {  	s14 =	rddreg [dreg:$0x7]  }
0x7b: {  	[tilespmem:s24], [sflag:$0x4] =	stream.linear.gather [hbm4b:s14+s3], $0x50, $0x38;
	[tilespmem:$0x7F8] =	vst v63  }
0x7c: {  	s19 =	rddreg [dreg:$0x8]  }
0x7d: {  	[tilespmem:s25], [sflag:$0x5] =	stream.linear.gather [hbm4b:s19+s3], $0x50, $0x38;
	[tilespmem:$0x7F8] =	vst v63  }
0x7e: {  	s7 =	simm.s32 $0x0;
	s19 =	rddreg [dreg:$0xc]  }
.LBB2_2:
0x7f: {  	_ =	swait.ge [sflag:s26], $0x50  }
0x80: {  	[sflag:s26] =	ssyncset.done $0x0  }
0x81: {  	[sflag:s26] =	ssyncadd.s32 $0xFFFFFFB0  }
0x82: {  	[spmem:s1] =	stream.indirect.scatter.add.f32 [tilespmem:s29], [sflag:$0x6], $0x1, s3, s28, $0xb8;
	[tilespmem:$0x7F8] =	vst v63  }
0x83: {  	_ =	swait.ge [sflag:s30], $0x50  }
0x84: {  	[sflag:s30] =	ssyncset.done $0x0  }
0x85: {  	[sflag:s30] =	ssyncadd.s32 $0xFFFFFFB0  }
0x86: {  	[spmem:s1] =	stream.indirect.scatter.add.f32 [tilespmem:s29], [sflag:$0x7], $0x1, s22, s28, $0xb8;
	[tilespmem:$0x7F8] =	vst v63  }
0x87: {  	_ =	swait.ge [sflag:s31], $0x50  }
0x88: {  	[sflag:s31] =	ssyncset.done $0x0  }
0x89: {  	[sflag:s31] =	ssyncadd.s32 $0xFFFFFFB0  }
0x8a: {  	[spmem:s1] =	stream.indirect.scatter.add.f32 [tilespmem:s29], [sflag:$0x8], $0x1, s23, s28, $0xb8;
	[tilespmem:$0x7F8] =	vst v63  }
0x8b: {  	_ =	swait.ge [sflag:s0], $0x50  }
0x8c: {  	[sflag:s0] =	ssyncset.done $0x0  }
0x8d: {  	[sflag:s0] =	ssyncadd.s32 $0xFFFFFFB0  }
0x8e: {  	[spmem:s1] =	stream.indirect.scatter.add.f32 [tilespmem:s29], [sflag:$0x9], $0x1, s24, s28, $0xb8;
	[tilespmem:$0x7F8] =	vst v63  }
0x8f: {  	_ =	swait.ge [sflag:s2], $0x50  }
0x90: {  	p1 =	seq.s32 s7, $0x4B0;
	[sflag:s2] =	ssyncset.done $0x0  }
.Ltmp2:
0x91: {  	[sflag:s2] =	ssyncadd.s32 $0xFFFFFFB0;
	(pc) =	sbr.rel @p1 .LBB2_4-.Ltmp2, $4  }
0x92: {  	[spmem:s1] =	stream.indirect.scatter.add.f32 [tilespmem:s29], [sflag:$0xA], $0x1, s25, s28, $0xb8;
	[tilespmem:$0x7F8] =	vst v63  }
0x93: {  	_ =	swait.ge [sflag:s8], $0x50  }
0x94: {  	[sflag:s8] =	ssyncset.done $0x0  }
0x95: {  	[sflag:s8] =	ssyncadd.s32 $0xFFFFFFB0  }
0x96: {  	s14 =	sshrl.u32 s19, $0x3  }
0x97: {  	s14 =	sadd.s32 s4, s14  }
0x98: {  	[tilespmem:s3], [sflag:$0x1] =	stream.linear.gather [hbm4b:s14+s3], $0x50, $0x38;
	[tilespmem:$0x7F8] =	vst v63  }
0x99: {  	_ =	swait.ge [sflag:s9], $0x50  }
0x9a: {  	[sflag:s9] =	ssyncset.done $0x0  }
0x9b: {  	s14 =	sadd.s32 s7, s18;
	[sflag:s9] =	ssyncadd.s32 $0xFFFFFFB0  }
0x9c: {  	[tilespmem:s22], [sflag:$0x2] =	stream.linear.gather [hbm4b:s14+s3], $0x50, $0x38;
	[tilespmem:$0x7F8] =	vst v63  }
0x9d: {  	_ =	swait.ge [sflag:s10], $0x50  }
0x9e: {  	[sflag:s10] =	ssyncset.done $0x0  }
0x9f: {  	s14 =	sadd.s32 s7, s17;
	[sflag:s10] =	ssyncadd.s32 $0xFFFFFFB0  }
0xa0: {  	[tilespmem:s23], [sflag:$0x3] =	stream.linear.gather [hbm4b:s14+s3], $0x50, $0x38;
	[tilespmem:$0x7F8] =	vst v63  }
0xa1: {  	_ =	swait.ge [sflag:s11], $0x50  }
0xa2: {  	[sflag:s11] =	ssyncset.done $0x0  }
0xa3: {  	s14 =	sadd.s32 s7, s16;
	[sflag:s11] =	ssyncadd.s32 $0xFFFFFFB0  }
0xa4: {  	[tilespmem:s24], [sflag:$0x4] =	stream.linear.gather [hbm4b:s14+s3], $0x50, $0x38;
	[tilespmem:$0x7F8] =	vst v63  }
.Ltmp3:
0xa5: {  	_ = 	snop;
	(pc) =	sbr.rel .LBB2_2-.Ltmp3, $4  }
0xa6: {  	_ =	swait.ge [sflag:s12], $0x50  }
0xa7: {  	s19 =	sadd.s32 $0x190, s19;
	[sflag:s12] =	ssyncset.done $0x0  }
0xa8: {  	s14 =	sadd.s32 s7, s15;
	s7 =	sadd.s32 $0x32, s7;
	[sflag:s12] =	ssyncadd.s32 $0xFFFFFFB0  }
0xa9: {  	[tilespmem:s25], [sflag:$0x5] =	stream.linear.gather [hbm4b:s14+s3], $0x50, $0x38;
	[tilespmem:$0x7F8] =	vst v63  }
.LBB2_5:
0xaa: {  	_ =	sfence.sel $0x180000  }
0xab: {  	[bflag:$0x0] =	sbarrier.arrive $0xFFFF  }
0xac: {  	_ =	strace $0x90000047  }
0xad: {  	s0 =	stileid.u32;
	[bflag:$0x2] =	sbarrier.arrive $0xFFFF  }
0xae: {  	p0 =	sne.s32 s0, $0x0;
	s0 =	rddreg [dreg:$0x3]  }
0xaf: {  	s0 =	sadd.s32 @!p0 $0x100000, s0  }
0xb0: {  	[sflag:s0] =	ssyncadd.tile.s32 @!p0 $0x1;
	_ =	shalt  }
.Lfunc_end2:
_tile_overlayer_lowered:
.L_overlay_start_2:
0xb1: {  	(tag) =	ssettag $0x2  }
0xb2: {  	s0 =	rddreg [dreg:$0x0];
	s2 =	stileid.u32  }
0xb3: {  	s1 =	rddreg [dreg:$0x1];
	p0 =	sne.s32 s2, $0x0  }
0xb4: {  	s3 =	rddreg [dreg:$0x2];
	[bflag:$0x3] =	sbarrier.arrive $0xFFFF;
	s2 =	simm.s32 @!p0 $0x1C0B  }
0xb5: {  	[timem:s3], [sflag:s2] =	dma.local @!p0 [hbm:s0], s1  }
0xb6: {  	s0 =	simm.s32 @!p0 $0xB  }
0xb7: {  	_ =	swait.ge @!p0 [sflag:s0], s1  }
0xb8: {  	s1 =	ssub.s32 @!p0 $0x0, s1;
	[sflag:s0] =	ssyncset.done @!p0 $0x0  }
0xb9: {  	[sflag:s0] =	ssyncadd.s32 @!p0 s1  }
0xba: {  	[bflag:$0x3] =	sbarrier.arrive $0xFFFF  }
0xbb: {  	_ =	shalt  }

// kernel: kernel.15.cloned.1.call-start
scs
__scs_entry_jumppad:
0x0: {  	(pc) =	sbr.rel $0x88, $3  }
0x1: {  	(tag) =	ssettag $0x0;
	lr =	simm.s32 $0x1  }
0x2: {  	[smem:$0x3F95] =	sst lr;
	_ =	strace $0xD0000000  }
0x3: {  	_ = 	snop  }
0x4: {  	_ = 	snop  }
0x5: {  	_ = 	snop  }
0x6: {  	_ = 	snop  }
0x7: {  	_ = 	snop  }
__scs_overlays_trampoline_lowered:
0x8: {  	[smem:$0x3FA4] =	sst s0  }
0x9: {  	[smem:$0x3FA5] =	sst s1  }
0xa: {  	[smem:$0x3FA6] =	sst s2  }
0xb: {  	[smem:$0x3FA7] =	sst s3  }
0xc: {  	[smem:$0x3FA8] =	sst s4  }
0xd: {  	[smem:$0x3FA9] =	sst s5  }
0xe: {  	[smem:$0x3FAA] =	sst s6  }
0xf: {  	[smem:$0x3FAB] =	sst s7  }
0x10: {  	[smem:$0x3FAC] =	sst s8  }
0x11: {  	[smem:$0x3FAD] =	sst s9;
	s0 =	simm.s32 @!p0 $0x0  }
0x12: {  	s1 =	sld [smem:$0x3F93];
	s0 =	simm.s32 @p0 $0x1  }
0x13: {  	[smem:$0x3FAE] =	sst s0;
	s0 =	simm.s32 @!p1 $0x0  }
0x14: {  	s2 =	sld [smem:$0x3F92];
	s0 =	simm.s32 @p1 $0x1  }
0x15: {  	[smem:$0x3FAF] =	sst s0;
	s0 =	simm.s32 @!p2 $0x0  }
0x16: {  	s3 =	sld [smem:$0x3FDB];
	s0 =	simm.s32 @p2 $0x1  }
0x17: {  	s4 =	simm.s32 $0x1BF5;
	[smem:$0x3FB1] =	sst s0  }
0x18: {  	s0 =	sld [smem:$0x3F94];
	_ =	swait.ge [sflag:s4], $0x0  }
0x19: {  	s7 =	sld [smem:$0x3F95]  }
0x1a: {  	s8 =	sadd.s32 $0xFFFFE003, lr  }
0x1b: {  	s9 =	sadd.s32 $0xFFFFFEF7, lr;
	s5 =	simm.s32 $0xFFFFFFFF;
	p2 =	slt.u32 s8, $0xFFFFF086  }
0x1c: {  	p1 =	slt.u32 s9, $0xF7A;
	s5 =	simm.s32 @!p2 $0x0  }
0x1d: {  	s5 =	simm.s32 @p1 $0x1;
	p0 =	seq.s32 s7, s2  }
0x1e: {  	s7 =	smul.u32 @!p0 $0xF7A, s2;
	p2 =	seq.s32 @!p0 s5, $0x0  }
0x1f: {  	s9 =	smul.u32 $0xF7A, s1;
	s8 =	simm.s32 @!p0 $0x1BF5;
	p2 =	por !p2, p0  }
0x20: {  	[sflag:s8] =	ssyncset.s32 @!p0 $0xFFFFF086;
	s6 =	sadd.s32 @!p0 s3, s7;
	s7 =	simm.s32 @!p0 $0x108  }
0x21: {  	s3 =	sadd.s32 s3, s9;
	s6 =	sadd.s32 @!p0 $0x88, s6;
	s7 =	simm.s32 @p2 $0x1082  }
0x22: {  	[simem:s7], [sflag:s8] =	dma.local @!p0 [hbm:s6], $0xF7A  }
0x23: {  	s9 =	sor.u32 $0xD0000000, s2;
	s6 =	simm.s32 $0x108;
	_ =	swait.ge @!p0 [sflag:s8], $0x0  }
0x24: {  	s3 =	sadd.s32 $0x88, s3;
	s6 =	simm.s32 @!p1 $0x1082;
	[sflag:s4] =	ssyncset.s32 $0xFFFFF086  }
0x25: {  	[simem:s6], [sflag:s4] =	dma.local [hbm:s3], $0xF7A  }
0x26: {  	[smem:$0x3F95] =	sst s1;
	(tag) =	ssettag s2;
	_ =	strace s9  }
0x27: {  	s1 =	sld [smem:$0x3FA5]  }
0x28: {  	s2 =	sld [smem:$0x3FA6]  }
0x29: {  	s4 =	sld [smem:$0x3FA8]  }
0x2a: {  	p0 =	seq.s32 s5, $0x0;
	s5 =	sld [smem:$0x3FA9]  }
0x2b: {  	s6 =	sld [smem:$0x3FAA]  }
0x2c: {  	s7 =	sld [smem:$0x3FAB]  }
0x2d: {  	s3 =	simm.s32 $0x108;
	s8 =	sld [smem:$0x3FAC]  }
0x2e: {  	s3 =	simm.s32 @!p0 $0x1082;
	s9 =	sld [smem:$0x3FAD]  }
0x2f: {  	lr =	sadd.s32 s0, s3;
	s0 =	sld [smem:$0x3FA4]  }
0x30: {  	s3 =	sld [smem:$0x3FA7]  }
0x31: {  	[smem:$0x3FB0] =	sst s10  }
0x32: {  	s10 =	sld [smem:$0x3FAE];
	_ =	sdelay $0x3  }
0x33: {  	p0 =	seq.s32 s10, $0x1;
	s10 =	sld [smem:$0x3FB0];
	_ =	sdelay $0x3  }
0x34: {  	[smem:$0x3FB0] =	sst s10  }
0x35: {  	s10 =	sld [smem:$0x3FAF];
	_ =	sdelay $0x3  }
0x36: {  	p1 =	seq.s32 s10, $0x1;
	s10 =	sld [smem:$0x3FB0];
	_ =	sdelay $0x3  }
0x37: {  	[smem:$0x3FB0] =	sst s10  }
0x38: {  	s10 =	sld [smem:$0x3FB1]  }
0x39: {  	_ = 	snop;
	(pc) =	sbr.ind lr, $3  }
0x3a: {  	_ = 	snop  }
0x3b: {  	_ = 	snop  }
0x3c: {  	p2 =	seq.s32 s10, $0x1;
	s10 =	sld [smem:$0x3FB0]  }
0x3d: {  	_ =	shalt  }
0x3e: {  	_ =	shalt  }
0x3f: {  	_ =	shalt  }
0x40: {  	_ =	shalt  }
0x41: {  	_ =	shalt  }
0x42: {  	_ =	shalt  }
0x43: {  	_ =	shalt  }
0x44: {  	_ =	shalt  }
0x45: {  	_ =	shalt  }
0x46: {  	_ =	shalt  }
0x47: {  	_ =	shalt  }
0x48: {  	_ =	shalt  }
0x49: {  	_ =	shalt  }
0x4a: {  	_ =	shalt  }
0x4b: {  	_ =	shalt  }
0x4c: {  	_ =	shalt  }
0x4d: {  	_ =	shalt  }
0x4e: {  	_ =	shalt  }
0x4f: {  	_ =	shalt  }
0x50: {  	_ =	shalt  }
0x51: {  	_ =	shalt  }
0x52: {  	_ =	shalt  }
0x53: {  	_ =	shalt  }
0x54: {  	_ =	shalt  }
0x55: {  	_ =	shalt  }
0x56: {  	_ =	shalt  }
0x57: {  	_ =	shalt  }
0x58: {  	_ =	shalt  }
0x59: {  	_ =	shalt  }
0x5a: {  	_ =	shalt  }
0x5b: {  	_ =	shalt  }
0x5c: {  	_ =	shalt  }
0x5d: {  	_ =	shalt  }
0x5e: {  	_ =	shalt  }
0x5f: {  	_ =	shalt  }
0x60: {  	_ =	shalt  }
0x61: {  	_ =	shalt  }
0x62: {  	_ =	shalt  }
0x63: {  	_ =	shalt  }
0x64: {  	_ =	shalt  }
0x65: {  	_ =	shalt  }
0x66: {  	_ =	shalt  }
0x67: {  	_ =	shalt  }
0x68: {  	_ =	shalt  }
0x69: {  	_ =	shalt  }
0x6a: {  	_ =	shalt  }
0x6b: {  	_ =	shalt  }
0x6c: {  	_ =	shalt  }
0x6d: {  	_ =	shalt  }
0x6e: {  	_ =	shalt  }
0x6f: {  	_ =	shalt  }
0x70: {  	_ =	shalt  }
0x71: {  	_ =	shalt  }
0x72: {  	_ =	shalt  }
0x73: {  	_ =	shalt  }
0x74: {  	_ =	shalt  }
0x75: {  	_ =	shalt  }
0x76: {  	_ =	shalt  }
0x77: {  	_ =	shalt  }
0x78: {  	_ =	shalt  }
0x79: {  	_ =	shalt  }
0x7a: {  	_ =	shalt  }
0x7b: {  	_ =	shalt  }
0x7c: {  	_ =	shalt  }
0x7d: {  	_ =	shalt  }
0x7e: {  	_ =	shalt  }
0x7f: {  	_ =	shalt  }
0x80: {  	_ =	shalt  }
0x81: {  	_ =	shalt  }
0x82: {  	_ =	shalt  }
0x83: {  	_ =	shalt  }
0x84: {  	_ =	shalt  }
0x85: {  	_ =	shalt  }
0x86: {  	_ =	shalt  }
0x87: {  	_ =	shalt  }
.Lfunc_end0:
.L_simem_size_0:
called_computation.1_lowered:
.L_overlay_start_0:
0x88: {  	s2 =	sld [smem:$0x3FD9]  }
0x89: {  	s3 =	sld [smem:$0x3FFE];
	_ =	sdelay $0x1  }
0x8a: {  	s1 =	srdreg.scid  }
0x8b: {  	s0 =	sand.u32 $0x1, s1  }
0x8c: {  	s14 =	sshll.u32 s0, $0xA;
	s2 =	sadd.s32 s3, s2  }
0x8d: {  	s2 =	sadd.s32 s2, s14  }
0x8e: {  	[smem:$0x3FBC] =	sst s2  }
0x8f: {  	_ = 	snop  }
0x90: {  	s2 =	sld [smem:$0x3FD0];
	_ =	sdelay $0x2  }
0x91: {  	s15 =	simm.s32 $0xA;
	s4 =	simm.s32 $0x10  }
0x92: {  	[smem:s4], [sflag:s15] =	dma.local [hbm:s2], $0x1  }
0x93: {  	_ =	swait.eq [sflag:s15], $0x1  }
0x94: {  	[sflag:s15] =	ssyncset.done $0x0  }
0x95: {  	[sflag:s15] =	ssyncadd.s32 $0xFFFFFFFF  }
0x96: {  	s16 =	sld [smem:$0x12];
	(tm) =	ssettm $0x1  }
0x97: {  	s17 =	sld [smem:$0x3FFB];
	_ =	sdelay $0x3  }
0x98: {  	_ =	strace s17  }
0x99: {  	s3 =	sld [smem:$0x3FFC];
	_ =	sdelay $0x3  }
0x9a: {  	_ =	strace s3  }
0x9b: {  	s3 =	sld [smem:$0x3FFD];
	_ =	sdelay $0x3  }
0x9c: {  	_ =	strace s3  }
0x9d: {  	_ =	strace $0x8FFFFFFF  }
0x9e: {  	s18 =	sld [smem:$0x3FDB];
	_ =	sdelay $0x1  }
0x9f: {  	s19 =	simm.s32 $_scs_section_size  }
0xa0: {  	s5 =	simm.s32 $_size__tile_overlayer_lowered;
	s6 =	simm.s32 $_tile_overlayer_lowered  }
0xa1: {  	s22 =	simm.s32 $0x1BFF;
	s21 =	sshll.u32 s6, $0x1;
	s3 =	sadd.s32 s19, s18  }
0xa2: {  	s7 =	simm.s32 $0x0;
	s20 =	sshll.u32 s5, $0x1;
	s5 =	sadd.s32 s21, s3  }
0xa3: {  	[timem:s7], [sflag:s22] =	dma.local [hbm:s5], s20  }
0xa4: {  	_ =	swait.ge [sflag:s22], s20  }
0xa5: {  	s4 =	ssub.s32 $0x0, s20;
	[sflag:s22] =	ssyncset.done $0x0  }
0xa6: {  	[sflag:s22] =	ssyncadd.s32 s4;
	_ =	sdelay $0x1  }
0xa7: {  	s23 =	simm.s32 $0x1B8B  }
0xa8: {  	_ =	swait.ge [sflag:s23], $0x1  }
0xa9: {  	[sflag:s23] =	ssyncset.done $0x0  }
0xaa: {  	s25 =	simm.s32 $0x1B8E;
	s24 =	sld [smem:$0x3FFE];
	[sflag:s23] =	ssyncadd.s32 $0xFFFFFFFF  }
0xab: {  	s26 =	simm.s32 $execute0_lowered;
	[smem:$0x3FD2] =	sst s25  }
0xac: {  	s5 =	sshll.u32 s26, $0x1;
	_ =	strace $0x80000049;
	[dreg:$0x1] =	wrdreg $0xFFFFFFFF  }
0xad: {  	s28 =	simm.s32 $_size_execute0_lowered;
	s3 =	sadd.s32 s3, s5;
	[dreg:$0x0] =	wrdreg $0x0  }
0xae: {  	s5 =	sshll.u32 s28, $0x1;
	[dreg:$0x2] =	wrdreg s3  }
0xaf: {  	[dreg:$0x3] =	wrdreg s5  }
0xb0: {  	[dreg:$0x4] =	wrdreg $0xC0  }
0xb1: {  	_ =	task [dreg:s7], $0x5FFFF  }
0xb2: {  	[dreg:$0x1] =	wrdreg $0xFFFFFFFF  }
0xb3: {  	[dreg:$0x0] =	wrdreg $0x60  }
0xb4: {  	[dreg:$0x2] =	wrdreg s24  }
0xb5: {  	[dreg:$0x3] =	wrdreg s16  }
0xb6: {  	[dreg:$0x4] =	wrdreg $0xA4000  }
0xb7: {  	[dreg:$0x5] =	wrdreg $0x9  }
0xb8: {  	_ =	task.clear_ibuf [dreg:s7], $0x6FFFF;
	_ =	strace $0x90000049  }
0xb9: {  	s29 =	simm.s32 $0x9;
	_ =	strace $0x8000004B  }
0xba: {  	_ =	swait.ge [sflag:s29], $0x1  }
0xbb: {  	[sflag:s29] =	ssyncadd.s32 $0xFFFFFFFF  }
0xbc: {  	_ =	strace $0x9000004B  }
0xbd: {  	_ =	sfence  }
0xbe: {  	s30 =	sld [smem:$0x0];
	_ =	sdelay $0x2  }
0xbf: {  	s31 =	sshll.u32 s1, $0xD;
	s1 =	sshrl.u32 s1, $0x2  }
0xc0: {  	s3 =	sand.u32 $0x4000, s31;
	s1 =	sadd.s32 s1, s30  }
0xc1: {  	s0 =	sor.u32 s3, s0;
	s1 =	sshll.u32 s1, $0x11  }
0xc2: {  	s0 =	sor.u32 s1, s0  }
0xc3: {  	s0 =	sadd.s32 $0x8F2B, s0  }
0xc4: {  	[sflag:s0] =	ssyncadd.remote.s32 $0x1  }
0xc5: {  	_ =	sfence.sel $0xFFFF  }
0xc6: {  	[dreg:$0x0] =	wrdreg $0xFFFFFFFF;
	(pc) =	sbr.abs _section_cstart, $3  }
0xc7: {  	[dreg:$0x1] =	wrdreg $0xFFFFFFFF  }
0xc8: {  	_ =	task.clear_ibuf [dreg:s7], $0x2FFFF;
	_ =	strace $0x9FFFFFFF  }
0xc9: {  	(tm) =	ssettm $0x7FFFFFFF  }
tec
execute0_lowered:
.L_overlay_start_1:
0x0: {  	(tag) =	ssettag $0x1  }
0x1: {  	s1 =	rddreg [dreg:$0x0]  }
0x2: {  	s0 =	srdreg.scid;
	s2 =	rddreg [dreg:$0x1]  }
0x3: {  	s3 =	rddreg [dreg:$0x2];
	s17 =	stileid.u32;
	s28 =	simm.s32 $0x6  }
0x4: {  	s29 =	simm.s32 $0x7;
	s4 =	sand.u32 $0x1, s0;
	s6 =	smul.u32 $0x13800, s17  }
0x5: {  	s30 =	simm.s32 $0x8;
	s31 =	simm.s32 $0x9;
	s23 =	smul.u32 $0x138800, s4  }
0x6: {  	s7 =	sadd.s32 $0x17A00, s1;
	s0 =	ssub.s32 $0x2, s4;
	s22 =	smul.u32 $0x27100, s4  }
0x7: {  	s4 =	sshll.u32 s4, $0x4;
	s5 =	sshrl.u32 s0, $0x1;
	s8 =	sadd.s32 $0x2800, s6  }
0x8: {  	s9 =	sadd.s32 $0x5000, s6;
	s10 =	sadd.s32 $0x7800, s6;
	s11 =	sadd.s32 $0xA000, s6  }
0x9: {  	s13 =	sadd.s32 $0xC800, s6;
	s14 =	sadd.s32 $0xF000, s6;
	s0 =	ssub.s32 s0, s5  }
0xa: {  	s12 =	sadd.s32 s6, s23;
	s6 =	sadd.s32 $0x11800, s6;
	s24 =	sadd.s32 s23, s8  }
0xb: {  	s15 =	sadd.s32 s23, s9;
	s16 =	sadd.s32 s23, s10;
	s18 =	sadd.s32 s23, s14  }
0xc: {  	s5 =	sshrl.u32 s23, $0x3;
	s8 =	sadd.s32 s8, s3;
	s12 =	sshrl.u32 s12, $0x3  }
0xd: {  	s15 =	sshrl.u32 s15, $0x3;
	s26 =	sshrl.u32 s16, $0x3;
	s12 =	sadd.s32 s7, s12  }
0xe: {  	s16 =	sadd.s32 s23, s13;
	[dreg:$0x4] =	wrdreg s12;
	s12 =	sshrl.u32 s24, $0x3  }
0xf: {  	s20 =	sshrl.u32 s18, $0x3;
	s25 =	sadd.s32 s7, s15;
	s12 =	sadd.s32 s7, s12  }
0x10: {  	s15 =	sadd.s32 s23, s11;
	[dreg:$0x5] =	wrdreg s12;
	s12 =	sadd.s32 s7, s26  }
0x11: {  	s21 =	sadd.s32 s23, s6;
	[dreg:$0x7] =	wrdreg s12;
	s12 =	sshrl.u32 s15, $0x3  }
0x12: {  	[dreg:$0x6] =	wrdreg s25;
	s24 =	smul.u32 $0x4E000, s17;
	s12 =	sadd.s32 s7, s12  }
0x13: {  	s15 =	sshrl.u32 s16, $0x3;
	[dreg:$0x8] =	wrdreg s12;
	s12 =	sadd.s32 s7, s20  }
0x14: {  	s19 =	sadd.s32 s7, s15;
	[dreg:$0xa] =	wrdreg s12;
	s12 =	sshrl.u32 s21, $0x3  }
0x15: {  	s9 =	sadd.s32 s9, s3;
	[dreg:$0x9] =	wrdreg s19;
	s12 =	sadd.s32 s7, s12  }
0x16: {  	s26 =	sshrl.u32 s24, $0x2;
	[dreg:$0xb] =	wrdreg s12;
	s12 =	simm.s32 $0x0  }
0x17: {  	s25 =	sor.u32 s17, s4;
	s4 =	sadd.s32 s26, s3;
	[smem:$0x7FF] =	sst s12  }
0x18: {  	s5 =	sadd.s32 s7, s5;
	_ =	strace $0x8000004A;
	[dreg:$0xe] =	wrdreg s4  }
0x19: {  	s18 =	sadd.s32 $0x3E00, s1;
	s16 =	sadd.s32 $0xDC00, s1;
	[dreg:$0xf] =	wrdreg s8  }
0x1a: {  	s1 =	smul.u32 $0x2710, s25;
	s15 =	sadd.s32 s10, s3;
	[dreg:$0x10] =	wrdreg s9  }
0x1b: {  	s23 =	smul.u32 $0x2710, s17;
	s19 =	sadd.s32 s11, s3;
	[dreg:$0x11] =	wrdreg s15  }
0x1c: {  	s20 =	sadd.s32 s13, s3;
	s1 =	sshrl.u32 s1, $0x3;
	[dreg:$0x12] =	wrdreg s19  }
0x1d: {  	s21 =	sadd.s32 s14, s3;
	s7 =	sadd.s32 s23, s22;
	[dreg:$0x13] =	wrdreg s20  }
0x1e: {  	s22 =	sadd.s32 s6, s3;
	s23 =	sadd.s32 $0xA, s1;
	[dreg:$0x14] =	wrdreg s21  }
0x1f: {  	s24 =	sadd.s32 $0x14, s1;
	s25 =	sadd.s32 s16, s23;
	[dreg:$0x15] =	wrdreg s22  }
0x20: {  	p0 =	sne.s32 s17, $0xF;
	s26 =	sadd.s32 s16, s24;
	[dreg:$0x16] =	wrdreg s25  }
0x21: {  	s0 =	smax.u32 s0, $0x1;
	s6 =	sadd.s32 s18, s24;
	[dreg:$0x18] =	wrdreg s26  }
0x22: {  	s17 =	simm.s32 $0x300;
	s10 =	sadd.s32 s18, s1;
	[dreg:$0x19] =	wrdreg s6  }
0x23: {  	s14 =	sadd.s32 $0x230, s7;
	s4 =	sadd.s32 s18, s23;
	[dreg:$0x1b] =	wrdreg s10  }
0x24: {  	s8 =	sadd.s32 s16, s1;
	s9 =	sadd.s32 $0x1E, s1;
	[smem:$0x7F5] =	sst s0  }
0x25: {  	s1 =	sadd.s32 $0x4D8, s1;
	s15 =	sadd.s32 $0x27000, s5;
	[dreg:$0xd] =	wrdreg s18  }
0x26: {  	s19 =	sshrl.u32 s14, $0x3;
	s21 =	sadd.s32 $0x1E0, s7;
	[dreg:$0xc] =	wrdreg s16  }
0x27: {  	s22 =	sadd.s32 $0x190, s7;
	s25 =	sadd.s32 $0x140, s7;
	[dreg:$0x17] =	wrdreg s4  }
0x28: {  	s26 =	sadd.s32 $0x138000, s3;
	s5 =	simm.s32 $0x200;
	[dreg:$0x1a] =	wrdreg s8  }
0x29: {  	s14 =	simm.s32 $0x5400;
	s6 =	simm.s32 $0x4;
	[smem:$0x7F4] =	sst s15  }
0x2a: {  	s7 =	simm.s32 $0x7C00;
	s10 =	simm.s32 $0x0;
	[smem:$0x7FC] =	sst s25  }
0x2b: {  	s11 =	sadd.s32 s16, s9;
	s4 =	sadd.s32 s18, s9;
	[smem:$0x7FD] =	sst s26  }
0x2c: {  	s13 =	sadd.s32 s16, s1;
	s1 =	sadd.s32 s18, s1;
	[dreg:$0x1c] =	wrdreg s11  }
0x2d: {  	s20 =	sadd.s32 s19, s18;
	s0 =	sshrl.u32 s21, $0x3;
	[dreg:$0x1d] =	wrdreg s4  }
0x2e: {  	s24 =	sshrl.u32 s22, $0x3;
	s25 =	simm.s32 $0x400;
	[dreg:$0x1e] =	wrdreg s13  }
0x2f: {  	s26 =	simm.s32 $0x5;
	s15 =	simm.s32 $0x280;
	[dreg:$0x1f] =	wrdreg s1  }
0x30: {  	s21 =	simm.s32 $0x50;
	s22 =	simm.s32 $0x2;
	[smem:$0x7F6] =	sst s20  }
0x31: {  	s1 =	sadd.s32 s19, s16;
	s23 =	sadd.s32 s0, s18;
	s0 =	sadd.s32 s0, s16  }
0x32: {  	s4 =	simm.s32 $0xC;
	s19 =	simm.s32 $0x380;
	[smem:$0x7F7] =	sst s1  }
.Ltmp0:
0x33: {  	s20 =	simm.s32 $0x1;
	[smem:$0x7F8] =	sst s23;
	(pc) =	sbr.rel .LBB2_1-.Ltmp0, $4  }
0x34: {  	s13 =	simm.s32 $0x3;
	[smem:$0x7F9] =	sst s0;
	s1 =	sadd.s32 s24, s18  }
0x35: {  	s0 =	sadd.s32 s24, s16;
	s23 =	simm.s32 $0x80;
	s16 =	simm.s32 $0x100  }
0x36: {  	s18 =	simm.s32 $0x180;
	s24 =	simm.s32 $0x2C00;
	[smem:$0x7FA] =	sst s1  }
0x37: {  	v0 =	vimm.f32 $0.0e+00;
	[smem:$0x7FB] =	sst s0;
	s0 =	simm.s32 $0xA;
	s1 =	simm.s32 $0xB  }
.LBB2_6:
0x38: {  	s8 =	rddreg [dreg:$0x1e]  }
0x39: {  	[tilespmem:s12], [sflag:$0x1] =	stream.linear.gather [hbm4b:s8+s12], $0x50, $0x38;
	[tilespmem:$0x1DC80] =	vst v63  }
0x3a: {  	s10 =	rddreg [dreg:$0x1f]  }
0x3b: {  	[tilespmem:s5], [sflag:$0x1] =	stream.linear.gather [hbm4b:s10+s12], $0x50, $0x38;
	[tilespmem:$0x1DC80] =	vst v63  }
0x3c: {  	_ =	swait.ge [sflag:s20], $0x50  }
0x3d: {  	[sflag:s20] =	ssyncset.done $0x0  }
0x3e: {  	[sflag:s20] =	ssyncadd.s32 $0xFFFFFFB0  }
0x3f: {  	_ =	swait.ge [sflag:s20], $0x50  }
0x40: {  	[sflag:s20] =	ssyncset.done $0x0  }
0x41: {  	[sflag:s20] =	ssyncadd.s32 $0xFFFFFFB0  }
0x42: {  	[tilespmem:s25], [sflag:$0x5] =	stream.indirect.gather [hbm4b:s2+s21], $0x80, s12, s21, $0xb8;
	[tilespmem:$0x1DC80] =	vst v63  }
0x43: {  	_ =	swait.ge [sflag:s26], $0x2800  }
0x44: {  	[sflag:s26] =	ssyncset.done $0x0  }
0x45: {  	[sflag:s26] =	ssyncadd.s32 $0xFFFFD800  }
0x46: {  	[spmem:s3] =	stream.indirect.scatter.add.f32 [tilespmem:s25], [sflag:$0x9], $0x80, s5, s21, $0xb8;
	[tilespmem:$0x1DC80] =	vst v63  }
0x47: {  	_ =	swait.ge [sflag:s31], $0x2800  }
0x48: {  	[sflag:s31] =	ssyncset.done $0x0  }
0x49: {  	[sflag:s31] =	ssyncadd.s32 $0xFFFFD800  }
0x4a: {  	_ =	swait.ge [sflag:s0], $0x2800  }
0x4b: {  	[sflag:s0] =	ssyncset.done $0x0  }
0x4c: {  	[sflag:s0] =	ssyncadd.s32 $0xFFFFD800  }
0x4d: {  	_ =	swait.ge [sflag:s1], $0x2800  }
0x4e: {  	[sflag:s1] =	ssyncset.done $0x0  }
0x4f: {  	[sflag:s1] =	ssyncadd.s32 $0xFFFFD800  }
0x50: {  	_ =	swait.ge [sflag:s4], $0x2800  }
0x51: {  	[sflag:s4] =	ssyncset.done $0x0  }
0x52: {  	[sflag:s4] =	ssyncadd.s32 $0xFFFFD800  }
0x53: {  	[bflag:$0x0] =	sbarrier.arrive $0xFFFF  }
0x54: {  	s11 =	rddreg [dreg:$0xe]  }
0x55: {  	[tilespmem:s25], [sflag:$0x5] =	stream.linear.gather [spmem:s11], $0x2800, $0x38;
	[tilespmem:$0x1DC80] =	vst v63  }
0x56: {  	s9 =	rddreg [dreg:$0xf]  }
0x57: {  	[tilespmem:s24], [sflag:$0x6] =	stream.linear.gather [spmem:s9], $0x2800, $0x38;
	[tilespmem:$0x1DC80] =	vst v63  }
0x58: {  	s10 =	rddreg [dreg:$0x10]  }
0x59: {  	[tilespmem:s14], [sflag:$0x7] =	stream.linear.gather [spmem:s10], $0x2800, $0x38;
	[tilespmem:$0x1DC80] =	vst v63  }
0x5a: {  	s11 =	rddreg [dreg:$0x11]  }
0x5b: {  	[tilespmem:s7], [sflag:$0x8] =	stream.linear.gather [spmem:s11], $0x2800, $0x38;
	[tilespmem:$0x1DC80] =	vst v63  }
0x5c: {  	_ =	swait.ge [sflag:s26], $0x2800  }
0x5d: {  	[sflag:s26] =	ssyncset.done $0x0  }
0x5e: {  	s9 =	rddreg [dreg:$0x4];
	[sflag:s26] =	ssyncadd.s32 $0xFFFFD800  }
0x5f: {  	[hbm4b:s9+s12] =	stream.linear.scatter [tilespmem:s25], [sflag:$0x9], $0x2800, $0x38;
	[tilespmem:$0x1DC80] =	vst v63  }
0x60: {  	_ =	swait.ge [sflag:s31], $0x2800  }
0x61: {  	[sflag:s31] =	ssyncset.done $0x0  }
0x62: {  	s10 =	rddreg [dreg:$0x12];
	[sflag:s31] =	ssyncadd.s32 $0xFFFFD800  }
0x63: {  	[tilespmem:s25], [sflag:$0x5] =	stream.linear.gather [spmem:s10], $0x2800, $0x38;
	[tilespmem:$0x1DC80] =	vst v63  }
0x64: {  	_ =	swait.ge [sflag:s28], $0x2800  }
0x65: {  	[sflag:s28] =	ssyncset.done $0x0  }
0x66: {  	s11 =	rddreg [dreg:$0x5];
	[sflag:s28] =	ssyncadd.s32 $0xFFFFD800  }
0x67: {  	[hbm4b:s11+s12] =	stream.linear.scatter [tilespmem:s24], [sflag:$0xA], $0x2800, $0x38;
	[tilespmem:$0x1DC80] =	vst v63  }
0x68: {  	_ =	swait.ge [sflag:s0], $0x2800  }
0x69: {  	[sflag:s0] =	ssyncset.done $0x0  }
0x6a: {  	s9 =	rddreg [dreg:$0x13];
	[sflag:s0] =	ssyncadd.s32 $0xFFFFD800  }
0x6b: {  	[tilespmem:s24], [sflag:$0x6] =	stream.linear.gather [spmem:s9], $0x2800, $0x38;
	[tilespmem:$0x1DC80] =	vst v63  }
0x6c: {  	_ =	swait.ge [sflag:s29], $0x2800  }
0x6d: {  	[sflag:s29] =	ssyncset.done $0x0  }
0x6e: {  	s10 =	rddreg [dreg:$0x6];
	[sflag:s29] =	ssyncadd.s32 $0xFFFFD800  }
0x6f: {  	[hbm4b:s10+s12] =	stream.linear.scatter [tilespmem:s14], [sflag:$0xB], $0x2800, $0x38;
	[tilespmem:$0x1DC80] =	vst v63  }
0x70: {  	_ =	swait.ge [sflag:s1], $0x2800  }
0x71: {  	[sflag:s1] =	ssyncset.done $0x0  }
0x72: {  	s11 =	rddreg [dreg:$0x14];
	[sflag:s1] =	ssyncadd.s32 $0xFFFFD800  }
0x73: {  	[tilespmem:s14], [sflag:$0x7] =	stream.linear.gather [spmem:s11], $0x2800, $0x38;
	[tilespmem:$0x1DC80] =	vst v63  }
0x74: {  	_ =	swait.ge [sflag:s30], $0x2800  }
0x75: {  	[sflag:s30] =	ssyncset.done $0x0  }
0x76: {  	s9 =	rddreg [dreg:$0x7];
	[sflag:s30] =	ssyncadd.s32 $0xFFFFD800  }
0x77: {  	[hbm4b:s9+s12] =	stream.linear.scatter [tilespmem:s7], [sflag:$0xC], $0x2800, $0x38;
	[tilespmem:$0x1DC80] =	vst v63  }
0x78: {  	_ =	swait.ge [sflag:s4], $0x2800  }
0x79: {  	[sflag:s4] =	ssyncset.done $0x0  }
0x7a: {  	s10 =	rddreg [dreg:$0x15];
	[sflag:s4] =	ssyncadd.s32 $0xFFFFD800  }
0x7b: {  	[tilespmem:s7], [sflag:$0x8] =	stream.linear.gather [spmem:s10], $0x2000, $0x38;
	[tilespmem:$0x1DC80] =	vst v63  }
0x7c: {  	_ =	swait.ge [sflag:s26], $0x2800  }
0x7d: {  	[sflag:s26] =	ssyncset.done $0x0  }
0x7e: {  	s11 =	rddreg [dreg:$0x8];
	[sflag:s26] =	ssyncadd.s32 $0xFFFFD800  }
0x7f: {  	[hbm4b:s11+s12] =	stream.linear.scatter [tilespmem:s25], [sflag:$0x9], $0x2800, $0x38;
	[tilespmem:$0x1DC80] =	vst v63  }
0x80: {  	_ =	swait.ge [sflag:s28], $0x2800  }
0x81: {  	[sflag:s28] =	ssyncset.done $0x0  }
0x82: {  	s9 =	rddreg [dreg:$0x9];
	[sflag:s28] =	ssyncadd.s32 $0xFFFFD800  }
0x83: {  	[hbm4b:s9+s12] =	stream.linear.scatter [tilespmem:s24], [sflag:$0xA], $0x2800, $0x38;
	[tilespmem:$0x1DC80] =	vst v63  }
0x84: {  	_ =	swait.ge [sflag:s29], $0x2800  }
0x85: {  	[sflag:s29] =	ssyncset.done $0x0  }
0x86: {  	s10 =	rddreg [dreg:$0xa];
	[sflag:s29] =	ssyncadd.s32 $0xFFFFD800  }
0x87: {  	[hbm4b:s10+s12] =	stream.linear.scatter [tilespmem:s14], [sflag:$0xB], $0x2800, $0x38;
	[tilespmem:$0x1DC80] =	vst v63  }
0x88: {  	_ =	swait.ge [sflag:s30], $0x2000  }
0x89: {  	[sflag:s30] =	ssyncset.done $0x0  }
0x8a: {  	s11 =	rddreg [dreg:$0xb];
	[sflag:s30] =	ssyncadd.s32 $0xFFFFE000  }
0x8b: {  	[hbm4b:s11+s12] =	stream.linear.scatter [tilespmem:s7], [sflag:$0xC], $0x2000, $0x38;
	[tilespmem:$0x1DC80] =	vst v63  }
0x8c: {  	_ =	swait.ge [sflag:s31], $0x2800  }
0x8d: {  	[sflag:s31] =	ssyncset.done $0x0  }
0x8e: {  	[sflag:s31] =	ssyncadd.s32 $0xFFFFD800  }
0x8f: {  	_ =	swait.ge [sflag:s0], $0x2800  }
0x90: {  	[sflag:s0] =	ssyncset.done $0x0  }
0x91: {  	[sflag:s0] =	ssyncadd.s32 $0xFFFFD800  }
0x92: {  	_ =	swait.ge [sflag:s1], $0x2800  }
0x93: {  	[sflag:s1] =	ssyncset.done $0x0  }
0x94: {  	[sflag:s1] =	ssyncadd.s32 $0xFFFFD800  }
0x95: {  	_ =	swait.ge [sflag:s4], $0x2000  }
0x96: {  	s9 =	sld [smem:$0x7FD]  }
0x97: {  	[sflag:s4] =	ssyncset.done $0x0  }
0x98: {  	s8 =	simm.s32 @!p0 $0x400;
	[sflag:s4] =	ssyncadd.s32 $0xFFFFE000  }
0x99: {  	[tilespmem:s8], [sflag:$0xD] =	stream.linear.gather @!p0 [spmem:s9], $0x800, $0x38;
	[tilespmem:$0x1DC80] =	vst v63  }
0x9a: {  	s9 =	simm.s32 @!p0 $0xD  }
0x9b: {  	_ =	swait.ge @!p0 [sflag:s9], $0x800  }
0x9c: {  	s11 =	sld [smem:$0x7F4]  }
0x9d: {  	[sflag:s9] =	ssyncset.done @!p0 $0x0  }
0x9e: {  	s10 =	simm.s32 @!p0 $0x0;
	[sflag:s9] =	ssyncadd.s32 @!p0 $0xFFFFF800  }
0x9f: {  	[hbm4b:s11+s10] =	stream.linear.scatter @!p0 [tilespmem:s8], [sflag:$0xD], $0x800, $0x38;
	[tilespmem:$0x1DC80] =	vst v63  }
0xa0: {  	_ =	swait.ge @!p0 [sflag:s9], $0x800  }
0xa1: {  	s8 =	sld [smem:$0x7F3]  }
0xa2: {  	s11 =	sld [smem:$0x7F5];
	_ =	sdelay $0x1  }
0xa3: {  	s10 =	sadd.s32 $0x1, s8  }
0xa4: {  	p1 =	sne.s32 s10, s11  }
.Ltmp1:
0xa5: {  	_ = 	snop;
	(pc) =	sbr.rel @!p1 .LBB2_7-.Ltmp1, $3  }
0xa6: {  	_ =	sdelay $0x1  }
0xa7: {  	[sflag:s9] =	ssyncset.done @!p0 $0x0  }
0xa8: {  	[sflag:s9] =	ssyncadd.s32 @!p0 $0xFFFFF800  }
.LBB2_1:
0xa9: {  	[smem:$0x7F3] =	sst s10;
	s8 =	simm.s32 $0x0;
	s9 =	simm.s32 $0x200  }
.LBB2_2:
0xaa: {  	p1 =	sne.s32 s9, $0x9E00;
	[tilespmem:s8+$0x470] =	vst v0  }
0xab: {  	[tilespmem:s8+$0x400] =	vst v0  }
0xac: {  	[tilespmem:s8+$0x410] =	vst v0  }
.Ltmp2:
0xad: {  	[tilespmem:s8+$0x420] =	vst v0;
	(pc) =	sbr.rel @p1 .LBB2_2-.Ltmp2, $4  }
0xae: {  	[tilespmem:s8+$0x430] =	vst v0  }
0xaf: {  	[tilespmem:s8+$0x440] =	vst v0  }
0xb0: {  	[tilespmem:s8+$0x450] =	vst v0  }
0xb1: {  	[tilespmem:s8+$0x460] =	vst v0;
	s8 =	sshra.s32 s9, $0x2;
	s9 =	sadd.s32 $0x200, s9  }
0xb2: {  	[tilespmem:s8+$0x470] =	vst v0  }
0xb3: {  	[tilespmem:s8+$0x400] =	vst v0  }
0xb4: {  	[tilespmem:s8+$0x410] =	vst v0  }
0xb5: {  	[tilespmem:s8+$0x420] =	vst v0  }
0xb6: {  	[tilespmem:s8+$0x430] =	vst v0  }
0xb7: {  	[tilespmem:s8+$0x440] =	vst v0  }
0xb8: {  	[tilespmem:s8+$0x450] =	vst v0  }
0xb9: {  	[tilespmem:s8+$0x460] =	vst v0;
	s11 =	rddreg [dreg:$0xe]  }
0xba: {  	[spmem:s11] =	stream.linear.scatter [tilespmem:s25], [sflag:$0x5], $0x2800, $0x38;
	[tilespmem:$0x1DC80] =	vst v63  }
0xbb: {  	s9 =	rddreg [dreg:$0xf]  }
0xbc: {  	[spmem:s9] =	stream.linear.scatter [tilespmem:s25], [sflag:$0x6], $0x2800, $0x38;
	[tilespmem:$0x1DC80] =	vst v63  }
0xbd: {  	s10 =	rddreg [dreg:$0x10]  }
0xbe: {  	[spmem:s10] =	stream.linear.scatter [tilespmem:s25], [sflag:$0x7], $0x2800, $0x38;
	[tilespmem:$0x1DC80] =	vst v63  }
0xbf: {  	s11 =	rddreg [dreg:$0x11]  }
0xc0: {  	[spmem:s11] =	stream.linear.scatter [tilespmem:s25], [sflag:$0x8], $0x2800, $0x38;
	[tilespmem:$0x1DC80] =	vst v63  }
0xc1: {  	s9 =	rddreg [dreg:$0x12]  }
0xc2: {  	[spmem:s9] =	stream.linear.scatter [tilespmem:s25], [sflag:$0x9], $0x2800, $0x38;
	[tilespmem:$0x1DC80] =	vst v63  }
0xc3: {  	s10 =	rddreg [dreg:$0x13]  }
0xc4: {  	[spmem:s10] =	stream.linear.scatter [tilespmem:s25], [sflag:$0xA], $0x2800, $0x38;
	[tilespmem:$0x1DC80] =	vst v63  }
0xc5: {  	s11 =	rddreg [dreg:$0x14]  }
0xc6: {  	[spmem:s11] =	stream.linear.scatter [tilespmem:s25], [sflag:$0xB], $0x2800, $0x38;
	[tilespmem:$0x1DC80] =	vst v63  }
0xc7: {  	s9 =	rddreg [dreg:$0x15]  }
0xc8: {  	[spmem:s9] =	stream.linear.scatter [tilespmem:s25], [sflag:$0xC], $0x2000, $0x38;
	[tilespmem:$0x1DC80] =	vst v63  }
0xc9: {  	s9 =	sld [smem:$0x7FD];
	_ =	sdelay $0x1  }
0xca: {  	s8 =	simm.s32 @!p0 $0x400  }
0xcb: {  	[spmem:s9] =	stream.linear.scatter @!p0 [tilespmem:s8], [sflag:$0x1], $0x800, $0x38;
	[tilespmem:$0x1DC80] =	vst v63  }
0xcc: {  	s8 =	simm.s32 @!p0 $0x1  }
0xcd: {  	_ =	swait.ge @!p0 [sflag:s8], $0x800  }
0xce: {  	[sflag:s8] =	ssyncset.done @!p0 $0x0  }
0xcf: {  	[sflag:s8] =	ssyncadd.s32 @!p0 $0xFFFFF800  }
0xd0: {  	_ =	swait.ge [sflag:s26], $0x2800  }
0xd1: {  	[sflag:s26] =	ssyncset.done $0x0  }
0xd2: {  	[sflag:s26] =	ssyncadd.s32 $0xFFFFD800  }
0xd3: {  	_ =	swait.ge [sflag:s28], $0x2800  }
0xd4: {  	[sflag:s28] =	ssyncset.done $0x0  }
0xd5: {  	[sflag:s28] =	ssyncadd.s32 $0xFFFFD800  }
0xd6: {  	_ =	swait.ge [sflag:s29], $0x2800  }
0xd7: {  	[sflag:s29] =	ssyncset.done $0x0  }
0xd8: {  	[sflag:s29] =	ssyncadd.s32 $0xFFFFD800  }
0xd9: {  	_ =	swait.ge [sflag:s30], $0x2800  }
0xda: {  	[sflag:s30] =	ssyncset.done $0x0  }
0xdb: {  	[sflag:s30] =	ssyncadd.s32 $0xFFFFD800  }
0xdc: {  	_ =	swait.ge [sflag:s31], $0x2800  }
0xdd: {  	[sflag:s31] =	ssyncset.done $0x0  }
0xde: {  	[sflag:s31] =	ssyncadd.s32 $0xFFFFD800  }
0xdf: {  	_ =	swait.ge [sflag:s0], $0x2800  }
0xe0: {  	[sflag:s0] =	ssyncset.done $0x0  }
0xe1: {  	[sflag:s0] =	ssyncadd.s32 $0xFFFFD800  }
0xe2: {  	_ =	swait.ge [sflag:s1], $0x2800  }
0xe3: {  	[sflag:s1] =	ssyncset.done $0x0  }
0xe4: {  	[sflag:s1] =	ssyncadd.s32 $0xFFFFD800  }
0xe5: {  	_ =	swait.ge [sflag:s4], $0x2000  }
0xe6: {  	[sflag:s4] =	ssyncset.done $0x0  }
0xe7: {  	[sflag:s4] =	ssyncadd.s32 $0xFFFFE000  }
0xe8: {  	[bflag:$0x0] =	sbarrier.arrive $0xFFFF  }
0xe9: {  	s10 =	rddreg [dreg:$0x1a]  }
0xea: {  	s8 =	simm.s32 $0x0;
	s11 =	rddreg [dreg:$0x1b]  }
0xeb: {  	[tilespmem:s8], [sflag:$0x1] =	stream.linear.gather [hbm4b:s10+s8], $0x50, $0x38;
	[tilespmem:$0x1DC80] =	vst v63  }
0xec: {  	s9 =	sld [smem:$0x7FC]  }
0xed: {  	[tilespmem:s5], [sflag:$0x1] =	stream.linear.gather [hbm4b:s11+s8], $0x50, $0x38;
	[tilespmem:$0x1DC80] =	vst v63  }
0xee: {  	s10 =	rddreg [dreg:$0x16]  }
0xef: {  	[tilespmem:s23], [sflag:$0x2] =	stream.linear.gather [hbm4b:s10+s8], $0x50, $0x38;
	[tilespmem:$0x1DC80] =	vst v63  }
0xf0: {  	s11 =	rddreg [dreg:$0x17]  }
0xf1: {  	[tilespmem:s15], [sflag:$0x2] =	stream.linear.gather [hbm4b:s11+s8], $0x50, $0x38;
	[tilespmem:$0x1DC80] =	vst v63  }
0xf2: {  	s10 =	rddreg [dreg:$0x18]  }
0xf3: {  	[tilespmem:s16], [sflag:$0x3] =	stream.linear.gather [hbm4b:s10+s8], $0x50, $0x38;
	[tilespmem:$0x1DC80] =	vst v63  }
0xf4: {  	s11 =	rddreg [dreg:$0x19]  }
0xf5: {  	[tilespmem:s17], [sflag:$0x3] =	stream.linear.gather [hbm4b:s11+s8], $0x50, $0x38;
	[tilespmem:$0x1DC80] =	vst v63  }
0xf6: {  	s10 =	rddreg [dreg:$0x1c]  }
0xf7: {  	[tilespmem:s18], [sflag:$0x4] =	stream.linear.gather [hbm4b:s10+s8], $0x50, $0x38;
	[tilespmem:$0x1DC80] =	vst v63  }
0xf8: {  	s11 =	rddreg [dreg:$0x1d]  }
0xf9: {  	[tilespmem:s19], [sflag:$0x4] =	stream.linear.gather [hbm4b:s11+s8], $0x50, $0x38;
	[tilespmem:$0x1DC80] =	vst v63  }
.LBB2_4:
0xfa: {  	_ =	swait.ge [sflag:s20], $0x50  }
0xfb: {  	[sflag:s20] =	ssyncset.done $0x0  }
0xfc: {  	[sflag:s20] =	ssyncadd.s32 $0xFFFFFFB0  }
0xfd: {  	_ =	swait.ge [sflag:s20], $0x50  }
0xfe: {  	[sflag:s20] =	ssyncset.done $0x0  }
0xff: {  	[sflag:s20] =	ssyncadd.s32 $0xFFFFFFB0  }
0x100: {  	[tilespmem:s25], [sflag:$0x5] =	stream.indirect.gather [hbm4b:s2+s21], $0x80, s12, s21, $0xb8;
	[tilespmem:$0x1DC80] =	vst v63  }
0x101: {  	_ =	swait.ge [sflag:s22], $0x50  }
0x102: {  	[sflag:s22] =	ssyncset.done $0x0  }
0x103: {  	[sflag:s22] =	ssyncadd.s32 $0xFFFFFFB0  }
0x104: {  	_ =	swait.ge [sflag:s22], $0x50  }
0x105: {  	[sflag:s22] =	ssyncset.done $0x0  }
0x106: {  	[sflag:s22] =	ssyncadd.s32 $0xFFFFFFB0  }
0x107: {  	[tilespmem:s24], [sflag:$0x6] =	stream.indirect.gather [hbm4b:s2+s21], $0x80, s23, s21, $0xb8;
	[tilespmem:$0x1DC80] =	vst v63  }
0x108: {  	_ =	swait.ge [sflag:s13], $0x50  }
0x109: {  	[sflag:s13] =	ssyncset.done $0x0  }
0x10a: {  	[sflag:s13] =	ssyncadd.s32 $0xFFFFFFB0  }
0x10b: {  	_ =	swait.ge [sflag:s13], $0x50  }
0x10c: {  	[sflag:s13] =	ssyncset.done $0x0  }
0x10d: {  	[sflag:s13] =	ssyncadd.s32 $0xFFFFFFB0  }
0x10e: {  	[tilespmem:s14], [sflag:$0x7] =	stream.indirect.gather [hbm4b:s2+s21], $0x80, s16, s21, $0xb8;
	[tilespmem:$0x1DC80] =	vst v63  }
0x10f: {  	_ =	swait.ge [sflag:s6], $0x50  }
0x110: {  	[sflag:s6] =	ssyncset.done $0x0  }
0x111: {  	[sflag:s6] =	ssyncadd.s32 $0xFFFFFFB0  }
0x112: {  	_ =	swait.ge [sflag:s6], $0x50  }
0x113: {  	[sflag:s6] =	ssyncset.done $0x0  }
0x114: {  	[sflag:s6] =	ssyncadd.s32 $0xFFFFFFB0  }
0x115: {  	[tilespmem:s7], [sflag:$0x8] =	stream.indirect.gather [hbm4b:s2+s21], $0x80, s18, s21, $0xb8;
	[tilespmem:$0x1DC80] =	vst v63  }
0x116: {  	_ =	swait.ge [sflag:s26], $0x2800  }
0x117: {  	[sflag:s26] =	ssyncset.done $0x0  }
0x118: {  	[sflag:s26] =	ssyncadd.s32 $0xFFFFD800  }
0x119: {  	[spmem:s3] =	stream.indirect.scatter.add.f32 [tilespmem:s25], [sflag:$0x9], $0x80, s5, s21, $0xb8;
	[tilespmem:$0x1DC80] =	vst v63  }
0x11a: {  	_ =	swait.ge [sflag:s28], $0x2800  }
0x11b: {  	[sflag:s28] =	ssyncset.done $0x0  }
0x11c: {  	[sflag:s28] =	ssyncadd.s32 $0xFFFFD800  }
0x11d: {  	[spmem:s3] =	stream.indirect.scatter.add.f32 [tilespmem:s24], [sflag:$0xA], $0x80, s15, s21, $0xb8;
	[tilespmem:$0x1DC80] =	vst v63  }
0x11e: {  	_ =	swait.ge [sflag:s29], $0x2800  }
0x11f: {  	[sflag:s29] =	ssyncset.done $0x0  }
0x120: {  	[sflag:s29] =	ssyncadd.s32 $0xFFFFD800  }
0x121: {  	[spmem:s3] =	stream.indirect.scatter.add.f32 [tilespmem:s14], [sflag:$0xB], $0x80, s17, s21, $0xb8;
	[tilespmem:$0x1DC80] =	vst v63  }
0x122: {  	_ =	swait.ge [sflag:s30], $0x2800  }
0x123: {  	p1 =	seq.s32 s8, $0x4B0;
	[sflag:s30] =	ssyncset.done $0x0  }
.Ltmp3:
0x124: {  	[sflag:s30] =	ssyncadd.s32 $0xFFFFD800;
	(pc) =	sbr.rel @p1 .LBB2_6-.Ltmp3, $4  }
0x125: {  	[spmem:s3] =	stream.indirect.scatter.add.f32 [tilespmem:s7], [sflag:$0xC], $0x80, s19, s21, $0xb8;
	[tilespmem:$0x1DC80] =	vst v63  }
0x126: {  	_ =	swait.ge [sflag:s31], $0x2800  }
0x127: {  	[sflag:s31] =	ssyncset.done $0x0  }
0x128: {  	[sflag:s31] =	ssyncadd.s32 $0xFFFFD800  }
0x129: {  	s10 =	sshrl.u32 s9, $0x3;
	s11 =	rddreg [dreg:$0xc]  }
0x12a: {  	s11 =	sadd.s32 s11, s10  }
0x12b: {  	[tilespmem:s12], [sflag:$0x1] =	stream.linear.gather [hbm4b:s11+s12], $0x50, $0x38;
	[tilespmem:$0x1DC80] =	vst v63  }
0x12c: {  	s11 =	rddreg [dreg:$0xd]  }
0x12d: {  	s10 =	sadd.s32 s11, s10  }
0x12e: {  	[tilespmem:s5], [sflag:$0x1] =	stream.linear.gather [hbm4b:s10+s12], $0x50, $0x38;
	[tilespmem:$0x1DC80] =	vst v63  }
0x12f: {  	_ =	swait.ge [sflag:s0], $0x2800  }
0x130: {  	s11 =	sld [smem:$0x7FB];
	_ =	sdelay $0x2  }
0x131: {  	[sflag:s0] =	ssyncset.done $0x0;
	s10 =	sadd.s32 s8, s11;
	s11 =	sld [smem:$0x7FA]  }
0x132: {  	[sflag:s0] =	ssyncadd.s32 $0xFFFFD800  }
0x133: {  	[tilespmem:s23], [sflag:$0x2] =	stream.linear.gather [hbm4b:s10+s12], $0x50, $0x38;
	[tilespmem:$0x1DC80] =	vst v63  }
0x134: {  	s10 =	sadd.s32 s8, s11  }
0x135: {  	[tilespmem:s15], [sflag:$0x2] =	stream.linear.gather [hbm4b:s10+s12], $0x50, $0x38;
	[tilespmem:$0x1DC80] =	vst v63  }
0x136: {  	_ =	swait.ge [sflag:s1], $0x2800  }
0x137: {  	s11 =	sld [smem:$0x7F9];
	_ =	sdelay $0x2  }
0x138: {  	[sflag:s1] =	ssyncset.done $0x0;
	s10 =	sadd.s32 s8, s11;
	s11 =	sld [smem:$0x7F8]  }
0x139: {  	[sflag:s1] =	ssyncadd.s32 $0xFFFFD800  }
0x13a: {  	[tilespmem:s16], [sflag:$0x3] =	stream.linear.gather [hbm4b:s10+s12], $0x50, $0x38;
	[tilespmem:$0x1DC80] =	vst v63  }
0x13b: {  	s10 =	sadd.s32 s8, s11  }
0x13c: {  	[tilespmem:s17], [sflag:$0x3] =	stream.linear.gather [hbm4b:s10+s12], $0x50, $0x38;
	[tilespmem:$0x1DC80] =	vst v63  }
0x13d: {  	_ =	swait.ge [sflag:s4], $0x2800  }
0x13e: {  	s11 =	sld [smem:$0x7F7];
	_ =	sdelay $0x1  }
0x13f: {  	[sflag:s4] =	ssyncset.done $0x0  }
.Ltmp4:
0x140: {  	s10 =	sadd.s32 s8, s11;
	s11 =	sld [smem:$0x7F6];
	(pc) =	sbr.rel .LBB2_4-.Ltmp4, $4  }
0x141: {  	[sflag:s4] =	ssyncadd.s32 $0xFFFFD800  }
0x142: {  	[tilespmem:s18], [sflag:$0x4] =	stream.linear.gather [hbm4b:s10+s12], $0x50, $0x38;
	[tilespmem:$0x1DC80] =	vst v63  }
0x143: {  	s9 =	sadd.s32 $0x140, s9;
	s10 =	sadd.s32 s8, s11;
	s8 =	sadd.s32 $0x28, s8  }
0x144: {  	[tilespmem:s19], [sflag:$0x4] =	stream.linear.gather [hbm4b:s10+s12], $0x50, $0x38;
	[tilespmem:$0x1DC80] =	vst v63  }
.LBB2_7:
0x145: {  	_ =	sfence.sel $0x180000  }
0x146: {  	[bflag:$0x0] =	sbarrier.arrive $0xFFFF  }
0x147: {  	_ =	strace $0x9000004A  }
0x148: {  	s0 =	stileid.u32;
	[bflag:$0x2] =	sbarrier.arrive $0xFFFF  }
0x149: {  	p0 =	sne.s32 s0, $0x0;
	s0 =	rddreg [dreg:$0x3]  }
0x14a: {  	s0 =	sadd.s32 @!p0 $0x100000, s0  }
0x14b: {  	[sflag:s0] =	ssyncadd.tile.s32 @!p0 $0x1;
	_ =	shalt  }
.Lfunc_end2:
_tile_overlayer_lowered:
.L_overlay_start_2:
0x14c: {  	(tag) =	ssettag $0x2  }
0x14d: {  	s0 =	rddreg [dreg:$0x0];
	s2 =	stileid.u32  }
0x14e: {  	s1 =	rddreg [dreg:$0x1];
	p0 =	sne.s32 s2, $0x0  }
0x14f: {  	s3 =	rddreg [dreg:$0x2];
	[bflag:$0x3] =	sbarrier.arrive $0xFFFF;
	s2 =	simm.s32 @!p0 $0x1C0D  }
0x150: {  	[timem:s3], [sflag:s2] =	dma.local @!p0 [hbm:s0], s1  }
0x151: {  	s0 =	simm.s32 @!p0 $0xD  }
0x152: {  	_ =	swait.ge @!p0 [sflag:s0], s1  }
0x153: {  	s1 =	ssub.s32 @!p0 $0x0, s1;
	[sflag:s0] =	ssyncset.done @!p0 $0x0  }
0x154: {  	[sflag:s0] =	ssyncadd.s32 @!p0 s1  }
0x155: {  	[bflag:$0x3] =	sbarrier.arrive $0xFFFF  }
0x156: {  	_ =	shalt  }

// kernel: kernel.18.cloned.1.call-start
scs
__scs_entry_jumppad:
0x0: {  	(pc) =	sbr.rel $0x88, $3  }
0x1: {  	(tag) =	ssettag $0x0;
	lr =	simm.s32 $0x1  }
0x2: {  	[smem:$0x3F95] =	sst lr;
	_ =	strace $0xD0000000  }
0x3: {  	_ = 	snop  }
0x4: {  	_ = 	snop  }
0x5: {  	_ = 	snop  }
0x6: {  	_ = 	snop  }
0x7: {  	_ = 	snop  }
__scs_overlays_trampoline_lowered:
0x8: {  	[smem:$0x3FA4] =	sst s0  }
0x9: {  	[smem:$0x3FA5] =	sst s1  }
0xa: {  	[smem:$0x3FA6] =	sst s2  }
0xb: {  	[smem:$0x3FA7] =	sst s3  }
0xc: {  	[smem:$0x3FA8] =	sst s4  }
0xd: {  	[smem:$0x3FA9] =	sst s5  }
0xe: {  	[smem:$0x3FAA] =	sst s6  }
0xf: {  	[smem:$0x3FAB] =	sst s7  }
0x10: {  	[smem:$0x3FAC] =	sst s8  }
0x11: {  	[smem:$0x3FAD] =	sst s9;
	s0 =	simm.s32 @!p0 $0x0  }
0x12: {  	s1 =	sld [smem:$0x3F93];
	s0 =	simm.s32 @p0 $0x1  }
0x13: {  	[smem:$0x3FAE] =	sst s0;
	s0 =	simm.s32 @!p1 $0x0  }
0x14: {  	s2 =	sld [smem:$0x3F92];
	s0 =	simm.s32 @p1 $0x1  }
0x15: {  	[smem:$0x3FAF] =	sst s0;
	s0 =	simm.s32 @!p2 $0x0  }
0x16: {  	s3 =	sld [smem:$0x3FDB];
	s0 =	simm.s32 @p2 $0x1  }
0x17: {  	s4 =	simm.s32 $0x1BF5;
	[smem:$0x3FB1] =	sst s0  }
0x18: {  	s0 =	sld [smem:$0x3F94];
	_ =	swait.ge [sflag:s4], $0x0  }
0x19: {  	s7 =	sld [smem:$0x3F95]  }
0x1a: {  	s8 =	sadd.s32 $0xFFFFE003, lr  }
0x1b: {  	s9 =	sadd.s32 $0xFFFFFEF7, lr;
	s5 =	simm.s32 $0xFFFFFFFF;
	p2 =	slt.u32 s8, $0xFFFFF086  }
0x1c: {  	p1 =	slt.u32 s9, $0xF7A;
	s5 =	simm.s32 @!p2 $0x0  }
0x1d: {  	s5 =	simm.s32 @p1 $0x1;
	p0 =	seq.s32 s7, s2  }
0x1e: {  	s7 =	smul.u32 @!p0 $0xF7A, s2;
	p2 =	seq.s32 @!p0 s5, $0x0  }
0x1f: {  	s9 =	smul.u32 $0xF7A, s1;
	s8 =	simm.s32 @!p0 $0x1BF5;
	p2 =	por !p2, p0  }
0x20: {  	[sflag:s8] =	ssyncset.s32 @!p0 $0xFFFFF086;
	s6 =	sadd.s32 @!p0 s3, s7;
	s7 =	simm.s32 @!p0 $0x108  }
0x21: {  	s3 =	sadd.s32 s3, s9;
	s6 =	sadd.s32 @!p0 $0x88, s6;
	s7 =	simm.s32 @p2 $0x1082  }
0x22: {  	[simem:s7], [sflag:s8] =	dma.local @!p0 [hbm:s6], $0xF7A  }
0x23: {  	s9 =	sor.u32 $0xD0000000, s2;
	s6 =	simm.s32 $0x108;
	_ =	swait.ge @!p0 [sflag:s8], $0x0  }
0x24: {  	s3 =	sadd.s32 $0x88, s3;
	s6 =	simm.s32 @!p1 $0x1082;
	[sflag:s4] =	ssyncset.s32 $0xFFFFF086  }
0x25: {  	[simem:s6], [sflag:s4] =	dma.local [hbm:s3], $0xF7A  }
0x26: {  	[smem:$0x3F95] =	sst s1;
	(tag) =	ssettag s2;
	_ =	strace s9  }
0x27: {  	s1 =	sld [smem:$0x3FA5]  }
0x28: {  	s2 =	sld [smem:$0x3FA6]  }
0x29: {  	s4 =	sld [smem:$0x3FA8]  }
0x2a: {  	p0 =	seq.s32 s5, $0x0;
	s5 =	sld [smem:$0x3FA9]  }
0x2b: {  	s6 =	sld [smem:$0x3FAA]  }
0x2c: {  	s7 =	sld [smem:$0x3FAB]  }
0x2d: {  	s3 =	simm.s32 $0x108;
	s8 =	sld [smem:$0x3FAC]  }
0x2e: {  	s3 =	simm.s32 @!p0 $0x1082;
	s9 =	sld [smem:$0x3FAD]  }
0x2f: {  	lr =	sadd.s32 s0, s3;
	s0 =	sld [smem:$0x3FA4]  }
0x30: {  	s3 =	sld [smem:$0x3FA7]  }
0x31: {  	[smem:$0x3FB0] =	sst s10  }
0x32: {  	s10 =	sld [smem:$0x3FAE];
	_ =	sdelay $0x3  }
0x33: {  	p0 =	seq.s32 s10, $0x1;
	s10 =	sld [smem:$0x3FB0];
	_ =	sdelay $0x3  }
0x34: {  	[smem:$0x3FB0] =	sst s10  }
0x35: {  	s10 =	sld [smem:$0x3FAF];
	_ =	sdelay $0x3  }
0x36: {  	p1 =	seq.s32 s10, $0x1;
	s10 =	sld [smem:$0x3FB0];
	_ =	sdelay $0x3  }
0x37: {  	[smem:$0x3FB0] =	sst s10  }
0x38: {  	s10 =	sld [smem:$0x3FB1]  }
0x39: {  	_ = 	snop;
	(pc) =	sbr.ind lr, $3  }
0x3a: {  	_ = 	snop  }
0x3b: {  	_ = 	snop  }
0x3c: {  	p2 =	seq.s32 s10, $0x1;
	s10 =	sld [smem:$0x3FB0]  }
0x3d: {  	_ =	shalt  }
0x3e: {  	_ =	shalt  }
0x3f: {  	_ =	shalt  }
0x40: {  	_ =	shalt  }
0x41: {  	_ =	shalt  }
0x42: {  	_ =	shalt  }
0x43: {  	_ =	shalt  }
0x44: {  	_ =	shalt  }
0x45: {  	_ =	shalt  }
0x46: {  	_ =	shalt  }
0x47: {  	_ =	shalt  }
0x48: {  	_ =	shalt  }
0x49: {  	_ =	shalt  }
0x4a: {  	_ =	shalt  }
0x4b: {  	_ =	shalt  }
0x4c: {  	_ =	shalt  }
0x4d: {  	_ =	shalt  }
0x4e: {  	_ =	shalt  }
0x4f: {  	_ =	shalt  }
0x50: {  	_ =	shalt  }
0x51: {  	_ =	shalt  }
0x52: {  	_ =	shalt  }
0x53: {  	_ =	shalt  }
0x54: {  	_ =	shalt  }
0x55: {  	_ =	shalt  }
0x56: {  	_ =	shalt  }
0x57: {  	_ =	shalt  }
0x58: {  	_ =	shalt  }
0x59: {  	_ =	shalt  }
0x5a: {  	_ =	shalt  }
0x5b: {  	_ =	shalt  }
0x5c: {  	_ =	shalt  }
0x5d: {  	_ =	shalt  }
0x5e: {  	_ =	shalt  }
0x5f: {  	_ =	shalt  }
0x60: {  	_ =	shalt  }
0x61: {  	_ =	shalt  }
0x62: {  	_ =	shalt  }
0x63: {  	_ =	shalt  }
0x64: {  	_ =	shalt  }
0x65: {  	_ =	shalt  }
0x66: {  	_ =	shalt  }
0x67: {  	_ =	shalt  }
0x68: {  	_ =	shalt  }
0x69: {  	_ =	shalt  }
0x6a: {  	_ =	shalt  }
0x6b: {  	_ =	shalt  }
0x6c: {  	_ =	shalt  }
0x6d: {  	_ =	shalt  }
0x6e: {  	_ =	shalt  }
0x6f: {  	_ =	shalt  }
0x70: {  	_ =	shalt  }
0x71: {  	_ =	shalt  }
0x72: {  	_ =	shalt  }
0x73: {  	_ =	shalt  }
0x74: {  	_ =	shalt  }
0x75: {  	_ =	shalt  }
0x76: {  	_ =	shalt  }
0x77: {  	_ =	shalt  }
0x78: {  	_ =	shalt  }
0x79: {  	_ =	shalt  }
0x7a: {  	_ =	shalt  }
0x7b: {  	_ =	shalt  }
0x7c: {  	_ =	shalt  }
0x7d: {  	_ =	shalt  }
0x7e: {  	_ =	shalt  }
0x7f: {  	_ =	shalt  }
0x80: {  	_ =	shalt  }
0x81: {  	_ =	shalt  }
0x82: {  	_ =	shalt  }
0x83: {  	_ =	shalt  }
0x84: {  	_ =	shalt  }
0x85: {  	_ =	shalt  }
0x86: {  	_ =	shalt  }
0x87: {  	_ =	shalt  }
.Lfunc_end0:
.L_simem_size_0:
called_computation.2_lowered:
.L_overlay_start_0:
0x88: {  	s2 =	sld [smem:$0x3FD9]  }
0x89: {  	s3 =	sld [smem:$0x3FFE];
	_ =	sdelay $0x1  }
0x8a: {  	s1 =	srdreg.scid  }
0x8b: {  	s0 =	sand.u32 $0x1, s1  }
0x8c: {  	s14 =	sshll.u32 s0, $0xA;
	s2 =	sadd.s32 s3, s2  }
0x8d: {  	s2 =	sadd.s32 s2, s14  }
0x8e: {  	[smem:$0x3FBC] =	sst s2  }
0x8f: {  	_ = 	snop  }
0x90: {  	s2 =	sld [smem:$0x3FD0];
	_ =	sdelay $0x2  }
0x91: {  	s15 =	simm.s32 $0xA;
	s4 =	simm.s32 $0x10  }
0x92: {  	[smem:s4], [sflag:s15] =	dma.local [hbm:s2], $0x1  }
0x93: {  	_ =	swait.eq [sflag:s15], $0x1  }
0x94: {  	[sflag:s15] =	ssyncset.done $0x0  }
0x95: {  	[sflag:s15] =	ssyncadd.s32 $0xFFFFFFFF  }
0x96: {  	s16 =	sld [smem:$0x12];
	(tm) =	ssettm $0x1  }
0x97: {  	s17 =	sld [smem:$0x3FFB];
	_ =	sdelay $0x3  }
0x98: {  	_ =	strace s17  }
0x99: {  	s3 =	sld [smem:$0x3FFC];
	_ =	sdelay $0x3  }
0x9a: {  	_ =	strace s3  }
0x9b: {  	s3 =	sld [smem:$0x3FFD];
	_ =	sdelay $0x3  }
0x9c: {  	_ =	strace s3  }
0x9d: {  	_ =	strace $0x8FFFFFFF  }
0x9e: {  	s18 =	sld [smem:$0x3FDB];
	_ =	sdelay $0x1  }
0x9f: {  	s19 =	simm.s32 $_scs_section_size  }
0xa0: {  	s5 =	simm.s32 $_size__tile_overlayer_lowered;
	s6 =	simm.s32 $_tile_overlayer_lowered  }
0xa1: {  	s22 =	simm.s32 $0x1BFF;
	s21 =	sshll.u32 s6, $0x1;
	s3 =	sadd.s32 s19, s18  }
0xa2: {  	s7 =	simm.s32 $0x0;
	s20 =	sshll.u32 s5, $0x1;
	s5 =	sadd.s32 s21, s3  }
0xa3: {  	[timem:s7], [sflag:s22] =	dma.local [hbm:s5], s20  }
0xa4: {  	_ =	swait.ge [sflag:s22], s20  }
0xa5: {  	s4 =	ssub.s32 $0x0, s20;
	[sflag:s22] =	ssyncset.done $0x0  }
0xa6: {  	[sflag:s22] =	ssyncadd.s32 s4;
	_ =	sdelay $0x1  }
0xa7: {  	s23 =	simm.s32 $0x1B8B  }
0xa8: {  	_ =	swait.ge [sflag:s23], $0x1  }
0xa9: {  	[sflag:s23] =	ssyncset.done $0x0  }
0xaa: {  	s25 =	simm.s32 $0x1B8E;
	s24 =	sld [smem:$0x3FFE];
	[sflag:s23] =	ssyncadd.s32 $0xFFFFFFFF  }
0xab: {  	s26 =	simm.s32 $execute0_lowered;
	[smem:$0x3FD2] =	sst s25  }
0xac: {  	s5 =	sshll.u32 s26, $0x1;
	_ =	strace $0x8000004C;
	[dreg:$0x1] =	wrdreg $0xFFFFFFFF  }
0xad: {  	s28 =	simm.s32 $_size_execute0_lowered;
	s3 =	sadd.s32 s3, s5;
	[dreg:$0x0] =	wrdreg $0x0  }
0xae: {  	s5 =	sshll.u32 s28, $0x1;
	[dreg:$0x2] =	wrdreg s3  }
0xaf: {  	[dreg:$0x3] =	wrdreg s5  }
0xb0: {  	[dreg:$0x4] =	wrdreg $0xC0  }
0xb1: {  	_ =	task [dreg:s7], $0x5FFFF  }
0xb2: {  	[dreg:$0x1] =	wrdreg $0xFFFFFFFF  }
0xb3: {  	[dreg:$0x0] =	wrdreg $0x60  }
0xb4: {  	[dreg:$0x2] =	wrdreg s24  }
0xb5: {  	[dreg:$0x3] =	wrdreg s16  }
0xb6: {  	[dreg:$0x4] =	wrdreg $0xA4000  }
0xb7: {  	[dreg:$0x5] =	wrdreg $0x9  }
0xb8: {  	_ =	task.clear_ibuf [dreg:s7], $0x6FFFF;
	_ =	strace $0x9000004C  }
0xb9: {  	s29 =	simm.s32 $0x9;
	_ =	strace $0x8000004E  }
0xba: {  	_ =	swait.ge [sflag:s29], $0x1  }
0xbb: {  	[sflag:s29] =	ssyncadd.s32 $0xFFFFFFFF  }
0xbc: {  	_ =	strace $0x9000004E  }
0xbd: {  	_ =	sfence  }
0xbe: {  	s30 =	sld [smem:$0x0];
	_ =	sdelay $0x2  }
0xbf: {  	s31 =	sshll.u32 s1, $0xD;
	s1 =	sshrl.u32 s1, $0x2  }
0xc0: {  	s3 =	sand.u32 $0x4000, s31;
	s1 =	sadd.s32 s1, s30  }
0xc1: {  	s0 =	sor.u32 s3, s0;
	s1 =	sshll.u32 s1, $0x11  }
0xc2: {  	s0 =	sor.u32 s1, s0  }
0xc3: {  	s0 =	sadd.s32 $0x8F2B, s0  }
0xc4: {  	[sflag:s0] =	ssyncadd.remote.s32 $0x1  }
0xc5: {  	_ =	sfence.sel $0xFFFF  }
0xc6: {  	[dreg:$0x0] =	wrdreg $0xFFFFFFFF;
	(pc) =	sbr.abs _section_cstart, $3  }
0xc7: {  	[dreg:$0x1] =	wrdreg $0xFFFFFFFF  }
0xc8: {  	_ =	task.clear_ibuf [dreg:s7], $0x2FFFF;
	_ =	strace $0x9FFFFFFF  }
0xc9: {  	(tm) =	ssettm $0x7FFFFFFF  }
tec
execute0_lowered:
.L_overlay_start_1:
0x0: {  	(tag) =	ssettag $0x1  }
0x1: {  	s1 =	rddreg [dreg:$0x0]  }
0x2: {  	s0 =	srdreg.scid;
	s2 =	rddreg [dreg:$0x1]  }
0x3: {  	s3 =	rddreg [dreg:$0x2];
	s17 =	stileid.u32;
	s28 =	simm.s32 $0x6  }
0x4: {  	s29 =	simm.s32 $0x7;
	s4 =	sand.u32 $0x1, s0;
	s6 =	smul.u32 $0x13800, s17  }
0x5: {  	s30 =	simm.s32 $0x8;
	s31 =	simm.s32 $0x9;
	s23 =	smul.u32 $0x138800, s4  }
0x6: {  	s7 =	sadd.s32 $0x17A00, s1;
	s0 =	ssub.s32 $0x2, s4;
	s22 =	smul.u32 $0x27100, s4  }
0x7: {  	s4 =	sshll.u32 s4, $0x4;
	s5 =	sshrl.u32 s0, $0x1;
	s8 =	sadd.s32 $0x2800, s6  }
0x8: {  	s9 =	sadd.s32 $0x5000, s6;
	s10 =	sadd.s32 $0x7800, s6;
	s11 =	sadd.s32 $0xA000, s6  }
0x9: {  	s13 =	sadd.s32 $0xC800, s6;
	s14 =	sadd.s32 $0xF000, s6;
	s0 =	ssub.s32 s0, s5  }
0xa: {  	s12 =	sadd.s32 s6, s23;
	s6 =	sadd.s32 $0x11800, s6;
	s24 =	sadd.s32 s23, s8  }
0xb: {  	s15 =	sadd.s32 s23, s9;
	s16 =	sadd.s32 s23, s10;
	s18 =	sadd.s32 s23, s14  }
0xc: {  	s5 =	sshrl.u32 s23, $0x3;
	s8 =	sadd.s32 s8, s3;
	s12 =	sshrl.u32 s12, $0x3  }
0xd: {  	s15 =	sshrl.u32 s15, $0x3;
	s26 =	sshrl.u32 s16, $0x3;
	s12 =	sadd.s32 s7, s12  }
0xe: {  	s16 =	sadd.s32 s23, s13;
	[dreg:$0x4] =	wrdreg s12;
	s12 =	sshrl.u32 s24, $0x3  }
0xf: {  	s20 =	sshrl.u32 s18, $0x3;
	s25 =	sadd.s32 s7, s15;
	s12 =	sadd.s32 s7, s12  }
0x10: {  	s15 =	sadd.s32 s23, s11;
	[dreg:$0x5] =	wrdreg s12;
	s12 =	sadd.s32 s7, s26  }
0x11: {  	s21 =	sadd.s32 s23, s6;
	[dreg:$0x7] =	wrdreg s12;
	s12 =	sshrl.u32 s15, $0x3  }
0x12: {  	[dreg:$0x6] =	wrdreg s25;
	s24 =	smul.u32 $0x4E000, s17;
	s12 =	sadd.s32 s7, s12  }
0x13: {  	s15 =	sshrl.u32 s16, $0x3;
	[dreg:$0x8] =	wrdreg s12;
	s12 =	sadd.s32 s7, s20  }
0x14: {  	s19 =	sadd.s32 s7, s15;
	[dreg:$0xa] =	wrdreg s12;
	s12 =	sshrl.u32 s21, $0x3  }
0x15: {  	s9 =	sadd.s32 s9, s3;
	[dreg:$0x9] =	wrdreg s19;
	s12 =	sadd.s32 s7, s12  }
0x16: {  	s26 =	sshrl.u32 s24, $0x2;
	[dreg:$0xb] =	wrdreg s12;
	s12 =	simm.s32 $0x0  }
0x17: {  	s25 =	sor.u32 s17, s4;
	s4 =	sadd.s32 s26, s3;
	[smem:$0x7FF] =	sst s12  }
0x18: {  	s5 =	sadd.s32 s7, s5;
	_ =	strace $0x8000004D;
	[dreg:$0xe] =	wrdreg s4  }
0x19: {  	s18 =	sadd.s32 $0x3E00, s1;
	s16 =	sadd.s32 $0xDC00, s1;
	[dreg:$0xf] =	wrdreg s8  }
0x1a: {  	s1 =	smul.u32 $0x2710, s25;
	s15 =	sadd.s32 s10, s3;
	[dreg:$0x10] =	wrdreg s9  }
0x1b: {  	s23 =	smul.u32 $0x2710, s17;
	s19 =	sadd.s32 s11, s3;
	[dreg:$0x11] =	wrdreg s15  }
0x1c: {  	s20 =	sadd.s32 s13, s3;
	s1 =	sshrl.u32 s1, $0x3;
	[dreg:$0x12] =	wrdreg s19  }
0x1d: {  	s21 =	sadd.s32 s14, s3;
	s7 =	sadd.s32 s23, s22;
	[dreg:$0x13] =	wrdreg s20  }
0x1e: {  	s22 =	sadd.s32 s6, s3;
	s23 =	sadd.s32 $0xA, s1;
	[dreg:$0x14] =	wrdreg s21  }
0x1f: {  	s24 =	sadd.s32 $0x14, s1;
	s25 =	sadd.s32 s16, s23;
	[dreg:$0x15] =	wrdreg s22  }
0x20: {  	p0 =	sne.s32 s17, $0xF;
	s26 =	sadd.s32 s16, s24;
	[dreg:$0x16] =	wrdreg s25  }
0x21: {  	s0 =	smax.u32 s0, $0x1;
	s6 =	sadd.s32 s18, s24;
	[dreg:$0x18] =	wrdreg s26  }
0x22: {  	s17 =	simm.s32 $0x300;
	s10 =	sadd.s32 s18, s1;
	[dreg:$0x19] =	wrdreg s6  }
0x23: {  	s14 =	sadd.s32 $0x230, s7;
	s4 =	sadd.s32 s18, s23;
	[dreg:$0x1b] =	wrdreg s10  }
0x24: {  	s8 =	sadd.s32 s16, s1;
	s9 =	sadd.s32 $0x1E, s1;
	[smem:$0x7F5] =	sst s0  }
0x25: {  	s1 =	sadd.s32 $0x4D8, s1;
	s15 =	sadd.s32 $0x27000, s5;
	[dreg:$0xd] =	wrdreg s18  }
0x26: {  	s19 =	sshrl.u32 s14, $0x3;
	s21 =	sadd.s32 $0x1E0, s7;
	[dreg:$0xc] =	wrdreg s16  }
0x27: {  	s22 =	sadd.s32 $0x190, s7;
	s25 =	sadd.s32 $0x140, s7;
	[dreg:$0x17] =	wrdreg s4  }
0x28: {  	s26 =	sadd.s32 $0x138000, s3;
	s5 =	simm.s32 $0x200;
	[dreg:$0x1a] =	wrdreg s8  }
0x29: {  	s14 =	simm.s32 $0x5400;
	s6 =	simm.s32 $0x4;
	[smem:$0x7F4] =	sst s15  }
0x2a: {  	s7 =	simm.s32 $0x7C00;
	s10 =	simm.s32 $0x0;
	[smem:$0x7FC] =	sst s25  }
0x2b: {  	s11 =	sadd.s32 s16, s9;
	s4 =	sadd.s32 s18, s9;
	[smem:$0x7FD] =	sst s26  }
0x2c: {  	s13 =	sadd.s32 s16, s1;
	s1 =	sadd.s32 s18, s1;
	[dreg:$0x1c] =	wrdreg s11  }
0x2d: {  	s20 =	sadd.s32 s19, s18;
	s0 =	sshrl.u32 s21, $0x3;
	[dreg:$0x1d] =	wrdreg s4  }
0x2e: {  	s24 =	sshrl.u32 s22, $0x3;
	s25 =	simm.s32 $0x400;
	[dreg:$0x1e] =	wrdreg s13  }
0x2f: {  	s26 =	simm.s32 $0x5;
	s15 =	simm.s32 $0x280;
	[dreg:$0x1f] =	wrdreg s1  }
0x30: {  	s21 =	simm.s32 $0x50;
	s22 =	simm.s32 $0x2;
	[smem:$0x7F6] =	sst s20  }
0x31: {  	s1 =	sadd.s32 s19, s16;
	s23 =	sadd.s32 s0, s18;
	s0 =	sadd.s32 s0, s16  }
0x32: {  	s4 =	simm.s32 $0xC;
	s19 =	simm.s32 $0x380;
	[smem:$0x7F7] =	sst s1  }
.Ltmp0:
0x33: {  	s20 =	simm.s32 $0x1;
	[smem:$0x7F8] =	sst s23;
	(pc) =	sbr.rel .LBB2_1-.Ltmp0, $4  }
0x34: {  	s13 =	simm.s32 $0x3;
	[smem:$0x7F9] =	sst s0;
	s1 =	sadd.s32 s24, s18  }
0x35: {  	s0 =	sadd.s32 s24, s16;
	s23 =	simm.s32 $0x80;
	s16 =	simm.s32 $0x100  }
0x36: {  	s18 =	simm.s32 $0x180;
	s24 =	simm.s32 $0x2C00;
	[smem:$0x7FA] =	sst s1  }
0x37: {  	v0 =	vimm.f32 $0.0e+00;
	[smem:$0x7FB] =	sst s0;
	s0 =	simm.s32 $0xA;
	s1 =	simm.s32 $0xB  }
.LBB2_6:
0x38: {  	s8 =	rddreg [dreg:$0x1e]  }
0x39: {  	[tilespmem:s12], [sflag:$0x1] =	stream.linear.gather [hbm4b:s8+s12], $0x50, $0x38;
	[tilespmem:$0x1DC80] =	vst v63  }
0x3a: {  	s10 =	rddreg [dreg:$0x1f]  }
0x3b: {  	[tilespmem:s5], [sflag:$0x1] =	stream.linear.gather [hbm4b:s10+s12], $0x50, $0x38;
	[tilespmem:$0x1DC80] =	vst v63  }
0x3c: {  	_ =	swait.ge [sflag:s20], $0x50  }
0x3d: {  	[sflag:s20] =	ssyncset.done $0x0  }
0x3e: {  	[sflag:s20] =	ssyncadd.s32 $0xFFFFFFB0  }
0x3f: {  	_ =	swait.ge [sflag:s20], $0x50  }
0x40: {  	[sflag:s20] =	ssyncset.done $0x0  }
0x41: {  	[sflag:s20] =	ssyncadd.s32 $0xFFFFFFB0  }
0x42: {  	[tilespmem:s25], [sflag:$0x5] =	stream.indirect.gather [hbm4b:s2+s21], $0x80, s12, s21, $0xb8;
	[tilespmem:$0x1DC80] =	vst v63  }
0x43: {  	_ =	swait.ge [sflag:s26], $0x2800  }
0x44: {  	[sflag:s26] =	ssyncset.done $0x0  }
0x45: {  	[sflag:s26] =	ssyncadd.s32 $0xFFFFD800  }
0x46: {  	[spmem:s3] =	stream.indirect.scatter.add.f32 [tilespmem:s25], [sflag:$0x9], $0x80, s5, s21, $0xb8;
	[tilespmem:$0x1DC80] =	vst v63  }
0x47: {  	_ =	swait.ge [sflag:s31], $0x2800  }
0x48: {  	[sflag:s31] =	ssyncset.done $0x0  }
0x49: {  	[sflag:s31] =	ssyncadd.s32 $0xFFFFD800  }
0x4a: {  	_ =	swait.ge [sflag:s0], $0x2800  }
0x4b: {  	[sflag:s0] =	ssyncset.done $0x0  }
0x4c: {  	[sflag:s0] =	ssyncadd.s32 $0xFFFFD800  }
0x4d: {  	_ =	swait.ge [sflag:s1], $0x2800  }
0x4e: {  	[sflag:s1] =	ssyncset.done $0x0  }
0x4f: {  	[sflag:s1] =	ssyncadd.s32 $0xFFFFD800  }
0x50: {  	_ =	swait.ge [sflag:s4], $0x2800  }
0x51: {  	[sflag:s4] =	ssyncset.done $0x0  }
0x52: {  	[sflag:s4] =	ssyncadd.s32 $0xFFFFD800  }
0x53: {  	[bflag:$0x0] =	sbarrier.arrive $0xFFFF  }
0x54: {  	s11 =	rddreg [dreg:$0xe]  }
0x55: {  	[tilespmem:s25], [sflag:$0x5] =	stream.linear.gather [spmem:s11], $0x2800, $0x38;
	[tilespmem:$0x1DC80] =	vst v63  }
0x56: {  	s9 =	rddreg [dreg:$0xf]  }
0x57: {  	[tilespmem:s24], [sflag:$0x6] =	stream.linear.gather [spmem:s9], $0x2800, $0x38;
	[tilespmem:$0x1DC80] =	vst v63  }
0x58: {  	s10 =	rddreg [dreg:$0x10]  }
0x59: {  	[tilespmem:s14], [sflag:$0x7] =	stream.linear.gather [spmem:s10], $0x2800, $0x38;
	[tilespmem:$0x1DC80] =	vst v63  }
0x5a: {  	s11 =	rddreg [dreg:$0x11]  }
0x5b: {  	[tilespmem:s7], [sflag:$0x8] =	stream.linear.gather [spmem:s11], $0x2800, $0x38;
	[tilespmem:$0x1DC80] =	vst v63  }
0x5c: {  	_ =	swait.ge [sflag:s26], $0x2800  }
0x5d: {  	[sflag:s26] =	ssyncset.done $0x0  }
0x5e: {  	s9 =	rddreg [dreg:$0x4];
	[sflag:s26] =	ssyncadd.s32 $0xFFFFD800  }
0x5f: {  	[hbm4b:s9+s12] =	stream.linear.scatter [tilespmem:s25], [sflag:$0x9], $0x2800, $0x38;
	[tilespmem:$0x1DC80] =	vst v63  }
0x60: {  	_ =	swait.ge [sflag:s31], $0x2800  }
0x61: {  	[sflag:s31] =	ssyncset.done $0x0  }
0x62: {  	s10 =	rddreg [dreg:$0x12];
	[sflag:s31] =	ssyncadd.s32 $0xFFFFD800  }
0x63: {  	[tilespmem:s25], [sflag:$0x5] =	stream.linear.gather [spmem:s10], $0x2800, $0x38;
	[tilespmem:$0x1DC80] =	vst v63  }
0x64: {  	_ =	swait.ge [sflag:s28], $0x2800  }
0x65: {  	[sflag:s28] =	ssyncset.done $0x0  }
0x66: {  	s11 =	rddreg [dreg:$0x5];
	[sflag:s28] =	ssyncadd.s32 $0xFFFFD800  }
0x67: {  	[hbm4b:s11+s12] =	stream.linear.scatter [tilespmem:s24], [sflag:$0xA], $0x2800, $0x38;
	[tilespmem:$0x1DC80] =	vst v63  }
0x68: {  	_ =	swait.ge [sflag:s0], $0x2800  }
0x69: {  	[sflag:s0] =	ssyncset.done $0x0  }
0x6a: {  	s9 =	rddreg [dreg:$0x13];
	[sflag:s0] =	ssyncadd.s32 $0xFFFFD800  }
0x6b: {  	[tilespmem:s24], [sflag:$0x6] =	stream.linear.gather [spmem:s9], $0x2800, $0x38;
	[tilespmem:$0x1DC80] =	vst v63  }
0x6c: {  	_ =	swait.ge [sflag:s29], $0x2800  }
0x6d: {  	[sflag:s29] =	ssyncset.done $0x0  }
0x6e: {  	s10 =	rddreg [dreg:$0x6];
	[sflag:s29] =	ssyncadd.s32 $0xFFFFD800  }
0x6f: {  	[hbm4b:s10+s12] =	stream.linear.scatter [tilespmem:s14], [sflag:$0xB], $0x2800, $0x38;
	[tilespmem:$0x1DC80] =	vst v63  }
0x70: {  	_ =	swait.ge [sflag:s1], $0x2800  }
0x71: {  	[sflag:s1] =	ssyncset.done $0x0  }
0x72: {  	s11 =	rddreg [dreg:$0x14];
	[sflag:s1] =	ssyncadd.s32 $0xFFFFD800  }
0x73: {  	[tilespmem:s14], [sflag:$0x7] =	stream.linear.gather [spmem:s11], $0x2800, $0x38;
	[tilespmem:$0x1DC80] =	vst v63  }
0x74: {  	_ =	swait.ge [sflag:s30], $0x2800  }
0x75: {  	[sflag:s30] =	ssyncset.done $0x0  }
0x76: {  	s9 =	rddreg [dreg:$0x7];
	[sflag:s30] =	ssyncadd.s32 $0xFFFFD800  }
0x77: {  	[hbm4b:s9+s12] =	stream.linear.scatter [tilespmem:s7], [sflag:$0xC], $0x2800, $0x38;
	[tilespmem:$0x1DC80] =	vst v63  }
0x78: {  	_ =	swait.ge [sflag:s4], $0x2800  }
0x79: {  	[sflag:s4] =	ssyncset.done $0x0  }
0x7a: {  	s10 =	rddreg [dreg:$0x15];
	[sflag:s4] =	ssyncadd.s32 $0xFFFFD800  }
0x7b: {  	[tilespmem:s7], [sflag:$0x8] =	stream.linear.gather [spmem:s10], $0x2000, $0x38;
	[tilespmem:$0x1DC80] =	vst v63  }
0x7c: {  	_ =	swait.ge [sflag:s26], $0x2800  }
0x7d: {  	[sflag:s26] =	ssyncset.done $0x0  }
0x7e: {  	s11 =	rddreg [dreg:$0x8];
	[sflag:s26] =	ssyncadd.s32 $0xFFFFD800  }
0x7f: {  	[hbm4b:s11+s12] =	stream.linear.scatter [tilespmem:s25], [sflag:$0x9], $0x2800, $0x38;
	[tilespmem:$0x1DC80] =	vst v63  }
0x80: {  	_ =	swait.ge [sflag:s28], $0x2800  }
0x81: {  	[sflag:s28] =	ssyncset.done $0x0  }
0x82: {  	s9 =	rddreg [dreg:$0x9];
	[sflag:s28] =	ssyncadd.s32 $0xFFFFD800  }
0x83: {  	[hbm4b:s9+s12] =	stream.linear.scatter [tilespmem:s24], [sflag:$0xA], $0x2800, $0x38;
	[tilespmem:$0x1DC80] =	vst v63  }
0x84: {  	_ =	swait.ge [sflag:s29], $0x2800  }
0x85: {  	[sflag:s29] =	ssyncset.done $0x0  }
0x86: {  	s10 =	rddreg [dreg:$0xa];
	[sflag:s29] =	ssyncadd.s32 $0xFFFFD800  }
0x87: {  	[hbm4b:s10+s12] =	stream.linear.scatter [tilespmem:s14], [sflag:$0xB], $0x2800, $0x38;
	[tilespmem:$0x1DC80] =	vst v63  }
0x88: {  	_ =	swait.ge [sflag:s30], $0x2000  }
0x89: {  	[sflag:s30] =	ssyncset.done $0x0  }
0x8a: {  	s11 =	rddreg [dreg:$0xb];
	[sflag:s30] =	ssyncadd.s32 $0xFFFFE000  }
0x8b: {  	[hbm4b:s11+s12] =	stream.linear.scatter [tilespmem:s7], [sflag:$0xC], $0x2000, $0x38;
	[tilespmem:$0x1DC80] =	vst v63  }
0x8c: {  	_ =	swait.ge [sflag:s31], $0x2800  }
0x8d: {  	[sflag:s31] =	ssyncset.done $0x0  }
0x8e: {  	[sflag:s31] =	ssyncadd.s32 $0xFFFFD800  }
0x8f: {  	_ =	swait.ge [sflag:s0], $0x2800  }
0x90: {  	[sflag:s0] =	ssyncset.done $0x0  }
0x91: {  	[sflag:s0] =	ssyncadd.s32 $0xFFFFD800  }
0x92: {  	_ =	swait.ge [sflag:s1], $0x2800  }
0x93: {  	[sflag:s1] =	ssyncset.done $0x0  }
0x94: {  	[sflag:s1] =	ssyncadd.s32 $0xFFFFD800  }
0x95: {  	_ =	swait.ge [sflag:s4], $0x2000  }
0x96: {  	s9 =	sld [smem:$0x7FD]  }
0x97: {  	[sflag:s4] =	ssyncset.done $0x0  }
0x98: {  	s8 =	simm.s32 @!p0 $0x400;
	[sflag:s4] =	ssyncadd.s32 $0xFFFFE000  }
0x99: {  	[tilespmem:s8], [sflag:$0xD] =	stream.linear.gather @!p0 [spmem:s9], $0x800, $0x38;
	[tilespmem:$0x1DC80] =	vst v63  }
0x9a: {  	s9 =	simm.s32 @!p0 $0xD  }
0x9b: {  	_ =	swait.ge @!p0 [sflag:s9], $0x800  }
0x9c: {  	s11 =	sld [smem:$0x7F4]  }
0x9d: {  	[sflag:s9] =	ssyncset.done @!p0 $0x0  }
0x9e: {  	s10 =	simm.s32 @!p0 $0x0;
	[sflag:s9] =	ssyncadd.s32 @!p0 $0xFFFFF800  }
0x9f: {  	[hbm4b:s11+s10] =	stream.linear.scatter @!p0 [tilespmem:s8], [sflag:$0xD], $0x800, $0x38;
	[tilespmem:$0x1DC80] =	vst v63  }
0xa0: {  	_ =	swait.ge @!p0 [sflag:s9], $0x800  }
0xa1: {  	s8 =	sld [smem:$0x7F3]  }
0xa2: {  	s11 =	sld [smem:$0x7F5];
	_ =	sdelay $0x1  }
0xa3: {  	s10 =	sadd.s32 $0x1, s8  }
0xa4: {  	p1 =	sne.s32 s10, s11  }
.Ltmp1:
0xa5: {  	_ = 	snop;
	(pc) =	sbr.rel @!p1 .LBB2_7-.Ltmp1, $3  }
0xa6: {  	_ =	sdelay $0x1  }
0xa7: {  	[sflag:s9] =	ssyncset.done @!p0 $0x0  }
0xa8: {  	[sflag:s9] =	ssyncadd.s32 @!p0 $0xFFFFF800  }
.LBB2_1:
0xa9: {  	[smem:$0x7F3] =	sst s10;
	s8 =	simm.s32 $0x0;
	s9 =	simm.s32 $0x200  }
.LBB2_2:
0xaa: {  	p1 =	sne.s32 s9, $0x9E00;
	[tilespmem:s8+$0x470] =	vst v0  }
0xab: {  	[tilespmem:s8+$0x400] =	vst v0  }
0xac: {  	[tilespmem:s8+$0x410] =	vst v0  }
.Ltmp2:
0xad: {  	[tilespmem:s8+$0x420] =	vst v0;
	(pc) =	sbr.rel @p1 .LBB2_2-.Ltmp2, $4  }
0xae: {  	[tilespmem:s8+$0x430] =	vst v0  }
0xaf: {  	[tilespmem:s8+$0x440] =	vst v0  }
0xb0: {  	[tilespmem:s8+$0x450] =	vst v0  }
0xb1: {  	[tilespmem:s8+$0x460] =	vst v0;
	s8 =	sshra.s32 s9, $0x2;
	s9 =	sadd.s32 $0x200, s9  }
0xb2: {  	[tilespmem:s8+$0x470] =	vst v0  }
0xb3: {  	[tilespmem:s8+$0x400] =	vst v0  }
0xb4: {  	[tilespmem:s8+$0x410] =	vst v0  }
0xb5: {  	[tilespmem:s8+$0x420] =	vst v0  }
0xb6: {  	[tilespmem:s8+$0x430] =	vst v0  }
0xb7: {  	[tilespmem:s8+$0x440] =	vst v0  }
0xb8: {  	[tilespmem:s8+$0x450] =	vst v0  }
0xb9: {  	[tilespmem:s8+$0x460] =	vst v0;
	s11 =	rddreg [dreg:$0xe]  }
0xba: {  	[spmem:s11] =	stream.linear.scatter [tilespmem:s25], [sflag:$0x5], $0x2800, $0x38;
	[tilespmem:$0x1DC80] =	vst v63  }
0xbb: {  	s9 =	rddreg [dreg:$0xf]  }
0xbc: {  	[spmem:s9] =	stream.linear.scatter [tilespmem:s25], [sflag:$0x6], $0x2800, $0x38;
	[tilespmem:$0x1DC80] =	vst v63  }
0xbd: {  	s10 =	rddreg [dreg:$0x10]  }
0xbe: {  	[spmem:s10] =	stream.linear.scatter [tilespmem:s25], [sflag:$0x7], $0x2800, $0x38;
	[tilespmem:$0x1DC80] =	vst v63  }
0xbf: {  	s11 =	rddreg [dreg:$0x11]  }
0xc0: {  	[spmem:s11] =	stream.linear.scatter [tilespmem:s25], [sflag:$0x8], $0x2800, $0x38;
	[tilespmem:$0x1DC80] =	vst v63  }
0xc1: {  	s9 =	rddreg [dreg:$0x12]  }
0xc2: {  	[spmem:s9] =	stream.linear.scatter [tilespmem:s25], [sflag:$0x9], $0x2800, $0x38;
	[tilespmem:$0x1DC80] =	vst v63  }
0xc3: {  	s10 =	rddreg [dreg:$0x13]  }
0xc4: {  	[spmem:s10] =	stream.linear.scatter [tilespmem:s25], [sflag:$0xA], $0x2800, $0x38;
	[tilespmem:$0x1DC80] =	vst v63  }
0xc5: {  	s11 =	rddreg [dreg:$0x14]  }
0xc6: {  	[spmem:s11] =	stream.linear.scatter [tilespmem:s25], [sflag:$0xB], $0x2800, $0x38;
	[tilespmem:$0x1DC80] =	vst v63  }
0xc7: {  	s9 =	rddreg [dreg:$0x15]  }
0xc8: {  	[spmem:s9] =	stream.linear.scatter [tilespmem:s25], [sflag:$0xC], $0x2000, $0x38;
	[tilespmem:$0x1DC80] =	vst v63  }
0xc9: {  	s9 =	sld [smem:$0x7FD];
	_ =	sdelay $0x1  }
0xca: {  	s8 =	simm.s32 @!p0 $0x400  }
0xcb: {  	[spmem:s9] =	stream.linear.scatter @!p0 [tilespmem:s8], [sflag:$0x1], $0x800, $0x38;
	[tilespmem:$0x1DC80] =	vst v63  }
0xcc: {  	s8 =	simm.s32 @!p0 $0x1  }
0xcd: {  	_ =	swait.ge @!p0 [sflag:s8], $0x800  }
0xce: {  	[sflag:s8] =	ssyncset.done @!p0 $0x0  }
0xcf: {  	[sflag:s8] =	ssyncadd.s32 @!p0 $0xFFFFF800  }
0xd0: {  	_ =	swait.ge [sflag:s26], $0x2800  }
0xd1: {  	[sflag:s26] =	ssyncset.done $0x0  }
0xd2: {  	[sflag:s26] =	ssyncadd.s32 $0xFFFFD800  }
0xd3: {  	_ =	swait.ge [sflag:s28], $0x2800  }
0xd4: {  	[sflag:s28] =	ssyncset.done $0x0  }
0xd5: {  	[sflag:s28] =	ssyncadd.s32 $0xFFFFD800  }
0xd6: {  	_ =	swait.ge [sflag:s29], $0x2800  }
0xd7: {  	[sflag:s29] =	ssyncset.done $0x0  }
0xd8: {  	[sflag:s29] =	ssyncadd.s32 $0xFFFFD800  }
0xd9: {  	_ =	swait.ge [sflag:s30], $0x2800  }
0xda: {  	[sflag:s30] =	ssyncset.done $0x0  }
0xdb: {  	[sflag:s30] =	ssyncadd.s32 $0xFFFFD800  }
0xdc: {  	_ =	swait.ge [sflag:s31], $0x2800  }
0xdd: {  	[sflag:s31] =	ssyncset.done $0x0  }
0xde: {  	[sflag:s31] =	ssyncadd.s32 $0xFFFFD800  }
0xdf: {  	_ =	swait.ge [sflag:s0], $0x2800  }
0xe0: {  	[sflag:s0] =	ssyncset.done $0x0  }
0xe1: {  	[sflag:s0] =	ssyncadd.s32 $0xFFFFD800  }
0xe2: {  	_ =	swait.ge [sflag:s1], $0x2800  }
0xe3: {  	[sflag:s1] =	ssyncset.done $0x0  }
0xe4: {  	[sflag:s1] =	ssyncadd.s32 $0xFFFFD800  }
0xe5: {  	_ =	swait.ge [sflag:s4], $0x2000  }
0xe6: {  	[sflag:s4] =	ssyncset.done $0x0  }
0xe7: {  	[sflag:s4] =	ssyncadd.s32 $0xFFFFE000  }
0xe8: {  	[bflag:$0x0] =	sbarrier.arrive $0xFFFF  }
0xe9: {  	s10 =	rddreg [dreg:$0x1a]  }
0xea: {  	s8 =	simm.s32 $0x0;
	s11 =	rddreg [dreg:$0x1b]  }
0xeb: {  	[tilespmem:s8], [sflag:$0x1] =	stream.linear.gather [hbm4b:s10+s8], $0x50, $0x38;
	[tilespmem:$0x1DC80] =	vst v63  }
0xec: {  	s9 =	sld [smem:$0x7FC]  }
0xed: {  	[tilespmem:s5], [sflag:$0x1] =	stream.linear.gather [hbm4b:s11+s8], $0x50, $0x38;
	[tilespmem:$0x1DC80] =	vst v63  }
0xee: {  	s10 =	rddreg [dreg:$0x16]  }
0xef: {  	[tilespmem:s23], [sflag:$0x2] =	stream.linear.gather [hbm4b:s10+s8], $0x50, $0x38;
	[tilespmem:$0x1DC80] =	vst v63  }
0xf0: {  	s11 =	rddreg [dreg:$0x17]  }
0xf1: {  	[tilespmem:s15], [sflag:$0x2] =	stream.linear.gather [hbm4b:s11+s8], $0x50, $0x38;
	[tilespmem:$0x1DC80] =	vst v63  }
0xf2: {  	s10 =	rddreg [dreg:$0x18]  }
0xf3: {  	[tilespmem:s16], [sflag:$0x3] =	stream.linear.gather [hbm4b:s10+s8], $0x50, $0x38;
	[tilespmem:$0x1DC80] =	vst v63  }
0xf4: {  	s11 =	rddreg [dreg:$0x19]  }
0xf5: {  	[tilespmem:s17], [sflag:$0x3] =	stream.linear.gather [hbm4b:s11+s8], $0x50, $0x38;
	[tilespmem:$0x1DC80] =	vst v63  }
0xf6: {  	s10 =	rddreg [dreg:$0x1c]  }
0xf7: {  	[tilespmem:s18], [sflag:$0x4] =	stream.linear.gather [hbm4b:s10+s8], $0x50, $0x38;
	[tilespmem:$0x1DC80] =	vst v63  }
0xf8: {  	s11 =	rddreg [dreg:$0x1d]  }
0xf9: {  	[tilespmem:s19], [sflag:$0x4] =	stream.linear.gather [hbm4b:s11+s8], $0x50, $0x38;
	[tilespmem:$0x1DC80] =	vst v63  }
.LBB2_4:
0xfa: {  	_ =	swait.ge [sflag:s20], $0x50  }
0xfb: {  	[sflag:s20] =	ssyncset.done $0x0  }
0xfc: {  	[sflag:s20] =	ssyncadd.s32 $0xFFFFFFB0  }
0xfd: {  	_ =	swait.ge [sflag:s20], $0x50  }
0xfe: {  	[sflag:s20] =	ssyncset.done $0x0  }
0xff: {  	[sflag:s20] =	ssyncadd.s32 $0xFFFFFFB0  }
0x100: {  	[tilespmem:s25], [sflag:$0x5] =	stream.indirect.gather [hbm4b:s2+s21], $0x80, s12, s21, $0xb8;
	[tilespmem:$0x1DC80] =	vst v63  }
0x101: {  	_ =	swait.ge [sflag:s22], $0x50  }
0x102: {  	[sflag:s22] =	ssyncset.done $0x0  }
0x103: {  	[sflag:s22] =	ssyncadd.s32 $0xFFFFFFB0  }
0x104: {  	_ =	swait.ge [sflag:s22], $0x50  }
0x105: {  	[sflag:s22] =	ssyncset.done $0x0  }
0x106: {  	[sflag:s22] =	ssyncadd.s32 $0xFFFFFFB0  }
0x107: {  	[tilespmem:s24], [sflag:$0x6] =	stream.indirect.gather [hbm4b:s2+s21], $0x80, s23, s21, $0xb8;
	[tilespmem:$0x1DC80] =	vst v63  }
0x108: {  	_ =	swait.ge [sflag:s13], $0x50  }
0x109: {  	[sflag:s13] =	ssyncset.done $0x0  }
0x10a: {  	[sflag:s13] =	ssyncadd.s32 $0xFFFFFFB0  }
0x10b: {  	_ =	swait.ge [sflag:s13], $0x50  }
0x10c: {  	[sflag:s13] =	ssyncset.done $0x0  }
0x10d: {  	[sflag:s13] =	ssyncadd.s32 $0xFFFFFFB0  }
0x10e: {  	[tilespmem:s14], [sflag:$0x7] =	stream.indirect.gather [hbm4b:s2+s21], $0x80, s16, s21, $0xb8;
	[tilespmem:$0x1DC80] =	vst v63  }
0x10f: {  	_ =	swait.ge [sflag:s6], $0x50  }
0x110: {  	[sflag:s6] =	ssyncset.done $0x0  }
0x111: {  	[sflag:s6] =	ssyncadd.s32 $0xFFFFFFB0  }
0x112: {  	_ =	swait.ge [sflag:s6], $0x50  }
0x113: {  	[sflag:s6] =	ssyncset.done $0x0  }
0x114: {  	[sflag:s6] =	ssyncadd.s32 $0xFFFFFFB0  }
0x115: {  	[tilespmem:s7], [sflag:$0x8] =	stream.indirect.gather [hbm4b:s2+s21], $0x80, s18, s21, $0xb8;
	[tilespmem:$0x1DC80] =	vst v63  }
0x116: {  	_ =	swait.ge [sflag:s26], $0x2800  }
0x117: {  	[sflag:s26] =	ssyncset.done $0x0  }
0x118: {  	[sflag:s26] =	ssyncadd.s32 $0xFFFFD800  }
0x119: {  	[spmem:s3] =	stream.indirect.scatter.add.f32 [tilespmem:s25], [sflag:$0x9], $0x80, s5, s21, $0xb8;
	[tilespmem:$0x1DC80] =	vst v63  }
0x11a: {  	_ =	swait.ge [sflag:s28], $0x2800  }
0x11b: {  	[sflag:s28] =	ssyncset.done $0x0  }
0x11c: {  	[sflag:s28] =	ssyncadd.s32 $0xFFFFD800  }
0x11d: {  	[spmem:s3] =	stream.indirect.scatter.add.f32 [tilespmem:s24], [sflag:$0xA], $0x80, s15, s21, $0xb8;
	[tilespmem:$0x1DC80] =	vst v63  }
0x11e: {  	_ =	swait.ge [sflag:s29], $0x2800  }
0x11f: {  	[sflag:s29] =	ssyncset.done $0x0  }
0x120: {  	[sflag:s29] =	ssyncadd.s32 $0xFFFFD800  }
0x121: {  	[spmem:s3] =	stream.indirect.scatter.add.f32 [tilespmem:s14], [sflag:$0xB], $0x80, s17, s21, $0xb8;
	[tilespmem:$0x1DC80] =	vst v63  }
0x122: {  	_ =	swait.ge [sflag:s30], $0x2800  }
0x123: {  	p1 =	seq.s32 s8, $0x4B0;
	[sflag:s30] =	ssyncset.done $0x0  }
.Ltmp3:
0x124: {  	[sflag:s30] =	ssyncadd.s32 $0xFFFFD800;
	(pc) =	sbr.rel @p1 .LBB2_6-.Ltmp3, $4  }
0x125: {  	[spmem:s3] =	stream.indirect.scatter.add.f32 [tilespmem:s7], [sflag:$0xC], $0x80, s19, s21, $0xb8;
	[tilespmem:$0x1DC80] =	vst v63  }
0x126: {  	_ =	swait.ge [sflag:s31], $0x2800  }
0x127: {  	[sflag:s31] =	ssyncset.done $0x0  }
0x128: {  	[sflag:s31] =	ssyncadd.s32 $0xFFFFD800  }
0x129: {  	s10 =	sshrl.u32 s9, $0x3;
	s11 =	rddreg [dreg:$0xc]  }
0x12a: {  	s11 =	sadd.s32 s11, s10  }
0x12b: {  	[tilespmem:s12], [sflag:$0x1] =	stream.linear.gather [hbm4b:s11+s12], $0x50, $0x38;
	[tilespmem:$0x1DC80] =	vst v63  }
0x12c: {  	s11 =	rddreg [dreg:$0xd]  }
0x12d: {  	s10 =	sadd.s32 s11, s10  }
0x12e: {  	[tilespmem:s5], [sflag:$0x1] =	stream.linear.gather [hbm4b:s10+s12], $0x50, $0x38;
	[tilespmem:$0x1DC80] =	vst v63  }
0x12f: {  	_ =	swait.ge [sflag:s0], $0x2800  }
0x130: {  	s11 =	sld [smem:$0x7FB];
	_ =	sdelay $0x2  }
0x131: {  	[sflag:s0] =	ssyncset.done $0x0;
	s10 =	sadd.s32 s8, s11;
	s11 =	sld [smem:$0x7FA]  }
0x132: {  	[sflag:s0] =	ssyncadd.s32 $0xFFFFD800  }
0x133: {  	[tilespmem:s23], [sflag:$0x2] =	stream.linear.gather [hbm4b:s10+s12], $0x50, $0x38;
	[tilespmem:$0x1DC80] =	vst v63  }
0x134: {  	s10 =	sadd.s32 s8, s11  }
0x135: {  	[tilespmem:s15], [sflag:$0x2] =	stream.linear.gather [hbm4b:s10+s12], $0x50, $0x38;
	[tilespmem:$0x1DC80] =	vst v63  }
0x136: {  	_ =	swait.ge [sflag:s1], $0x2800  }
0x137: {  	s11 =	sld [smem:$0x7F9];
	_ =	sdelay $0x2  }
0x138: {  	[sflag:s1] =	ssyncset.done $0x0;
	s10 =	sadd.s32 s8, s11;
	s11 =	sld [smem:$0x7F8]  }
0x139: {  	[sflag:s1] =	ssyncadd.s32 $0xFFFFD800  }
0x13a: {  	[tilespmem:s16], [sflag:$0x3] =	stream.linear.gather [hbm4b:s10+s12], $0x50, $0x38;
	[tilespmem:$0x1DC80] =	vst v63  }
0x13b: {  	s10 =	sadd.s32 s8, s11  }
0x13c: {  	[tilespmem:s17], [sflag:$0x3] =	stream.linear.gather [hbm4b:s10+s12], $0x50, $0x38;
	[tilespmem:$0x1DC80] =	vst v63  }
0x13d: {  	_ =	swait.ge [sflag:s4], $0x2800  }
0x13e: {  	s11 =	sld [smem:$0x7F7];
	_ =	sdelay $0x1  }
0x13f: {  	[sflag:s4] =	ssyncset.done $0x0  }
.Ltmp4:
0x140: {  	s10 =	sadd.s32 s8, s11;
	s11 =	sld [smem:$0x7F6];
	(pc) =	sbr.rel .LBB2_4-.Ltmp4, $4  }
0x141: {  	[sflag:s4] =	ssyncadd.s32 $0xFFFFD800  }
0x142: {  	[tilespmem:s18], [sflag:$0x4] =	stream.linear.gather [hbm4b:s10+s12], $0x50, $0x38;
	[tilespmem:$0x1DC80] =	vst v63  }
0x143: {  	s9 =	sadd.s32 $0x140, s9;
	s10 =	sadd.s32 s8, s11;
	s8 =	sadd.s32 $0x28, s8  }
0x144: {  	[tilespmem:s19], [sflag:$0x4] =	stream.linear.gather [hbm4b:s10+s12], $0x50, $0x38;
	[tilespmem:$0x1DC80] =	vst v63  }
.LBB2_7:
0x145: {  	_ =	sfence.sel $0x180000  }
0x146: {  	[bflag:$0x0] =	sbarrier.arrive $0xFFFF  }
0x147: {  	_ =	strace $0x9000004D  }
0x148: {  	s0 =	stileid.u32;
	[bflag:$0x2] =	sbarrier.arrive $0xFFFF  }
0x149: {  	p0 =	sne.s32 s0, $0x0;
	s0 =	rddreg [dreg:$0x3]  }
0x14a: {  	s0 =	sadd.s32 @!p0 $0x100000, s0  }
0x14b: {  	[sflag:s0] =	ssyncadd.tile.s32 @!p0 $0x1;
	_ =	shalt  }
.Lfunc_end2:
_tile_overlayer_lowered:
.L_overlay_start_2:
0x14c: {  	(tag) =	ssettag $0x2  }
0x14d: {  	s0 =	rddreg [dreg:$0x0];
	s2 =	stileid.u32  }
0x14e: {  	s1 =	rddreg [dreg:$0x1];
	p0 =	sne.s32 s2, $0x0  }
0x14f: {  	s3 =	rddreg [dreg:$0x2];
	[bflag:$0x3] =	sbarrier.arrive $0xFFFF;
	s2 =	simm.s32 @!p0 $0x1C0D  }
0x150: {  	[timem:s3], [sflag:s2] =	dma.local @!p0 [hbm:s0], s1  }
0x151: {  	s0 =	simm.s32 @!p0 $0xD  }
0x152: {  	_ =	swait.ge @!p0 [sflag:s0], s1  }
0x153: {  	s1 =	ssub.s32 @!p0 $0x0, s1;
	[sflag:s0] =	ssyncset.done @!p0 $0x0  }
0x154: {  	[sflag:s0] =	ssyncadd.s32 @!p0 s1  }
0x155: {  	[bflag:$0x3] =	sbarrier.arrive $0xFFFF  }
0x156: {  	_ =	shalt  }

// kernel: kernel.21.cloned.1.call-start
scs
__scs_entry_jumppad:
0x0: {  	(pc) =	sbr.rel $0x88, $3  }
0x1: {  	(tag) =	ssettag $0x0;
	lr =	simm.s32 $0x1  }
0x2: {  	[smem:$0x3F95] =	sst lr;
	_ =	strace $0xD0000000  }
0x3: {  	_ = 	snop  }
0x4: {  	_ = 	snop  }
0x5: {  	_ = 	snop  }
0x6: {  	_ = 	snop  }
0x7: {  	_ = 	snop  }
__scs_overlays_trampoline_lowered:
0x8: {  	[smem:$0x3FA4] =	sst s0  }
0x9: {  	[smem:$0x3FA5] =	sst s1  }
0xa: {  	[smem:$0x3FA6] =	sst s2  }
0xb: {  	[smem:$0x3FA7] =	sst s3  }
0xc: {  	[smem:$0x3FA8] =	sst s4  }
0xd: {  	[smem:$0x3FA9] =	sst s5  }
0xe: {  	[smem:$0x3FAA] =	sst s6  }
0xf: {  	[smem:$0x3FAB] =	sst s7  }
0x10: {  	[smem:$0x3FAC] =	sst s8  }
0x11: {  	[smem:$0x3FAD] =	sst s9;
	s0 =	simm.s32 @!p0 $0x0  }
0x12: {  	s1 =	sld [smem:$0x3F93];
	s0 =	simm.s32 @p0 $0x1  }
0x13: {  	[smem:$0x3FAE] =	sst s0;
	s0 =	simm.s32 @!p1 $0x0  }
0x14: {  	s2 =	sld [smem:$0x3F92];
	s0 =	simm.s32 @p1 $0x1  }
0x15: {  	[smem:$0x3FAF] =	sst s0;
	s0 =	simm.s32 @!p2 $0x0  }
0x16: {  	s3 =	sld [smem:$0x3FDB];
	s0 =	simm.s32 @p2 $0x1  }
0x17: {  	s4 =	simm.s32 $0x1BF5;
	[smem:$0x3FB1] =	sst s0  }
0x18: {  	s0 =	sld [smem:$0x3F94];
	_ =	swait.ge [sflag:s4], $0x0  }
0x19: {  	s7 =	sld [smem:$0x3F95]  }
0x1a: {  	s8 =	sadd.s32 $0xFFFFE003, lr  }
0x1b: {  	s9 =	sadd.s32 $0xFFFFFEF7, lr;
	s5 =	simm.s32 $0xFFFFFFFF;
	p2 =	slt.u32 s8, $0xFFFFF086  }
0x1c: {  	p1 =	slt.u32 s9, $0xF7A;
	s5 =	simm.s32 @!p2 $0x0  }
0x1d: {  	s5 =	simm.s32 @p1 $0x1;
	p0 =	seq.s32 s7, s2  }
0x1e: {  	s7 =	smul.u32 @!p0 $0xF7A, s2;
	p2 =	seq.s32 @!p0 s5, $0x0  }
0x1f: {  	s9 =	smul.u32 $0xF7A, s1;
	s8 =	simm.s32 @!p0 $0x1BF5;
	p2 =	por !p2, p0  }
0x20: {  	[sflag:s8] =	ssyncset.s32 @!p0 $0xFFFFF086;
	s6 =	sadd.s32 @!p0 s3, s7;
	s7 =	simm.s32 @!p0 $0x108  }
0x21: {  	s3 =	sadd.s32 s3, s9;
	s6 =	sadd.s32 @!p0 $0x88, s6;
	s7 =	simm.s32 @p2 $0x1082  }
0x22: {  	[simem:s7], [sflag:s8] =	dma.local @!p0 [hbm:s6], $0xF7A  }
0x23: {  	s9 =	sor.u32 $0xD0000000, s2;
	s6 =	simm.s32 $0x108;
	_ =	swait.ge @!p0 [sflag:s8], $0x0  }
0x24: {  	s3 =	sadd.s32 $0x88, s3;
	s6 =	simm.s32 @!p1 $0x1082;
	[sflag:s4] =	ssyncset.s32 $0xFFFFF086  }
0x25: {  	[simem:s6], [sflag:s4] =	dma.local [hbm:s3], $0xF7A  }
0x26: {  	[smem:$0x3F95] =	sst s1;
	(tag) =	ssettag s2;
	_ =	strace s9  }
0x27: {  	s1 =	sld [smem:$0x3FA5]  }
0x28: {  	s2 =	sld [smem:$0x3FA6]  }
0x29: {  	s4 =	sld [smem:$0x3FA8]  }
0x2a: {  	p0 =	seq.s32 s5, $0x0;
	s5 =	sld [smem:$0x3FA9]  }
0x2b: {  	s6 =	sld [smem:$0x3FAA]  }
0x2c: {  	s7 =	sld [smem:$0x3FAB]  }
0x2d: {  	s3 =	simm.s32 $0x108;
	s8 =	sld [smem:$0x3FAC]  }
0x2e: {  	s3 =	simm.s32 @!p0 $0x1082;
	s9 =	sld [smem:$0x3FAD]  }
0x2f: {  	lr =	sadd.s32 s0, s3;
	s0 =	sld [smem:$0x3FA4]  }
0x30: {  	s3 =	sld [smem:$0x3FA7]  }
0x31: {  	[smem:$0x3FB0] =	sst s10  }
0x32: {  	s10 =	sld [smem:$0x3FAE];
	_ =	sdelay $0x3  }
0x33: {  	p0 =	seq.s32 s10, $0x1;
	s10 =	sld [smem:$0x3FB0];
	_ =	sdelay $0x3  }
0x34: {  	[smem:$0x3FB0] =	sst s10  }
0x35: {  	s10 =	sld [smem:$0x3FAF];
	_ =	sdelay $0x3  }
0x36: {  	p1 =	seq.s32 s10, $0x1;
	s10 =	sld [smem:$0x3FB0];
	_ =	sdelay $0x3  }
0x37: {  	[smem:$0x3FB0] =	sst s10  }
0x38: {  	s10 =	sld [smem:$0x3FB1]  }
0x39: {  	_ = 	snop;
	(pc) =	sbr.ind lr, $3  }
0x3a: {  	_ = 	snop  }
0x3b: {  	_ = 	snop  }
0x3c: {  	p2 =	seq.s32 s10, $0x1;
	s10 =	sld [smem:$0x3FB0]  }
0x3d: {  	_ =	shalt  }
0x3e: {  	_ =	shalt  }
0x3f: {  	_ =	shalt  }
0x40: {  	_ =	shalt  }
0x41: {  	_ =	shalt  }
0x42: {  	_ =	shalt  }
0x43: {  	_ =	shalt  }
0x44: {  	_ =	shalt  }
0x45: {  	_ =	shalt  }
0x46: {  	_ =	shalt  }
0x47: {  	_ =	shalt  }
0x48: {  	_ =	shalt  }
0x49: {  	_ =	shalt  }
0x4a: {  	_ =	shalt  }
0x4b: {  	_ =	shalt  }
0x4c: {  	_ =	shalt  }
0x4d: {  	_ =	shalt  }
0x4e: {  	_ =	shalt  }
0x4f: {  	_ =	shalt  }
0x50: {  	_ =	shalt  }
0x51: {  	_ =	shalt  }
0x52: {  	_ =	shalt  }
0x53: {  	_ =	shalt  }
0x54: {  	_ =	shalt  }
0x55: {  	_ =	shalt  }
0x56: {  	_ =	shalt  }
0x57: {  	_ =	shalt  }
0x58: {  	_ =	shalt  }
0x59: {  	_ =	shalt  }
0x5a: {  	_ =	shalt  }
0x5b: {  	_ =	shalt  }
0x5c: {  	_ =	shalt  }
0x5d: {  	_ =	shalt  }
0x5e: {  	_ =	shalt  }
0x5f: {  	_ =	shalt  }
0x60: {  	_ =	shalt  }
0x61: {  	_ =	shalt  }
0x62: {  	_ =	shalt  }
0x63: {  	_ =	shalt  }
0x64: {  	_ =	shalt  }
0x65: {  	_ =	shalt  }
0x66: {  	_ =	shalt  }
0x67: {  	_ =	shalt  }
0x68: {  	_ =	shalt  }
0x69: {  	_ =	shalt  }
0x6a: {  	_ =	shalt  }
0x6b: {  	_ =	shalt  }
0x6c: {  	_ =	shalt  }
0x6d: {  	_ =	shalt  }
0x6e: {  	_ =	shalt  }
0x6f: {  	_ =	shalt  }
0x70: {  	_ =	shalt  }
0x71: {  	_ =	shalt  }
0x72: {  	_ =	shalt  }
0x73: {  	_ =	shalt  }
0x74: {  	_ =	shalt  }
0x75: {  	_ =	shalt  }
0x76: {  	_ =	shalt  }
0x77: {  	_ =	shalt  }
0x78: {  	_ =	shalt  }
0x79: {  	_ =	shalt  }
0x7a: {  	_ =	shalt  }
0x7b: {  	_ =	shalt  }
0x7c: {  	_ =	shalt  }
0x7d: {  	_ =	shalt  }
0x7e: {  	_ =	shalt  }
0x7f: {  	_ =	shalt  }
0x80: {  	_ =	shalt  }
0x81: {  	_ =	shalt  }
0x82: {  	_ =	shalt  }
0x83: {  	_ =	shalt  }
0x84: {  	_ =	shalt  }
0x85: {  	_ =	shalt  }
0x86: {  	_ =	shalt  }
0x87: {  	_ =	shalt  }
.Lfunc_end0:
.L_simem_size_0:
called_computation.3_lowered:
.L_overlay_start_0:
0x88: {  	s2 =	sld [smem:$0x3FD9]  }
0x89: {  	s3 =	sld [smem:$0x3FFE];
	_ =	sdelay $0x1  }
0x8a: {  	s1 =	srdreg.scid  }
0x8b: {  	s0 =	sand.u32 $0x1, s1  }
0x8c: {  	s14 =	sshll.u32 s0, $0xA;
	s2 =	sadd.s32 s3, s2  }
0x8d: {  	s2 =	sadd.s32 s2, s14  }
0x8e: {  	[smem:$0x3FBC] =	sst s2  }
0x8f: {  	_ = 	snop  }
0x90: {  	s2 =	sld [smem:$0x3FD0];
	_ =	sdelay $0x2  }
0x91: {  	s15 =	simm.s32 $0xA;
	s4 =	simm.s32 $0x10  }
0x92: {  	[smem:s4], [sflag:s15] =	dma.local [hbm:s2], $0x1  }
0x93: {  	_ =	swait.eq [sflag:s15], $0x1  }
0x94: {  	[sflag:s15] =	ssyncset.done $0x0  }
0x95: {  	[sflag:s15] =	ssyncadd.s32 $0xFFFFFFFF  }
0x96: {  	s16 =	sld [smem:$0x12];
	(tm) =	ssettm $0x1  }
0x97: {  	s17 =	sld [smem:$0x3FFB];
	_ =	sdelay $0x3  }
0x98: {  	_ =	strace s17  }
0x99: {  	s3 =	sld [smem:$0x3FFC];
	_ =	sdelay $0x3  }
0x9a: {  	_ =	strace s3  }
0x9b: {  	s3 =	sld [smem:$0x3FFD];
	_ =	sdelay $0x3  }
0x9c: {  	_ =	strace s3  }
0x9d: {  	_ =	strace $0x8FFFFFFF  }
0x9e: {  	s18 =	sld [smem:$0x3FDB];
	_ =	sdelay $0x1  }
0x9f: {  	s19 =	simm.s32 $_scs_section_size  }
0xa0: {  	s5 =	simm.s32 $_size__tile_overlayer_lowered;
	s6 =	simm.s32 $_tile_overlayer_lowered  }
0xa1: {  	s22 =	simm.s32 $0x1BFF;
	s21 =	sshll.u32 s6, $0x1;
	s3 =	sadd.s32 s19, s18  }
0xa2: {  	s7 =	simm.s32 $0x0;
	s20 =	sshll.u32 s5, $0x1;
	s5 =	sadd.s32 s21, s3  }
0xa3: {  	[timem:s7], [sflag:s22] =	dma.local [hbm:s5], s20  }
0xa4: {  	_ =	swait.ge [sflag:s22], s20  }
0xa5: {  	s4 =	ssub.s32 $0x0, s20;
	[sflag:s22] =	ssyncset.done $0x0  }
0xa6: {  	[sflag:s22] =	ssyncadd.s32 s4;
	_ =	sdelay $0x1  }
0xa7: {  	s23 =	simm.s32 $0x1B8B  }
0xa8: {  	_ =	swait.ge [sflag:s23], $0x1  }
0xa9: {  	[sflag:s23] =	ssyncset.done $0x0  }
0xaa: {  	s25 =	simm.s32 $0x1B8E;
	s24 =	sld [smem:$0x3FFE];
	[sflag:s23] =	ssyncadd.s32 $0xFFFFFFFF  }
0xab: {  	s26 =	simm.s32 $execute0_lowered;
	[smem:$0x3FD2] =	sst s25  }
0xac: {  	s5 =	sshll.u32 s26, $0x1;
	_ =	strace $0x8000004F;
	[dreg:$0x1] =	wrdreg $0xFFFFFFFF  }
0xad: {  	s28 =	simm.s32 $_size_execute0_lowered;
	s3 =	sadd.s32 s3, s5;
	[dreg:$0x0] =	wrdreg $0x0  }
0xae: {  	s5 =	sshll.u32 s28, $0x1;
	[dreg:$0x2] =	wrdreg s3  }
0xaf: {  	[dreg:$0x3] =	wrdreg s5  }
0xb0: {  	[dreg:$0x4] =	wrdreg $0xC0  }
0xb1: {  	_ =	task [dreg:s7], $0x5FFFF  }
0xb2: {  	[dreg:$0x1] =	wrdreg $0xFFFFFFFF  }
0xb3: {  	[dreg:$0x0] =	wrdreg $0x60  }
0xb4: {  	[dreg:$0x2] =	wrdreg s24  }
0xb5: {  	[dreg:$0x3] =	wrdreg s16  }
0xb6: {  	[dreg:$0x4] =	wrdreg $0xA4000  }
0xb7: {  	[dreg:$0x5] =	wrdreg $0x9  }
0xb8: {  	_ =	task.clear_ibuf [dreg:s7], $0x6FFFF;
	_ =	strace $0x9000004F  }
0xb9: {  	s29 =	simm.s32 $0x9;
	_ =	strace $0x80000051  }
0xba: {  	_ =	swait.ge [sflag:s29], $0x1  }
0xbb: {  	[sflag:s29] =	ssyncadd.s32 $0xFFFFFFFF  }
0xbc: {  	_ =	strace $0x90000051  }
0xbd: {  	_ =	sfence  }
0xbe: {  	s30 =	sld [smem:$0x0];
	_ =	sdelay $0x2  }
0xbf: {  	s31 =	sshll.u32 s1, $0xD;
	s1 =	sshrl.u32 s1, $0x2  }
0xc0: {  	s3 =	sand.u32 $0x4000, s31;
	s1 =	sadd.s32 s1, s30  }
0xc1: {  	s0 =	sor.u32 s3, s0;
	s1 =	sshll.u32 s1, $0x11  }
0xc2: {  	s0 =	sor.u32 s1, s0  }
0xc3: {  	s0 =	sadd.s32 $0x8F2B, s0  }
0xc4: {  	[sflag:s0] =	ssyncadd.remote.s32 $0x1  }
0xc5: {  	_ =	sfence.sel $0xFFFF  }
0xc6: {  	[dreg:$0x0] =	wrdreg $0xFFFFFFFF;
	(pc) =	sbr.abs _section_cstart, $3  }
0xc7: {  	[dreg:$0x1] =	wrdreg $0xFFFFFFFF  }
0xc8: {  	_ =	task.clear_ibuf [dreg:s7], $0x2FFFF;
	_ =	strace $0x9FFFFFFF  }
0xc9: {  	(tm) =	ssettm $0x7FFFFFFF  }
tec
execute0_lowered:
.L_overlay_start_1:
0x0: {  	(tag) =	ssettag $0x1  }
0x1: {  	s1 =	rddreg [dreg:$0x0]  }
0x2: {  	s0 =	srdreg.scid;
	s2 =	rddreg [dreg:$0x1]  }
0x3: {  	s3 =	rddreg [dreg:$0x2];
	s17 =	stileid.u32;
	s28 =	simm.s32 $0x6  }
0x4: {  	s29 =	simm.s32 $0x7;
	s4 =	sand.u32 $0x1, s0;
	s6 =	smul.u32 $0x13800, s17  }
0x5: {  	s30 =	simm.s32 $0x8;
	s31 =	simm.s32 $0x9;
	s23 =	smul.u32 $0x138800, s4  }
0x6: {  	s7 =	sadd.s32 $0x17A00, s1;
	s0 =	ssub.s32 $0x2, s4;
	s22 =	smul.u32 $0x27100, s4  }
0x7: {  	s4 =	sshll.u32 s4, $0x4;
	s5 =	sshrl.u32 s0, $0x1;
	s8 =	sadd.s32 $0x2800, s6  }
0x8: {  	s9 =	sadd.s32 $0x5000, s6;
	s10 =	sadd.s32 $0x7800, s6;
	s11 =	sadd.s32 $0xA000, s6  }
0x9: {  	s13 =	sadd.s32 $0xC800, s6;
	s14 =	sadd.s32 $0xF000, s6;
	s0 =	ssub.s32 s0, s5  }
0xa: {  	s12 =	sadd.s32 s6, s23;
	s6 =	sadd.s32 $0x11800, s6;
	s24 =	sadd.s32 s23, s8  }
0xb: {  	s15 =	sadd.s32 s23, s9;
	s16 =	sadd.s32 s23, s10;
	s18 =	sadd.s32 s23, s14  }
0xc: {  	s5 =	sshrl.u32 s23, $0x3;
	s8 =	sadd.s32 s8, s3;
	s12 =	sshrl.u32 s12, $0x3  }
0xd: {  	s15 =	sshrl.u32 s15, $0x3;
	s26 =	sshrl.u32 s16, $0x3;
	s12 =	sadd.s32 s7, s12  }
0xe: {  	s16 =	sadd.s32 s23, s13;
	[dreg:$0x4] =	wrdreg s12;
	s12 =	sshrl.u32 s24, $0x3  }
0xf: {  	s20 =	sshrl.u32 s18, $0x3;
	s25 =	sadd.s32 s7, s15;
	s12 =	sadd.s32 s7, s12  }
0x10: {  	s15 =	sadd.s32 s23, s11;
	[dreg:$0x5] =	wrdreg s12;
	s12 =	sadd.s32 s7, s26  }
0x11: {  	s21 =	sadd.s32 s23, s6;
	[dreg:$0x7] =	wrdreg s12;
	s12 =	sshrl.u32 s15, $0x3  }
0x12: {  	[dreg:$0x6] =	wrdreg s25;
	s24 =	smul.u32 $0x4E000, s17;
	s12 =	sadd.s32 s7, s12  }
0x13: {  	s15 =	sshrl.u32 s16, $0x3;
	[dreg:$0x8] =	wrdreg s12;
	s12 =	sadd.s32 s7, s20  }
0x14: {  	s19 =	sadd.s32 s7, s15;
	[dreg:$0xa] =	wrdreg s12;
	s12 =	sshrl.u32 s21, $0x3  }
0x15: {  	s9 =	sadd.s32 s9, s3;
	[dreg:$0x9] =	wrdreg s19;
	s12 =	sadd.s32 s7, s12  }
0x16: {  	s26 =	sshrl.u32 s24, $0x2;
	[dreg:$0xb] =	wrdreg s12;
	s12 =	simm.s32 $0x0  }
0x17: {  	s25 =	sor.u32 s17, s4;
	s4 =	sadd.s32 s26, s3;
	[smem:$0x7FF] =	sst s12  }
0x18: {  	s5 =	sadd.s32 s7, s5;
	_ =	strace $0x80000050;
	[dreg:$0xe] =	wrdreg s4  }
0x19: {  	s18 =	sadd.s32 $0x3E00, s1;
	s16 =	sadd.s32 $0xDC00, s1;
	[dreg:$0xf] =	wrdreg s8  }
0x1a: {  	s1 =	smul.u32 $0x2710, s25;
	s15 =	sadd.s32 s10, s3;
	[dreg:$0x10] =	wrdreg s9  }
0x1b: {  	s23 =	smul.u32 $0x2710, s17;
	s19 =	sadd.s32 s11, s3;
	[dreg:$0x11] =	wrdreg s15  }
0x1c: {  	s20 =	sadd.s32 s13, s3;
	s1 =	sshrl.u32 s1, $0x3;
	[dreg:$0x12] =	wrdreg s19  }
0x1d: {  	s21 =	sadd.s32 s14, s3;
	s7 =	sadd.s32 s23, s22;
	[dreg:$0x13] =	wrdreg s20  }
0x1e: {  	s22 =	sadd.s32 s6, s3;
	s23 =	sadd.s32 $0xA, s1;
	[dreg:$0x14] =	wrdreg s21  }
0x1f: {  	s24 =	sadd.s32 $0x14, s1;
	s25 =	sadd.s32 s16, s23;
	[dreg:$0x15] =	wrdreg s22  }
0x20: {  	p0 =	sne.s32 s17, $0xF;
	s26 =	sadd.s32 s16, s24;
	[dreg:$0x16] =	wrdreg s25  }
0x21: {  	s0 =	smax.u32 s0, $0x1;
	s6 =	sadd.s32 s18, s24;
	[dreg:$0x18] =	wrdreg s26  }
0x22: {  	s17 =	simm.s32 $0x300;
	s10 =	sadd.s32 s18, s1;
	[dreg:$0x19] =	wrdreg s6  }
0x23: {  	s14 =	sadd.s32 $0x230, s7;
	s4 =	sadd.s32 s18, s23;
	[dreg:$0x1b] =	wrdreg s10  }
0x24: {  	s8 =	sadd.s32 s16, s1;
	s9 =	sadd.s32 $0x1E, s1;
	[smem:$0x7F5] =	sst s0  }
0x25: {  	s1 =	sadd.s32 $0x4D8, s1;
	s15 =	sadd.s32 $0x27000, s5;
	[dreg:$0xd] =	wrdreg s18  }
0x26: {  	s19 =	sshrl.u32 s14, $0x3;
	s21 =	sadd.s32 $0x1E0, s7;
	[dreg:$0xc] =	wrdreg s16  }
0x27: {  	s22 =	sadd.s32 $0x190, s7;
	s25 =	sadd.s32 $0x140, s7;
	[dreg:$0x17] =	wrdreg s4  }
0x28: {  	s26 =	sadd.s32 $0x138000, s3;
	s5 =	simm.s32 $0x200;
	[dreg:$0x1a] =	wrdreg s8  }
0x29: {  	s14 =	simm.s32 $0x5400;
	s6 =	simm.s32 $0x4;
	[smem:$0x7F4] =	sst s15  }
0x2a: {  	s7 =	simm.s32 $0x7C00;
	s10 =	simm.s32 $0x0;
	[smem:$0x7FC] =	sst s25  }
0x2b: {  	s11 =	sadd.s32 s16, s9;
	s4 =	sadd.s32 s18, s9;
	[smem:$0x7FD] =	sst s26  }
0x2c: {  	s13 =	sadd.s32 s16, s1;
	s1 =	sadd.s32 s18, s1;
	[dreg:$0x1c] =	wrdreg s11  }
0x2d: {  	s20 =	sadd.s32 s19, s18;
	s0 =	sshrl.u32 s21, $0x3;
	[dreg:$0x1d] =	wrdreg s4  }
0x2e: {  	s24 =	sshrl.u32 s22, $0x3;
	s25 =	simm.s32 $0x400;
	[dreg:$0x1e] =	wrdreg s13  }
0x2f: {  	s26 =	simm.s32 $0x5;
	s15 =	simm.s32 $0x280;
	[dreg:$0x1f] =	wrdreg s1  }
0x30: {  	s21 =	simm.s32 $0x50;
	s22 =	simm.s32 $0x2;
	[smem:$0x7F6] =	sst s20  }
0x31: {  	s1 =	sadd.s32 s19, s16;
	s23 =	sadd.s32 s0, s18;
	s0 =	sadd.s32 s0, s16  }
0x32: {  	s4 =	simm.s32 $0xC;
	s19 =	simm.s32 $0x380;
	[smem:$0x7F7] =	sst s1  }
.Ltmp0:
0x33: {  	s20 =	simm.s32 $0x1;
	[smem:$0x7F8] =	sst s23;
	(pc) =	sbr.rel .LBB2_1-.Ltmp0, $4  }
0x34: {  	s13 =	simm.s32 $0x3;
	[smem:$0x7F9] =	sst s0;
	s1 =	sadd.s32 s24, s18  }
0x35: {  	s0 =	sadd.s32 s24, s16;
	s23 =	simm.s32 $0x80;
	s16 =	simm.s32 $0x100  }
0x36: {  	s18 =	simm.s32 $0x180;
	s24 =	simm.s32 $0x2C00;
	[smem:$0x7FA] =	sst s1  }
0x37: {  	v0 =	vimm.f32 $0.0e+00;
	[smem:$0x7FB] =	sst s0;
	s0 =	simm.s32 $0xA;
	s1 =	simm.s32 $0xB  }
.LBB2_6:
0x38: {  	s8 =	rddreg [dreg:$0x1e]  }
0x39: {  	[tilespmem:s12], [sflag:$0x1] =	stream.linear.gather [hbm4b:s8+s12], $0x50, $0x38;
	[tilespmem:$0x1DC80] =	vst v63  }
0x3a: {  	s10 =	rddreg [dreg:$0x1f]  }
0x3b: {  	[tilespmem:s5], [sflag:$0x1] =	stream.linear.gather [hbm4b:s10+s12], $0x50, $0x38;
	[tilespmem:$0x1DC80] =	vst v63  }
0x3c: {  	_ =	swait.ge [sflag:s20], $0x50  }
0x3d: {  	[sflag:s20] =	ssyncset.done $0x0  }
0x3e: {  	[sflag:s20] =	ssyncadd.s32 $0xFFFFFFB0  }
0x3f: {  	_ =	swait.ge [sflag:s20], $0x50  }
0x40: {  	[sflag:s20] =	ssyncset.done $0x0  }
0x41: {  	[sflag:s20] =	ssyncadd.s32 $0xFFFFFFB0  }
0x42: {  	[tilespmem:s25], [sflag:$0x5] =	stream.indirect.gather [hbm4b:s2+s21], $0x80, s12, s21, $0xb8;
	[tilespmem:$0x1DC80] =	vst v63  }
0x43: {  	_ =	swait.ge [sflag:s26], $0x2800  }
0x44: {  	[sflag:s26] =	ssyncset.done $0x0  }
0x45: {  	[sflag:s26] =	ssyncadd.s32 $0xFFFFD800  }
0x46: {  	[spmem:s3] =	stream.indirect.scatter.add.f32 [tilespmem:s25], [sflag:$0x9], $0x80, s5, s21, $0xb8;
	[tilespmem:$0x1DC80] =	vst v63  }
0x47: {  	_ =	swait.ge [sflag:s31], $0x2800  }
0x48: {  	[sflag:s31] =	ssyncset.done $0x0  }
0x49: {  	[sflag:s31] =	ssyncadd.s32 $0xFFFFD800  }
0x4a: {  	_ =	swait.ge [sflag:s0], $0x2800  }
0x4b: {  	[sflag:s0] =	ssyncset.done $0x0  }
0x4c: {  	[sflag:s0] =	ssyncadd.s32 $0xFFFFD800  }
0x4d: {  	_ =	swait.ge [sflag:s1], $0x2800  }
0x4e: {  	[sflag:s1] =	ssyncset.done $0x0  }
0x4f: {  	[sflag:s1] =	ssyncadd.s32 $0xFFFFD800  }
0x50: {  	_ =	swait.ge [sflag:s4], $0x2800  }
0x51: {  	[sflag:s4] =	ssyncset.done $0x0  }
0x52: {  	[sflag:s4] =	ssyncadd.s32 $0xFFFFD800  }
0x53: {  	[bflag:$0x0] =	sbarrier.arrive $0xFFFF  }
0x54: {  	s11 =	rddreg [dreg:$0xe]  }
0x55: {  	[tilespmem:s25], [sflag:$0x5] =	stream.linear.gather [spmem:s11], $0x2800, $0x38;
	[tilespmem:$0x1DC80] =	vst v63  }
0x56: {  	s9 =	rddreg [dreg:$0xf]  }
0x57: {  	[tilespmem:s24], [sflag:$0x6] =	stream.linear.gather [spmem:s9], $0x2800, $0x38;
	[tilespmem:$0x1DC80] =	vst v63  }
0x58: {  	s10 =	rddreg [dreg:$0x10]  }
0x59: {  	[tilespmem:s14], [sflag:$0x7] =	stream.linear.gather [spmem:s10], $0x2800, $0x38;
	[tilespmem:$0x1DC80] =	vst v63  }
0x5a: {  	s11 =	rddreg [dreg:$0x11]  }
0x5b: {  	[tilespmem:s7], [sflag:$0x8] =	stream.linear.gather [spmem:s11], $0x2800, $0x38;
	[tilespmem:$0x1DC80] =	vst v63  }
0x5c: {  	_ =	swait.ge [sflag:s26], $0x2800  }
0x5d: {  	[sflag:s26] =	ssyncset.done $0x0  }
0x5e: {  	s9 =	rddreg [dreg:$0x4];
	[sflag:s26] =	ssyncadd.s32 $0xFFFFD800  }
0x5f: {  	[hbm4b:s9+s12] =	stream.linear.scatter [tilespmem:s25], [sflag:$0x9], $0x2800, $0x38;
	[tilespmem:$0x1DC80] =	vst v63  }
0x60: {  	_ =	swait.ge [sflag:s31], $0x2800  }
0x61: {  	[sflag:s31] =	ssyncset.done $0x0  }
0x62: {  	s10 =	rddreg [dreg:$0x12];
	[sflag:s31] =	ssyncadd.s32 $0xFFFFD800  }
0x63: {  	[tilespmem:s25], [sflag:$0x5] =	stream.linear.gather [spmem:s10], $0x2800, $0x38;
	[tilespmem:$0x1DC80] =	vst v63  }
0x64: {  	_ =	swait.ge [sflag:s28], $0x2800  }
0x65: {  	[sflag:s28] =	ssyncset.done $0x0  }
0x66: {  	s11 =	rddreg [dreg:$0x5];
	[sflag:s28] =	ssyncadd.s32 $0xFFFFD800  }
0x67: {  	[hbm4b:s11+s12] =	stream.linear.scatter [tilespmem:s24], [sflag:$0xA], $0x2800, $0x38;
	[tilespmem:$0x1DC80] =	vst v63  }
0x68: {  	_ =	swait.ge [sflag:s0], $0x2800  }
0x69: {  	[sflag:s0] =	ssyncset.done $0x0  }
0x6a: {  	s9 =	rddreg [dreg:$0x13];
	[sflag:s0] =	ssyncadd.s32 $0xFFFFD800  }
0x6b: {  	[tilespmem:s24], [sflag:$0x6] =	stream.linear.gather [spmem:s9], $0x2800, $0x38;
	[tilespmem:$0x1DC80] =	vst v63  }
0x6c: {  	_ =	swait.ge [sflag:s29], $0x2800  }
0x6d: {  	[sflag:s29] =	ssyncset.done $0x0  }
0x6e: {  	s10 =	rddreg [dreg:$0x6];
	[sflag:s29] =	ssyncadd.s32 $0xFFFFD800  }
0x6f: {  	[hbm4b:s10+s12] =	stream.linear.scatter [tilespmem:s14], [sflag:$0xB], $0x2800, $0x38;
	[tilespmem:$0x1DC80] =	vst v63  }
0x70: {  	_ =	swait.ge [sflag:s1], $0x2800  }
0x71: {  	[sflag:s1] =	ssyncset.done $0x0  }
0x72: {  	s11 =	rddreg [dreg:$0x14];
	[sflag:s1] =	ssyncadd.s32 $0xFFFFD800  }
0x73: {  	[tilespmem:s14], [sflag:$0x7] =	stream.linear.gather [spmem:s11], $0x2800, $0x38;
	[tilespmem:$0x1DC80] =	vst v63  }
0x74: {  	_ =	swait.ge [sflag:s30], $0x2800  }
0x75: {  	[sflag:s30] =	ssyncset.done $0x0  }
0x76: {  	s9 =	rddreg [dreg:$0x7];
	[sflag:s30] =	ssyncadd.s32 $0xFFFFD800  }
0x77: {  	[hbm4b:s9+s12] =	stream.linear.scatter [tilespmem:s7], [sflag:$0xC], $0x2800, $0x38;
	[tilespmem:$0x1DC80] =	vst v63  }
0x78: {  	_ =	swait.ge [sflag:s4], $0x2800  }
0x79: {  	[sflag:s4] =	ssyncset.done $0x0  }
0x7a: {  	s10 =	rddreg [dreg:$0x15];
	[sflag:s4] =	ssyncadd.s32 $0xFFFFD800  }
0x7b: {  	[tilespmem:s7], [sflag:$0x8] =	stream.linear.gather [spmem:s10], $0x2000, $0x38;
	[tilespmem:$0x1DC80] =	vst v63  }
0x7c: {  	_ =	swait.ge [sflag:s26], $0x2800  }
0x7d: {  	[sflag:s26] =	ssyncset.done $0x0  }
0x7e: {  	s11 =	rddreg [dreg:$0x8];
	[sflag:s26] =	ssyncadd.s32 $0xFFFFD800  }
0x7f: {  	[hbm4b:s11+s12] =	stream.linear.scatter [tilespmem:s25], [sflag:$0x9], $0x2800, $0x38;
	[tilespmem:$0x1DC80] =	vst v63  }
0x80: {  	_ =	swait.ge [sflag:s28], $0x2800  }
0x81: {  	[sflag:s28] =	ssyncset.done $0x0  }
0x82: {  	s9 =	rddreg [dreg:$0x9];
	[sflag:s28] =	ssyncadd.s32 $0xFFFFD800  }
0x83: {  	[hbm4b:s9+s12] =	stream.linear.scatter [tilespmem:s24], [sflag:$0xA], $0x2800, $0x38;
	[tilespmem:$0x1DC80] =	vst v63  }
0x84: {  	_ =	swait.ge [sflag:s29], $0x2800  }
0x85: {  	[sflag:s29] =	ssyncset.done $0x0  }
0x86: {  	s10 =	rddreg [dreg:$0xa];
	[sflag:s29] =	ssyncadd.s32 $0xFFFFD800  }
0x87: {  	[hbm4b:s10+s12] =	stream.linear.scatter [tilespmem:s14], [sflag:$0xB], $0x2800, $0x38;
	[tilespmem:$0x1DC80] =	vst v63  }
0x88: {  	_ =	swait.ge [sflag:s30], $0x2000  }
0x89: {  	[sflag:s30] =	ssyncset.done $0x0  }
0x8a: {  	s11 =	rddreg [dreg:$0xb];
	[sflag:s30] =	ssyncadd.s32 $0xFFFFE000  }
0x8b: {  	[hbm4b:s11+s12] =	stream.linear.scatter [tilespmem:s7], [sflag:$0xC], $0x2000, $0x38;
	[tilespmem:$0x1DC80] =	vst v63  }
0x8c: {  	_ =	swait.ge [sflag:s31], $0x2800  }
0x8d: {  	[sflag:s31] =	ssyncset.done $0x0  }
0x8e: {  	[sflag:s31] =	ssyncadd.s32 $0xFFFFD800  }
0x8f: {  	_ =	swait.ge [sflag:s0], $0x2800  }
0x90: {  	[sflag:s0] =	ssyncset.done $0x0  }
0x91: {  	[sflag:s0] =	ssyncadd.s32 $0xFFFFD800  }
0x92: {  	_ =	swait.ge [sflag:s1], $0x2800  }
0x93: {  	[sflag:s1] =	ssyncset.done $0x0  }
0x94: {  	[sflag:s1] =	ssyncadd.s32 $0xFFFFD800  }
0x95: {  	_ =	swait.ge [sflag:s4], $0x2000  }
0x96: {  	s9 =	sld [smem:$0x7FD]  }
0x97: {  	[sflag:s4] =	ssyncset.done $0x0  }
0x98: {  	s8 =	simm.s32 @!p0 $0x400;
	[sflag:s4] =	ssyncadd.s32 $0xFFFFE000  }
0x99: {  	[tilespmem:s8], [sflag:$0xD] =	stream.linear.gather @!p0 [spmem:s9], $0x800, $0x38;
	[tilespmem:$0x1DC80] =	vst v63  }
0x9a: {  	s9 =	simm.s32 @!p0 $0xD  }
0x9b: {  	_ =	swait.ge @!p0 [sflag:s9], $0x800  }
0x9c: {  	s11 =	sld [smem:$0x7F4]  }
0x9d: {  	[sflag:s9] =	ssyncset.done @!p0 $0x0  }
0x9e: {  	s10 =	simm.s32 @!p0 $0x0;
	[sflag:s9] =	ssyncadd.s32 @!p0 $0xFFFFF800  }
0x9f: {  	[hbm4b:s11+s10] =	stream.linear.scatter @!p0 [tilespmem:s8], [sflag:$0xD], $0x800, $0x38;
	[tilespmem:$0x1DC80] =	vst v63  }
0xa0: {  	_ =	swait.ge @!p0 [sflag:s9], $0x800  }
0xa1: {  	s8 =	sld [smem:$0x7F3]  }
0xa2: {  	s11 =	sld [smem:$0x7F5];
	_ =	sdelay $0x1  }
0xa3: {  	s10 =	sadd.s32 $0x1, s8  }
0xa4: {  	p1 =	sne.s32 s10, s11  }
.Ltmp1:
0xa5: {  	_ = 	snop;
	(pc) =	sbr.rel @!p1 .LBB2_7-.Ltmp1, $3  }
0xa6: {  	_ =	sdelay $0x1  }
0xa7: {  	[sflag:s9] =	ssyncset.done @!p0 $0x0  }
0xa8: {  	[sflag:s9] =	ssyncadd.s32 @!p0 $0xFFFFF800  }
.LBB2_1:
0xa9: {  	[smem:$0x7F3] =	sst s10;
	s8 =	simm.s32 $0x0;
	s9 =	simm.s32 $0x200  }
.LBB2_2:
0xaa: {  	p1 =	sne.s32 s9, $0x9E00;
	[tilespmem:s8+$0x470] =	vst v0  }
0xab: {  	[tilespmem:s8+$0x400] =	vst v0  }
0xac: {  	[tilespmem:s8+$0x410] =	vst v0  }
.Ltmp2:
0xad: {  	[tilespmem:s8+$0x420] =	vst v0;
	(pc) =	sbr.rel @p1 .LBB2_2-.Ltmp2, $4  }
0xae: {  	[tilespmem:s8+$0x430] =	vst v0  }
0xaf: {  	[tilespmem:s8+$0x440] =	vst v0  }
0xb0: {  	[tilespmem:s8+$0x450] =	vst v0  }
0xb1: {  	[tilespmem:s8+$0x460] =	vst v0;
	s8 =	sshra.s32 s9, $0x2;
	s9 =	sadd.s32 $0x200, s9  }
0xb2: {  	[tilespmem:s8+$0x470] =	vst v0  }
0xb3: {  	[tilespmem:s8+$0x400] =	vst v0  }
0xb4: {  	[tilespmem:s8+$0x410] =	vst v0  }
0xb5: {  	[tilespmem:s8+$0x420] =	vst v0  }
0xb6: {  	[tilespmem:s8+$0x430] =	vst v0  }
0xb7: {  	[tilespmem:s8+$0x440] =	vst v0  }
0xb8: {  	[tilespmem:s8+$0x450] =	vst v0  }
0xb9: {  	[tilespmem:s8+$0x460] =	vst v0;
	s11 =	rddreg [dreg:$0xe]  }
0xba: {  	[spmem:s11] =	stream.linear.scatter [tilespmem:s25], [sflag:$0x5], $0x2800, $0x38;
	[tilespmem:$0x1DC80] =	vst v63  }
0xbb: {  	s9 =	rddreg [dreg:$0xf]  }
0xbc: {  	[spmem:s9] =	stream.linear.scatter [tilespmem:s25], [sflag:$0x6], $0x2800, $0x38;
	[tilespmem:$0x1DC80] =	vst v63  }
0xbd: {  	s10 =	rddreg [dreg:$0x10]  }
0xbe: {  	[spmem:s10] =	stream.linear.scatter [tilespmem:s25], [sflag:$0x7], $0x2800, $0x38;
	[tilespmem:$0x1DC80] =	vst v63  }
0xbf: {  	s11 =	rddreg [dreg:$0x11]  }
0xc0: {  	[spmem:s11] =	stream.linear.scatter [tilespmem:s25], [sflag:$0x8], $0x2800, $0x38;
	[tilespmem:$0x1DC80] =	vst v63  }
0xc1: {  	s9 =	rddreg [dreg:$0x12]  }
0xc2: {  	[spmem:s9] =	stream.linear.scatter [tilespmem:s25], [sflag:$0x9], $0x2800, $0x38;
	[tilespmem:$0x1DC80] =	vst v63  }
0xc3: {  	s10 =	rddreg [dreg:$0x13]  }
0xc4: {  	[spmem:s10] =	stream.linear.scatter [tilespmem:s25], [sflag:$0xA], $0x2800, $0x38;
	[tilespmem:$0x1DC80] =	vst v63  }
0xc5: {  	s11 =	rddreg [dreg:$0x14]  }
0xc6: {  	[spmem:s11] =	stream.linear.scatter [tilespmem:s25], [sflag:$0xB], $0x2800, $0x38;
	[tilespmem:$0x1DC80] =	vst v63  }
0xc7: {  	s9 =	rddreg [dreg:$0x15]  }
0xc8: {  	[spmem:s9] =	stream.linear.scatter [tilespmem:s25], [sflag:$0xC], $0x2000, $0x38;
	[tilespmem:$0x1DC80] =	vst v63  }
0xc9: {  	s9 =	sld [smem:$0x7FD];
	_ =	sdelay $0x1  }
0xca: {  	s8 =	simm.s32 @!p0 $0x400  }
0xcb: {  	[spmem:s9] =	stream.linear.scatter @!p0 [tilespmem:s8], [sflag:$0x1], $0x800, $0x38;
	[tilespmem:$0x1DC80] =	vst v63  }
0xcc: {  	s8 =	simm.s32 @!p0 $0x1  }
0xcd: {  	_ =	swait.ge @!p0 [sflag:s8], $0x800  }
0xce: {  	[sflag:s8] =	ssyncset.done @!p0 $0x0  }
0xcf: {  	[sflag:s8] =	ssyncadd.s32 @!p0 $0xFFFFF800  }
0xd0: {  	_ =	swait.ge [sflag:s26], $0x2800  }
0xd1: {  	[sflag:s26] =	ssyncset.done $0x0  }
0xd2: {  	[sflag:s26] =	ssyncadd.s32 $0xFFFFD800  }
0xd3: {  	_ =	swait.ge [sflag:s28], $0x2800  }
0xd4: {  	[sflag:s28] =	ssyncset.done $0x0  }
0xd5: {  	[sflag:s28] =	ssyncadd.s32 $0xFFFFD800  }
0xd6: {  	_ =	swait.ge [sflag:s29], $0x2800  }
0xd7: {  	[sflag:s29] =	ssyncset.done $0x0  }
0xd8: {  	[sflag:s29] =	ssyncadd.s32 $0xFFFFD800  }
0xd9: {  	_ =	swait.ge [sflag:s30], $0x2800  }
0xda: {  	[sflag:s30] =	ssyncset.done $0x0  }
0xdb: {  	[sflag:s30] =	ssyncadd.s32 $0xFFFFD800  }
0xdc: {  	_ =	swait.ge [sflag:s31], $0x2800  }
0xdd: {  	[sflag:s31] =	ssyncset.done $0x0  }
0xde: {  	[sflag:s31] =	ssyncadd.s32 $0xFFFFD800  }
0xdf: {  	_ =	swait.ge [sflag:s0], $0x2800  }
0xe0: {  	[sflag:s0] =	ssyncset.done $0x0  }
0xe1: {  	[sflag:s0] =	ssyncadd.s32 $0xFFFFD800  }
0xe2: {  	_ =	swait.ge [sflag:s1], $0x2800  }
0xe3: {  	[sflag:s1] =	ssyncset.done $0x0  }
0xe4: {  	[sflag:s1] =	ssyncadd.s32 $0xFFFFD800  }
0xe5: {  	_ =	swait.ge [sflag:s4], $0x2000  }
0xe6: {  	[sflag:s4] =	ssyncset.done $0x0  }
0xe7: {  	[sflag:s4] =	ssyncadd.s32 $0xFFFFE000  }
0xe8: {  	[bflag:$0x0] =	sbarrier.arrive $0xFFFF  }
0xe9: {  	s10 =	rddreg [dreg:$0x1a]  }
0xea: {  	s8 =	simm.s32 $0x0;
	s11 =	rddreg [dreg:$0x1b]  }
0xeb: {  	[tilespmem:s8], [sflag:$0x1] =	stream.linear.gather [hbm4b:s10+s8], $0x50, $0x38;
	[tilespmem:$0x1DC80] =	vst v63  }
0xec: {  	s9 =	sld [smem:$0x7FC]  }
0xed: {  	[tilespmem:s5], [sflag:$0x1] =	stream.linear.gather [hbm4b:s11+s8], $0x50, $0x38;
	[tilespmem:$0x1DC80] =	vst v63  }
0xee: {  	s10 =	rddreg [dreg:$0x16]  }
0xef: {  	[tilespmem:s23], [sflag:$0x2] =	stream.linear.gather [hbm4b:s10+s8], $0x50, $0x38;
	[tilespmem:$0x1DC80] =	vst v63  }
0xf0: {  	s11 =	rddreg [dreg:$0x17]  }
0xf1: {  	[tilespmem:s15], [sflag:$0x2] =	stream.linear.gather [hbm4b:s11+s8], $0x50, $0x38;
	[tilespmem:$0x1DC80] =	vst v63  }
0xf2: {  	s10 =	rddreg [dreg:$0x18]  }
0xf3: {  	[tilespmem:s16], [sflag:$0x3] =	stream.linear.gather [hbm4b:s10+s8], $0x50, $0x38;
	[tilespmem:$0x1DC80] =	vst v63  }
0xf4: {  	s11 =	rddreg [dreg:$0x19]  }
0xf5: {  	[tilespmem:s17], [sflag:$0x3] =	stream.linear.gather [hbm4b:s11+s8], $0x50, $0x38;
	[tilespmem:$0x1DC80] =	vst v63  }
0xf6: {  	s10 =	rddreg [dreg:$0x1c]  }
0xf7: {  	[tilespmem:s18], [sflag:$0x4] =	stream.linear.gather [hbm4b:s10+s8], $0x50, $0x38;
	[tilespmem:$0x1DC80] =	vst v63  }
0xf8: {  	s11 =	rddreg [dreg:$0x1d]  }
0xf9: {  	[tilespmem:s19], [sflag:$0x4] =	stream.linear.gather [hbm4b:s11+s8], $0x50, $0x38;
	[tilespmem:$0x1DC80] =	vst v63  }
.LBB2_4:
0xfa: {  	_ =	swait.ge [sflag:s20], $0x50  }
0xfb: {  	[sflag:s20] =	ssyncset.done $0x0  }
0xfc: {  	[sflag:s20] =	ssyncadd.s32 $0xFFFFFFB0  }
0xfd: {  	_ =	swait.ge [sflag:s20], $0x50  }
0xfe: {  	[sflag:s20] =	ssyncset.done $0x0  }
0xff: {  	[sflag:s20] =	ssyncadd.s32 $0xFFFFFFB0  }
0x100: {  	[tilespmem:s25], [sflag:$0x5] =	stream.indirect.gather [hbm4b:s2+s21], $0x80, s12, s21, $0xb8;
	[tilespmem:$0x1DC80] =	vst v63  }
0x101: {  	_ =	swait.ge [sflag:s22], $0x50  }
0x102: {  	[sflag:s22] =	ssyncset.done $0x0  }
0x103: {  	[sflag:s22] =	ssyncadd.s32 $0xFFFFFFB0  }
0x104: {  	_ =	swait.ge [sflag:s22], $0x50  }
0x105: {  	[sflag:s22] =	ssyncset.done $0x0  }
0x106: {  	[sflag:s22] =	ssyncadd.s32 $0xFFFFFFB0  }
0x107: {  	[tilespmem:s24], [sflag:$0x6] =	stream.indirect.gather [hbm4b:s2+s21], $0x80, s23, s21, $0xb8;
	[tilespmem:$0x1DC80] =	vst v63  }
0x108: {  	_ =	swait.ge [sflag:s13], $0x50  }
0x109: {  	[sflag:s13] =	ssyncset.done $0x0  }
0x10a: {  	[sflag:s13] =	ssyncadd.s32 $0xFFFFFFB0  }
0x10b: {  	_ =	swait.ge [sflag:s13], $0x50  }
0x10c: {  	[sflag:s13] =	ssyncset.done $0x0  }
0x10d: {  	[sflag:s13] =	ssyncadd.s32 $0xFFFFFFB0  }
0x10e: {  	[tilespmem:s14], [sflag:$0x7] =	stream.indirect.gather [hbm4b:s2+s21], $0x80, s16, s21, $0xb8;
	[tilespmem:$0x1DC80] =	vst v63  }
0x10f: {  	_ =	swait.ge [sflag:s6], $0x50  }
0x110: {  	[sflag:s6] =	ssyncset.done $0x0  }
0x111: {  	[sflag:s6] =	ssyncadd.s32 $0xFFFFFFB0  }
0x112: {  	_ =	swait.ge [sflag:s6], $0x50  }
0x113: {  	[sflag:s6] =	ssyncset.done $0x0  }
0x114: {  	[sflag:s6] =	ssyncadd.s32 $0xFFFFFFB0  }
0x115: {  	[tilespmem:s7], [sflag:$0x8] =	stream.indirect.gather [hbm4b:s2+s21], $0x80, s18, s21, $0xb8;
	[tilespmem:$0x1DC80] =	vst v63  }
0x116: {  	_ =	swait.ge [sflag:s26], $0x2800  }
0x117: {  	[sflag:s26] =	ssyncset.done $0x0  }
0x118: {  	[sflag:s26] =	ssyncadd.s32 $0xFFFFD800  }
0x119: {  	[spmem:s3] =	stream.indirect.scatter.add.f32 [tilespmem:s25], [sflag:$0x9], $0x80, s5, s21, $0xb8;
	[tilespmem:$0x1DC80] =	vst v63  }
0x11a: {  	_ =	swait.ge [sflag:s28], $0x2800  }
0x11b: {  	[sflag:s28] =	ssyncset.done $0x0  }
0x11c: {  	[sflag:s28] =	ssyncadd.s32 $0xFFFFD800  }
0x11d: {  	[spmem:s3] =	stream.indirect.scatter.add.f32 [tilespmem:s24], [sflag:$0xA], $0x80, s15, s21, $0xb8;
	[tilespmem:$0x1DC80] =	vst v63  }
0x11e: {  	_ =	swait.ge [sflag:s29], $0x2800  }
0x11f: {  	[sflag:s29] =	ssyncset.done $0x0  }
0x120: {  	[sflag:s29] =	ssyncadd.s32 $0xFFFFD800  }
0x121: {  	[spmem:s3] =	stream.indirect.scatter.add.f32 [tilespmem:s14], [sflag:$0xB], $0x80, s17, s21, $0xb8;
	[tilespmem:$0x1DC80] =	vst v63  }
0x122: {  	_ =	swait.ge [sflag:s30], $0x2800  }
0x123: {  	p1 =	seq.s32 s8, $0x4B0;
	[sflag:s30] =	ssyncset.done $0x0  }
.Ltmp3:
0x124: {  	[sflag:s30] =	ssyncadd.s32 $0xFFFFD800;
	(pc) =	sbr.rel @p1 .LBB2_6-.Ltmp3, $4  }
0x125: {  	[spmem:s3] =	stream.indirect.scatter.add.f32 [tilespmem:s7], [sflag:$0xC], $0x80, s19, s21, $0xb8;
	[tilespmem:$0x1DC80] =	vst v63  }
0x126: {  	_ =	swait.ge [sflag:s31], $0x2800  }
0x127: {  	[sflag:s31] =	ssyncset.done $0x0  }
0x128: {  	[sflag:s31] =	ssyncadd.s32 $0xFFFFD800  }
0x129: {  	s10 =	sshrl.u32 s9, $0x3;
	s11 =	rddreg [dreg:$0xc]  }
0x12a: {  	s11 =	sadd.s32 s11, s10  }
0x12b: {  	[tilespmem:s12], [sflag:$0x1] =	stream.linear.gather [hbm4b:s11+s12], $0x50, $0x38;
	[tilespmem:$0x1DC80] =	vst v63  }
0x12c: {  	s11 =	rddreg [dreg:$0xd]  }
0x12d: {  	s10 =	sadd.s32 s11, s10  }
0x12e: {  	[tilespmem:s5], [sflag:$0x1] =	stream.linear.gather [hbm4b:s10+s12], $0x50, $0x38;
	[tilespmem:$0x1DC80] =	vst v63  }
0x12f: {  	_ =	swait.ge [sflag:s0], $0x2800  }
0x130: {  	s11 =	sld [smem:$0x7FB];
	_ =	sdelay $0x2  }
0x131: {  	[sflag:s0] =	ssyncset.done $0x0;
	s10 =	sadd.s32 s8, s11;
	s11 =	sld [smem:$0x7FA]  }
0x132: {  	[sflag:s0] =	ssyncadd.s32 $0xFFFFD800  }
0x133: {  	[tilespmem:s23], [sflag:$0x2] =	stream.linear.gather [hbm4b:s10+s12], $0x50, $0x38;
	[tilespmem:$0x1DC80] =	vst v63  }
0x134: {  	s10 =	sadd.s32 s8, s11  }
0x135: {  	[tilespmem:s15], [sflag:$0x2] =	stream.linear.gather [hbm4b:s10+s12], $0x50, $0x38;
	[tilespmem:$0x1DC80] =	vst v63  }
0x136: {  	_ =	swait.ge [sflag:s1], $0x2800  }
0x137: {  	s11 =	sld [smem:$0x7F9];
	_ =	sdelay $0x2  }
0x138: {  	[sflag:s1] =	ssyncset.done $0x0;
	s10 =	sadd.s32 s8, s11;
	s11 =	sld [smem:$0x7F8]  }
0x139: {  	[sflag:s1] =	ssyncadd.s32 $0xFFFFD800  }
0x13a: {  	[tilespmem:s16], [sflag:$0x3] =	stream.linear.gather [hbm4b:s10+s12], $0x50, $0x38;
	[tilespmem:$0x1DC80] =	vst v63  }
0x13b: {  	s10 =	sadd.s32 s8, s11  }
0x13c: {  	[tilespmem:s17], [sflag:$0x3] =	stream.linear.gather [hbm4b:s10+s12], $0x50, $0x38;
	[tilespmem:$0x1DC80] =	vst v63  }
0x13d: {  	_ =	swait.ge [sflag:s4], $0x2800  }
0x13e: {  	s11 =	sld [smem:$0x7F7];
	_ =	sdelay $0x1  }
0x13f: {  	[sflag:s4] =	ssyncset.done $0x0  }
.Ltmp4:
0x140: {  	s10 =	sadd.s32 s8, s11;
	s11 =	sld [smem:$0x7F6];
	(pc) =	sbr.rel .LBB2_4-.Ltmp4, $4  }
0x141: {  	[sflag:s4] =	ssyncadd.s32 $0xFFFFD800  }
0x142: {  	[tilespmem:s18], [sflag:$0x4] =	stream.linear.gather [hbm4b:s10+s12], $0x50, $0x38;
	[tilespmem:$0x1DC80] =	vst v63  }
0x143: {  	s9 =	sadd.s32 $0x140, s9;
	s10 =	sadd.s32 s8, s11;
	s8 =	sadd.s32 $0x28, s8  }
0x144: {  	[tilespmem:s19], [sflag:$0x4] =	stream.linear.gather [hbm4b:s10+s12], $0x50, $0x38;
	[tilespmem:$0x1DC80] =	vst v63  }
.LBB2_7:
0x145: {  	_ =	sfence.sel $0x180000  }
0x146: {  	[bflag:$0x0] =	sbarrier.arrive $0xFFFF  }
0x147: {  	_ =	strace $0x90000050  }
0x148: {  	s0 =	stileid.u32;
	[bflag:$0x2] =	sbarrier.arrive $0xFFFF  }
0x149: {  	p0 =	sne.s32 s0, $0x0;
	s0 =	rddreg [dreg:$0x3]  }
0x14a: {  	s0 =	sadd.s32 @!p0 $0x100000, s0  }
0x14b: {  	[sflag:s0] =	ssyncadd.tile.s32 @!p0 $0x1;
	_ =	shalt  }
.Lfunc_end2:
_tile_overlayer_lowered:
.L_overlay_start_2:
0x14c: {  	(tag) =	ssettag $0x2  }
0x14d: {  	s0 =	rddreg [dreg:$0x0];
	s2 =	stileid.u32  }
0x14e: {  	s1 =	rddreg [dreg:$0x1];
	p0 =	sne.s32 s2, $0x0  }
0x14f: {  	s3 =	rddreg [dreg:$0x2];
	[bflag:$0x3] =	sbarrier.arrive $0xFFFF;
	s2 =	simm.s32 @!p0 $0x1C0D  }
0x150: {  	[timem:s3], [sflag:s2] =	dma.local @!p0 [hbm:s0], s1  }
0x151: {  	s0 =	simm.s32 @!p0 $0xD  }
0x152: {  	_ =	swait.ge @!p0 [sflag:s0], s1  }
0x153: {  	s1 =	ssub.s32 @!p0 $0x0, s1;
	[sflag:s0] =	ssyncset.done @!p0 $0x0  }
0x154: {  	[sflag:s0] =	ssyncadd.s32 @!p0 s1  }
0x155: {  	[bflag:$0x3] =	sbarrier.arrive $0xFFFF  }
0x156: {  	_ =	shalt  }

</sc_bundles>
